<compile_context>
chip_gen: v7x
topology: tpu7x:2x2x1
jax: 0.10.2.dev20260603
libtpu: 0.0.44.dev20260713+nightly
codegen_flags: <defaults>
</compile_context>

<pallas_src>
import functools

import jax
import jax.numpy as jnp
from jax import lax
from jax.experimental import pallas as pl
from jax.experimental.pallas import tpu as pltpu
from jax.experimental.pallas import tpu_sc as plsc

_N = 10000
_NPAD = 10240
_E = 320000
_NC = 2
_NS = 16
_NW = _NC * _NS
_CH = 128
_NCHUNK = _E // _CH
_CPW = 78
_CHUNK_REM = _NCHUNK - _CPW * _NW
_EPW = _CPW * _CH
_RPT = _NPAD // _NS
_BM = 2048
_INV_SQRT2 = 0.7071067811865476

_G = 2
_NGRP = _CPW // _G
_GCH = _G * _CH


def _seg_sum(D):
    mesh = plsc.VectorSubcoreMesh(core_axis_name="c", subcore_axis_name="s",
                                  num_cores=_NC, num_subcores=_NS)
    out_type = [jax.ShapeDtypeStruct((_NC, _NPAD, D), jnp.float32)]
    scratch = [
        pltpu.VMEM((_CPW + 1, _CH), jnp.int32),
        pltpu.VMEM((_CPW + 1, _CH), jnp.int32),
        [pltpu.VMEM((_GCH, D), jnp.float32)] * 4,
        pltpu.VMEM_SHARED((_NPAD, D), jnp.float32),
        [pltpu.SemaphoreType.DMA] * 4,
        [pltpu.SemaphoreType.DMA] * 4,
    ]

    def body(p_hbm, src_hbm, dst_hbm, z_hbm, out_hbm,
             src_blk, dst_blk, bufs, acc, gsem, ssem):
        c = lax.axis_index("c")
        s = lax.axis_index("s")
        wid = s * _NC + c
        r0 = s * _RPT
        pltpu.sync_copy(z_hbm.at[pl.ds(r0, _RPT)], acc.at[pl.ds(r0, _RPT)])

        row0 = _CPW * wid
        pltpu.sync_copy(src_hbm.at[pl.ds(row0, _CPW)],
                        src_blk.at[pl.ds(0, _CPW)])
        pltpu.sync_copy(dst_hbm.at[pl.ds(row0, _CPW)],
                        dst_blk.at[pl.ds(0, _CPW)])

        @pl.when(wid < _CHUNK_REM)
        def _():
            tr = _CPW * _NW + wid
            pltpu.sync_copy(src_hbm.at[pl.ds(tr, 1)],
                            src_blk.at[pl.ds(_CPW, 1)])
            pltpu.sync_copy(dst_hbm.at[pl.ds(tr, 1)],
                            dst_blk.at[pl.ds(_CPW, 1)])

        plsc.subcore_barrier()

        def fire_gathers(g, i):
            for t in range(_G):
                pltpu.async_copy(p_hbm.at[src_blk.at[g * _G + t]],
                                 bufs[i].at[pl.ds(t * _CH, _CH)], gsem[i])

        def drain_gathers(g, i):
            for t in range(_G):
                pltpu.make_async_copy(p_hbm.at[src_blk.at[g * _G + t]],
                                      bufs[i].at[pl.ds(t * _CH, _CH)],
                                      gsem[i]).wait()

        def fire_scatters(g, i):
            for t in range(_G):
                pltpu.async_copy(bufs[i].at[pl.ds(t * _CH, _CH)],
                                 acc.at[dst_blk.at[g * _G + t]], ssem[i],
                                 add=True)

        def drain_scatters(g, i):
            for t in range(_G):
                pltpu.make_async_copy(bufs[i].at[pl.ds(t * _CH, _CH)],
                                      acc.at[dst_blk.at[g * _G + t]],
                                      ssem[i]).wait()

        fire_gathers(0, 0)
        fire_gathers(1, 1)
        for g in range(4):
            i = g
            i2 = (i + 2) % 4
            drain_gathers(g, i)
            fire_scatters(g, i)
            if g >= 2:
                drain_scatters(g - 2, i2)
            fire_gathers(g + 2, i2)

        def step(k, carry):
            for i in range(4):
                g = 4 * k + i
                i2 = (i + 2) % 4
                drain_gathers(g, i)
                fire_scatters(g, i)
                drain_scatters(g - 2, i2)
                fire_gathers(g + 2, i2)
            return carry

        lax.fori_loop(1, _NGRP // 4, step, 0)

        for g in range(4 * (_NGRP // 4), _NGRP):
            i = g % 4
            i2 = (i + 2) % 4
            drain_gathers(g, i)
            fire_scatters(g, i)
            if g + 2 < _NGRP:
                drain_scatters(g - 2, i2)
                fire_gathers(g + 2, i2)
        for g in range(_NGRP - 4, _NGRP):
            drain_scatters(g, g % 4)

        @pl.when(wid < _CHUNK_REM)
        def _():
            pltpu.async_copy(p_hbm.at[src_blk.at[_CPW]],
                             bufs[0].at[pl.ds(0, _CH)], gsem[0])
            pltpu.make_async_copy(p_hbm.at[src_blk.at[_CPW]],
                                  bufs[0].at[pl.ds(0, _CH)], gsem[0]).wait()
            pltpu.sync_copy(bufs[0].at[pl.ds(0, _CH)],
                            acc.at[dst_blk.at[_CPW]], add=True)

        plsc.subcore_barrier()
        pltpu.sync_copy(acc.at[pl.ds(r0, _RPT)], out_hbm.at[c, pl.ds(r0, _RPT)])

    return pl.kernel(
        body, out_type=out_type, mesh=mesh, scratch_types=scratch,
        compiler_params=pltpu.CompilerParams(use_tc_tiling_on_sc=False))


def _seg_deg():
    mesh = plsc.VectorSubcoreMesh(core_axis_name="c", subcore_axis_name="s",
                                  num_cores=_NC, num_subcores=_NS)
    out_type = [jax.ShapeDtypeStruct((_NW, _NPAD), jnp.float32)]
    scratch = [
        pltpu.VMEM((_NPAD,), jnp.float32),
        pltpu.VMEM((_EPW,), jnp.int32),
        pltpu.VMEM((_CH,), jnp.int32),
    ]

    def body(dst_hbm, z_hbm, out_hbm, accl, dstm, dstt):
        c = lax.axis_index("c")
        s = lax.axis_index("s")
        wid = s * _NC + c
        pltpu.sync_copy(z_hbm, accl)
        e0 = wid * _EPW
        pltpu.sync_copy(dst_hbm.at[pl.ds(e0, _EPW)], dstm)

        @pl.when(wid < _CHUNK_REM)
        def _():
            t0 = _EPW * _NW + _CH * wid
            pltpu.sync_copy(dst_hbm.at[pl.ds(t0, _CH)], dstt)

        ones16 = jnp.ones((16,), jnp.float32)

        def step(i, carry):
            d16 = dstm[pl.ds(i * 16, 16)]
            plsc.addupdate_scatter(accl, [d16], ones16)
            return carry

        lax.fori_loop(0, _EPW // 16, step, 0)

        @pl.when(wid < _CHUNK_REM)
        def _():
            def stept(i, carry):
                d16 = dstt[pl.ds(i * 16, 16)]
                plsc.addupdate_scatter(accl, [d16], ones16)
                return carry

            lax.fori_loop(0, _CH // 16, stept, 0)

        pltpu.sync_copy(accl, out_hbm.at[wid])

    return pl.kernel(
        body, out_type=out_type, mesh=mesh, scratch_types=scratch,
        compiler_params=pltpu.CompilerParams(use_tc_tiling_on_sc=False,
                                             needs_layout_passes=False))


def _seg_scalar():
    mesh = plsc.VectorSubcoreMesh(core_axis_name="c", subcore_axis_name="s",
                                  num_cores=_NC, num_subcores=_NS)
    out_type = [jax.ShapeDtypeStruct((_NW, _NPAD), jnp.float32)]
    scratch = [
        pltpu.VMEM((_NPAD,), jnp.float32),
        pltpu.VMEM((_NPAD,), jnp.float32),
        pltpu.VMEM((_EPW,), jnp.int32),
        pltpu.VMEM((_EPW,), jnp.int32),
        pltpu.VMEM((_CH,), jnp.int32),
        pltpu.VMEM((_CH,), jnp.int32),
    ]

    def body(p_hbm, src_hbm, dst_hbm, z_hbm, out_hbm,
             p3_v, accl, srcm, dstm, srct, dstt):
        c = lax.axis_index("c")
        s = lax.axis_index("s")
        wid = s * _NC + c
        pltpu.sync_copy(p_hbm, p3_v)
        pltpu.sync_copy(z_hbm, accl)
        e0 = wid * _EPW
        pltpu.sync_copy(src_hbm.at[pl.ds(e0, _EPW)], srcm)
        pltpu.sync_copy(dst_hbm.at[pl.ds(e0, _EPW)], dstm)

        @pl.when(wid < _CHUNK_REM)
        def _():
            t0 = _EPW * _NW + _CH * wid
            pltpu.sync_copy(src_hbm.at[pl.ds(t0, _CH)], srct)
            pltpu.sync_copy(dst_hbm.at[pl.ds(t0, _CH)], dstt)

        def step(i, carry):
            s16 = srcm[pl.ds(i * 16, 16)]
            d16 = dstm[pl.ds(i * 16, 16)]
            v = plsc.load_gather(p3_v, [s16])
            plsc.addupdate_scatter(accl, [d16], v)
            return carry

        lax.fori_loop(0, _EPW // 16, step, 0)

        @pl.when(wid < _CHUNK_REM)
        def _():
            def stept(i, carry):
                s16 = srct[pl.ds(i * 16, 16)]
                d16 = dstt[pl.ds(i * 16, 16)]
                v = plsc.load_gather(p3_v, [s16])
                plsc.addupdate_scatter(accl, [d16], v)
                return carry

            lax.fori_loop(0, _CH // 16, stept, 0)

        pltpu.sync_copy(accl, out_hbm.at[wid])

    return pl.kernel(
        body, out_type=out_type, mesh=mesh, scratch_types=scratch,
        compiler_params=pltpu.CompilerParams(use_tc_tiling_on_sc=False,
                                             needs_layout_passes=False))


def _mm_body(x_ref, w_ref, o_ref):
    o_ref[...] = jnp.dot(x_ref[...], w_ref[...],
                         preferred_element_type=jnp.float32)


def _matmul(x, w):
    n, k = x.shape
    m = w.shape[1]
    return pl.pallas_call(
        _mm_body,
        grid=(n // _BM,),
        in_specs=[pl.BlockSpec((_BM, k), lambda i: (i, 0)),
                  pl.BlockSpec((k, m), lambda i: (0, 0))],
        out_specs=pl.BlockSpec((_BM, m), lambda i: (i, 0)),
        out_shape=jax.ShapeDtypeStruct((n, m), jnp.float32),
    )(x, w)


def _ln_gelu(pre, g_ref, be_ref):
    mu = jnp.mean(pre, axis=-1, keepdims=True)
    var = jnp.mean((pre - mu) ** 2, axis=-1, keepdims=True)
    h = (pre - mu) * lax.rsqrt(var + 1e-5) * g_ref[...] + be_ref[...]
    return h * 0.5 * (1.0 + lax.erf(h * _INV_SQRT2))


def _layer1_body(s_ref, dp_ref, x_ref, wr_ref, b_ref, g_ref, be_ref, wn_ref,
                 ho_ref, po_ref, dego_ref):
    st = s_ref[0] + s_ref[1]
    degc = jnp.maximum(jnp.sum(dp_ref[...], axis=0), 1.0)[:, None]
    pre = st / degc + b_ref[...] + jnp.dot(
        x_ref[...], wr_ref[...], preferred_element_type=jnp.float32)
    h = _ln_gelu(pre, g_ref, be_ref)
    ho_ref[...] = h
    po_ref[...] = jnp.dot(h, wn_ref[...], preferred_element_type=jnp.float32)
    dego_ref[...] = degc


def _layer1(s, deg_p, x, wr, b, g, be, wn):
    return pl.pallas_call(
        _layer1_body,
        grid=(_NPAD // _BM,),
        in_specs=[
            pl.BlockSpec((_NC, _BM, 64), lambda i: (0, i, 0)),
            pl.BlockSpec((_NW, _BM), lambda i: (0, i)),
            pl.BlockSpec((_BM, 128), lambda i: (i, 0)),
            pl.BlockSpec((128, 64), lambda i: (0, 0)),
            pl.BlockSpec((1, 64), lambda i: (0, 0)),
            pl.BlockSpec((1, 64), lambda i: (0, 0)),
            pl.BlockSpec((1, 64), lambda i: (0, 0)),
            pl.BlockSpec((64, 32), lambda i: (0, 0)),
        ],
        out_specs=[pl.BlockSpec((_BM, 64), lambda i: (i, 0)),
                   pl.BlockSpec((_BM, 32), lambda i: (i, 0)),
                   pl.BlockSpec((_BM, 1), lambda i: (i, 0))],
        out_shape=[jax.ShapeDtypeStruct((_NPAD, 64), jnp.float32),
                   jax.ShapeDtypeStruct((_NPAD, 32), jnp.float32),
                   jax.ShapeDtypeStruct((_NPAD, 1), jnp.float32)],
    )(s, deg_p, x, wr, b.reshape(1, 64), g.reshape(1, 64), be.reshape(1, 64),
      wn)


def _layer2_body(s_ref, deg_ref, h_ref, wr_ref, b_ref, g_ref, be_ref, wn_ref,
                 ho_ref, po_ref):
    agg = (s_ref[0] + s_ref[1]) / deg_ref[...]
    pre = agg + b_ref[...] + jnp.dot(h_ref[...], wr_ref[...],
                                     preferred_element_type=jnp.float32)
    h = _ln_gelu(pre, g_ref, be_ref)
    ho_ref[...] = h
    po_ref[...] = jnp.dot(h, wn_ref[...],
                          preferred_element_type=jnp.float32)[:, 0]


def _layer2(s, degc, h_prev, wr, b, g, be, wn):
    return pl.pallas_call(
        _layer2_body,
        grid=(_NPAD // _BM,),
        in_specs=[
            pl.BlockSpec((_NC, _BM, 32), lambda i: (0, i, 0)),
            pl.BlockSpec((_BM, 1), lambda i: (i, 0)),
            pl.BlockSpec((_BM, 64), lambda i: (i, 0)),
            pl.BlockSpec((64, 32), lambda i: (0, 0)),
            pl.BlockSpec((1, 32), lambda i: (0, 0)),
            pl.BlockSpec((1, 32), lambda i: (0, 0)),
            pl.BlockSpec((1, 32), lambda i: (0, 0)),
            pl.BlockSpec((32, 1), lambda i: (0, 0)),
        ],
        out_specs=[pl.BlockSpec((_BM, 32), lambda i: (i, 0)),
                   pl.BlockSpec((_BM,), lambda i: (i,))],
        out_shape=[jax.ShapeDtypeStruct((_NPAD, 32), jnp.float32),
                   jax.ShapeDtypeStruct((_NPAD,), jnp.float32)],
    )(s, degc, h_prev, wr, b.reshape(1, 32), g.reshape(1, 32),
      be.reshape(1, 32), wn)


def _final_body(s_ref, deg_ref, h_ref, wr_ref, b_ref, o_ref):
    agg = jnp.sum(s_ref[...], axis=0) / deg_ref[...][:, 0]
    o_ref[...] = agg + b_ref[0, 0] + jnp.dot(
        h_ref[...], wr_ref[...], preferred_element_type=jnp.float32)[:, 0]


def _final(s, degc, h_prev, wr, b):
    return pl.pallas_call(
        _final_body,
        grid=(_NPAD // _BM,),
        in_specs=[
            pl.BlockSpec((_NW, _BM), lambda i: (0, i)),
            pl.BlockSpec((_BM, 1), lambda i: (i, 0)),
            pl.BlockSpec((_BM, 32), lambda i: (i, 0)),
            pl.BlockSpec((32, 1), lambda i: (0, 0)),
            pl.BlockSpec((1, 1), lambda i: (0, 0)),
        ],
        out_specs=pl.BlockSpec((_BM,), lambda i: (i,)),
        out_shape=jax.ShapeDtypeStruct((_NPAD,), jnp.float32),
    )(s, degc, h_prev, wr, b.reshape(1, 1))


def kernel(x, edge_index, W1l, b1, W1r, g1, be1, W2l, b2, W2r, g2, be2,
           W3l, b3, W3r):
    src2 = edge_index[0].reshape(_NCHUNK, _CH)
    dst2 = edge_index[1].reshape(_NCHUNK, _CH)
    src1 = edge_index[0]
    dst1 = edge_index[1]
    xp = jnp.pad(x, ((0, _NPAD - _N), (0, 0)))
    z64 = jnp.zeros((_NPAD, 64), jnp.float32)
    z32 = jnp.zeros((_NPAD, 32), jnp.float32)
    zd = jnp.zeros((_NPAD,), jnp.float32)

    deg_p, = _seg_deg()(dst1, zd)
    p1 = _matmul(xp, W1l)
    s1, = _seg_sum(64)(p1, src2, dst2, z64)
    h1, p2, degc = _layer1(s1, deg_p, xp, W1r, b1, g1, be1, W2l)
    s2, = _seg_sum(32)(p2, src2, dst2, z32)
    h2, p3 = _layer2(s2, degc, h1, W2r, b2, g2, be2, W3l)
    s3, = _seg_scalar()(p3, src1, dst1, zd)
    out = _final(s3, degc, h2, W3r, b3)
    return out[:_N]

# --- scband reference (transcript-rebuilt; emitter-appended) ---
"""Pipeline reference for scband-improved-graph-sagereg-7868380086473 (READ-ONLY COPY).

The authoritative reference and input builder live on the scoring server;
editing this copy changes nothing except your own understanding.
"""

import jax, jax.numpy as jnp
import numpy as np

N = 10000
E = 320000
D_IN = 128
H1 = 64
H2 = 32


def setup_inputs(seed: int = 0) -> dict:
    key = jax.random.key(seed)
    ks = jax.random.split(key, 16)
    inp = {}
    inp['x'] = jax.random.normal(ks[0], (N, D_IN), dtype=jnp.float32)
    inp['edge_index'] = jax.random.randint(ks[1], (2, E), 0, N, dtype=jnp.int32)
    # SAGEConv1: in=128 -> out=64 (lin_l on aggregated neighbors w/ bias, lin_r on root no bias)
    inp['W1l'] = jax.random.normal(ks[2], (D_IN, H1), dtype=jnp.float32) * (1.0 / np.sqrt(D_IN))
    inp['b1'] = jnp.zeros((H1,), dtype=jnp.float32)
    inp['W1r'] = jax.random.normal(ks[3], (D_IN, H1), dtype=jnp.float32) * (1.0 / np.sqrt(D_IN))
    inp['g1'] = jnp.ones((H1,), dtype=jnp.float32)
    inp['be1'] = jnp.zeros((H1,), dtype=jnp.float32)
    # SAGEConv2: 64 -> 32
    inp['W2l'] = jax.random.normal(ks[4], (H1, H2), dtype=jnp.float32) * (1.0 / np.sqrt(H1))
    inp['b2'] = jnp.zeros((H2,), dtype=jnp.float32)
    inp['W2r'] = jax.random.normal(ks[5], (H1, H2), dtype=jnp.float32) * (1.0 / np.sqrt(H1))
    inp['g2'] = jnp.ones((H2,), dtype=jnp.float32)
    inp['be2'] = jnp.zeros((H2,), dtype=jnp.float32)
    # SAGEConv3: 32 -> 1
    inp['W3l'] = jax.random.normal(ks[6], (H2, 1), dtype=jnp.float32) * (1.0 / np.sqrt(H2))
    inp['b3'] = jnp.zeros((1,), dtype=jnp.float32)
    inp['W3r'] = jax.random.normal(ks[7], (H2, 1), dtype=jnp.float32) * (1.0 / np.sqrt(H2))
    return inp


def _layer_norm(h, g, b):
    mu = jnp.mean(h, axis=-1, keepdims=True)
    var = jnp.var(h, axis=-1, keepdims=True)
    return (h - mu) / jnp.sqrt(var + 1e-5) * g + b


def _sage_conv(h, src, dst, Wl, b, Wr):
    # mean aggregation of neighbor messages (src -> dst)
    msg = h[src]
    agg = jax.ops.segment_sum(msg, dst, num_segments=N)
    deg = jax.ops.segment_sum(jnp.ones((src.shape[0],), dtype=h.dtype), dst, num_segments=N)
    agg = agg / jnp.clip(deg, 1.0, None)[:, None]
    return agg @ Wl + b + h @ Wr


def reference(x, edge_index, W1l, b1, W1r, g1, be1, W2l, b2, W2r, g2, be2, W3l, b3, W3r):
    src = edge_index[0]
    dst = edge_index[1]
    h = _sage_conv(x, src, dst, W1l, b1, W1r)
    h = _layer_norm(h, g1, be1)
    h = jax.nn.gelu(h, approximate=False)
    # dropout is identity in eval mode
    h = _sage_conv(h, src, dst, W2l, b2, W2r)
    h = _layer_norm(h, g2, be2)
    h = jax.nn.gelu(h, approximate=False)
    h = _sage_conv(h, src, dst, W3l, b3, W3r)
    return h.reshape(-1)

if __name__ == "__main__":
    import jax
    _d = setup_inputs()
    print(jax.jit(kernel)(*tuple(_d.values())))

</pallas_src>

<mosaic_0001>
#map = affine_map<(d0, d1) -> (0)>
#map1 = affine_map<(d0, d1) -> (0, 0)>
module attributes {stable_mosaic.version = 14 : i64} {
  func.func @body(%arg0: i32, %arg1: i32, %arg2: memref<320000xi32, #tpu.memory_space<hbm>>, %arg3: memref<10240xf32, #tpu.memory_space<hbm>>, %arg4: memref<32x10240xf32, #tpu.memory_space<hbm>>, %arg5: memref<10240xf32, #tpu.memory_space<vmem>>, %arg6: memref<9984xi32, #tpu.memory_space<vmem>>, %arg7: memref<128xi32, #tpu.memory_space<vmem>>) attributes {dimension_semantics = [#tpu.dimension_semantics<core_parallel>, #tpu.dimension_semantics<subcore_parallel>], iteration_bounds = array<i64: 2, 16>, scalar_prefetch = 0 : i64, scratch_operands = 3 : i64, tpu.core_type = #tpu.core_type<sc_vector_subcore>, window_params = [{transform_indices = #map}, {transform_indices = #map}, {transform_indices = #map1}]} {
    %mul3A = arith.constant 2 : i32
    %mul3A_0 = arith.muli %arg1, %mul3A : i32
    %add3A = arith.addi %mul3A_0, %arg0 : i32
    "tpu.region"() ({
      %run_scoped3A = tpu.sem_alloc : memref<!tpu.dma_semaphore, #tpu.memory_space<semaphore_mem>>
      tpu.enqueue_dma source(%arg3 : memref<10240xf32, #tpu.memory_space<hbm>>) target(%arg5 : memref<10240xf32, #tpu.memory_space<vmem>>) target_semaphore(%run_scoped3A : memref<!tpu.dma_semaphore, #tpu.memory_space<semaphore_mem>>)
      tpu.wait_dma2 semaphore(%run_scoped3A : memref<!tpu.dma_semaphore, #tpu.memory_space<semaphore_mem>>) src(%arg3 : memref<10240xf32, #tpu.memory_space<hbm>>) dst(%arg5 : memref<10240xf32, #tpu.memory_space<vmem>>)
      tpu.yield
    }) : () -> ()
    %mul3A_1 = arith.constant 9984 : i32
    %mul3A_2 = arith.muli %add3A, %mul3A_1 : i32
    "tpu.region"() ({
      %run_scoped3A = tpu.sem_alloc : memref<!tpu.dma_semaphore, #tpu.memory_space<semaphore_mem>>
      %dma_start3A = tpu.memref_slice %arg2[%mul3A_2] : memref<320000xi32, #tpu.memory_space<hbm>> -> memref<9984xi32, #tpu.memory_space<hbm>>
      %dma_start3A_16 = tpu.memref_slice %arg2[%mul3A_2] : memref<320000xi32, #tpu.memory_space<hbm>> -> memref<9984xi32, #tpu.memory_space<hbm>>
      tpu.enqueue_dma source(%dma_start3A_16 : memref<9984xi32, #tpu.memory_space<hbm>>) target(%arg6 : memref<9984xi32, #tpu.memory_space<vmem>>) target_semaphore(%run_scoped3A : memref<!tpu.dma_semaphore, #tpu.memory_space<semaphore_mem>>)
      %dma_wait3A = tpu.memref_slice %arg2[%mul3A_2] : memref<320000xi32, #tpu.memory_space<hbm>> -> memref<9984xi32, #tpu.memory_space<hbm>>
      %dma_wait3A_17 = tpu.memref_slice %arg2[%mul3A_2] : memref<320000xi32, #tpu.memory_space<hbm>> -> memref<9984xi32, #tpu.memory_space<hbm>>
      tpu.wait_dma2 semaphore(%run_scoped3A : memref<!tpu.dma_semaphore, #tpu.memory_space<semaphore_mem>>) src(%dma_wait3A_17 : memref<9984xi32, #tpu.memory_space<hbm>>) dst(%arg6 : memref<9984xi32, #tpu.memory_space<vmem>>)
      tpu.yield
    }) : () -> ()
    %lt3A = arith.constant 4 : i32
    %lt3A_3 = arith.cmpi slt, %add3A, %lt3A : i32
    %convert_element_type3A = arith.extui %lt3A_3 : i1 to i32
    %cond3A = arith.constant 0 : i32
    %cond3A_4 = arith.cmpi ne, %convert_element_type3A, %cond3A : i32
    scf.if %cond3A_4 {
      %mul3A_16 = arith.constant 128 : i32
      %mul3A_17 = arith.muli %mul3A_16, %add3A : i32
      %add3A_18 = arith.constant 319488 : i32
      %add3A_19 = arith.addi %add3A_18, %mul3A_17 : i32
      "tpu.region"() ({
        %run_scoped3A = tpu.sem_alloc : memref<!tpu.dma_semaphore, #tpu.memory_space<semaphore_mem>>
        %dma_start3A = tpu.memref_slice %arg2[%add3A_19] : memref<320000xi32, #tpu.memory_space<hbm>> -> memref<128xi32, #tpu.memory_space<hbm>>
        %dma_start3A_20 = tpu.memref_slice %arg2[%add3A_19] : memref<320000xi32, #tpu.memory_space<hbm>> -> memref<128xi32, #tpu.memory_space<hbm>>
        tpu.enqueue_dma source(%dma_start3A_20 : memref<128xi32, #tpu.memory_space<hbm>>) target(%arg7 : memref<128xi32, #tpu.memory_space<vmem>>) target_semaphore(%run_scoped3A : memref<!tpu.dma_semaphore, #tpu.memory_space<semaphore_mem>>)
        %dma_wait3A = tpu.memref_slice %arg2[%add3A_19] : memref<320000xi32, #tpu.memory_space<hbm>> -> memref<128xi32, #tpu.memory_space<hbm>>
        %dma_wait3A_21 = tpu.memref_slice %arg2[%add3A_19] : memref<320000xi32, #tpu.memory_space<hbm>> -> memref<128xi32, #tpu.memory_space<hbm>>
        tpu.wait_dma2 semaphore(%run_scoped3A : memref<!tpu.dma_semaphore, #tpu.memory_space<semaphore_mem>>) src(%dma_wait3A_21 : memref<128xi32, #tpu.memory_space<hbm>>) dst(%arg7 : memref<128xi32, #tpu.memory_space<vmem>>)
        tpu.yield
      }) : () -> ()
    } else {
    }
    %broadcast_in_dim3A = arith.constant 1.000000e+00 : f32
    %broadcast_in_dim3A_5 = vector.broadcast %broadcast_in_dim3A : f32 to vector<16xf32>
    %scan3A = arith.constant 0 : i32
    %scan3A_6 = arith.constant 0 : i32
    %scan3A_7 = arith.constant 624 : i32
    %scan3A_8 = arith.addi %scan3A_6, %scan3A_7 : i32
    %scan3A_9 = arith.constant 1 : i32
    scf.for %scan3A_16 = %scan3A_6 to %scan3A_8 step %scan3A_9  : i32 {
      %mul3A_17 = arith.constant 16 : i32
      %mul3A_18 = arith.muli %scan3A_16, %mul3A_17 : i32
      %get3A = arith.index_cast %mul3A_18 : i32 to index
      %get3A_19 = tpu.vector_load %arg6[%get3A] {strides = array<i32>} : memref<9984xi32, #tpu.memory_space<vmem>>, vector<16xi32>,
      tpu.vector_store_idx %arg5[%get3A_19], %broadcast_in_dim3A_5 {add = true} : memref<10240xf32, #tpu.memory_space<vmem>>[vector<16xi32>], vector<16xf32>,
    }
    %scan3A_10 = arith.constant 624 : i32
    %lt3A_11 = arith.constant 4 : i32
    %lt3A_12 = arith.cmpi slt, %add3A, %lt3A_11 : i32
    %convert_element_type3A_13 = arith.extui %lt3A_12 : i1 to i32
    %cond3A_14 = arith.constant 0 : i32
    %cond3A_15 = arith.cmpi ne, %convert_element_type3A_13, %cond3A_14 : i32
    scf.if %cond3A_15 {
      %scan3A_16 = arith.constant 0 : i32
      %scan3A_17 = arith.constant 0 : i32
      %scan3A_18 = arith.constant 8 : i32
      %scan3A_19 = arith.addi %scan3A_17, %scan3A_18 : i32
      %scan3A_20 = arith.constant 1 : i32
      scf.for %scan3A_22 = %scan3A_17 to %scan3A_19 step %scan3A_20  : i32 {
        %mul3A_23 = arith.constant 16 : i32
        %mul3A_24 = arith.muli %scan3A_22, %mul3A_23 : i32
        %get3A = arith.index_cast %mul3A_24 : i32 to index
        %get3A_25 = tpu.vector_load %arg7[%get3A] {strides = array<i32>} : memref<128xi32, #tpu.memory_space<vmem>>, vector<16xi32>,
        tpu.vector_store_idx %arg5[%get3A_25], %broadcast_in_dim3A_5 {add = true} : memref<10240xf32, #tpu.memory_space<vmem>>[vector<16xi32>], vector<16xf32>,
      }
      %scan3A_21 = arith.constant 8 : i32
    } else {
    }
    "tpu.region"() ({
      %run_scoped3A = tpu.sem_alloc : memref<!tpu.dma_semaphore, #tpu.memory_space<semaphore_mem>>
      %dma_start3A = arith.constant 0 : i32
      %dma_start3A_16 = tpu.memref_slice %arg4[%add3A, %dma_start3A] : memref<32x10240xf32, #tpu.memory_space<hbm>> -> memref<1x10240xf32, #tpu.memory_space<hbm>>
      %dma_start3A_17 = tpu.memref_squeeze %dma_start3A_16 : memref<1x10240xf32, #tpu.memory_space<hbm>> -> memref<10240xf32, #tpu.memory_space<hbm>>
      %dma_start3A_18 = arith.constant 0 : i32
      %dma_start3A_19 = tpu.memref_slice %arg4[%add3A, %dma_start3A_18] : memref<32x10240xf32, #tpu.memory_space<hbm>> -> memref<1x10240xf32, #tpu.memory_space<hbm>>
      %dma_start3A_20 = tpu.memref_squeeze %dma_start3A_19 : memref<1x10240xf32, #tpu.memory_space<hbm>> -> memref<10240xf32, #tpu.memory_space<hbm>>
      tpu.enqueue_dma source(%arg5 : memref<10240xf32, #tpu.memory_space<vmem>>) target(%dma_start3A_20 : memref<10240xf32, #tpu.memory_space<hbm>>) target_semaphore(%run_scoped3A : memref<!tpu.dma_semaphore, #tpu.memory_space<semaphore_mem>>)
      %dma_wait3A = arith.constant 0 : i32
      %dma_wait3A_21 = tpu.memref_slice %arg4[%add3A, %dma_wait3A] : memref<32x10240xf32, #tpu.memory_space<hbm>> -> memref<1x10240xf32, #tpu.memory_space<hbm>>
      %dma_wait3A_22 = tpu.memref_squeeze %dma_wait3A_21 : memref<1x10240xf32, #tpu.memory_space<hbm>> -> memref<10240xf32, #tpu.memory_space<hbm>>
      %dma_wait3A_23 = arith.constant 0 : i32
      %dma_wait3A_24 = tpu.memref_slice %arg4[%add3A, %dma_wait3A_23] : memref<32x10240xf32, #tpu.memory_space<hbm>> -> memref<1x10240xf32, #tpu.memory_space<hbm>>
      %dma_wait3A_25 = tpu.memref_squeeze %dma_wait3A_24 : memref<1x10240xf32, #tpu.memory_space<hbm>> -> memref<10240xf32, #tpu.memory_space<hbm>>
      tpu.wait_dma2 semaphore(%run_scoped3A : memref<!tpu.dma_semaphore, #tpu.memory_space<semaphore_mem>>) src(%arg5 : memref<10240xf32, #tpu.memory_space<vmem>>) dst(%dma_wait3A_25 : memref<10240xf32, #tpu.memory_space<hbm>>)
      tpu.yield
    }) : () -> ()
    return
  }
}

#map = affine_map<(d0, d1) -> (0, 0)>
#map1 = affine_map<(d0, d1) -> (0, 0, 0)>
module attributes {stable_mosaic.version = 14 : i64} {
  func.func @body(%arg0: i32, %arg1: i32, %arg2: memref<10240x64xf32, #tpu.memory_space<hbm>>, %arg3: memref<2500x128xi32, #tpu.memory_space<hbm>>, %arg4: memref<2500x128xi32, #tpu.memory_space<hbm>>, %arg5: memref<10240x64xf32, #tpu.memory_space<hbm>>, %arg6: memref<2x10240x64xf32, #tpu.memory_space<hbm>>, %arg7: memref<79x128xi32, #tpu.memory_space<vmem>>, %arg8: memref<79x128xi32, #tpu.memory_space<vmem>>, %arg9: memref<256x64xf32, #tpu.memory_space<vmem>>, %arg10: memref<256x64xf32, #tpu.memory_space<vmem>>, %arg11: memref<256x64xf32, #tpu.memory_space<vmem>>, %arg12: memref<256x64xf32, #tpu.memory_space<vmem>>, %arg13: memref<10240x64xf32, #tpu.memory_space<vmem_shared>>, %arg14: memref<!tpu.dma_semaphore, #tpu.memory_space<semaphore_mem>>, %arg15: memref<!tpu.dma_semaphore, #tpu.memory_space<semaphore_mem>>, %arg16: memref<!tpu.dma_semaphore, #tpu.memory_space<semaphore_mem>>, %arg17: memref<!tpu.dma_semaphore, #tpu.memory_space<semaphore_mem>>, %arg18: memref<!tpu.dma_semaphore, #tpu.memory_space<semaphore_mem>>, %arg19: memref<!tpu.dma_semaphore, #tpu.memory_space<semaphore_mem>>, %arg20: memref<!tpu.dma_semaphore, #tpu.memory_space<semaphore_mem>>, %arg21: memref<!tpu.dma_semaphore, #tpu.memory_space<semaphore_mem>>) attributes {dimension_semantics = [#tpu.dimension_semantics<core_parallel>, #tpu.dimension_semantics<subcore_parallel>], iteration_bounds = array<i64: 2, 16>, scalar_prefetch = 0 : i64, scratch_operands = 15 : i64, tpu.core_type = #tpu.core_type<sc_vector_subcore>, window_params = [{transform_indices = #map}, {transform_indices = #map}, {transform_indices = #map}, {transform_indices = #map}, {transform_indices = #map1}]} {
    %mul3A = arith.constant 2 : i32
    %mul3A_0 = arith.muli %arg1, %mul3A : i32
    %add3A = arith.addi %mul3A_0, %arg0 : i32
    %mul3A_1 = arith.constant 640 : i32
    %mul3A_2 = arith.muli %arg1, %mul3A_1 : i32
    "tpu.region"() ({
      %run_scoped3A = tpu.sem_alloc : memref<!tpu.dma_semaphore, #tpu.memory_space<semaphore_mem>>
      %dma_start3A_576 = arith.constant 0 : i32
      %dma_start3A_577 = tpu.memref_slice %arg13[%mul3A_2, %dma_start3A_576] : memref<10240x64xf32, #tpu.memory_space<vmem_shared>> -> memref<640x64xf32, #tpu.memory_space<vmem_shared>>
      %dma_start3A_578 = arith.constant 0 : i32
      %dma_start3A_579 = tpu.memref_slice %arg5[%mul3A_2, %dma_start3A_578] : memref<10240x64xf32, #tpu.memory_space<hbm>> -> memref<640x64xf32, #tpu.memory_space<hbm>>
      tpu.enqueue_dma source(%dma_start3A_579 : memref<640x64xf32, #tpu.memory_space<hbm>>) target(%dma_start3A_577 : memref<640x64xf32, #tpu.memory_space<vmem_shared>>) target_semaphore(%run_scoped3A : memref<!tpu.dma_semaphore, #tpu.memory_space<semaphore_mem>>)
      %dma_wait3A_580 = arith.constant 0 : i32
      %dma_wait3A_581 = tpu.memref_slice %arg13[%mul3A_2, %dma_wait3A_580] : memref<10240x64xf32, #tpu.memory_space<vmem_shared>> -> memref<640x64xf32, #tpu.memory_space<vmem_shared>>
      %dma_wait3A_582 = arith.constant 0 : i32
      %dma_wait3A_583 = tpu.memref_slice %arg5[%mul3A_2, %dma_wait3A_582] : memref<10240x64xf32, #tpu.memory_space<hbm>> -> memref<640x64xf32, #tpu.memory_space<hbm>>
      tpu.wait_dma2 semaphore(%run_scoped3A : memref<!tpu.dma_semaphore, #tpu.memory_space<semaphore_mem>>) src(%dma_wait3A_583 : memref<640x64xf32, #tpu.memory_space<hbm>>) dst(%dma_wait3A_581 : memref<640x64xf32, #tpu.memory_space<vmem_shared>>)
      tpu.yield
    }) : () -> ()
    %mul3A_3 = arith.constant 78 : i32
    %mul3A_4 = arith.muli %mul3A_3, %add3A : i32
    "tpu.region"() ({
      %run_scoped3A = tpu.sem_alloc : memref<!tpu.dma_semaphore, #tpu.memory_space<semaphore_mem>>
      %dma_start3A_576 = arith.constant 0 : i32
      %dma_start3A_577 = arith.constant 0 : i32
      %dma_start3A_578 = tpu.memref_slice %arg7[%dma_start3A_576, %dma_start3A_577] : memref<79x128xi32, #tpu.memory_space<vmem>> -> memref<78x128xi32, #tpu.memory_space<vmem>>
      %dma_start3A_579 = arith.constant 0 : i32
      %dma_start3A_580 = tpu.memref_slice %arg3[%mul3A_4, %dma_start3A_579] : memref<2500x128xi32, #tpu.memory_space<hbm>> -> memref<78x128xi32, #tpu.memory_space<hbm>>
      %dma_start3A_581 = arith.constant 0 : i32
      %dma_start3A_582 = arith.constant 0 : i32
      %dma_start3A_583 = tpu.memref_slice %arg7[%dma_start3A_581, %dma_start3A_582] : memref<79x128xi32, #tpu.memory_space<vmem>> -> memref<78x128xi32, #tpu.memory_space<vmem>>
      %dma_start3A_584 = arith.constant 0 : i32
      %dma_start3A_585 = tpu.memref_slice %arg3[%mul3A_4, %dma_start3A_584] : memref<2500x128xi32, #tpu.memory_space<hbm>> -> memref<78x128xi32, #tpu.memory_space<hbm>>
      tpu.enqueue_dma source(%dma_start3A_585 : memref<78x128xi32, #tpu.memory_space<hbm>>) target(%dma_start3A_583 : memref<78x128xi32, #tpu.memory_space<vmem>>) target_semaphore(%run_scoped3A : memref<!tpu.dma_semaphore, #tpu.memory_space<semaphore_mem>>)
      %dma_wait3A_586 = arith.constant 0 : i32
      %dma_wait3A_587 = arith.constant 0 : i32
      %dma_wait3A_588 = tpu.memref_slice %arg7[%dma_wait3A_586, %dma_wait3A_587] : memref<79x128xi32, #tpu.memory_space<vmem>> -> memref<78x128xi32, #tpu.memory_space<vmem>>
      %dma_wait3A_589 = arith.constant 0 : i32
      %dma_wait3A_590 = tpu.memref_slice %arg3[%mul3A_4, %dma_wait3A_589] : memref<2500x128xi32, #tpu.memory_space<hbm>> -> memref<78x128xi32, #tpu.memory_space<hbm>>
      %dma_wait3A_591 = arith.constant 0 : i32
      %dma_wait3A_592 = arith.constant 0 : i32
      %dma_wait3A_593 = tpu.memref_slice %arg7[%dma_wait3A_591, %dma_wait3A_592] : memref<79x128xi32, #tpu.memory_space<vmem>> -> memref<78x128xi32, #tpu.memory_space<vmem>>
      %dma_wait3A_594 = arith.constant 0 : i32
      %dma_wait3A_595 = tpu.memref_slice %arg3[%mul3A_4, %dma_wait3A_594] : memref<2500x128xi32, #tpu.memory_space<hbm>> -> memref<78x128xi32, #tpu.memory_space<hbm>>
      tpu.wait_dma2 semaphore(%run_scoped3A : memref<!tpu.dma_semaphore, #tpu.memory_space<semaphore_mem>>) src(%dma_wait3A_595 : memref<78x128xi32, #tpu.memory_space<hbm>>) dst(%dma_wait3A_593 : memref<78x128xi32, #tpu.memory_space<vmem>>)
      tpu.yield
    }) : () -> ()
    "tpu.region"() ({
      %run_scoped3A = tpu.sem_alloc : memref<!tpu.dma_semaphore, #tpu.memory_space<semaphore_mem>>
      %dma_start3A_576 = arith.constant 0 : i32
      %dma_start3A_577 = arith.constant 0 : i32
      %dma_start3A_578 = tpu.memref_slice %arg8[%dma_start3A_576, %dma_start3A_577] : memref<79x128xi32, #tpu.memory_space<vmem>> -> memref<78x128xi32, #tpu.memory_space<vmem>>
      %dma_start3A_579 = arith.constant 0 : i32
      %dma_start3A_580 = tpu.memref_slice %arg4[%mul3A_4, %dma_start3A_579] : memref<2500x128xi32, #tpu.memory_space<hbm>> -> memref<78x128xi32, #tpu.memory_space<hbm>>
      %dma_start3A_581 = arith.constant 0 : i32
      %dma_start3A_582 = arith.constant 0 : i32
      %dma_start3A_583 = tpu.memref_slice %arg8[%dma_start3A_581, %dma_start3A_582] : memref<79x128xi32, #tpu.memory_space<vmem>> -> memref<78x128xi32, #tpu.memory_space<vmem>>
      %dma_start3A_584 = arith.constant 0 : i32
      %dma_start3A_585 = tpu.memref_slice %arg4[%mul3A_4, %dma_start3A_584] : memref<2500x128xi32, #tpu.memory_space<hbm>> -> memref<78x128xi32, #tpu.memory_space<hbm>>
      tpu.enqueue_dma source(%dma_start3A_585 : memref<78x128xi32, #tpu.memory_space<hbm>>) target(%dma_start3A_583 : memref<78x128xi32, #tpu.memory_space<vmem>>) target_semaphore(%run_scoped3A : memref<!tpu.dma_semaphore, #tpu.memory_space<semaphore_mem>>)
      %dma_wait3A_586 = arith.constant 0 : i32
      %dma_wait3A_587 = arith.constant 0 : i32
      %dma_wait3A_588 = tpu.memref_slice %arg8[%dma_wait3A_586, %dma_wait3A_587] : memref<79x128xi32, #tpu.memory_space<vmem>> -> memref<78x128xi32, #tpu.memory_space<vmem>>
      %dma_wait3A_589 = arith.constant 0 : i32
      %dma_wait3A_590 = tpu.memref_slice %arg4[%mul3A_4, %dma_wait3A_589] : memref<2500x128xi32, #tpu.memory_space<hbm>> -> memref<78x128xi32, #tpu.memory_space<hbm>>
      %dma_wait3A_591 = arith.constant 0 : i32
      %dma_wait3A_592 = arith.constant 0 : i32
      %dma_wait3A_593 = tpu.memref_slice %arg8[%dma_wait3A_591, %dma_wait3A_592] : memref<79x128xi32, #tpu.memory_space<vmem>> -> memref<78x128xi32, #tpu.memory_space<vmem>>
      %dma_wait3A_594 = arith.constant 0 : i32
      %dma_wait3A_595 = tpu.memref_slice %arg4[%mul3A_4, %dma_wait3A_594] : memref<2500x128xi32, #tpu.memory_space<hbm>> -> memref<78x128xi32, #tpu.memory_space<hbm>>
      tpu.wait_dma2 semaphore(%run_scoped3A : memref<!tpu.dma_semaphore, #tpu.memory_space<semaphore_mem>>) src(%dma_wait3A_595 : memref<78x128xi32, #tpu.memory_space<hbm>>) dst(%dma_wait3A_593 : memref<78x128xi32, #tpu.memory_space<vmem>>)
      tpu.yield
    }) : () -> ()
    %lt3A = arith.constant 4 : i32
    %lt3A_5 = arith.cmpi slt, %add3A, %lt3A : i32
    %convert_element_type3A = arith.extui %lt3A_5 : i1 to i32
    %cond3A = arith.constant 0 : i32
    %cond3A_6 = arith.cmpi ne, %convert_element_type3A, %cond3A : i32
    scf.if %cond3A_6 {
      %add3A_576 = arith.constant 2496 : i32
      %add3A_577 = arith.addi %add3A_576, %add3A : i32
      "tpu.region"() ({
        %run_scoped3A = tpu.sem_alloc : memref<!tpu.dma_semaphore, #tpu.memory_space<semaphore_mem>>
        %dma_start3A_578 = arith.constant 78 : i32
        %dma_start3A_579 = arith.constant 0 : i32
        %dma_start3A_580 = tpu.memref_slice %arg7[%dma_start3A_578, %dma_start3A_579] : memref<79x128xi32, #tpu.memory_space<vmem>> -> memref<1x128xi32, #tpu.memory_space<vmem>>
        %dma_start3A_581 = arith.constant 0 : i32
        %dma_start3A_582 = tpu.memref_slice %arg3[%add3A_577, %dma_start3A_581] : memref<2500x128xi32, #tpu.memory_space<hbm>> -> memref<1x128xi32, #tpu.memory_space<hbm>>
        %dma_start3A_583 = arith.constant 78 : i32
        %dma_start3A_584 = arith.constant 0 : i32
        %dma_start3A_585 = tpu.memref_slice %arg7[%dma_start3A_583, %dma_start3A_584] : memref<79x128xi32, #tpu.memory_space<vmem>> -> memref<1x128xi32, #tpu.memory_space<vmem>>
        %dma_start3A_586 = arith.constant 0 : i32
        %dma_start3A_587 = tpu.memref_slice %arg3[%add3A_577, %dma_start3A_586] : memref<2500x128xi32, #tpu.memory_space<hbm>> -> memref<1x128xi32, #tpu.memory_space<hbm>>
        tpu.enqueue_dma source(%dma_start3A_587 : memref<1x128xi32, #tpu.memory_space<hbm>>) target(%dma_start3A_585 : memref<1x128xi32, #tpu.memory_space<vmem>>) target_semaphore(%run_scoped3A : memref<!tpu.dma_semaphore, #tpu.memory_space<semaphore_mem>>)
        %dma_wait3A_588 = arith.constant 78 : i32
        %dma_wait3A_589 = arith.constant 0 : i32
        %dma_wait3A_590 = tpu.memref_slice %arg7[%dma_wait3A_588, %dma_wait3A_589] : memref<79x128xi32, #tpu.memory_space<vmem>> -> memref<1x128xi32, #tpu.memory_space<vmem>>
        %dma_wait3A_591 = arith.constant 0 : i32
        %dma_wait3A_592 = tpu.memref_slice %arg3[%add3A_577, %dma_wait3A_591] : memref<2500x128xi32, #tpu.memory_space<hbm>> -> memref<1x128xi32, #tpu.memory_space<hbm>>
        %dma_wait3A_593 = arith.constant 78 : i32
        %dma_wait3A_594 = arith.constant 0 : i32
        %dma_wait3A_595 = tpu.memref_slice %arg7[%dma_wait3A_593, %dma_wait3A_594] : memref<79x128xi32, #tpu.memory_space<vmem>> -> memref<1x128xi32, #tpu.memory_space<vmem>>
        %dma_wait3A_596 = arith.constant 0 : i32
        %dma_wait3A_597 = tpu.memref_slice %arg3[%add3A_577, %dma_wait3A_596] : memref<2500x128xi32, #tpu.memory_space<hbm>> -> memref<1x128xi32, #tpu.memory_space<hbm>>
        tpu.wait_dma2 semaphore(%run_scoped3A : memref<!tpu.dma_semaphore, #tpu.memory_space<semaphore_mem>>) src(%dma_wait3A_597 : memref<1x128xi32, #tpu.memory_space<hbm>>) dst(%dma_wait3A_595 : memref<1x128xi32, #tpu.memory_space<vmem>>)
        tpu.yield
      }) : () -> ()
      "tpu.region"() ({
        %run_scoped3A = tpu.sem_alloc : memref<!tpu.dma_semaphore, #tpu.memory_space<semaphore_mem>>
        %dma_start3A_578 = arith.constant 78 : i32
        %dma_start3A_579 = arith.constant 0 : i32
        %dma_start3A_580 = tpu.memref_slice %arg8[%dma_start3A_578, %dma_start3A_579] : memref<79x128xi32, #tpu.memory_space<vmem>> -> memref<1x128xi32, #tpu.memory_space<vmem>>
        %dma_start3A_581 = arith.constant 0 : i32
        %dma_start3A_582 = tpu.memref_slice %arg4[%add3A_577, %dma_start3A_581] : memref<2500x128xi32, #tpu.memory_space<hbm>> -> memref<1x128xi32, #tpu.memory_space<hbm>>
        %dma_start3A_583 = arith.constant 78 : i32
        %dma_start3A_584 = arith.constant 0 : i32
        %dma_start3A_585 = tpu.memref_slice %arg8[%dma_start3A_583, %dma_start3A_584] : memref<79x128xi32, #tpu.memory_space<vmem>> -> memref<1x128xi32, #tpu.memory_space<vmem>>
        %dma_start3A_586 = arith.constant 0 : i32
        %dma_start3A_587 = tpu.memref_slice %arg4[%add3A_577, %dma_start3A_586] : memref<2500x128xi32, #tpu.memory_space<hbm>> -> memref<1x128xi32, #tpu.memory_space<hbm>>
        tpu.enqueue_dma source(%dma_start3A_587 : memref<1x128xi32, #tpu.memory_space<hbm>>) target(%dma_start3A_585 : memref<1x128xi32, #tpu.memory_space<vmem>>) target_semaphore(%run_scoped3A : memref<!tpu.dma_semaphore, #tpu.memory_space<semaphore_mem>>)
        %dma_wait3A_588 = arith.constant 78 : i32
        %dma_wait3A_589 = arith.constant 0 : i32
        %dma_wait3A_590 = tpu.memref_slice %arg8[%dma_wait3A_588, %dma_wait3A_589] : memref<79x128xi32, #tpu.memory_space<vmem>> -> memref<1x128xi32, #tpu.memory_space<vmem>>
        %dma_wait3A_591 = arith.constant 0 : i32
        %dma_wait3A_592 = tpu.memref_slice %arg4[%add3A_577, %dma_wait3A_591] : memref<2500x128xi32, #tpu.memory_space<hbm>> -> memref<1x128xi32, #tpu.memory_space<hbm>>
        %dma_wait3A_593 = arith.constant 78 : i32
        %dma_wait3A_594 = arith.constant 0 : i32
        %dma_wait3A_595 = tpu.memref_slice %arg8[%dma_wait3A_593, %dma_wait3A_594] : memref<79x128xi32, #tpu.memory_space<vmem>> -> memref<1x128xi32, #tpu.memory_space<vmem>>
        %dma_wait3A_596 = arith.constant 0 : i32
        %dma_wait3A_597 = tpu.memref_slice %arg4[%add3A_577, %dma_wait3A_596] : memref<2500x128xi32, #tpu.memory_space<hbm>> -> memref<1x128xi32, #tpu.memory_space<hbm>>
        tpu.wait_dma2 semaphore(%run_scoped3A : memref<!tpu.dma_semaphore, #tpu.memory_space<semaphore_mem>>) src(%dma_wait3A_597 : memref<1x128xi32, #tpu.memory_space<hbm>>) dst(%dma_wait3A_595 : memref<1x128xi32, #tpu.memory_space<vmem>>)
        tpu.yield
      }) : () -> ()
    } else {
    }
    %barrier3A = arith.constant 0 : index
    tpu.barrier barrier_id(%barrier3A)
    %dma_start3A = arith.constant 0 : i32
    %dma_start3A_7 = arith.constant 0 : i32
    %dma_start3A_8 = arith.constant 0 : i32
    %dma_start3A_9 = tpu.memref_slice %arg9[%dma_start3A_7, %dma_start3A_8] : memref<256x64xf32, #tpu.memory_space<vmem>> -> memref<128x64xf32, #tpu.memory_space<vmem>>
    %dma_start3A_10 = arith.constant 0 : i32
    %dma_start3A_11 = tpu.memref_slice %arg7[%dma_start3A, %dma_start3A_10] : memref<79x128xi32, #tpu.memory_space<vmem>> -> memref<1x128xi32, #tpu.memory_space<vmem>>
    %dma_start3A_12 = tpu.memref_squeeze %dma_start3A_11 : memref<1x128xi32, #tpu.memory_space<vmem>> -> memref<128xi32, #tpu.memory_space<vmem>>
    %dma_start3A_13 = arith.constant 0 : i32
    %dma_start3A_14 = arith.constant 0 : i32
    %dma_start3A_15 = tpu.memref_slice %arg2[%dma_start3A_13, %dma_start3A_14] : memref<10240x64xf32, #tpu.memory_space<hbm>> -> memref<10240x64xf32, #tpu.memory_space<hbm>>
    tpu.enqueue_indirect_dma source(%dma_start3A_15 : memref<10240x64xf32, #tpu.memory_space<hbm>>) target(%dma_start3A_9 : memref<128x64xf32, #tpu.memory_space<vmem>>) offsets(%dma_start3A_12 : memref<128xi32, #tpu.memory_space<vmem>>) semaphore(%arg14 : memref<!tpu.dma_semaphore, #tpu.memory_space<semaphore_mem>>)
    %dma_start3A_16 = arith.constant 1 : i32
    %dma_start3A_17 = arith.constant 128 : i32
    %dma_start3A_18 = arith.constant 0 : i32
    %dma_start3A_19 = tpu.memref_slice %arg9[%dma_start3A_17, %dma_start3A_18] : memref<256x64xf32, #tpu.memory_space<vmem>> -> memref<128x64xf32, #tpu.memory_space<vmem>>
    %dma_start3A_20 = arith.constant 0 : i32
    %dma_start3A_21 = tpu.memref_slice %arg7[%dma_start3A_16, %dma_start3A_20] : memref<79x128xi32, #tpu.memory_space<vmem>> -> memref<1x128xi32, #tpu.memory_space<vmem>>
    %dma_start3A_22 = tpu.memref_squeeze %dma_start3A_21 : memref<1x128xi32, #tpu.memory_space<vmem>> -> memref<128xi32, #tpu.memory_space<vmem>>
    %dma_start3A_23 = arith.constant 0 : i32
    %dma_start3A_24 = arith.constant 0 : i32
    %dma_start3A_25 = tpu.memref_slice %arg2[%dma_start3A_23, %dma_start3A_24] : memref<10240x64xf32, #tpu.memory_space<hbm>> -> memref<10240x64xf32, #tpu.memory_space<hbm>>
    tpu.enqueue_indirect_dma source(%dma_start3A_25 : memref<10240x64xf32, #tpu.memory_space<hbm>>) target(%dma_start3A_19 : memref<128x64xf32, #tpu.memory_space<vmem>>) offsets(%dma_start3A_22 : memref<128xi32, #tpu.memory_space<vmem>>) semaphore(%arg14 : memref<!tpu.dma_semaphore, #tpu.memory_space<semaphore_mem>>)
    %dma_start3A_26 = arith.constant 2 : i32
    %dma_start3A_27 = arith.constant 0 : i32
    %dma_start3A_28 = arith.constant 0 : i32
    %dma_start3A_29 = tpu.memref_slice %arg10[%dma_start3A_27, %dma_start3A_28] : memref<256x64xf32, #tpu.memory_space<vmem>> -> memref<128x64xf32, #tpu.memory_space<vmem>>
    %dma_start3A_30 = arith.constant 0 : i32
    %dma_start3A_31 = tpu.memref_slice %arg7[%dma_start3A_26, %dma_start3A_30] : memref<79x128xi32, #tpu.memory_space<vmem>> -> memref<1x128xi32, #tpu.memory_space<vmem>>
    %dma_start3A_32 = tpu.memref_squeeze %dma_start3A_31 : memref<1x128xi32, #tpu.memory_space<vmem>> -> memref<128xi32, #tpu.memory_space<vmem>>
    %dma_start3A_33 = arith.constant 0 : i32
    %dma_start3A_34 = arith.constant 0 : i32
    %dma_start3A_35 = tpu.memref_slice %arg2[%dma_start3A_33, %dma_start3A_34] : memref<10240x64xf32, #tpu.memory_space<hbm>> -> memref<10240x64xf32, #tpu.memory_space<hbm>>
    tpu.enqueue_indirect_dma source(%dma_start3A_35 : memref<10240x64xf32, #tpu.memory_space<hbm>>) target(%dma_start3A_29 : memref<128x64xf32, #tpu.memory_space<vmem>>) offsets(%dma_start3A_32 : memref<128xi32, #tpu.memory_space<vmem>>) semaphore(%arg15 : memref<!tpu.dma_semaphore, #tpu.memory_space<semaphore_mem>>)
    %dma_start3A_36 = arith.constant 3 : i32
    %dma_start3A_37 = arith.constant 128 : i32
    %dma_start3A_38 = arith.constant 0 : i32
    %dma_start3A_39 = tpu.memref_slice %arg10[%dma_start3A_37, %dma_start3A_38] : memref<256x64xf32, #tpu.memory_space<vmem>> -> memref<128x64xf32, #tpu.memory_space<vmem>>
    %dma_start3A_40 = arith.constant 0 : i32
    %dma_start3A_41 = tpu.memref_slice %arg7[%dma_start3A_36, %dma_start3A_40] : memref<79x128xi32, #tpu.memory_space<vmem>> -> memref<1x128xi32, #tpu.memory_space<vmem>>
    %dma_start3A_42 = tpu.memref_squeeze %dma_start3A_41 : memref<1x128xi32, #tpu.memory_space<vmem>> -> memref<128xi32, #tpu.memory_space<vmem>>
    %dma_start3A_43 = arith.constant 0 : i32
    %dma_start3A_44 = arith.constant 0 : i32
    %dma_start3A_45 = tpu.memref_slice %arg2[%dma_start3A_43, %dma_start3A_44] : memref<10240x64xf32, #tpu.memory_space<hbm>> -> memref<10240x64xf32, #tpu.memory_space<hbm>>
    tpu.enqueue_indirect_dma source(%dma_start3A_45 : memref<10240x64xf32, #tpu.memory_space<hbm>>) target(%dma_start3A_39 : memref<128x64xf32, #tpu.memory_space<vmem>>) offsets(%dma_start3A_42 : memref<128xi32, #tpu.memory_space<vmem>>) semaphore(%arg15 : memref<!tpu.dma_semaphore, #tpu.memory_space<semaphore_mem>>)
    %dma_wait3A = arith.constant 0 : i32
    %dma_wait3A_46 = arith.constant 0 : i32
    %dma_wait3A_47 = arith.constant 0 : i32
    %dma_wait3A_48 = tpu.memref_slice %arg9[%dma_wait3A_46, %dma_wait3A_47] : memref<256x64xf32, #tpu.memory_space<vmem>> -> memref<128x64xf32, #tpu.memory_space<vmem>>
    %dma_wait3A_49 = arith.constant 0 : i32
    %dma_wait3A_50 = tpu.memref_slice %arg7[%dma_wait3A, %dma_wait3A_49] : memref<79x128xi32, #tpu.memory_space<vmem>> -> memref<1x128xi32, #tpu.memory_space<vmem>>
    %dma_wait3A_51 = tpu.memref_squeeze %dma_wait3A_50 : memref<1x128xi32, #tpu.memory_space<vmem>> -> memref<128xi32, #tpu.memory_space<vmem>>
    %dma_wait3A_52 = arith.constant 0 : i32
    %dma_wait3A_53 = arith.constant 0 : i32
    %dma_wait3A_54 = tpu.memref_slice %arg2[%dma_wait3A_52, %dma_wait3A_53] : memref<10240x64xf32, #tpu.memory_space<hbm>> -> memref<10240x64xf32, #tpu.memory_space<hbm>>
    tpu.wait_indirect_dma semaphore(%arg14 : memref<!tpu.dma_semaphore, #tpu.memory_space<semaphore_mem>>) src(%dma_wait3A_54 : memref<10240x64xf32, #tpu.memory_space<hbm>>) dst(%dma_wait3A_48 : memref<128x64xf32, #tpu.memory_space<vmem>>)
    %dma_wait3A_55 = arith.constant 1 : i32
    %dma_wait3A_56 = arith.constant 128 : i32
    %dma_wait3A_57 = arith.constant 0 : i32
    %dma_wait3A_58 = tpu.memref_slice %arg9[%dma_wait3A_56, %dma_wait3A_57] : memref<256x64xf32, #tpu.memory_space<vmem>> -> memref<128x64xf32, #tpu.memory_space<vmem>>
    %dma_wait3A_59 = arith.constant 0 : i32
    %dma_wait3A_60 = tpu.memref_slice %arg7[%dma_wait3A_55, %dma_wait3A_59] : memref<79x128xi32, #tpu.memory_space<vmem>> -> memref<1x128xi32, #tpu.memory_space<vmem>>
    %dma_wait3A_61 = tpu.memref_squeeze %dma_wait3A_60 : memref<1x128xi32, #tpu.memory_space<vmem>> -> memref<128xi32, #tpu.memory_space<vmem>>
    %dma_wait3A_62 = arith.constant 0 : i32
    %dma_wait3A_63 = arith.constant 0 : i32
    %dma_wait3A_64 = tpu.memref_slice %arg2[%dma_wait3A_62, %dma_wait3A_63] : memref<10240x64xf32, #tpu.memory_space<hbm>> -> memref<10240x64xf32, #tpu.memory_space<hbm>>
    tpu.wait_indirect_dma semaphore(%arg14 : memref<!tpu.dma_semaphore, #tpu.memory_space<semaphore_mem>>) src(%dma_wait3A_64 : memref<10240x64xf32, #tpu.memory_space<hbm>>) dst(%dma_wait3A_58 : memref<128x64xf32, #tpu.memory_space<vmem>>)
    %dma_start3A_65 = arith.constant 0 : i32
    %dma_start3A_66 = arith.constant 0 : i32
    %dma_start3A_67 = arith.constant 0 : i32
    %dma_start3A_68 = tpu.memref_slice %arg9[%dma_start3A_66, %dma_start3A_67] : memref<256x64xf32, #tpu.memory_space<vmem>> -> memref<128x64xf32, #tpu.memory_space<vmem>>
    %dma_start3A_69 = arith.constant 0 : i32
    %dma_start3A_70 = tpu.memref_slice %arg8[%dma_start3A_65, %dma_start3A_69] : memref<79x128xi32, #tpu.memory_space<vmem>> -> memref<1x128xi32, #tpu.memory_space<vmem>>
    %dma_start3A_71 = tpu.memref_squeeze %dma_start3A_70 : memref<1x128xi32, #tpu.memory_space<vmem>> -> memref<128xi32, #tpu.memory_space<vmem>>
    %dma_start3A_72 = arith.constant 0 : i32
    %dma_start3A_73 = arith.constant 0 : i32
    %dma_start3A_74 = tpu.memref_slice %arg13[%dma_start3A_72, %dma_start3A_73] : memref<10240x64xf32, #tpu.memory_space<vmem_shared>> -> memref<10240x64xf32, #tpu.memory_space<vmem_shared>>
    tpu.enqueue_indirect_dma source(%dma_start3A_68 : memref<128x64xf32, #tpu.memory_space<vmem>>) target(%dma_start3A_74 : memref<10240x64xf32, #tpu.memory_space<vmem_shared>>) offsets(%dma_start3A_71 : memref<128xi32, #tpu.memory_space<vmem>>) semaphore(%arg18 : memref<!tpu.dma_semaphore, #tpu.memory_space<semaphore_mem>>) {add = true}
    %dma_start3A_75 = arith.constant 1 : i32
    %dma_start3A_76 = arith.constant 128 : i32
    %dma_start3A_77 = arith.constant 0 : i32
    %dma_start3A_78 = tpu.memref_slice %arg9[%dma_start3A_76, %dma_start3A_77] : memref<256x64xf32, #tpu.memory_space<vmem>> -> memref<128x64xf32, #tpu.memory_space<vmem>>
    %dma_start3A_79 = arith.constant 0 : i32
    %dma_start3A_80 = tpu.memref_slice %arg8[%dma_start3A_75, %dma_start3A_79] : memref<79x128xi32, #tpu.memory_space<vmem>> -> memref<1x128xi32, #tpu.memory_space<vmem>>
    %dma_start3A_81 = tpu.memref_squeeze %dma_start3A_80 : memref<1x128xi32, #tpu.memory_space<vmem>> -> memref<128xi32, #tpu.memory_space<vmem>>
    %dma_start3A_82 = arith.constant 0 : i32
    %dma_start3A_83 = arith.constant 0 : i32
    %dma_start3A_84 = tpu.memref_slice %arg13[%dma_start3A_82, %dma_start3A_83] : memref<10240x64xf32, #tpu.memory_space<vmem_shared>> -> memref<10240x64xf32, #tpu.memory_space<vmem_shared>>
    tpu.enqueue_indirect_dma source(%dma_start3A_78 : memref<128x64xf32, #tpu.memory_space<vmem>>) target(%dma_start3A_84 : memref<10240x64xf32, #tpu.memory_space<vmem_shared>>) offsets(%dma_start3A_81 : memref<128xi32, #tpu.memory_space<vmem>>) semaphore(%arg18 : memref<!tpu.dma_semaphore, #tpu.memory_space<semaphore_mem>>) {add = true}
    %dma_start3A_85 = arith.constant 4 : i32
    %dma_start3A_86 = arith.constant 0 : i32
    %dma_start3A_87 = arith.constant 0 : i32
    %dma_start3A_88 = tpu.memref_slice %arg11[%dma_start3A_86, %dma_start3A_87] : memref<256x64xf32, #tpu.memory_space<vmem>> -> memref<128x64xf32, #tpu.memory_space<vmem>>
    %dma_start3A_89 = arith.constant 0 : i32
    %dma_start3A_90 = tpu.memref_slice %arg7[%dma_start3A_85, %dma_start3A_89] : memref<79x128xi32, #tpu.memory_space<vmem>> -> memref<1x128xi32, #tpu.memory_space<vmem>>
    %dma_start3A_91 = tpu.memref_squeeze %dma_start3A_90 : memref<1x128xi32, #tpu.memory_space<vmem>> -> memref<128xi32, #tpu.memory_space<vmem>>
    %dma_start3A_92 = arith.constant 0 : i32
    %dma_start3A_93 = arith.constant 0 : i32
    %dma_start3A_94 = tpu.memref_slice %arg2[%dma_start3A_92, %dma_start3A_93] : memref<10240x64xf32, #tpu.memory_space<hbm>> -> memref<10240x64xf32, #tpu.memory_space<hbm>>
    tpu.enqueue_indirect_dma source(%dma_start3A_94 : memref<10240x64xf32, #tpu.memory_space<hbm>>) target(%dma_start3A_88 : memref<128x64xf32, #tpu.memory_space<vmem>>) offsets(%dma_start3A_91 : memref<128xi32, #tpu.memory_space<vmem>>) semaphore(%arg16 : memref<!tpu.dma_semaphore, #tpu.memory_space<semaphore_mem>>)
    %dma_start3A_95 = arith.constant 5 : i32
    %dma_start3A_96 = arith.constant 128 : i32
    %dma_start3A_97 = arith.constant 0 : i32
    %dma_start3A_98 = tpu.memref_slice %arg11[%dma_start3A_96, %dma_start3A_97] : memref<256x64xf32, #tpu.memory_space<vmem>> -> memref<128x64xf32, #tpu.memory_space<vmem>>
    %dma_start3A_99 = arith.constant 0 : i32
    %dma_start3A_100 = tpu.memref_slice %arg7[%dma_start3A_95, %dma_start3A_99] : memref<79x128xi32, #tpu.memory_space<vmem>> -> memref<1x128xi32, #tpu.memory_space<vmem>>
    %dma_start3A_101 = tpu.memref_squeeze %dma_start3A_100 : memref<1x128xi32, #tpu.memory_space<vmem>> -> memref<128xi32, #tpu.memory_space<vmem>>
    %dma_start3A_102 = arith.constant 0 : i32
    %dma_start3A_103 = arith.constant 0 : i32
    %dma_start3A_104 = tpu.memref_slice %arg2[%dma_start3A_102, %dma_start3A_103] : memref<10240x64xf32, #tpu.memory_space<hbm>> -> memref<10240x64xf32, #tpu.memory_space<hbm>>
    tpu.enqueue_indirect_dma source(%dma_start3A_104 : memref<10240x64xf32, #tpu.memory_space<hbm>>) target(%dma_start3A_98 : memref<128x64xf32, #tpu.memory_space<vmem>>) offsets(%dma_start3A_101 : memref<128xi32, #tpu.memory_space<vmem>>) semaphore(%arg16 : memref<!tpu.dma_semaphore, #tpu.memory_space<semaphore_mem>>)
    %dma_wait3A_105 = arith.constant 2 : i32
    %dma_wait3A_106 = arith.constant 0 : i32
    %dma_wait3A_107 = arith.constant 0 : i32
    %dma_wait3A_108 = tpu.memref_slice %arg10[%dma_wait3A_106, %dma_wait3A_107] : memref<256x64xf32, #tpu.memory_space<vmem>> -> memref<128x64xf32, #tpu.memory_space<vmem>>
    %dma_wait3A_109 = arith.constant 0 : i32
    %dma_wait3A_110 = tpu.memref_slice %arg7[%dma_wait3A_105, %dma_wait3A_109] : memref<79x128xi32, #tpu.memory_space<vmem>> -> memref<1x128xi32, #tpu.memory_space<vmem>>
    %dma_wait3A_111 = tpu.memref_squeeze %dma_wait3A_110 : memref<1x128xi32, #tpu.memory_space<vmem>> -> memref<128xi32, #tpu.memory_space<vmem>>
    %dma_wait3A_112 = arith.constant 0 : i32
    %dma_wait3A_113 = arith.constant 0 : i32
    %dma_wait3A_114 = tpu.memref_slice %arg2[%dma_wait3A_112, %dma_wait3A_113] : memref<10240x64xf32, #tpu.memory_space<hbm>> -> memref<10240x64xf32, #tpu.memory_space<hbm>>
    tpu.wait_indirect_dma semaphore(%arg15 : memref<!tpu.dma_semaphore, #tpu.memory_space<semaphore_mem>>) src(%dma_wait3A_114 : memref<10240x64xf32, #tpu.memory_space<hbm>>) dst(%dma_wait3A_108 : memref<128x64xf32, #tpu.memory_space<vmem>>)
    %dma_wait3A_115 = arith.constant 3 : i32
    %dma_wait3A_116 = arith.constant 128 : i32
    %dma_wait3A_117 = arith.constant 0 : i32
    %dma_wait3A_118 = tpu.memref_slice %arg10[%dma_wait3A_116, %dma_wait3A_117] : memref<256x64xf32, #tpu.memory_space<vmem>> -> memref<128x64xf32, #tpu.memory_space<vmem>>
    %dma_wait3A_119 = arith.constant 0 : i32
    %dma_wait3A_120 = tpu.memref_slice %arg7[%dma_wait3A_115, %dma_wait3A_119] : memref<79x128xi32, #tpu.memory_space<vmem>> -> memref<1x128xi32, #tpu.memory_space<vmem>>
    %dma_wait3A_121 = tpu.memref_squeeze %dma_wait3A_120 : memref<1x128xi32, #tpu.memory_space<vmem>> -> memref<128xi32, #tpu.memory_space<vmem>>
    %dma_wait3A_122 = arith.constant 0 : i32
    %dma_wait3A_123 = arith.constant 0 : i32
    %dma_wait3A_124 = tpu.memref_slice %arg2[%dma_wait3A_122, %dma_wait3A_123] : memref<10240x64xf32, #tpu.memory_space<hbm>> -> memref<10240x64xf32, #tpu.memory_space<hbm>>
    tpu.wait_indirect_dma semaphore(%arg15 : memref<!tpu.dma_semaphore, #tpu.memory_space<semaphore_mem>>) src(%dma_wait3A_124 : memref<10240x64xf32, #tpu.memory_space<hbm>>) dst(%dma_wait3A_118 : memref<128x64xf32, #tpu.memory_space<vmem>>)
    %dma_start3A_125 = arith.constant 2 : i32
    %dma_start3A_126 = arith.constant 0 : i32
    %dma_start3A_127 = arith.constant 0 : i32
    %dma_start3A_128 = tpu.memref_slice %arg10[%dma_start3A_126, %dma_start3A_127] : memref<256x64xf32, #tpu.memory_space<vmem>> -> memref<128x64xf32, #tpu.memory_space<vmem>>
    %dma_start3A_129 = arith.constant 0 : i32
    %dma_start3A_130 = tpu.memref_slice %arg8[%dma_start3A_125, %dma_start3A_129] : memref<79x128xi32, #tpu.memory_space<vmem>> -> memref<1x128xi32, #tpu.memory_space<vmem>>
    %dma_start3A_131 = tpu.memref_squeeze %dma_start3A_130 : memref<1x128xi32, #tpu.memory_space<vmem>> -> memref<128xi32, #tpu.memory_space<vmem>>
    %dma_start3A_132 = arith.constant 0 : i32
    %dma_start3A_133 = arith.constant 0 : i32
    %dma_start3A_134 = tpu.memref_slice %arg13[%dma_start3A_132, %dma_start3A_133] : memref<10240x64xf32, #tpu.memory_space<vmem_shared>> -> memref<10240x64xf32, #tpu.memory_space<vmem_shared>>
    tpu.enqueue_indirect_dma source(%dma_start3A_128 : memref<128x64xf32, #tpu.memory_space<vmem>>) target(%dma_start3A_134 : memref<10240x64xf32, #tpu.memory_space<vmem_shared>>) offsets(%dma_start3A_131 : memref<128xi32, #tpu.memory_space<vmem>>) semaphore(%arg19 : memref<!tpu.dma_semaphore, #tpu.memory_space<semaphore_mem>>) {add = true}
    %dma_start3A_135 = arith.constant 3 : i32
    %dma_start3A_136 = arith.constant 128 : i32
    %dma_start3A_137 = arith.constant 0 : i32
    %dma_start3A_138 = tpu.memref_slice %arg10[%dma_start3A_136, %dma_start3A_137] : memref<256x64xf32, #tpu.memory_space<vmem>> -> memref<128x64xf32, #tpu.memory_space<vmem>>
    %dma_start3A_139 = arith.constant 0 : i32
    %dma_start3A_140 = tpu.memref_slice %arg8[%dma_start3A_135, %dma_start3A_139] : memref<79x128xi32, #tpu.memory_space<vmem>> -> memref<1x128xi32, #tpu.memory_space<vmem>>
    %dma_start3A_141 = tpu.memref_squeeze %dma_start3A_140 : memref<1x128xi32, #tpu.memory_space<vmem>> -> memref<128xi32, #tpu.memory_space<vmem>>
    %dma_start3A_142 = arith.constant 0 : i32
    %dma_start3A_143 = arith.constant 0 : i32
    %dma_start3A_144 = tpu.memref_slice %arg13[%dma_start3A_142, %dma_start3A_143] : memref<10240x64xf32, #tpu.memory_space<vmem_shared>> -> memref<10240x64xf32, #tpu.memory_space<vmem_shared>>
    tpu.enqueue_indirect_dma source(%dma_start3A_138 : memref<128x64xf32, #tpu.memory_space<vmem>>) target(%dma_start3A_144 : memref<10240x64xf32, #tpu.memory_space<vmem_shared>>) offsets(%dma_start3A_141 : memref<128xi32, #tpu.memory_space<vmem>>) semaphore(%arg19 : memref<!tpu.dma_semaphore, #tpu.memory_space<semaphore_mem>>) {add = true}
    %dma_start3A_145 = arith.constant 6 : i32
    %dma_start3A_146 = arith.constant 0 : i32
    %dma_start3A_147 = arith.constant 0 : i32
    %dma_start3A_148 = tpu.memref_slice %arg12[%dma_start3A_146, %dma_start3A_147] : memref<256x64xf32, #tpu.memory_space<vmem>> -> memref<128x64xf32, #tpu.memory_space<vmem>>
    %dma_start3A_149 = arith.constant 0 : i32
    %dma_start3A_150 = tpu.memref_slice %arg7[%dma_start3A_145, %dma_start3A_149] : memref<79x128xi32, #tpu.memory_space<vmem>> -> memref<1x128xi32, #tpu.memory_space<vmem>>
    %dma_start3A_151 = tpu.memref_squeeze %dma_start3A_150 : memref<1x128xi32, #tpu.memory_space<vmem>> -> memref<128xi32, #tpu.memory_space<vmem>>
    %dma_start3A_152 = arith.constant 0 : i32
    %dma_start3A_153 = arith.constant 0 : i32
    %dma_start3A_154 = tpu.memref_slice %arg2[%dma_start3A_152, %dma_start3A_153] : memref<10240x64xf32, #tpu.memory_space<hbm>> -> memref<10240x64xf32, #tpu.memory_space<hbm>>
    tpu.enqueue_indirect_dma source(%dma_start3A_154 : memref<10240x64xf32, #tpu.memory_space<hbm>>) target(%dma_start3A_148 : memref<128x64xf32, #tpu.memory_space<vmem>>) offsets(%dma_start3A_151 : memref<128xi32, #tpu.memory_space<vmem>>) semaphore(%arg17 : memref<!tpu.dma_semaphore, #tpu.memory_space<semaphore_mem>>)
    %dma_start3A_155 = arith.constant 7 : i32
    %dma_start3A_156 = arith.constant 128 : i32
    %dma_start3A_157 = arith.constant 0 : i32
    %dma_start3A_158 = tpu.memref_slice %arg12[%dma_start3A_156, %dma_start3A_157] : memref<256x64xf32, #tpu.memory_space<vmem>> -> memref<128x64xf32, #tpu.memory_space<vmem>>
    %dma_start3A_159 = arith.constant 0 : i32
    %dma_start3A_160 = tpu.memref_slice %arg7[%dma_start3A_155, %dma_start3A_159] : memref<79x128xi32, #tpu.memory_space<vmem>> -> memref<1x128xi32, #tpu.memory_space<vmem>>
    %dma_start3A_161 = tpu.memref_squeeze %dma_start3A_160 : memref<1x128xi32, #tpu.memory_space<vmem>> -> memref<128xi32, #tpu.memory_space<vmem>>
    %dma_start3A_162 = arith.constant 0 : i32
    %dma_start3A_163 = arith.constant 0 : i32
    %dma_start3A_164 = tpu.memref_slice %arg2[%dma_start3A_162, %dma_start3A_163] : memref<10240x64xf32, #tpu.memory_space<hbm>> -> memref<10240x64xf32, #tpu.memory_space<hbm>>
    tpu.enqueue_indirect_dma source(%dma_start3A_164 : memref<10240x64xf32, #tpu.memory_space<hbm>>) target(%dma_start3A_158 : memref<128x64xf32, #tpu.memory_space<vmem>>) offsets(%dma_start3A_161 : memref<128xi32, #tpu.memory_space<vmem>>) semaphore(%arg17 : memref<!tpu.dma_semaphore, #tpu.memory_space<semaphore_mem>>)
    %dma_wait3A_165 = arith.constant 4 : i32
    %dma_wait3A_166 = arith.constant 0 : i32
    %dma_wait3A_167 = arith.constant 0 : i32
    %dma_wait3A_168 = tpu.memref_slice %arg11[%dma_wait3A_166, %dma_wait3A_167] : memref<256x64xf32, #tpu.memory_space<vmem>> -> memref<128x64xf32, #tpu.memory_space<vmem>>
    %dma_wait3A_169 = arith.constant 0 : i32
    %dma_wait3A_170 = tpu.memref_slice %arg7[%dma_wait3A_165, %dma_wait3A_169] : memref<79x128xi32, #tpu.memory_space<vmem>> -> memref<1x128xi32, #tpu.memory_space<vmem>>
    %dma_wait3A_171 = tpu.memref_squeeze %dma_wait3A_170 : memref<1x128xi32, #tpu.memory_space<vmem>> -> memref<128xi32, #tpu.memory_space<vmem>>
    %dma_wait3A_172 = arith.constant 0 : i32
    %dma_wait3A_173 = arith.constant 0 : i32
    %dma_wait3A_174 = tpu.memref_slice %arg2[%dma_wait3A_172, %dma_wait3A_173] : memref<10240x64xf32, #tpu.memory_space<hbm>> -> memref<10240x64xf32, #tpu.memory_space<hbm>>
    tpu.wait_indirect_dma semaphore(%arg16 : memref<!tpu.dma_semaphore, #tpu.memory_space<semaphore_mem>>) src(%dma_wait3A_174 : memref<10240x64xf32, #tpu.memory_space<hbm>>) dst(%dma_wait3A_168 : memref<128x64xf32, #tpu.memory_space<vmem>>)
    %dma_wait3A_175 = arith.constant 5 : i32
    %dma_wait3A_176 = arith.constant 128 : i32
    %dma_wait3A_177 = arith.constant 0 : i32
    %dma_wait3A_178 = tpu.memref_slice %arg11[%dma_wait3A_176, %dma_wait3A_177] : memref<256x64xf32, #tpu.memory_space<vmem>> -> memref<128x64xf32, #tpu.memory_space<vmem>>
    %dma_wait3A_179 = arith.constant 0 : i32
    %dma_wait3A_180 = tpu.memref_slice %arg7[%dma_wait3A_175, %dma_wait3A_179] : memref<79x128xi32, #tpu.memory_space<vmem>> -> memref<1x128xi32, #tpu.memory_space<vmem>>
    %dma_wait3A_181 = tpu.memref_squeeze %dma_wait3A_180 : memref<1x128xi32, #tpu.memory_space<vmem>> -> memref<128xi32, #tpu.memory_space<vmem>>
    %dma_wait3A_182 = arith.constant 0 : i32
    %dma_wait3A_183 = arith.constant 0 : i32
    %dma_wait3A_184 = tpu.memref_slice %arg2[%dma_wait3A_182, %dma_wait3A_183] : memref<10240x64xf32, #tpu.memory_space<hbm>> -> memref<10240x64xf32, #tpu.memory_space<hbm>>
    tpu.wait_indirect_dma semaphore(%arg16 : memref<!tpu.dma_semaphore, #tpu.memory_space<semaphore_mem>>) src(%dma_wait3A_184 : memref<10240x64xf32, #tpu.memory_space<hbm>>) dst(%dma_wait3A_178 : memref<128x64xf32, #tpu.memory_space<vmem>>)
    %dma_start3A_185 = arith.constant 4 : i32
    %dma_start3A_186 = arith.constant 0 : i32
    %dma_start3A_187 = arith.constant 0 : i32
    %dma_start3A_188 = tpu.memref_slice %arg11[%dma_start3A_186, %dma_start3A_187] : memref<256x64xf32, #tpu.memory_space<vmem>> -> memref<128x64xf32, #tpu.memory_space<vmem>>
    %dma_start3A_189 = arith.constant 0 : i32
    %dma_start3A_190 = tpu.memref_slice %arg8[%dma_start3A_185, %dma_start3A_189] : memref<79x128xi32, #tpu.memory_space<vmem>> -> memref<1x128xi32, #tpu.memory_space<vmem>>
    %dma_start3A_191 = tpu.memref_squeeze %dma_start3A_190 : memref<1x128xi32, #tpu.memory_space<vmem>> -> memref<128xi32, #tpu.memory_space<vmem>>
    %dma_start3A_192 = arith.constant 0 : i32
    %dma_start3A_193 = arith.constant 0 : i32
    %dma_start3A_194 = tpu.memref_slice %arg13[%dma_start3A_192, %dma_start3A_193] : memref<10240x64xf32, #tpu.memory_space<vmem_shared>> -> memref<10240x64xf32, #tpu.memory_space<vmem_shared>>
    tpu.enqueue_indirect_dma source(%dma_start3A_188 : memref<128x64xf32, #tpu.memory_space<vmem>>) target(%dma_start3A_194 : memref<10240x64xf32, #tpu.memory_space<vmem_shared>>) offsets(%dma_start3A_191 : memref<128xi32, #tpu.memory_space<vmem>>) semaphore(%arg20 : memref<!tpu.dma_semaphore, #tpu.memory_space<semaphore_mem>>) {add = true}
    %dma_start3A_195 = arith.constant 5 : i32
    %dma_start3A_196 = arith.constant 128 : i32
    %dma_start3A_197 = arith.constant 0 : i32
    %dma_start3A_198 = tpu.memref_slice %arg11[%dma_start3A_196, %dma_start3A_197] : memref<256x64xf32, #tpu.memory_space<vmem>> -> memref<128x64xf32, #tpu.memory_space<vmem>>
    %dma_start3A_199 = arith.constant 0 : i32
    %dma_start3A_200 = tpu.memref_slice %arg8[%dma_start3A_195, %dma_start3A_199] : memref<79x128xi32, #tpu.memory_space<vmem>> -> memref<1x128xi32, #tpu.memory_space<vmem>>
    %dma_start3A_201 = tpu.memref_squeeze %dma_start3A_200 : memref<1x128xi32, #tpu.memory_space<vmem>> -> memref<128xi32, #tpu.memory_space<vmem>>
    %dma_start3A_202 = arith.constant 0 : i32
    %dma_start3A_203 = arith.constant 0 : i32
    %dma_start3A_204 = tpu.memref_slice %arg13[%dma_start3A_202, %dma_start3A_203] : memref<10240x64xf32, #tpu.memory_space<vmem_shared>> -> memref<10240x64xf32, #tpu.memory_space<vmem_shared>>
    tpu.enqueue_indirect_dma source(%dma_start3A_198 : memref<128x64xf32, #tpu.memory_space<vmem>>) target(%dma_start3A_204 : memref<10240x64xf32, #tpu.memory_space<vmem_shared>>) offsets(%dma_start3A_201 : memref<128xi32, #tpu.memory_space<vmem>>) semaphore(%arg20 : memref<!tpu.dma_semaphore, #tpu.memory_space<semaphore_mem>>) {add = true}
    %dma_wait3A_205 = arith.constant 0 : i32
    %dma_wait3A_206 = arith.constant 0 : i32
    %dma_wait3A_207 = arith.constant 0 : i32
    %dma_wait3A_208 = tpu.memref_slice %arg9[%dma_wait3A_206, %dma_wait3A_207] : memref<256x64xf32, #tpu.memory_space<vmem>> -> memref<128x64xf32, #tpu.memory_space<vmem>>
    %dma_wait3A_209 = arith.constant 0 : i32
    %dma_wait3A_210 = tpu.memref_slice %arg8[%dma_wait3A_205, %dma_wait3A_209] : memref<79x128xi32, #tpu.memory_space<vmem>> -> memref<1x128xi32, #tpu.memory_space<vmem>>
    %dma_wait3A_211 = tpu.memref_squeeze %dma_wait3A_210 : memref<1x128xi32, #tpu.memory_space<vmem>> -> memref<128xi32, #tpu.memory_space<vmem>>
    %dma_wait3A_212 = arith.constant 0 : i32
    %dma_wait3A_213 = arith.constant 0 : i32
    %dma_wait3A_214 = tpu.memref_slice %arg13[%dma_wait3A_212, %dma_wait3A_213] : memref<10240x64xf32, #tpu.memory_space<vmem_shared>> -> memref<10240x64xf32, #tpu.memory_space<vmem_shared>>
    tpu.wait_indirect_dma semaphore(%arg18 : memref<!tpu.dma_semaphore, #tpu.memory_space<semaphore_mem>>) src(%dma_wait3A_208 : memref<128x64xf32, #tpu.memory_space<vmem>>) dst(%dma_wait3A_214 : memref<10240x64xf32, #tpu.memory_space<vmem_shared>>)
    %dma_wait3A_215 = arith.constant 1 : i32
    %dma_wait3A_216 = arith.constant 128 : i32
    %dma_wait3A_217 = arith.constant 0 : i32
    %dma_wait3A_218 = tpu.memref_slice %arg9[%dma_wait3A_216, %dma_wait3A_217] : memref<256x64xf32, #tpu.memory_space<vmem>> -> memref<128x64xf32, #tpu.memory_space<vmem>>
    %dma_wait3A_219 = arith.constant 0 : i32
    %dma_wait3A_220 = tpu.memref_slice %arg8[%dma_wait3A_215, %dma_wait3A_219] : memref<79x128xi32, #tpu.memory_space<vmem>> -> memref<1x128xi32, #tpu.memory_space<vmem>>
    %dma_wait3A_221 = tpu.memref_squeeze %dma_wait3A_220 : memref<1x128xi32, #tpu.memory_space<vmem>> -> memref<128xi32, #tpu.memory_space<vmem>>
    %dma_wait3A_222 = arith.constant 0 : i32
    %dma_wait3A_223 = arith.constant 0 : i32
    %dma_wait3A_224 = tpu.memref_slice %arg13[%dma_wait3A_222, %dma_wait3A_223] : memref<10240x64xf32, #tpu.memory_space<vmem_shared>> -> memref<10240x64xf32, #tpu.memory_space<vmem_shared>>
    tpu.wait_indirect_dma semaphore(%arg18 : memref<!tpu.dma_semaphore, #tpu.memory_space<semaphore_mem>>) src(%dma_wait3A_218 : memref<128x64xf32, #tpu.memory_space<vmem>>) dst(%dma_wait3A_224 : memref<10240x64xf32, #tpu.memory_space<vmem_shared>>)
    %dma_start3A_225 = arith.constant 8 : i32
    %dma_start3A_226 = arith.constant 0 : i32
    %dma_start3A_227 = arith.constant 0 : i32
    %dma_start3A_228 = tpu.memref_slice %arg9[%dma_start3A_226, %dma_start3A_227] : memref<256x64xf32, #tpu.memory_space<vmem>> -> memref<128x64xf32, #tpu.memory_space<vmem>>
    %dma_start3A_229 = arith.constant 0 : i32
    %dma_start3A_230 = tpu.memref_slice %arg7[%dma_start3A_225, %dma_start3A_229] : memref<79x128xi32, #tpu.memory_space<vmem>> -> memref<1x128xi32, #tpu.memory_space<vmem>>
    %dma_start3A_231 = tpu.memref_squeeze %dma_start3A_230 : memref<1x128xi32, #tpu.memory_space<vmem>> -> memref<128xi32, #tpu.memory_space<vmem>>
    %dma_start3A_232 = arith.constant 0 : i32
    %dma_start3A_233 = arith.constant 0 : i32
    %dma_start3A_234 = tpu.memref_slice %arg2[%dma_start3A_232, %dma_start3A_233] : memref<10240x64xf32, #tpu.memory_space<hbm>> -> memref<10240x64xf32, #tpu.memory_space<hbm>>
    tpu.enqueue_indirect_dma source(%dma_start3A_234 : memref<10240x64xf32, #tpu.memory_space<hbm>>) target(%dma_start3A_228 : memref<128x64xf32, #tpu.memory_space<vmem>>) offsets(%dma_start3A_231 : memref<128xi32, #tpu.memory_space<vmem>>) semaphore(%arg14 : memref<!tpu.dma_semaphore, #tpu.memory_space<semaphore_mem>>)
    %dma_start3A_235 = arith.constant 9 : i32
    %dma_start3A_236 = arith.constant 128 : i32
    %dma_start3A_237 = arith.constant 0 : i32
    %dma_start3A_238 = tpu.memref_slice %arg9[%dma_start3A_236, %dma_start3A_237] : memref<256x64xf32, #tpu.memory_space<vmem>> -> memref<128x64xf32, #tpu.memory_space<vmem>>
    %dma_start3A_239 = arith.constant 0 : i32
    %dma_start3A_240 = tpu.memref_slice %arg7[%dma_start3A_235, %dma_start3A_239] : memref<79x128xi32, #tpu.memory_space<vmem>> -> memref<1x128xi32, #tpu.memory_space<vmem>>
    %dma_start3A_241 = tpu.memref_squeeze %dma_start3A_240 : memref<1x128xi32, #tpu.memory_space<vmem>> -> memref<128xi32, #tpu.memory_space<vmem>>
    %dma_start3A_242 = arith.constant 0 : i32
    %dma_start3A_243 = arith.constant 0 : i32
    %dma_start3A_244 = tpu.memref_slice %arg2[%dma_start3A_242, %dma_start3A_243] : memref<10240x64xf32, #tpu.memory_space<hbm>> -> memref<10240x64xf32, #tpu.memory_space<hbm>>
    tpu.enqueue_indirect_dma source(%dma_start3A_244 : memref<10240x64xf32, #tpu.memory_space<hbm>>) target(%dma_start3A_238 : memref<128x64xf32, #tpu.memory_space<vmem>>) offsets(%dma_start3A_241 : memref<128xi32, #tpu.memory_space<vmem>>) semaphore(%arg14 : memref<!tpu.dma_semaphore, #tpu.memory_space<semaphore_mem>>)
    %dma_wait3A_245 = arith.constant 6 : i32
    %dma_wait3A_246 = arith.constant 0 : i32
    %dma_wait3A_247 = arith.constant 0 : i32
    %dma_wait3A_248 = tpu.memref_slice %arg12[%dma_wait3A_246, %dma_wait3A_247] : memref<256x64xf32, #tpu.memory_space<vmem>> -> memref<128x64xf32, #tpu.memory_space<vmem>>
    %dma_wait3A_249 = arith.constant 0 : i32
    %dma_wait3A_250 = tpu.memref_slice %arg7[%dma_wait3A_245, %dma_wait3A_249] : memref<79x128xi32, #tpu.memory_space<vmem>> -> memref<1x128xi32, #tpu.memory_space<vmem>>
    %dma_wait3A_251 = tpu.memref_squeeze %dma_wait3A_250 : memref<1x128xi32, #tpu.memory_space<vmem>> -> memref<128xi32, #tpu.memory_space<vmem>>
    %dma_wait3A_252 = arith.constant 0 : i32
    %dma_wait3A_253 = arith.constant 0 : i32
    %dma_wait3A_254 = tpu.memref_slice %arg2[%dma_wait3A_252, %dma_wait3A_253] : memref<10240x64xf32, #tpu.memory_space<hbm>> -> memref<10240x64xf32, #tpu.memory_space<hbm>>
    tpu.wait_indirect_dma semaphore(%arg17 : memref<!tpu.dma_semaphore, #tpu.memory_space<semaphore_mem>>) src(%dma_wait3A_254 : memref<10240x64xf32, #tpu.memory_space<hbm>>) dst(%dma_wait3A_248 : memref<128x64xf32, #tpu.memory_space<vmem>>)
    %dma_wait3A_255 = arith.constant 7 : i32
    %dma_wait3A_256 = arith.constant 128 : i32
    %dma_wait3A_257 = arith.constant 0 : i32
    %dma_wait3A_258 = tpu.memref_slice %arg12[%dma_wait3A_256, %dma_wait3A_257] : memref<256x64xf32, #tpu.memory_space<vmem>> -> memref<128x64xf32, #tpu.memory_space<vmem>>
    %dma_wait3A_259 = arith.constant 0 : i32
    %dma_wait3A_260 = tpu.memref_slice %arg7[%dma_wait3A_255, %dma_wait3A_259] : memref<79x128xi32, #tpu.memory_space<vmem>> -> memref<1x128xi32, #tpu.memory_space<vmem>>
    %dma_wait3A_261 = tpu.memref_squeeze %dma_wait3A_260 : memref<1x128xi32, #tpu.memory_space<vmem>> -> memref<128xi32, #tpu.memory_space<vmem>>
    %dma_wait3A_262 = arith.constant 0 : i32
    %dma_wait3A_263 = arith.constant 0 : i32
    %dma_wait3A_264 = tpu.memref_slice %arg2[%dma_wait3A_262, %dma_wait3A_263] : memref<10240x64xf32, #tpu.memory_space<hbm>> -> memref<10240x64xf32, #tpu.memory_space<hbm>>
    tpu.wait_indirect_dma semaphore(%arg17 : memref<!tpu.dma_semaphore, #tpu.memory_space<semaphore_mem>>) src(%dma_wait3A_264 : memref<10240x64xf32, #tpu.memory_space<hbm>>) dst(%dma_wait3A_258 : memref<128x64xf32, #tpu.memory_space<vmem>>)
    %dma_start3A_265 = arith.constant 6 : i32
    %dma_start3A_266 = arith.constant 0 : i32
    %dma_start3A_267 = arith.constant 0 : i32
    %dma_start3A_268 = tpu.memref_slice %arg12[%dma_start3A_266, %dma_start3A_267] : memref<256x64xf32, #tpu.memory_space<vmem>> -> memref<128x64xf32, #tpu.memory_space<vmem>>
    %dma_start3A_269 = arith.constant 0 : i32
    %dma_start3A_270 = tpu.memref_slice %arg8[%dma_start3A_265, %dma_start3A_269] : memref<79x128xi32, #tpu.memory_space<vmem>> -> memref<1x128xi32, #tpu.memory_space<vmem>>
    %dma_start3A_271 = tpu.memref_squeeze %dma_start3A_270 : memref<1x128xi32, #tpu.memory_space<vmem>> -> memref<128xi32, #tpu.memory_space<vmem>>
    %dma_start3A_272 = arith.constant 0 : i32
    %dma_start3A_273 = arith.constant 0 : i32
    %dma_start3A_274 = tpu.memref_slice %arg13[%dma_start3A_272, %dma_start3A_273] : memref<10240x64xf32, #tpu.memory_space<vmem_shared>> -> memref<10240x64xf32, #tpu.memory_space<vmem_shared>>
    tpu.enqueue_indirect_dma source(%dma_start3A_268 : memref<128x64xf32, #tpu.memory_space<vmem>>) target(%dma_start3A_274 : memref<10240x64xf32, #tpu.memory_space<vmem_shared>>) offsets(%dma_start3A_271 : memref<128xi32, #tpu.memory_space<vmem>>) semaphore(%arg21 : memref<!tpu.dma_semaphore, #tpu.memory_space<semaphore_mem>>) {add = true}
    %dma_start3A_275 = arith.constant 7 : i32
    %dma_start3A_276 = arith.constant 128 : i32
    %dma_start3A_277 = arith.constant 0 : i32
    %dma_start3A_278 = tpu.memref_slice %arg12[%dma_start3A_276, %dma_start3A_277] : memref<256x64xf32, #tpu.memory_space<vmem>> -> memref<128x64xf32, #tpu.memory_space<vmem>>
    %dma_start3A_279 = arith.constant 0 : i32
    %dma_start3A_280 = tpu.memref_slice %arg8[%dma_start3A_275, %dma_start3A_279] : memref<79x128xi32, #tpu.memory_space<vmem>> -> memref<1x128xi32, #tpu.memory_space<vmem>>
    %dma_start3A_281 = tpu.memref_squeeze %dma_start3A_280 : memref<1x128xi32, #tpu.memory_space<vmem>> -> memref<128xi32, #tpu.memory_space<vmem>>
    %dma_start3A_282 = arith.constant 0 : i32
    %dma_start3A_283 = arith.constant 0 : i32
    %dma_start3A_284 = tpu.memref_slice %arg13[%dma_start3A_282, %dma_start3A_283] : memref<10240x64xf32, #tpu.memory_space<vmem_shared>> -> memref<10240x64xf32, #tpu.memory_space<vmem_shared>>
    tpu.enqueue_indirect_dma source(%dma_start3A_278 : memref<128x64xf32, #tpu.memory_space<vmem>>) target(%dma_start3A_284 : memref<10240x64xf32, #tpu.memory_space<vmem_shared>>) offsets(%dma_start3A_281 : memref<128xi32, #tpu.memory_space<vmem>>) semaphore(%arg21 : memref<!tpu.dma_semaphore, #tpu.memory_space<semaphore_mem>>) {add = true}
    %dma_wait3A_285 = arith.constant 2 : i32
    %dma_wait3A_286 = arith.constant 0 : i32
    %dma_wait3A_287 = arith.constant 0 : i32
    %dma_wait3A_288 = tpu.memref_slice %arg10[%dma_wait3A_286, %dma_wait3A_287] : memref<256x64xf32, #tpu.memory_space<vmem>> -> memref<128x64xf32, #tpu.memory_space<vmem>>
    %dma_wait3A_289 = arith.constant 0 : i32
    %dma_wait3A_290 = tpu.memref_slice %arg8[%dma_wait3A_285, %dma_wait3A_289] : memref<79x128xi32, #tpu.memory_space<vmem>> -> memref<1x128xi32, #tpu.memory_space<vmem>>
    %dma_wait3A_291 = tpu.memref_squeeze %dma_wait3A_290 : memref<1x128xi32, #tpu.memory_space<vmem>> -> memref<128xi32, #tpu.memory_space<vmem>>
    %dma_wait3A_292 = arith.constant 0 : i32
    %dma_wait3A_293 = arith.constant 0 : i32
    %dma_wait3A_294 = tpu.memref_slice %arg13[%dma_wait3A_292, %dma_wait3A_293] : memref<10240x64xf32, #tpu.memory_space<vmem_shared>> -> memref<10240x64xf32, #tpu.memory_space<vmem_shared>>
    tpu.wait_indirect_dma semaphore(%arg19 : memref<!tpu.dma_semaphore, #tpu.memory_space<semaphore_mem>>) src(%dma_wait3A_288 : memref<128x64xf32, #tpu.memory_space<vmem>>) dst(%dma_wait3A_294 : memref<10240x64xf32, #tpu.memory_space<vmem_shared>>)
    %dma_wait3A_295 = arith.constant 3 : i32
    %dma_wait3A_296 = arith.constant 128 : i32
    %dma_wait3A_297 = arith.constant 0 : i32
    %dma_wait3A_298 = tpu.memref_slice %arg10[%dma_wait3A_296, %dma_wait3A_297] : memref<256x64xf32, #tpu.memory_space<vmem>> -> memref<128x64xf32, #tpu.memory_space<vmem>>
    %dma_wait3A_299 = arith.constant 0 : i32
    %dma_wait3A_300 = tpu.memref_slice %arg8[%dma_wait3A_295, %dma_wait3A_299] : memref<79x128xi32, #tpu.memory_space<vmem>> -> memref<1x128xi32, #tpu.memory_space<vmem>>
    %dma_wait3A_301 = tpu.memref_squeeze %dma_wait3A_300 : memref<1x128xi32, #tpu.memory_space<vmem>> -> memref<128xi32, #tpu.memory_space<vmem>>
    %dma_wait3A_302 = arith.constant 0 : i32
    %dma_wait3A_303 = arith.constant 0 : i32
    %dma_wait3A_304 = tpu.memref_slice %arg13[%dma_wait3A_302, %dma_wait3A_303] : memref<10240x64xf32, #tpu.memory_space<vmem_shared>> -> memref<10240x64xf32, #tpu.memory_space<vmem_shared>>
    tpu.wait_indirect_dma semaphore(%arg19 : memref<!tpu.dma_semaphore, #tpu.memory_space<semaphore_mem>>) src(%dma_wait3A_298 : memref<128x64xf32, #tpu.memory_space<vmem>>) dst(%dma_wait3A_304 : memref<10240x64xf32, #tpu.memory_space<vmem_shared>>)
    %dma_start3A_305 = arith.constant 10 : i32
    %dma_start3A_306 = arith.constant 0 : i32
    %dma_start3A_307 = arith.constant 0 : i32
    %dma_start3A_308 = tpu.memref_slice %arg10[%dma_start3A_306, %dma_start3A_307] : memref<256x64xf32, #tpu.memory_space<vmem>> -> memref<128x64xf32, #tpu.memory_space<vmem>>
    %dma_start3A_309 = arith.constant 0 : i32
    %dma_start3A_310 = tpu.memref_slice %arg7[%dma_start3A_305, %dma_start3A_309] : memref<79x128xi32, #tpu.memory_space<vmem>> -> memref<1x128xi32, #tpu.memory_space<vmem>>
    %dma_start3A_311 = tpu.memref_squeeze %dma_start3A_310 : memref<1x128xi32, #tpu.memory_space<vmem>> -> memref<128xi32, #tpu.memory_space<vmem>>
    %dma_start3A_312 = arith.constant 0 : i32
    %dma_start3A_313 = arith.constant 0 : i32
    %dma_start3A_314 = tpu.memref_slice %arg2[%dma_start3A_312, %dma_start3A_313] : memref<10240x64xf32, #tpu.memory_space<hbm>> -> memref<10240x64xf32, #tpu.memory_space<hbm>>
    tpu.enqueue_indirect_dma source(%dma_start3A_314 : memref<10240x64xf32, #tpu.memory_space<hbm>>) target(%dma_start3A_308 : memref<128x64xf32, #tpu.memory_space<vmem>>) offsets(%dma_start3A_311 : memref<128xi32, #tpu.memory_space<vmem>>) semaphore(%arg15 : memref<!tpu.dma_semaphore, #tpu.memory_space<semaphore_mem>>)
    %dma_start3A_315 = arith.constant 11 : i32
    %dma_start3A_316 = arith.constant 128 : i32
    %dma_start3A_317 = arith.constant 0 : i32
    %dma_start3A_318 = tpu.memref_slice %arg10[%dma_start3A_316, %dma_start3A_317] : memref<256x64xf32, #tpu.memory_space<vmem>> -> memref<128x64xf32, #tpu.memory_space<vmem>>
    %dma_start3A_319 = arith.constant 0 : i32
    %dma_start3A_320 = tpu.memref_slice %arg7[%dma_start3A_315, %dma_start3A_319] : memref<79x128xi32, #tpu.memory_space<vmem>> -> memref<1x128xi32, #tpu.memory_space<vmem>>
    %dma_start3A_321 = tpu.memref_squeeze %dma_start3A_320 : memref<1x128xi32, #tpu.memory_space<vmem>> -> memref<128xi32, #tpu.memory_space<vmem>>
    %dma_start3A_322 = arith.constant 0 : i32
    %dma_start3A_323 = arith.constant 0 : i32
    %dma_start3A_324 = tpu.memref_slice %arg2[%dma_start3A_322, %dma_start3A_323] : memref<10240x64xf32, #tpu.memory_space<hbm>> -> memref<10240x64xf32, #tpu.memory_space<hbm>>
    tpu.enqueue_indirect_dma source(%dma_start3A_324 : memref<10240x64xf32, #tpu.memory_space<hbm>>) target(%dma_start3A_318 : memref<128x64xf32, #tpu.memory_space<vmem>>) offsets(%dma_start3A_321 : memref<128xi32, #tpu.memory_space<vmem>>) semaphore(%arg15 : memref<!tpu.dma_semaphore, #tpu.memory_space<semaphore_mem>>)
    %scan3A = arith.constant 0 : i32
    %scan3A_325 = arith.constant 1 : i32
    %scan3A_326 = arith.constant 8 : i32
    %scan3A_327 = arith.addi %scan3A_325, %scan3A_326 : i32
    %scan3A_328 = arith.constant 1 : i32
    scf.for %scan3A_576 = %scan3A_325 to %scan3A_327 step %scan3A_328  : i32 {
      %mul3A_577 = arith.constant 4 : i32
      %mul3A_578 = arith.muli %mul3A_577, %scan3A_576 : i32
      %add3A_579 = arith.constant 0 : i32
      %add3A_580 = arith.addi %mul3A_578, %add3A_579 : i32
      %mul3A_581 = arith.constant 2 : i32
      %mul3A_582 = arith.muli %add3A_580, %mul3A_581 : i32
      %add3A_583 = arith.constant 0 : i32
      %add3A_584 = arith.addi %mul3A_582, %add3A_583 : i32
      %dma_wait3A_585 = arith.constant 0 : i32
      %dma_wait3A_586 = arith.constant 0 : i32
      %dma_wait3A_587 = tpu.memref_slice %arg9[%dma_wait3A_585, %dma_wait3A_586] : memref<256x64xf32, #tpu.memory_space<vmem>> -> memref<128x64xf32, #tpu.memory_space<vmem>>
      %dma_wait3A_588 = arith.constant 0 : i32
      %dma_wait3A_589 = tpu.memref_slice %arg7[%add3A_584, %dma_wait3A_588] : memref<79x128xi32, #tpu.memory_space<vmem>> -> memref<1x128xi32, #tpu.memory_space<vmem>>
      %dma_wait3A_590 = tpu.memref_squeeze %dma_wait3A_589 : memref<1x128xi32, #tpu.memory_space<vmem>> -> memref<128xi32, #tpu.memory_space<vmem>>
      %dma_wait3A_591 = arith.constant 0 : i32
      %dma_wait3A_592 = arith.constant 0 : i32
      %dma_wait3A_593 = tpu.memref_slice %arg2[%dma_wait3A_591, %dma_wait3A_592] : memref<10240x64xf32, #tpu.memory_space<hbm>> -> memref<10240x64xf32, #tpu.memory_space<hbm>>
      tpu.wait_indirect_dma semaphore(%arg14 : memref<!tpu.dma_semaphore, #tpu.memory_space<semaphore_mem>>) src(%dma_wait3A_593 : memref<10240x64xf32, #tpu.memory_space<hbm>>) dst(%dma_wait3A_587 : memref<128x64xf32, #tpu.memory_space<vmem>>)
      %mul3A_594 = arith.constant 2 : i32
      %mul3A_595 = arith.muli %add3A_580, %mul3A_594 : i32
      %add3A_596 = arith.constant 1 : i32
      %add3A_597 = arith.addi %mul3A_595, %add3A_596 : i32
      %dma_wait3A_598 = arith.constant 128 : i32
      %dma_wait3A_599 = arith.constant 0 : i32
      %dma_wait3A_600 = tpu.memref_slice %arg9[%dma_wait3A_598, %dma_wait3A_599] : memref<256x64xf32, #tpu.memory_space<vmem>> -> memref<128x64xf32, #tpu.memory_space<vmem>>
      %dma_wait3A_601 = arith.constant 0 : i32
      %dma_wait3A_602 = tpu.memref_slice %arg7[%add3A_597, %dma_wait3A_601] : memref<79x128xi32, #tpu.memory_space<vmem>> -> memref<1x128xi32, #tpu.memory_space<vmem>>
      %dma_wait3A_603 = tpu.memref_squeeze %dma_wait3A_602 : memref<1x128xi32, #tpu.memory_space<vmem>> -> memref<128xi32, #tpu.memory_space<vmem>>
      %dma_wait3A_604 = arith.constant 0 : i32
      %dma_wait3A_605 = arith.constant 0 : i32
      %dma_wait3A_606 = tpu.memref_slice %arg2[%dma_wait3A_604, %dma_wait3A_605] : memref<10240x64xf32, #tpu.memory_space<hbm>> -> memref<10240x64xf32, #tpu.memory_space<hbm>>
      tpu.wait_indirect_dma semaphore(%arg14 : memref<!tpu.dma_semaphore, #tpu.memory_space<semaphore_mem>>) src(%dma_wait3A_606 : memref<10240x64xf32, #tpu.memory_space<hbm>>) dst(%dma_wait3A_600 : memref<128x64xf32, #tpu.memory_space<vmem>>)
      %mul3A_607 = arith.constant 2 : i32
      %mul3A_608 = arith.muli %add3A_580, %mul3A_607 : i32
      %add3A_609 = arith.constant 0 : i32
      %add3A_610 = arith.addi %mul3A_608, %add3A_609 : i32
      %dma_start3A_611 = arith.constant 0 : i32
      %dma_start3A_612 = arith.constant 0 : i32
      %dma_start3A_613 = tpu.memref_slice %arg9[%dma_start3A_611, %dma_start3A_612] : memref<256x64xf32, #tpu.memory_space<vmem>> -> memref<128x64xf32, #tpu.memory_space<vmem>>
      %dma_start3A_614 = arith.constant 0 : i32
      %dma_start3A_615 = tpu.memref_slice %arg8[%add3A_610, %dma_start3A_614] : memref<79x128xi32, #tpu.memory_space<vmem>> -> memref<1x128xi32, #tpu.memory_space<vmem>>
      %dma_start3A_616 = tpu.memref_squeeze %dma_start3A_615 : memref<1x128xi32, #tpu.memory_space<vmem>> -> memref<128xi32, #tpu.memory_space<vmem>>
      %dma_start3A_617 = arith.constant 0 : i32
      %dma_start3A_618 = arith.constant 0 : i32
      %dma_start3A_619 = tpu.memref_slice %arg13[%dma_start3A_617, %dma_start3A_618] : memref<10240x64xf32, #tpu.memory_space<vmem_shared>> -> memref<10240x64xf32, #tpu.memory_space<vmem_shared>>
      tpu.enqueue_indirect_dma source(%dma_start3A_613 : memref<128x64xf32, #tpu.memory_space<vmem>>) target(%dma_start3A_619 : memref<10240x64xf32, #tpu.memory_space<vmem_shared>>) offsets(%dma_start3A_616 : memref<128xi32, #tpu.memory_space<vmem>>) semaphore(%arg18 : memref<!tpu.dma_semaphore, #tpu.memory_space<semaphore_mem>>) {add = true}
      %mul3A_620 = arith.constant 2 : i32
      %mul3A_621 = arith.muli %add3A_580, %mul3A_620 : i32
      %add3A_622 = arith.constant 1 : i32
      %add3A_623 = arith.addi %mul3A_621, %add3A_622 : i32
      %dma_start3A_624 = arith.constant 128 : i32
      %dma_start3A_625 = arith.constant 0 : i32
      %dma_start3A_626 = tpu.memref_slice %arg9[%dma_start3A_624, %dma_start3A_625] : memref<256x64xf32, #tpu.memory_space<vmem>> -> memref<128x64xf32, #tpu.memory_space<vmem>>
      %dma_start3A_627 = arith.constant 0 : i32
      %dma_start3A_628 = tpu.memref_slice %arg8[%add3A_623, %dma_start3A_627] : memref<79x128xi32, #tpu.memory_space<vmem>> -> memref<1x128xi32, #tpu.memory_space<vmem>>
      %dma_start3A_629 = tpu.memref_squeeze %dma_start3A_628 : memref<1x128xi32, #tpu.memory_space<vmem>> -> memref<128xi32, #tpu.memory_space<vmem>>
      %dma_start3A_630 = arith.constant 0 : i32
      %dma_start3A_631 = arith.constant 0 : i32
      %dma_start3A_632 = tpu.memref_slice %arg13[%dma_start3A_630, %dma_start3A_631] : memref<10240x64xf32, #tpu.memory_space<vmem_shared>> -> memref<10240x64xf32, #tpu.memory_space<vmem_shared>>
      tpu.enqueue_indirect_dma source(%dma_start3A_626 : memref<128x64xf32, #tpu.memory_space<vmem>>) target(%dma_start3A_632 : memref<10240x64xf32, #tpu.memory_space<vmem_shared>>) offsets(%dma_start3A_629 : memref<128xi32, #tpu.memory_space<vmem>>) semaphore(%arg18 : memref<!tpu.dma_semaphore, #tpu.memory_space<semaphore_mem>>) {add = true}
      %sub3A = arith.constant 2 : i32
      %sub3A_633 = arith.subi %add3A_580, %sub3A : i32
      %mul3A_634 = arith.constant 2 : i32
      %mul3A_635 = arith.muli %sub3A_633, %mul3A_634 : i32
      %add3A_636 = arith.constant 0 : i32
      %add3A_637 = arith.addi %mul3A_635, %add3A_636 : i32
      %dma_wait3A_638 = arith.constant 0 : i32
      %dma_wait3A_639 = arith.constant 0 : i32
      %dma_wait3A_640 = tpu.memref_slice %arg11[%dma_wait3A_638, %dma_wait3A_639] : memref<256x64xf32, #tpu.memory_space<vmem>> -> memref<128x64xf32, #tpu.memory_space<vmem>>
      %dma_wait3A_641 = arith.constant 0 : i32
      %dma_wait3A_642 = tpu.memref_slice %arg8[%add3A_637, %dma_wait3A_641] : memref<79x128xi32, #tpu.memory_space<vmem>> -> memref<1x128xi32, #tpu.memory_space<vmem>>
      %dma_wait3A_643 = tpu.memref_squeeze %dma_wait3A_642 : memref<1x128xi32, #tpu.memory_space<vmem>> -> memref<128xi32, #tpu.memory_space<vmem>>
      %dma_wait3A_644 = arith.constant 0 : i32
      %dma_wait3A_645 = arith.constant 0 : i32
      %dma_wait3A_646 = tpu.memref_slice %arg13[%dma_wait3A_644, %dma_wait3A_645] : memref<10240x64xf32, #tpu.memory_space<vmem_shared>> -> memref<10240x64xf32, #tpu.memory_space<vmem_shared>>
      tpu.wait_indirect_dma semaphore(%arg20 : memref<!tpu.dma_semaphore, #tpu.memory_space<semaphore_mem>>) src(%dma_wait3A_640 : memref<128x64xf32, #tpu.memory_space<vmem>>) dst(%dma_wait3A_646 : memref<10240x64xf32, #tpu.memory_space<vmem_shared>>)
      %mul3A_647 = arith.constant 2 : i32
      %mul3A_648 = arith.muli %sub3A_633, %mul3A_647 : i32
      %add3A_649 = arith.constant 1 : i32
      %add3A_650 = arith.addi %mul3A_648, %add3A_649 : i32
      %dma_wait3A_651 = arith.constant 128 : i32
      %dma_wait3A_652 = arith.constant 0 : i32
      %dma_wait3A_653 = tpu.memref_slice %arg11[%dma_wait3A_651, %dma_wait3A_652] : memref<256x64xf32, #tpu.memory_space<vmem>> -> memref<128x64xf32, #tpu.memory_space<vmem>>
      %dma_wait3A_654 = arith.constant 0 : i32
      %dma_wait3A_655 = tpu.memref_slice %arg8[%add3A_650, %dma_wait3A_654] : memref<79x128xi32, #tpu.memory_space<vmem>> -> memref<1x128xi32, #tpu.memory_space<vmem>>
      %dma_wait3A_656 = tpu.memref_squeeze %dma_wait3A_655 : memref<1x128xi32, #tpu.memory_space<vmem>> -> memref<128xi32, #tpu.memory_space<vmem>>
      %dma_wait3A_657 = arith.constant 0 : i32
      %dma_wait3A_658 = arith.constant 0 : i32
      %dma_wait3A_659 = tpu.memref_slice %arg13[%dma_wait3A_657, %dma_wait3A_658] : memref<10240x64xf32, #tpu.memory_space<vmem_shared>> -> memref<10240x64xf32, #tpu.memory_space<vmem_shared>>
      tpu.wait_indirect_dma semaphore(%arg20 : memref<!tpu.dma_semaphore, #tpu.memory_space<semaphore_mem>>) src(%dma_wait3A_653 : memref<128x64xf32, #tpu.memory_space<vmem>>) dst(%dma_wait3A_659 : memref<10240x64xf32, #tpu.memory_space<vmem_shared>>)
      %add3A_660 = arith.constant 2 : i32
      %add3A_661 = arith.addi %add3A_580, %add3A_660 : i32
      %mul3A_662 = arith.constant 2 : i32
      %mul3A_663 = arith.muli %add3A_661, %mul3A_662 : i32
      %add3A_664 = arith.constant 0 : i32
      %add3A_665 = arith.addi %mul3A_663, %add3A_664 : i32
      %dma_start3A_666 = arith.constant 0 : i32
      %dma_start3A_667 = arith.constant 0 : i32
      %dma_start3A_668 = tpu.memref_slice %arg11[%dma_start3A_666, %dma_start3A_667] : memref<256x64xf32, #tpu.memory_space<vmem>> -> memref<128x64xf32, #tpu.memory_space<vmem>>
      %dma_start3A_669 = arith.constant 0 : i32
      %dma_start3A_670 = tpu.memref_slice %arg7[%add3A_665, %dma_start3A_669] : memref<79x128xi32, #tpu.memory_space<vmem>> -> memref<1x128xi32, #tpu.memory_space<vmem>>
      %dma_start3A_671 = tpu.memref_squeeze %dma_start3A_670 : memref<1x128xi32, #tpu.memory_space<vmem>> -> memref<128xi32, #tpu.memory_space<vmem>>
      %dma_start3A_672 = arith.constant 0 : i32
      %dma_start3A_673 = arith.constant 0 : i32
      %dma_start3A_674 = tpu.memref_slice %arg2[%dma_start3A_672, %dma_start3A_673] : memref<10240x64xf32, #tpu.memory_space<hbm>> -> memref<10240x64xf32, #tpu.memory_space<hbm>>
      tpu.enqueue_indirect_dma source(%dma_start3A_674 : memref<10240x64xf32, #tpu.memory_space<hbm>>) target(%dma_start3A_668 : memref<128x64xf32, #tpu.memory_space<vmem>>) offsets(%dma_start3A_671 : memref<128xi32, #tpu.memory_space<vmem>>) semaphore(%arg16 : memref<!tpu.dma_semaphore, #tpu.memory_space<semaphore_mem>>)
      %mul3A_675 = arith.constant 2 : i32
      %mul3A_676 = arith.muli %add3A_661, %mul3A_675 : i32
      %add3A_677 = arith.constant 1 : i32
      %add3A_678 = arith.addi %mul3A_676, %add3A_677 : i32
      %dma_start3A_679 = arith.constant 128 : i32
      %dma_start3A_680 = arith.constant 0 : i32
      %dma_start3A_681 = tpu.memref_slice %arg11[%dma_start3A_679, %dma_start3A_680] : memref<256x64xf32, #tpu.memory_space<vmem>> -> memref<128x64xf32, #tpu.memory_space<vmem>>
      %dma_start3A_682 = arith.constant 0 : i32
      %dma_start3A_683 = tpu.memref_slice %arg7[%add3A_678, %dma_start3A_682] : memref<79x128xi32, #tpu.memory_space<vmem>> -> memref<1x128xi32, #tpu.memory_space<vmem>>
      %dma_start3A_684 = tpu.memref_squeeze %dma_start3A_683 : memref<1x128xi32, #tpu.memory_space<vmem>> -> memref<128xi32, #tpu.memory_space<vmem>>
      %dma_start3A_685 = arith.constant 0 : i32
      %dma_start3A_686 = arith.constant 0 : i32
      %dma_start3A_687 = tpu.memref_slice %arg2[%dma_start3A_685, %dma_start3A_686] : memref<10240x64xf32, #tpu.memory_space<hbm>> -> memref<10240x64xf32, #tpu.memory_space<hbm>>
      tpu.enqueue_indirect_dma source(%dma_start3A_687 : memref<10240x64xf32, #tpu.memory_space<hbm>>) target(%dma_start3A_681 : memref<128x64xf32, #tpu.memory_space<vmem>>) offsets(%dma_start3A_684 : memref<128xi32, #tpu.memory_space<vmem>>) semaphore(%arg16 : memref<!tpu.dma_semaphore, #tpu.memory_space<semaphore_mem>>)
      %mul3A_688 = arith.constant 4 : i32
      %mul3A_689 = arith.muli %mul3A_688, %scan3A_576 : i32
      %add3A_690 = arith.constant 1 : i32
      %add3A_691 = arith.addi %mul3A_689, %add3A_690 : i32
      %mul3A_692 = arith.constant 2 : i32
      %mul3A_693 = arith.muli %add3A_691, %mul3A_692 : i32
      %add3A_694 = arith.constant 0 : i32
      %add3A_695 = arith.addi %mul3A_693, %add3A_694 : i32
      %dma_wait3A_696 = arith.constant 0 : i32
      %dma_wait3A_697 = arith.constant 0 : i32
      %dma_wait3A_698 = tpu.memref_slice %arg10[%dma_wait3A_696, %dma_wait3A_697] : memref<256x64xf32, #tpu.memory_space<vmem>> -> memref<128x64xf32, #tpu.memory_space<vmem>>
      %dma_wait3A_699 = arith.constant 0 : i32
      %dma_wait3A_700 = tpu.memref_slice %arg7[%add3A_695, %dma_wait3A_699] : memref<79x128xi32, #tpu.memory_space<vmem>> -> memref<1x128xi32, #tpu.memory_space<vmem>>
      %dma_wait3A_701 = tpu.memref_squeeze %dma_wait3A_700 : memref<1x128xi32, #tpu.memory_space<vmem>> -> memref<128xi32, #tpu.memory_space<vmem>>
      %dma_wait3A_702 = arith.constant 0 : i32
      %dma_wait3A_703 = arith.constant 0 : i32
      %dma_wait3A_704 = tpu.memref_slice %arg2[%dma_wait3A_702, %dma_wait3A_703] : memref<10240x64xf32, #tpu.memory_space<hbm>> -> memref<10240x64xf32, #tpu.memory_space<hbm>>
      tpu.wait_indirect_dma semaphore(%arg15 : memref<!tpu.dma_semaphore, #tpu.memory_space<semaphore_mem>>) src(%dma_wait3A_704 : memref<10240x64xf32, #tpu.memory_space<hbm>>) dst(%dma_wait3A_698 : memref<128x64xf32, #tpu.memory_space<vmem>>)
      %mul3A_705 = arith.constant 2 : i32
      %mul3A_706 = arith.muli %add3A_691, %mul3A_705 : i32
      %add3A_707 = arith.constant 1 : i32
      %add3A_708 = arith.addi %mul3A_706, %add3A_707 : i32
      %dma_wait3A_709 = arith.constant 128 : i32
      %dma_wait3A_710 = arith.constant 0 : i32
      %dma_wait3A_711 = tpu.memref_slice %arg10[%dma_wait3A_709, %dma_wait3A_710] : memref<256x64xf32, #tpu.memory_space<vmem>> -> memref<128x64xf32, #tpu.memory_space<vmem>>
      %dma_wait3A_712 = arith.constant 0 : i32
      %dma_wait3A_713 = tpu.memref_slice %arg7[%add3A_708, %dma_wait3A_712] : memref<79x128xi32, #tpu.memory_space<vmem>> -> memref<1x128xi32, #tpu.memory_space<vmem>>
      %dma_wait3A_714 = tpu.memref_squeeze %dma_wait3A_713 : memref<1x128xi32, #tpu.memory_space<vmem>> -> memref<128xi32, #tpu.memory_space<vmem>>
      %dma_wait3A_715 = arith.constant 0 : i32
      %dma_wait3A_716 = arith.constant 0 : i32
      %dma_wait3A_717 = tpu.memref_slice %arg2[%dma_wait3A_715, %dma_wait3A_716] : memref<10240x64xf32, #tpu.memory_space<hbm>> -> memref<10240x64xf32, #tpu.memory_space<hbm>>
      tpu.wait_indirect_dma semaphore(%arg15 : memref<!tpu.dma_semaphore, #tpu.memory_space<semaphore_mem>>) src(%dma_wait3A_717 : memref<10240x64xf32, #tpu.memory_space<hbm>>) dst(%dma_wait3A_711 : memref<128x64xf32, #tpu.memory_space<vmem>>)
      %mul3A_718 = arith.constant 2 : i32
      %mul3A_719 = arith.muli %add3A_691, %mul3A_718 : i32
      %add3A_720 = arith.constant 0 : i32
      %add3A_721 = arith.addi %mul3A_719, %add3A_720 : i32
      %dma_start3A_722 = arith.constant 0 : i32
      %dma_start3A_723 = arith.constant 0 : i32
      %dma_start3A_724 = tpu.memref_slice %arg10[%dma_start3A_722, %dma_start3A_723] : memref<256x64xf32, #tpu.memory_space<vmem>> -> memref<128x64xf32, #tpu.memory_space<vmem>>
      %dma_start3A_725 = arith.constant 0 : i32
      %dma_start3A_726 = tpu.memref_slice %arg8[%add3A_721, %dma_start3A_725] : memref<79x128xi32, #tpu.memory_space<vmem>> -> memref<1x128xi32, #tpu.memory_space<vmem>>
      %dma_start3A_727 = tpu.memref_squeeze %dma_start3A_726 : memref<1x128xi32, #tpu.memory_space<vmem>> -> memref<128xi32, #tpu.memory_space<vmem>>
      %dma_start3A_728 = arith.constant 0 : i32
      %dma_start3A_729 = arith.constant 0 : i32
      %dma_start3A_730 = tpu.memref_slice %arg13[%dma_start3A_728, %dma_start3A_729] : memref<10240x64xf32, #tpu.memory_space<vmem_shared>> -> memref<10240x64xf32, #tpu.memory_space<vmem_shared>>
      tpu.enqueue_indirect_dma source(%dma_start3A_724 : memref<128x64xf32, #tpu.memory_space<vmem>>) target(%dma_start3A_730 : memref<10240x64xf32, #tpu.memory_space<vmem_shared>>) offsets(%dma_start3A_727 : memref<128xi32, #tpu.memory_space<vmem>>) semaphore(%arg19 : memref<!tpu.dma_semaphore, #tpu.memory_space<semaphore_mem>>) {add = true}
      %mul3A_731 = arith.constant 2 : i32
      %mul3A_732 = arith.muli %add3A_691, %mul3A_731 : i32
      %add3A_733 = arith.constant 1 : i32
      %add3A_734 = arith.addi %mul3A_732, %add3A_733 : i32
      %dma_start3A_735 = arith.constant 128 : i32
      %dma_start3A_736 = arith.constant 0 : i32
      %dma_start3A_737 = tpu.memref_slice %arg10[%dma_start3A_735, %dma_start3A_736] : memref<256x64xf32, #tpu.memory_space<vmem>> -> memref<128x64xf32, #tpu.memory_space<vmem>>
      %dma_start3A_738 = arith.constant 0 : i32
      %dma_start3A_739 = tpu.memref_slice %arg8[%add3A_734, %dma_start3A_738] : memref<79x128xi32, #tpu.memory_space<vmem>> -> memref<1x128xi32, #tpu.memory_space<vmem>>
      %dma_start3A_740 = tpu.memref_squeeze %dma_start3A_739 : memref<1x128xi32, #tpu.memory_space<vmem>> -> memref<128xi32, #tpu.memory_space<vmem>>
      %dma_start3A_741 = arith.constant 0 : i32
      %dma_start3A_742 = arith.constant 0 : i32
      %dma_start3A_743 = tpu.memref_slice %arg13[%dma_start3A_741, %dma_start3A_742] : memref<10240x64xf32, #tpu.memory_space<vmem_shared>> -> memref<10240x64xf32, #tpu.memory_space<vmem_shared>>
      tpu.enqueue_indirect_dma source(%dma_start3A_737 : memref<128x64xf32, #tpu.memory_space<vmem>>) target(%dma_start3A_743 : memref<10240x64xf32, #tpu.memory_space<vmem_shared>>) offsets(%dma_start3A_740 : memref<128xi32, #tpu.memory_space<vmem>>) semaphore(%arg19 : memref<!tpu.dma_semaphore, #tpu.memory_space<semaphore_mem>>) {add = true}
      %sub3A_744 = arith.constant 2 : i32
      %sub3A_745 = arith.subi %add3A_691, %sub3A_744 : i32
      %mul3A_746 = arith.constant 2 : i32
      %mul3A_747 = arith.muli %sub3A_745, %mul3A_746 : i32
      %add3A_748 = arith.constant 0 : i32
      %add3A_749 = arith.addi %mul3A_747, %add3A_748 : i32
      %dma_wait3A_750 = arith.constant 0 : i32
      %dma_wait3A_751 = arith.constant 0 : i32
      %dma_wait3A_752 = tpu.memref_slice %arg12[%dma_wait3A_750, %dma_wait3A_751] : memref<256x64xf32, #tpu.memory_space<vmem>> -> memref<128x64xf32, #tpu.memory_space<vmem>>
      %dma_wait3A_753 = arith.constant 0 : i32
      %dma_wait3A_754 = tpu.memref_slice %arg8[%add3A_749, %dma_wait3A_753] : memref<79x128xi32, #tpu.memory_space<vmem>> -> memref<1x128xi32, #tpu.memory_space<vmem>>
      %dma_wait3A_755 = tpu.memref_squeeze %dma_wait3A_754 : memref<1x128xi32, #tpu.memory_space<vmem>> -> memref<128xi32, #tpu.memory_space<vmem>>
      %dma_wait3A_756 = arith.constant 0 : i32
      %dma_wait3A_757 = arith.constant 0 : i32
      %dma_wait3A_758 = tpu.memref_slice %arg13[%dma_wait3A_756, %dma_wait3A_757] : memref<10240x64xf32, #tpu.memory_space<vmem_shared>> -> memref<10240x64xf32, #tpu.memory_space<vmem_shared>>
      tpu.wait_indirect_dma semaphore(%arg21 : memref<!tpu.dma_semaphore, #tpu.memory_space<semaphore_mem>>) src(%dma_wait3A_752 : memref<128x64xf32, #tpu.memory_space<vmem>>) dst(%dma_wait3A_758 : memref<10240x64xf32, #tpu.memory_space<vmem_shared>>)
      %mul3A_759 = arith.constant 2 : i32
      %mul3A_760 = arith.muli %sub3A_745, %mul3A_759 : i32
      %add3A_761 = arith.constant 1 : i32
      %add3A_762 = arith.addi %mul3A_760, %add3A_761 : i32
      %dma_wait3A_763 = arith.constant 128 : i32
      %dma_wait3A_764 = arith.constant 0 : i32
      %dma_wait3A_765 = tpu.memref_slice %arg12[%dma_wait3A_763, %dma_wait3A_764] : memref<256x64xf32, #tpu.memory_space<vmem>> -> memref<128x64xf32, #tpu.memory_space<vmem>>
      %dma_wait3A_766 = arith.constant 0 : i32
      %dma_wait3A_767 = tpu.memref_slice %arg8[%add3A_762, %dma_wait3A_766] : memref<79x128xi32, #tpu.memory_space<vmem>> -> memref<1x128xi32, #tpu.memory_space<vmem>>
      %dma_wait3A_768 = tpu.memref_squeeze %dma_wait3A_767 : memref<1x128xi32, #tpu.memory_space<vmem>> -> memref<128xi32, #tpu.memory_space<vmem>>
      %dma_wait3A_769 = arith.constant 0 : i32
      %dma_wait3A_770 = arith.constant 0 : i32
      %dma_wait3A_771 = tpu.memref_slice %arg13[%dma_wait3A_769, %dma_wait3A_770] : memref<10240x64xf32, #tpu.memory_space<vmem_shared>> -> memref<10240x64xf32, #tpu.memory_space<vmem_shared>>
      tpu.wait_indirect_dma semaphore(%arg21 : memref<!tpu.dma_semaphore, #tpu.memory_space<semaphore_mem>>) src(%dma_wait3A_765 : memref<128x64xf32, #tpu.memory_space<vmem>>) dst(%dma_wait3A_771 : memref<10240x64xf32, #tpu.memory_space<vmem_shared>>)
      %add3A_772 = arith.constant 2 : i32
      %add3A_773 = arith.addi %add3A_691, %add3A_772 : i32
      %mul3A_774 = arith.constant 2 : i32
      %mul3A_775 = arith.muli %add3A_773, %mul3A_774 : i32
      %add3A_776 = arith.constant 0 : i32
      %add3A_777 = arith.addi %mul3A_775, %add3A_776 : i32
      %dma_start3A_778 = arith.constant 0 : i32
      %dma_start3A_779 = arith.constant 0 : i32
      %dma_start3A_780 = tpu.memref_slice %arg12[%dma_start3A_778, %dma_start3A_779] : memref<256x64xf32, #tpu.memory_space<vmem>> -> memref<128x64xf32, #tpu.memory_space<vmem>>
      %dma_start3A_781 = arith.constant 0 : i32
      %dma_start3A_782 = tpu.memref_slice %arg7[%add3A_777, %dma_start3A_781] : memref<79x128xi32, #tpu.memory_space<vmem>> -> memref<1x128xi32, #tpu.memory_space<vmem>>
      %dma_start3A_783 = tpu.memref_squeeze %dma_start3A_782 : memref<1x128xi32, #tpu.memory_space<vmem>> -> memref<128xi32, #tpu.memory_space<vmem>>
      %dma_start3A_784 = arith.constant 0 : i32
      %dma_start3A_785 = arith.constant 0 : i32
      %dma_start3A_786 = tpu.memref_slice %arg2[%dma_start3A_784, %dma_start3A_785] : memref<10240x64xf32, #tpu.memory_space<hbm>> -> memref<10240x64xf32, #tpu.memory_space<hbm>>
      tpu.enqueue_indirect_dma source(%dma_start3A_786 : memref<10240x64xf32, #tpu.memory_space<hbm>>) target(%dma_start3A_780 : memref<128x64xf32, #tpu.memory_space<vmem>>) offsets(%dma_start3A_783 : memref<128xi32, #tpu.memory_space<vmem>>) semaphore(%arg17 : memref<!tpu.dma_semaphore, #tpu.memory_space<semaphore_mem>>)
      %mul3A_787 = arith.constant 2 : i32
      %mul3A_788 = arith.muli %add3A_773, %mul3A_787 : i32
      %add3A_789 = arith.constant 1 : i32
      %add3A_790 = arith.addi %mul3A_788, %add3A_789 : i32
      %dma_start3A_791 = arith.constant 128 : i32
      %dma_start3A_792 = arith.constant 0 : i32
      %dma_start3A_793 = tpu.memref_slice %arg12[%dma_start3A_791, %dma_start3A_792] : memref<256x64xf32, #tpu.memory_space<vmem>> -> memref<128x64xf32, #tpu.memory_space<vmem>>
      %dma_start3A_794 = arith.constant 0 : i32
      %dma_start3A_795 = tpu.memref_slice %arg7[%add3A_790, %dma_start3A_794] : memref<79x128xi32, #tpu.memory_space<vmem>> -> memref<1x128xi32, #tpu.memory_space<vmem>>
      %dma_start3A_796 = tpu.memref_squeeze %dma_start3A_795 : memref<1x128xi32, #tpu.memory_space<vmem>> -> memref<128xi32, #tpu.memory_space<vmem>>
      %dma_start3A_797 = arith.constant 0 : i32
      %dma_start3A_798 = arith.constant 0 : i32
      %dma_start3A_799 = tpu.memref_slice %arg2[%dma_start3A_797, %dma_start3A_798] : memref<10240x64xf32, #tpu.memory_space<hbm>> -> memref<10240x64xf32, #tpu.memory_space<hbm>>
      tpu.enqueue_indirect_dma source(%dma_start3A_799 : memref<10240x64xf32, #tpu.memory_space<hbm>>) target(%dma_start3A_793 : memref<128x64xf32, #tpu.memory_space<vmem>>) offsets(%dma_start3A_796 : memref<128xi32, #tpu.memory_space<vmem>>) semaphore(%arg17 : memref<!tpu.dma_semaphore, #tpu.memory_space<semaphore_mem>>)
      %mul3A_800 = arith.constant 4 : i32
      %mul3A_801 = arith.muli %mul3A_800, %scan3A_576 : i32
      %add3A_802 = arith.constant 2 : i32
      %add3A_803 = arith.addi %mul3A_801, %add3A_802 : i32
      %mul3A_804 = arith.constant 2 : i32
      %mul3A_805 = arith.muli %add3A_803, %mul3A_804 : i32
      %add3A_806 = arith.constant 0 : i32
      %add3A_807 = arith.addi %mul3A_805, %add3A_806 : i32
      %dma_wait3A_808 = arith.constant 0 : i32
      %dma_wait3A_809 = arith.constant 0 : i32
      %dma_wait3A_810 = tpu.memref_slice %arg11[%dma_wait3A_808, %dma_wait3A_809] : memref<256x64xf32, #tpu.memory_space<vmem>> -> memref<128x64xf32, #tpu.memory_space<vmem>>
      %dma_wait3A_811 = arith.constant 0 : i32
      %dma_wait3A_812 = tpu.memref_slice %arg7[%add3A_807, %dma_wait3A_811] : memref<79x128xi32, #tpu.memory_space<vmem>> -> memref<1x128xi32, #tpu.memory_space<vmem>>
      %dma_wait3A_813 = tpu.memref_squeeze %dma_wait3A_812 : memref<1x128xi32, #tpu.memory_space<vmem>> -> memref<128xi32, #tpu.memory_space<vmem>>
      %dma_wait3A_814 = arith.constant 0 : i32
      %dma_wait3A_815 = arith.constant 0 : i32
      %dma_wait3A_816 = tpu.memref_slice %arg2[%dma_wait3A_814, %dma_wait3A_815] : memref<10240x64xf32, #tpu.memory_space<hbm>> -> memref<10240x64xf32, #tpu.memory_space<hbm>>
      tpu.wait_indirect_dma semaphore(%arg16 : memref<!tpu.dma_semaphore, #tpu.memory_space<semaphore_mem>>) src(%dma_wait3A_816 : memref<10240x64xf32, #tpu.memory_space<hbm>>) dst(%dma_wait3A_810 : memref<128x64xf32, #tpu.memory_space<vmem>>)
      %mul3A_817 = arith.constant 2 : i32
      %mul3A_818 = arith.muli %add3A_803, %mul3A_817 : i32
      %add3A_819 = arith.constant 1 : i32
      %add3A_820 = arith.addi %mul3A_818, %add3A_819 : i32
      %dma_wait3A_821 = arith.constant 128 : i32
      %dma_wait3A_822 = arith.constant 0 : i32
      %dma_wait3A_823 = tpu.memref_slice %arg11[%dma_wait3A_821, %dma_wait3A_822] : memref<256x64xf32, #tpu.memory_space<vmem>> -> memref<128x64xf32, #tpu.memory_space<vmem>>
      %dma_wait3A_824 = arith.constant 0 : i32
      %dma_wait3A_825 = tpu.memref_slice %arg7[%add3A_820, %dma_wait3A_824] : memref<79x128xi32, #tpu.memory_space<vmem>> -> memref<1x128xi32, #tpu.memory_space<vmem>>
      %dma_wait3A_826 = tpu.memref_squeeze %dma_wait3A_825 : memref<1x128xi32, #tpu.memory_space<vmem>> -> memref<128xi32, #tpu.memory_space<vmem>>
      %dma_wait3A_827 = arith.constant 0 : i32
      %dma_wait3A_828 = arith.constant 0 : i32
      %dma_wait3A_829 = tpu.memref_slice %arg2[%dma_wait3A_827, %dma_wait3A_828] : memref<10240x64xf32, #tpu.memory_space<hbm>> -> memref<10240x64xf32, #tpu.memory_space<hbm>>
      tpu.wait_indirect_dma semaphore(%arg16 : memref<!tpu.dma_semaphore, #tpu.memory_space<semaphore_mem>>) src(%dma_wait3A_829 : memref<10240x64xf32, #tpu.memory_space<hbm>>) dst(%dma_wait3A_823 : memref<128x64xf32, #tpu.memory_space<vmem>>)
      %mul3A_830 = arith.constant 2 : i32
      %mul3A_831 = arith.muli %add3A_803, %mul3A_830 : i32
      %add3A_832 = arith.constant 0 : i32
      %add3A_833 = arith.addi %mul3A_831, %add3A_832 : i32
      %dma_start3A_834 = arith.constant 0 : i32
      %dma_start3A_835 = arith.constant 0 : i32
      %dma_start3A_836 = tpu.memref_slice %arg11[%dma_start3A_834, %dma_start3A_835] : memref<256x64xf32, #tpu.memory_space<vmem>> -> memref<128x64xf32, #tpu.memory_space<vmem>>
      %dma_start3A_837 = arith.constant 0 : i32
      %dma_start3A_838 = tpu.memref_slice %arg8[%add3A_833, %dma_start3A_837] : memref<79x128xi32, #tpu.memory_space<vmem>> -> memref<1x128xi32, #tpu.memory_space<vmem>>
      %dma_start3A_839 = tpu.memref_squeeze %dma_start3A_838 : memref<1x128xi32, #tpu.memory_space<vmem>> -> memref<128xi32, #tpu.memory_space<vmem>>
      %dma_start3A_840 = arith.constant 0 : i32
      %dma_start3A_841 = arith.constant 0 : i32
      %dma_start3A_842 = tpu.memref_slice %arg13[%dma_start3A_840, %dma_start3A_841] : memref<10240x64xf32, #tpu.memory_space<vmem_shared>> -> memref<10240x64xf32, #tpu.memory_space<vmem_shared>>
      tpu.enqueue_indirect_dma source(%dma_start3A_836 : memref<128x64xf32, #tpu.memory_space<vmem>>) target(%dma_start3A_842 : memref<10240x64xf32, #tpu.memory_space<vmem_shared>>) offsets(%dma_start3A_839 : memref<128xi32, #tpu.memory_space<vmem>>) semaphore(%arg20 : memref<!tpu.dma_semaphore, #tpu.memory_space<semaphore_mem>>) {add = true}
      %mul3A_843 = arith.constant 2 : i32
      %mul3A_844 = arith.muli %add3A_803, %mul3A_843 : i32
      %add3A_845 = arith.constant 1 : i32
      %add3A_846 = arith.addi %mul3A_844, %add3A_845 : i32
      %dma_start3A_847 = arith.constant 128 : i32
      %dma_start3A_848 = arith.constant 0 : i32
      %dma_start3A_849 = tpu.memref_slice %arg11[%dma_start3A_847, %dma_start3A_848] : memref<256x64xf32, #tpu.memory_space<vmem>> -> memref<128x64xf32, #tpu.memory_space<vmem>>
      %dma_start3A_850 = arith.constant 0 : i32
      %dma_start3A_851 = tpu.memref_slice %arg8[%add3A_846, %dma_start3A_850] : memref<79x128xi32, #tpu.memory_space<vmem>> -> memref<1x128xi32, #tpu.memory_space<vmem>>
      %dma_start3A_852 = tpu.memref_squeeze %dma_start3A_851 : memref<1x128xi32, #tpu.memory_space<vmem>> -> memref<128xi32, #tpu.memory_space<vmem>>
      %dma_start3A_853 = arith.constant 0 : i32
      %dma_start3A_854 = arith.constant 0 : i32
      %dma_start3A_855 = tpu.memref_slice %arg13[%dma_start3A_853, %dma_start3A_854] : memref<10240x64xf32, #tpu.memory_space<vmem_shared>> -> memref<10240x64xf32, #tpu.memory_space<vmem_shared>>
      tpu.enqueue_indirect_dma source(%dma_start3A_849 : memref<128x64xf32, #tpu.memory_space<vmem>>) target(%dma_start3A_855 : memref<10240x64xf32, #tpu.memory_space<vmem_shared>>) offsets(%dma_start3A_852 : memref<128xi32, #tpu.memory_space<vmem>>) semaphore(%arg20 : memref<!tpu.dma_semaphore, #tpu.memory_space<semaphore_mem>>) {add = true}
      %sub3A_856 = arith.constant 2 : i32
      %sub3A_857 = arith.subi %add3A_803, %sub3A_856 : i32
      %mul3A_858 = arith.constant 2 : i32
      %mul3A_859 = arith.muli %sub3A_857, %mul3A_858 : i32
      %add3A_860 = arith.constant 0 : i32
      %add3A_861 = arith.addi %mul3A_859, %add3A_860 : i32
      %dma_wait3A_862 = arith.constant 0 : i32
      %dma_wait3A_863 = arith.constant 0 : i32
      %dma_wait3A_864 = tpu.memref_slice %arg9[%dma_wait3A_862, %dma_wait3A_863] : memref<256x64xf32, #tpu.memory_space<vmem>> -> memref<128x64xf32, #tpu.memory_space<vmem>>
      %dma_wait3A_865 = arith.constant 0 : i32
      %dma_wait3A_866 = tpu.memref_slice %arg8[%add3A_861, %dma_wait3A_865] : memref<79x128xi32, #tpu.memory_space<vmem>> -> memref<1x128xi32, #tpu.memory_space<vmem>>
      %dma_wait3A_867 = tpu.memref_squeeze %dma_wait3A_866 : memref<1x128xi32, #tpu.memory_space<vmem>> -> memref<128xi32, #tpu.memory_space<vmem>>
      %dma_wait3A_868 = arith.constant 0 : i32
      %dma_wait3A_869 = arith.constant 0 : i32
      %dma_wait3A_870 = tpu.memref_slice %arg13[%dma_wait3A_868, %dma_wait3A_869] : memref<10240x64xf32, #tpu.memory_space<vmem_shared>> -> memref<10240x64xf32, #tpu.memory_space<vmem_shared>>
      tpu.wait_indirect_dma semaphore(%arg18 : memref<!tpu.dma_semaphore, #tpu.memory_space<semaphore_mem>>) src(%dma_wait3A_864 : memref<128x64xf32, #tpu.memory_space<vmem>>) dst(%dma_wait3A_870 : memref<10240x64xf32, #tpu.memory_space<vmem_shared>>)
      %mul3A_871 = arith.constant 2 : i32
      %mul3A_872 = arith.muli %sub3A_857, %mul3A_871 : i32
      %add3A_873 = arith.constant 1 : i32
      %add3A_874 = arith.addi %mul3A_872, %add3A_873 : i32
      %dma_wait3A_875 = arith.constant 128 : i32
      %dma_wait3A_876 = arith.constant 0 : i32
      %dma_wait3A_877 = tpu.memref_slice %arg9[%dma_wait3A_875, %dma_wait3A_876] : memref<256x64xf32, #tpu.memory_space<vmem>> -> memref<128x64xf32, #tpu.memory_space<vmem>>
      %dma_wait3A_878 = arith.constant 0 : i32
      %dma_wait3A_879 = tpu.memref_slice %arg8[%add3A_874, %dma_wait3A_878] : memref<79x128xi32, #tpu.memory_space<vmem>> -> memref<1x128xi32, #tpu.memory_space<vmem>>
      %dma_wait3A_880 = tpu.memref_squeeze %dma_wait3A_879 : memref<1x128xi32, #tpu.memory_space<vmem>> -> memref<128xi32, #tpu.memory_space<vmem>>
      %dma_wait3A_881 = arith.constant 0 : i32
      %dma_wait3A_882 = arith.constant 0 : i32
      %dma_wait3A_883 = tpu.memref_slice %arg13[%dma_wait3A_881, %dma_wait3A_882] : memref<10240x64xf32, #tpu.memory_space<vmem_shared>> -> memref<10240x64xf32, #tpu.memory_space<vmem_shared>>
      tpu.wait_indirect_dma semaphore(%arg18 : memref<!tpu.dma_semaphore, #tpu.memory_space<semaphore_mem>>) src(%dma_wait3A_877 : memref<128x64xf32, #tpu.memory_space<vmem>>) dst(%dma_wait3A_883 : memref<10240x64xf32, #tpu.memory_space<vmem_shared>>)
      %add3A_884 = arith.constant 2 : i32
      %add3A_885 = arith.addi %add3A_803, %add3A_884 : i32
      %mul3A_886 = arith.constant 2 : i32
      %mul3A_887 = arith.muli %add3A_885, %mul3A_886 : i32
      %add3A_888 = arith.constant 0 : i32
      %add3A_889 = arith.addi %mul3A_887, %add3A_888 : i32
      %dma_start3A_890 = arith.constant 0 : i32
      %dma_start3A_891 = arith.constant 0 : i32
      %dma_start3A_892 = tpu.memref_slice %arg9[%dma_start3A_890, %dma_start3A_891] : memref<256x64xf32, #tpu.memory_space<vmem>> -> memref<128x64xf32, #tpu.memory_space<vmem>>
      %dma_start3A_893 = arith.constant 0 : i32
      %dma_start3A_894 = tpu.memref_slice %arg7[%add3A_889, %dma_start3A_893] : memref<79x128xi32, #tpu.memory_space<vmem>> -> memref<1x128xi32, #tpu.memory_space<vmem>>
      %dma_start3A_895 = tpu.memref_squeeze %dma_start3A_894 : memref<1x128xi32, #tpu.memory_space<vmem>> -> memref<128xi32, #tpu.memory_space<vmem>>
      %dma_start3A_896 = arith.constant 0 : i32
      %dma_start3A_897 = arith.constant 0 : i32
      %dma_start3A_898 = tpu.memref_slice %arg2[%dma_start3A_896, %dma_start3A_897] : memref<10240x64xf32, #tpu.memory_space<hbm>> -> memref<10240x64xf32, #tpu.memory_space<hbm>>
      tpu.enqueue_indirect_dma source(%dma_start3A_898 : memref<10240x64xf32, #tpu.memory_space<hbm>>) target(%dma_start3A_892 : memref<128x64xf32, #tpu.memory_space<vmem>>) offsets(%dma_start3A_895 : memref<128xi32, #tpu.memory_space<vmem>>) semaphore(%arg14 : memref<!tpu.dma_semaphore, #tpu.memory_space<semaphore_mem>>)
      %mul3A_899 = arith.constant 2 : i32
      %mul3A_900 = arith.muli %add3A_885, %mul3A_899 : i32
      %add3A_901 = arith.constant 1 : i32
      %add3A_902 = arith.addi %mul3A_900, %add3A_901 : i32
      %dma_start3A_903 = arith.constant 128 : i32
      %dma_start3A_904 = arith.constant 0 : i32
      %dma_start3A_905 = tpu.memref_slice %arg9[%dma_start3A_903, %dma_start3A_904] : memref<256x64xf32, #tpu.memory_space<vmem>> -> memref<128x64xf32, #tpu.memory_space<vmem>>
      %dma_start3A_906 = arith.constant 0 : i32
      %dma_start3A_907 = tpu.memref_slice %arg7[%add3A_902, %dma_start3A_906] : memref<79x128xi32, #tpu.memory_space<vmem>> -> memref<1x128xi32, #tpu.memory_space<vmem>>
      %dma_start3A_908 = tpu.memref_squeeze %dma_start3A_907 : memref<1x128xi32, #tpu.memory_space<vmem>> -> memref<128xi32, #tpu.memory_space<vmem>>
      %dma_start3A_909 = arith.constant 0 : i32
      %dma_start3A_910 = arith.constant 0 : i32
      %dma_start3A_911 = tpu.memref_slice %arg2[%dma_start3A_909, %dma_start3A_910] : memref<10240x64xf32, #tpu.memory_space<hbm>> -> memref<10240x64xf32, #tpu.memory_space<hbm>>
      tpu.enqueue_indirect_dma source(%dma_start3A_911 : memref<10240x64xf32, #tpu.memory_space<hbm>>) target(%dma_start3A_905 : memref<128x64xf32, #tpu.memory_space<vmem>>) offsets(%dma_start3A_908 : memref<128xi32, #tpu.memory_space<vmem>>) semaphore(%arg14 : memref<!tpu.dma_semaphore, #tpu.memory_space<semaphore_mem>>)
      %mul3A_912 = arith.constant 4 : i32
      %mul3A_913 = arith.muli %mul3A_912, %scan3A_576 : i32
      %add3A_914 = arith.constant 3 : i32
      %add3A_915 = arith.addi %mul3A_913, %add3A_914 : i32
      %mul3A_916 = arith.constant 2 : i32
      %mul3A_917 = arith.muli %add3A_915, %mul3A_916 : i32
      %add3A_918 = arith.constant 0 : i32
      %add3A_919 = arith.addi %mul3A_917, %add3A_918 : i32
      %dma_wait3A_920 = arith.constant 0 : i32
      %dma_wait3A_921 = arith.constant 0 : i32
      %dma_wait3A_922 = tpu.memref_slice %arg12[%dma_wait3A_920, %dma_wait3A_921] : memref<256x64xf32, #tpu.memory_space<vmem>> -> memref<128x64xf32, #tpu.memory_space<vmem>>
      %dma_wait3A_923 = arith.constant 0 : i32
      %dma_wait3A_924 = tpu.memref_slice %arg7[%add3A_919, %dma_wait3A_923] : memref<79x128xi32, #tpu.memory_space<vmem>> -> memref<1x128xi32, #tpu.memory_space<vmem>>
      %dma_wait3A_925 = tpu.memref_squeeze %dma_wait3A_924 : memref<1x128xi32, #tpu.memory_space<vmem>> -> memref<128xi32, #tpu.memory_space<vmem>>
      %dma_wait3A_926 = arith.constant 0 : i32
      %dma_wait3A_927 = arith.constant 0 : i32
      %dma_wait3A_928 = tpu.memref_slice %arg2[%dma_wait3A_926, %dma_wait3A_927] : memref<10240x64xf32, #tpu.memory_space<hbm>> -> memref<10240x64xf32, #tpu.memory_space<hbm>>
      tpu.wait_indirect_dma semaphore(%arg17 : memref<!tpu.dma_semaphore, #tpu.memory_space<semaphore_mem>>) src(%dma_wait3A_928 : memref<10240x64xf32, #tpu.memory_space<hbm>>) dst(%dma_wait3A_922 : memref<128x64xf32, #tpu.memory_space<vmem>>)
      %mul3A_929 = arith.constant 2 : i32
      %mul3A_930 = arith.muli %add3A_915, %mul3A_929 : i32
      %add3A_931 = arith.constant 1 : i32
      %add3A_932 = arith.addi %mul3A_930, %add3A_931 : i32
      %dma_wait3A_933 = arith.constant 128 : i32
      %dma_wait3A_934 = arith.constant 0 : i32
      %dma_wait3A_935 = tpu.memref_slice %arg12[%dma_wait3A_933, %dma_wait3A_934] : memref<256x64xf32, #tpu.memory_space<vmem>> -> memref<128x64xf32, #tpu.memory_space<vmem>>
      %dma_wait3A_936 = arith.constant 0 : i32
      %dma_wait3A_937 = tpu.memref_slice %arg7[%add3A_932, %dma_wait3A_936] : memref<79x128xi32, #tpu.memory_space<vmem>> -> memref<1x128xi32, #tpu.memory_space<vmem>>
      %dma_wait3A_938 = tpu.memref_squeeze %dma_wait3A_937 : memref<1x128xi32, #tpu.memory_space<vmem>> -> memref<128xi32, #tpu.memory_space<vmem>>
      %dma_wait3A_939 = arith.constant 0 : i32
      %dma_wait3A_940 = arith.constant 0 : i32
      %dma_wait3A_941 = tpu.memref_slice %arg2[%dma_wait3A_939, %dma_wait3A_940] : memref<10240x64xf32, #tpu.memory_space<hbm>> -> memref<10240x64xf32, #tpu.memory_space<hbm>>
      tpu.wait_indirect_dma semaphore(%arg17 : memref<!tpu.dma_semaphore, #tpu.memory_space<semaphore_mem>>) src(%dma_wait3A_941 : memref<10240x64xf32, #tpu.memory_space<hbm>>) dst(%dma_wait3A_935 : memref<128x64xf32, #tpu.memory_space<vmem>>)
      %mul3A_942 = arith.constant 2 : i32
      %mul3A_943 = arith.muli %add3A_915, %mul3A_942 : i32
      %add3A_944 = arith.constant 0 : i32
      %add3A_945 = arith.addi %mul3A_943, %add3A_944 : i32
      %dma_start3A_946 = arith.constant 0 : i32
      %dma_start3A_947 = arith.constant 0 : i32
      %dma_start3A_948 = tpu.memref_slice %arg12[%dma_start3A_946, %dma_start3A_947] : memref<256x64xf32, #tpu.memory_space<vmem>> -> memref<128x64xf32, #tpu.memory_space<vmem>>
      %dma_start3A_949 = arith.constant 0 : i32
      %dma_start3A_950 = tpu.memref_slice %arg8[%add3A_945, %dma_start3A_949] : memref<79x128xi32, #tpu.memory_space<vmem>> -> memref<1x128xi32, #tpu.memory_space<vmem>>
      %dma_start3A_951 = tpu.memref_squeeze %dma_start3A_950 : memref<1x128xi32, #tpu.memory_space<vmem>> -> memref<128xi32, #tpu.memory_space<vmem>>
      %dma_start3A_952 = arith.constant 0 : i32
      %dma_start3A_953 = arith.constant 0 : i32
      %dma_start3A_954 = tpu.memref_slice %arg13[%dma_start3A_952, %dma_start3A_953] : memref<10240x64xf32, #tpu.memory_space<vmem_shared>> -> memref<10240x64xf32, #tpu.memory_space<vmem_shared>>
      tpu.enqueue_indirect_dma source(%dma_start3A_948 : memref<128x64xf32, #tpu.memory_space<vmem>>) target(%dma_start3A_954 : memref<10240x64xf32, #tpu.memory_space<vmem_shared>>) offsets(%dma_start3A_951 : memref<128xi32, #tpu.memory_space<vmem>>) semaphore(%arg21 : memref<!tpu.dma_semaphore, #tpu.memory_space<semaphore_mem>>) {add = true}
      %mul3A_955 = arith.constant 2 : i32
      %mul3A_956 = arith.muli %add3A_915, %mul3A_955 : i32
      %add3A_957 = arith.constant 1 : i32
      %add3A_958 = arith.addi %mul3A_956, %add3A_957 : i32
      %dma_start3A_959 = arith.constant 128 : i32
      %dma_start3A_960 = arith.constant 0 : i32
      %dma_start3A_961 = tpu.memref_slice %arg12[%dma_start3A_959, %dma_start3A_960] : memref<256x64xf32, #tpu.memory_space<vmem>> -> memref<128x64xf32, #tpu.memory_space<vmem>>
      %dma_start3A_962 = arith.constant 0 : i32
      %dma_start3A_963 = tpu.memref_slice %arg8[%add3A_958, %dma_start3A_962] : memref<79x128xi32, #tpu.memory_space<vmem>> -> memref<1x128xi32, #tpu.memory_space<vmem>>
      %dma_start3A_964 = tpu.memref_squeeze %dma_start3A_963 : memref<1x128xi32, #tpu.memory_space<vmem>> -> memref<128xi32, #tpu.memory_space<vmem>>
      %dma_start3A_965 = arith.constant 0 : i32
      %dma_start3A_966 = arith.constant 0 : i32
      %dma_start3A_967 = tpu.memref_slice %arg13[%dma_start3A_965, %dma_start3A_966] : memref<10240x64xf32, #tpu.memory_space<vmem_shared>> -> memref<10240x64xf32, #tpu.memory_space<vmem_shared>>
      tpu.enqueue_indirect_dma source(%dma_start3A_961 : memref<128x64xf32, #tpu.memory_space<vmem>>) target(%dma_start3A_967 : memref<10240x64xf32, #tpu.memory_space<vmem_shared>>) offsets(%dma_start3A_964 : memref<128xi32, #tpu.memory_space<vmem>>) semaphore(%arg21 : memref<!tpu.dma_semaphore, #tpu.memory_space<semaphore_mem>>) {add = true}
      %sub3A_968 = arith.constant 2 : i32
      %sub3A_969 = arith.subi %add3A_915, %sub3A_968 : i32
      %mul3A_970 = arith.constant 2 : i32
      %mul3A_971 = arith.muli %sub3A_969, %mul3A_970 : i32
      %add3A_972 = arith.constant 0 : i32
      %add3A_973 = arith.addi %mul3A_971, %add3A_972 : i32
      %dma_wait3A_974 = arith.constant 0 : i32
      %dma_wait3A_975 = arith.constant 0 : i32
      %dma_wait3A_976 = tpu.memref_slice %arg10[%dma_wait3A_974, %dma_wait3A_975] : memref<256x64xf32, #tpu.memory_space<vmem>> -> memref<128x64xf32, #tpu.memory_space<vmem>>
      %dma_wait3A_977 = arith.constant 0 : i32
      %dma_wait3A_978 = tpu.memref_slice %arg8[%add3A_973, %dma_wait3A_977] : memref<79x128xi32, #tpu.memory_space<vmem>> -> memref<1x128xi32, #tpu.memory_space<vmem>>
      %dma_wait3A_979 = tpu.memref_squeeze %dma_wait3A_978 : memref<1x128xi32, #tpu.memory_space<vmem>> -> memref<128xi32, #tpu.memory_space<vmem>>
      %dma_wait3A_980 = arith.constant 0 : i32
      %dma_wait3A_981 = arith.constant 0 : i32
      %dma_wait3A_982 = tpu.memref_slice %arg13[%dma_wait3A_980, %dma_wait3A_981] : memref<10240x64xf32, #tpu.memory_space<vmem_shared>> -> memref<10240x64xf32, #tpu.memory_space<vmem_shared>>
      tpu.wait_indirect_dma semaphore(%arg19 : memref<!tpu.dma_semaphore, #tpu.memory_space<semaphore_mem>>) src(%dma_wait3A_976 : memref<128x64xf32, #tpu.memory_space<vmem>>) dst(%dma_wait3A_982 : memref<10240x64xf32, #tpu.memory_space<vmem_shared>>)
      %mul3A_983 = arith.constant 2 : i32
      %mul3A_984 = arith.muli %sub3A_969, %mul3A_983 : i32
      %add3A_985 = arith.constant 1 : i32
      %add3A_986 = arith.addi %mul3A_984, %add3A_985 : i32
      %dma_wait3A_987 = arith.constant 128 : i32
      %dma_wait3A_988 = arith.constant 0 : i32
      %dma_wait3A_989 = tpu.memref_slice %arg10[%dma_wait3A_987, %dma_wait3A_988] : memref<256x64xf32, #tpu.memory_space<vmem>> -> memref<128x64xf32, #tpu.memory_space<vmem>>
      %dma_wait3A_990 = arith.constant 0 : i32
      %dma_wait3A_991 = tpu.memref_slice %arg8[%add3A_986, %dma_wait3A_990] : memref<79x128xi32, #tpu.memory_space<vmem>> -> memref<1x128xi32, #tpu.memory_space<vmem>>
      %dma_wait3A_992 = tpu.memref_squeeze %dma_wait3A_991 : memref<1x128xi32, #tpu.memory_space<vmem>> -> memref<128xi32, #tpu.memory_space<vmem>>
      %dma_wait3A_993 = arith.constant 0 : i32
      %dma_wait3A_994 = arith.constant 0 : i32
      %dma_wait3A_995 = tpu.memref_slice %arg13[%dma_wait3A_993, %dma_wait3A_994] : memref<10240x64xf32, #tpu.memory_space<vmem_shared>> -> memref<10240x64xf32, #tpu.memory_space<vmem_shared>>
      tpu.wait_indirect_dma semaphore(%arg19 : memref<!tpu.dma_semaphore, #tpu.memory_space<semaphore_mem>>) src(%dma_wait3A_989 : memref<128x64xf32, #tpu.memory_space<vmem>>) dst(%dma_wait3A_995 : memref<10240x64xf32, #tpu.memory_space<vmem_shared>>)
      %add3A_996 = arith.constant 2 : i32
      %add3A_997 = arith.addi %add3A_915, %add3A_996 : i32
      %mul3A_998 = arith.constant 2 : i32
      %mul3A_999 = arith.muli %add3A_997, %mul3A_998 : i32
      %add3A_1000 = arith.constant 0 : i32
      %add3A_1001 = arith.addi %mul3A_999, %add3A_1000 : i32
      %dma_start3A_1002 = arith.constant 0 : i32
      %dma_start3A_1003 = arith.constant 0 : i32
      %dma_start3A_1004 = tpu.memref_slice %arg10[%dma_start3A_1002, %dma_start3A_1003] : memref<256x64xf32, #tpu.memory_space<vmem>> -> memref<128x64xf32, #tpu.memory_space<vmem>>
      %dma_start3A_1005 = arith.constant 0 : i32
      %dma_start3A_1006 = tpu.memref_slice %arg7[%add3A_1001, %dma_start3A_1005] : memref<79x128xi32, #tpu.memory_space<vmem>> -> memref<1x128xi32, #tpu.memory_space<vmem>>
      %dma_start3A_1007 = tpu.memref_squeeze %dma_start3A_1006 : memref<1x128xi32, #tpu.memory_space<vmem>> -> memref<128xi32, #tpu.memory_space<vmem>>
      %dma_start3A_1008 = arith.constant 0 : i32
      %dma_start3A_1009 = arith.constant 0 : i32
      %dma_start3A_1010 = tpu.memref_slice %arg2[%dma_start3A_1008, %dma_start3A_1009] : memref<10240x64xf32, #tpu.memory_space<hbm>> -> memref<10240x64xf32, #tpu.memory_space<hbm>>
      tpu.enqueue_indirect_dma source(%dma_start3A_1010 : memref<10240x64xf32, #tpu.memory_space<hbm>>) target(%dma_start3A_1004 : memref<128x64xf32, #tpu.memory_space<vmem>>) offsets(%dma_start3A_1007 : memref<128xi32, #tpu.memory_space<vmem>>) semaphore(%arg15 : memref<!tpu.dma_semaphore, #tpu.memory_space<semaphore_mem>>)
      %mul3A_1011 = arith.constant 2 : i32
      %mul3A_1012 = arith.muli %add3A_997, %mul3A_1011 : i32
      %add3A_1013 = arith.constant 1 : i32
      %add3A_1014 = arith.addi %mul3A_1012, %add3A_1013 : i32
      %dma_start3A_1015 = arith.constant 128 : i32
      %dma_start3A_1016 = arith.constant 0 : i32
      %dma_start3A_1017 = tpu.memref_slice %arg10[%dma_start3A_1015, %dma_start3A_1016] : memref<256x64xf32, #tpu.memory_space<vmem>> -> memref<128x64xf32, #tpu.memory_space<vmem>>
      %dma_start3A_1018 = arith.constant 0 : i32
      %dma_start3A_1019 = tpu.memref_slice %arg7[%add3A_1014, %dma_start3A_1018] : memref<79x128xi32, #tpu.memory_space<vmem>> -> memref<1x128xi32, #tpu.memory_space<vmem>>
      %dma_start3A_1020 = tpu.memref_squeeze %dma_start3A_1019 : memref<1x128xi32, #tpu.memory_space<vmem>> -> memref<128xi32, #tpu.memory_space<vmem>>
      %dma_start3A_1021 = arith.constant 0 : i32
      %dma_start3A_1022 = arith.constant 0 : i32
      %dma_start3A_1023 = tpu.memref_slice %arg2[%dma_start3A_1021, %dma_start3A_1022] : memref<10240x64xf32, #tpu.memory_space<hbm>> -> memref<10240x64xf32, #tpu.memory_space<hbm>>
      tpu.enqueue_indirect_dma source(%dma_start3A_1023 : memref<10240x64xf32, #tpu.memory_space<hbm>>) target(%dma_start3A_1017 : memref<128x64xf32, #tpu.memory_space<vmem>>) offsets(%dma_start3A_1020 : memref<128xi32, #tpu.memory_space<vmem>>) semaphore(%arg15 : memref<!tpu.dma_semaphore, #tpu.memory_space<semaphore_mem>>)
    }
    %scan3A_329 = arith.constant 8 : i32
    %dma_wait3A_330 = arith.constant 72 : i32
    %dma_wait3A_331 = arith.constant 0 : i32
    %dma_wait3A_332 = arith.constant 0 : i32
    %dma_wait3A_333 = tpu.memref_slice %arg9[%dma_wait3A_331, %dma_wait3A_332] : memref<256x64xf32, #tpu.memory_space<vmem>> -> memref<128x64xf32, #tpu.memory_space<vmem>>
    %dma_wait3A_334 = arith.constant 0 : i32
    %dma_wait3A_335 = tpu.memref_slice %arg7[%dma_wait3A_330, %dma_wait3A_334] : memref<79x128xi32, #tpu.memory_space<vmem>> -> memref<1x128xi32, #tpu.memory_space<vmem>>
    %dma_wait3A_336 = tpu.memref_squeeze %dma_wait3A_335 : memref<1x128xi32, #tpu.memory_space<vmem>> -> memref<128xi32, #tpu.memory_space<vmem>>
    %dma_wait3A_337 = arith.constant 0 : i32
    %dma_wait3A_338 = arith.constant 0 : i32
    %dma_wait3A_339 = tpu.memref_slice %arg2[%dma_wait3A_337, %dma_wait3A_338] : memref<10240x64xf32, #tpu.memory_space<hbm>> -> memref<10240x64xf32, #tpu.memory_space<hbm>>
    tpu.wait_indirect_dma semaphore(%arg14 : memref<!tpu.dma_semaphore, #tpu.memory_space<semaphore_mem>>) src(%dma_wait3A_339 : memref<10240x64xf32, #tpu.memory_space<hbm>>) dst(%dma_wait3A_333 : memref<128x64xf32, #tpu.memory_space<vmem>>)
    %dma_wait3A_340 = arith.constant 73 : i32
    %dma_wait3A_341 = arith.constant 128 : i32
    %dma_wait3A_342 = arith.constant 0 : i32
    %dma_wait3A_343 = tpu.memref_slice %arg9[%dma_wait3A_341, %dma_wait3A_342] : memref<256x64xf32, #tpu.memory_space<vmem>> -> memref<128x64xf32, #tpu.memory_space<vmem>>
    %dma_wait3A_344 = arith.constant 0 : i32
    %dma_wait3A_345 = tpu.memref_slice %arg7[%dma_wait3A_340, %dma_wait3A_344] : memref<79x128xi32, #tpu.memory_space<vmem>> -> memref<1x128xi32, #tpu.memory_space<vmem>>
    %dma_wait3A_346 = tpu.memref_squeeze %dma_wait3A_345 : memref<1x128xi32, #tpu.memory_space<vmem>> -> memref<128xi32, #tpu.memory_space<vmem>>
    %dma_wait3A_347 = arith.constant 0 : i32
    %dma_wait3A_348 = arith.constant 0 : i32
    %dma_wait3A_349 = tpu.memref_slice %arg2[%dma_wait3A_347, %dma_wait3A_348] : memref<10240x64xf32, #tpu.memory_space<hbm>> -> memref<10240x64xf32, #tpu.memory_space<hbm>>
    tpu.wait_indirect_dma semaphore(%arg14 : memref<!tpu.dma_semaphore, #tpu.memory_space<semaphore_mem>>) src(%dma_wait3A_349 : memref<10240x64xf32, #tpu.memory_space<hbm>>) dst(%dma_wait3A_343 : memref<128x64xf32, #tpu.memory_space<vmem>>)
    %dma_start3A_350 = arith.constant 72 : i32
    %dma_start3A_351 = arith.constant 0 : i32
    %dma_start3A_352 = arith.constant 0 : i32
    %dma_start3A_353 = tpu.memref_slice %arg9[%dma_start3A_351, %dma_start3A_352] : memref<256x64xf32, #tpu.memory_space<vmem>> -> memref<128x64xf32, #tpu.memory_space<vmem>>
    %dma_start3A_354 = arith.constant 0 : i32
    %dma_start3A_355 = tpu.memref_slice %arg8[%dma_start3A_350, %dma_start3A_354] : memref<79x128xi32, #tpu.memory_space<vmem>> -> memref<1x128xi32, #tpu.memory_space<vmem>>
    %dma_start3A_356 = tpu.memref_squeeze %dma_start3A_355 : memref<1x128xi32, #tpu.memory_space<vmem>> -> memref<128xi32, #tpu.memory_space<vmem>>
    %dma_start3A_357 = arith.constant 0 : i32
    %dma_start3A_358 = arith.constant 0 : i32
    %dma_start3A_359 = tpu.memref_slice %arg13[%dma_start3A_357, %dma_start3A_358] : memref<10240x64xf32, #tpu.memory_space<vmem_shared>> -> memref<10240x64xf32, #tpu.memory_space<vmem_shared>>
    tpu.enqueue_indirect_dma source(%dma_start3A_353 : memref<128x64xf32, #tpu.memory_space<vmem>>) target(%dma_start3A_359 : memref<10240x64xf32, #tpu.memory_space<vmem_shared>>) offsets(%dma_start3A_356 : memref<128xi32, #tpu.memory_space<vmem>>) semaphore(%arg18 : memref<!tpu.dma_semaphore, #tpu.memory_space<semaphore_mem>>) {add = true}
    %dma_start3A_360 = arith.constant 73 : i32
    %dma_start3A_361 = arith.constant 128 : i32
    %dma_start3A_362 = arith.constant 0 : i32
    %dma_start3A_363 = tpu.memref_slice %arg9[%dma_start3A_361, %dma_start3A_362] : memref<256x64xf32, #tpu.memory_space<vmem>> -> memref<128x64xf32, #tpu.memory_space<vmem>>
    %dma_start3A_364 = arith.constant 0 : i32
    %dma_start3A_365 = tpu.memref_slice %arg8[%dma_start3A_360, %dma_start3A_364] : memref<79x128xi32, #tpu.memory_space<vmem>> -> memref<1x128xi32, #tpu.memory_space<vmem>>
    %dma_start3A_366 = tpu.memref_squeeze %dma_start3A_365 : memref<1x128xi32, #tpu.memory_space<vmem>> -> memref<128xi32, #tpu.memory_space<vmem>>
    %dma_start3A_367 = arith.constant 0 : i32
    %dma_start3A_368 = arith.constant 0 : i32
    %dma_start3A_369 = tpu.memref_slice %arg13[%dma_start3A_367, %dma_start3A_368] : memref<10240x64xf32, #tpu.memory_space<vmem_shared>> -> memref<10240x64xf32, #tpu.memory_space<vmem_shared>>
    tpu.enqueue_indirect_dma source(%dma_start3A_363 : memref<128x64xf32, #tpu.memory_space<vmem>>) target(%dma_start3A_369 : memref<10240x64xf32, #tpu.memory_space<vmem_shared>>) offsets(%dma_start3A_366 : memref<128xi32, #tpu.memory_space<vmem>>) semaphore(%arg18 : memref<!tpu.dma_semaphore, #tpu.memory_space<semaphore_mem>>) {add = true}
    %dma_wait3A_370 = arith.constant 68 : i32
    %dma_wait3A_371 = arith.constant 0 : i32
    %dma_wait3A_372 = arith.constant 0 : i32
    %dma_wait3A_373 = tpu.memref_slice %arg11[%dma_wait3A_371, %dma_wait3A_372] : memref<256x64xf32, #tpu.memory_space<vmem>> -> memref<128x64xf32, #tpu.memory_space<vmem>>
    %dma_wait3A_374 = arith.constant 0 : i32
    %dma_wait3A_375 = tpu.memref_slice %arg8[%dma_wait3A_370, %dma_wait3A_374] : memref<79x128xi32, #tpu.memory_space<vmem>> -> memref<1x128xi32, #tpu.memory_space<vmem>>
    %dma_wait3A_376 = tpu.memref_squeeze %dma_wait3A_375 : memref<1x128xi32, #tpu.memory_space<vmem>> -> memref<128xi32, #tpu.memory_space<vmem>>
    %dma_wait3A_377 = arith.constant 0 : i32
    %dma_wait3A_378 = arith.constant 0 : i32
    %dma_wait3A_379 = tpu.memref_slice %arg13[%dma_wait3A_377, %dma_wait3A_378] : memref<10240x64xf32, #tpu.memory_space<vmem_shared>> -> memref<10240x64xf32, #tpu.memory_space<vmem_shared>>
    tpu.wait_indirect_dma semaphore(%arg20 : memref<!tpu.dma_semaphore, #tpu.memory_space<semaphore_mem>>) src(%dma_wait3A_373 : memref<128x64xf32, #tpu.memory_space<vmem>>) dst(%dma_wait3A_379 : memref<10240x64xf32, #tpu.memory_space<vmem_shared>>)
    %dma_wait3A_380 = arith.constant 69 : i32
    %dma_wait3A_381 = arith.constant 128 : i32
    %dma_wait3A_382 = arith.constant 0 : i32
    %dma_wait3A_383 = tpu.memref_slice %arg11[%dma_wait3A_381, %dma_wait3A_382] : memref<256x64xf32, #tpu.memory_space<vmem>> -> memref<128x64xf32, #tpu.memory_space<vmem>>
    %dma_wait3A_384 = arith.constant 0 : i32
    %dma_wait3A_385 = tpu.memref_slice %arg8[%dma_wait3A_380, %dma_wait3A_384] : memref<79x128xi32, #tpu.memory_space<vmem>> -> memref<1x128xi32, #tpu.memory_space<vmem>>
    %dma_wait3A_386 = tpu.memref_squeeze %dma_wait3A_385 : memref<1x128xi32, #tpu.memory_space<vmem>> -> memref<128xi32, #tpu.memory_space<vmem>>
    %dma_wait3A_387 = arith.constant 0 : i32
    %dma_wait3A_388 = arith.constant 0 : i32
    %dma_wait3A_389 = tpu.memref_slice %arg13[%dma_wait3A_387, %dma_wait3A_388] : memref<10240x64xf32, #tpu.memory_space<vmem_shared>> -> memref<10240x64xf32, #tpu.memory_space<vmem_shared>>
    tpu.wait_indirect_dma semaphore(%arg20 : memref<!tpu.dma_semaphore, #tpu.memory_space<semaphore_mem>>) src(%dma_wait3A_383 : memref<128x64xf32, #tpu.memory_space<vmem>>) dst(%dma_wait3A_389 : memref<10240x64xf32, #tpu.memory_space<vmem_shared>>)
    %dma_start3A_390 = arith.constant 76 : i32
    %dma_start3A_391 = arith.constant 0 : i32
    %dma_start3A_392 = arith.constant 0 : i32
    %dma_start3A_393 = tpu.memref_slice %arg11[%dma_start3A_391, %dma_start3A_392] : memref<256x64xf32, #tpu.memory_space<vmem>> -> memref<128x64xf32, #tpu.memory_space<vmem>>
    %dma_start3A_394 = arith.constant 0 : i32
    %dma_start3A_395 = tpu.memref_slice %arg7[%dma_start3A_390, %dma_start3A_394] : memref<79x128xi32, #tpu.memory_space<vmem>> -> memref<1x128xi32, #tpu.memory_space<vmem>>
    %dma_start3A_396 = tpu.memref_squeeze %dma_start3A_395 : memref<1x128xi32, #tpu.memory_space<vmem>> -> memref<128xi32, #tpu.memory_space<vmem>>
    %dma_start3A_397 = arith.constant 0 : i32
    %dma_start3A_398 = arith.constant 0 : i32
    %dma_start3A_399 = tpu.memref_slice %arg2[%dma_start3A_397, %dma_start3A_398] : memref<10240x64xf32, #tpu.memory_space<hbm>> -> memref<10240x64xf32, #tpu.memory_space<hbm>>
    tpu.enqueue_indirect_dma source(%dma_start3A_399 : memref<10240x64xf32, #tpu.memory_space<hbm>>) target(%dma_start3A_393 : memref<128x64xf32, #tpu.memory_space<vmem>>) offsets(%dma_start3A_396 : memref<128xi32, #tpu.memory_space<vmem>>) semaphore(%arg16 : memref<!tpu.dma_semaphore, #tpu.memory_space<semaphore_mem>>)
    %dma_start3A_400 = arith.constant 77 : i32
    %dma_start3A_401 = arith.constant 128 : i32
    %dma_start3A_402 = arith.constant 0 : i32
    %dma_start3A_403 = tpu.memref_slice %arg11[%dma_start3A_401, %dma_start3A_402] : memref<256x64xf32, #tpu.memory_space<vmem>> -> memref<128x64xf32, #tpu.memory_space<vmem>>
    %dma_start3A_404 = arith.constant 0 : i32
    %dma_start3A_405 = tpu.memref_slice %arg7[%dma_start3A_400, %dma_start3A_404] : memref<79x128xi32, #tpu.memory_space<vmem>> -> memref<1x128xi32, #tpu.memory_space<vmem>>
    %dma_start3A_406 = tpu.memref_squeeze %dma_start3A_405 : memref<1x128xi32, #tpu.memory_space<vmem>> -> memref<128xi32, #tpu.memory_space<vmem>>
    %dma_start3A_407 = arith.constant 0 : i32
    %dma_start3A_408 = arith.constant 0 : i32
    %dma_start3A_409 = tpu.memref_slice %arg2[%dma_start3A_407, %dma_start3A_408] : memref<10240x64xf32, #tpu.memory_space<hbm>> -> memref<10240x64xf32, #tpu.memory_space<hbm>>
    tpu.enqueue_indirect_dma source(%dma_start3A_409 : memref<10240x64xf32, #tpu.memory_space<hbm>>) target(%dma_start3A_403 : memref<128x64xf32, #tpu.memory_space<vmem>>) offsets(%dma_start3A_406 : memref<128xi32, #tpu.memory_space<vmem>>) semaphore(%arg16 : memref<!tpu.dma_semaphore, #tpu.memory_space<semaphore_mem>>)
    %dma_wait3A_410 = arith.constant 74 : i32
    %dma_wait3A_411 = arith.constant 0 : i32
    %dma_wait3A_412 = arith.constant 0 : i32
    %dma_wait3A_413 = tpu.memref_slice %arg10[%dma_wait3A_411, %dma_wait3A_412] : memref<256x64xf32, #tpu.memory_space<vmem>> -> memref<128x64xf32, #tpu.memory_space<vmem>>
    %dma_wait3A_414 = arith.constant 0 : i32
    %dma_wait3A_415 = tpu.memref_slice %arg7[%dma_wait3A_410, %dma_wait3A_414] : memref<79x128xi32, #tpu.memory_space<vmem>> -> memref<1x128xi32, #tpu.memory_space<vmem>>
    %dma_wait3A_416 = tpu.memref_squeeze %dma_wait3A_415 : memref<1x128xi32, #tpu.memory_space<vmem>> -> memref<128xi32, #tpu.memory_space<vmem>>
    %dma_wait3A_417 = arith.constant 0 : i32
    %dma_wait3A_418 = arith.constant 0 : i32
    %dma_wait3A_419 = tpu.memref_slice %arg2[%dma_wait3A_417, %dma_wait3A_418] : memref<10240x64xf32, #tpu.memory_space<hbm>> -> memref<10240x64xf32, #tpu.memory_space<hbm>>
    tpu.wait_indirect_dma semaphore(%arg15 : memref<!tpu.dma_semaphore, #tpu.memory_space<semaphore_mem>>) src(%dma_wait3A_419 : memref<10240x64xf32, #tpu.memory_space<hbm>>) dst(%dma_wait3A_413 : memref<128x64xf32, #tpu.memory_space<vmem>>)
    %dma_wait3A_420 = arith.constant 75 : i32
    %dma_wait3A_421 = arith.constant 128 : i32
    %dma_wait3A_422 = arith.constant 0 : i32
    %dma_wait3A_423 = tpu.memref_slice %arg10[%dma_wait3A_421, %dma_wait3A_422] : memref<256x64xf32, #tpu.memory_space<vmem>> -> memref<128x64xf32, #tpu.memory_space<vmem>>
    %dma_wait3A_424 = arith.constant 0 : i32
    %dma_wait3A_425 = tpu.memref_slice %arg7[%dma_wait3A_420, %dma_wait3A_424] : memref<79x128xi32, #tpu.memory_space<vmem>> -> memref<1x128xi32, #tpu.memory_space<vmem>>
    %dma_wait3A_426 = tpu.memref_squeeze %dma_wait3A_425 : memref<1x128xi32, #tpu.memory_space<vmem>> -> memref<128xi32, #tpu.memory_space<vmem>>
    %dma_wait3A_427 = arith.constant 0 : i32
    %dma_wait3A_428 = arith.constant 0 : i32
    %dma_wait3A_429 = tpu.memref_slice %arg2[%dma_wait3A_427, %dma_wait3A_428] : memref<10240x64xf32, #tpu.memory_space<hbm>> -> memref<10240x64xf32, #tpu.memory_space<hbm>>
    tpu.wait_indirect_dma semaphore(%arg15 : memref<!tpu.dma_semaphore, #tpu.memory_space<semaphore_mem>>) src(%dma_wait3A_429 : memref<10240x64xf32, #tpu.memory_space<hbm>>) dst(%dma_wait3A_423 : memref<128x64xf32, #tpu.memory_space<vmem>>)
    %dma_start3A_430 = arith.constant 74 : i32
    %dma_start3A_431 = arith.constant 0 : i32
    %dma_start3A_432 = arith.constant 0 : i32
    %dma_start3A_433 = tpu.memref_slice %arg10[%dma_start3A_431, %dma_start3A_432] : memref<256x64xf32, #tpu.memory_space<vmem>> -> memref<128x64xf32, #tpu.memory_space<vmem>>
    %dma_start3A_434 = arith.constant 0 : i32
    %dma_start3A_435 = tpu.memref_slice %arg8[%dma_start3A_430, %dma_start3A_434] : memref<79x128xi32, #tpu.memory_space<vmem>> -> memref<1x128xi32, #tpu.memory_space<vmem>>
    %dma_start3A_436 = tpu.memref_squeeze %dma_start3A_435 : memref<1x128xi32, #tpu.memory_space<vmem>> -> memref<128xi32, #tpu.memory_space<vmem>>
    %dma_start3A_437 = arith.constant 0 : i32
    %dma_start3A_438 = arith.constant 0 : i32
    %dma_start3A_439 = tpu.memref_slice %arg13[%dma_start3A_437, %dma_start3A_438] : memref<10240x64xf32, #tpu.memory_space<vmem_shared>> -> memref<10240x64xf32, #tpu.memory_space<vmem_shared>>
    tpu.enqueue_indirect_dma source(%dma_start3A_433 : memref<128x64xf32, #tpu.memory_space<vmem>>) target(%dma_start3A_439 : memref<10240x64xf32, #tpu.memory_space<vmem_shared>>) offsets(%dma_start3A_436 : memref<128xi32, #tpu.memory_space<vmem>>) semaphore(%arg19 : memref<!tpu.dma_semaphore, #tpu.memory_space<semaphore_mem>>) {add = true}
    %dma_start3A_440 = arith.constant 75 : i32
    %dma_start3A_441 = arith.constant 128 : i32
    %dma_start3A_442 = arith.constant 0 : i32
    %dma_start3A_443 = tpu.memref_slice %arg10[%dma_start3A_441, %dma_start3A_442] : memref<256x64xf32, #tpu.memory_space<vmem>> -> memref<128x64xf32, #tpu.memory_space<vmem>>
    %dma_start3A_444 = arith.constant 0 : i32
    %dma_start3A_445 = tpu.memref_slice %arg8[%dma_start3A_440, %dma_start3A_444] : memref<79x128xi32, #tpu.memory_space<vmem>> -> memref<1x128xi32, #tpu.memory_space<vmem>>
    %dma_start3A_446 = tpu.memref_squeeze %dma_start3A_445 : memref<1x128xi32, #tpu.memory_space<vmem>> -> memref<128xi32, #tpu.memory_space<vmem>>
    %dma_start3A_447 = arith.constant 0 : i32
    %dma_start3A_448 = arith.constant 0 : i32
    %dma_start3A_449 = tpu.memref_slice %arg13[%dma_start3A_447, %dma_start3A_448] : memref<10240x64xf32, #tpu.memory_space<vmem_shared>> -> memref<10240x64xf32, #tpu.memory_space<vmem_shared>>
    tpu.enqueue_indirect_dma source(%dma_start3A_443 : memref<128x64xf32, #tpu.memory_space<vmem>>) target(%dma_start3A_449 : memref<10240x64xf32, #tpu.memory_space<vmem_shared>>) offsets(%dma_start3A_446 : memref<128xi32, #tpu.memory_space<vmem>>) semaphore(%arg19 : memref<!tpu.dma_semaphore, #tpu.memory_space<semaphore_mem>>) {add = true}
    %dma_wait3A_450 = arith.constant 76 : i32
    %dma_wait3A_451 = arith.constant 0 : i32
    %dma_wait3A_452 = arith.constant 0 : i32
    %dma_wait3A_453 = tpu.memref_slice %arg11[%dma_wait3A_451, %dma_wait3A_452] : memref<256x64xf32, #tpu.memory_space<vmem>> -> memref<128x64xf32, #tpu.memory_space<vmem>>
    %dma_wait3A_454 = arith.constant 0 : i32
    %dma_wait3A_455 = tpu.memref_slice %arg7[%dma_wait3A_450, %dma_wait3A_454] : memref<79x128xi32, #tpu.memory_space<vmem>> -> memref<1x128xi32, #tpu.memory_space<vmem>>
    %dma_wait3A_456 = tpu.memref_squeeze %dma_wait3A_455 : memref<1x128xi32, #tpu.memory_space<vmem>> -> memref<128xi32, #tpu.memory_space<vmem>>
    %dma_wait3A_457 = arith.constant 0 : i32
    %dma_wait3A_458 = arith.constant 0 : i32
    %dma_wait3A_459 = tpu.memref_slice %arg2[%dma_wait3A_457, %dma_wait3A_458] : memref<10240x64xf32, #tpu.memory_space<hbm>> -> memref<10240x64xf32, #tpu.memory_space<hbm>>
    tpu.wait_indirect_dma semaphore(%arg16 : memref<!tpu.dma_semaphore, #tpu.memory_space<semaphore_mem>>) src(%dma_wait3A_459 : memref<10240x64xf32, #tpu.memory_space<hbm>>) dst(%dma_wait3A_453 : memref<128x64xf32, #tpu.memory_space<vmem>>)
    %dma_wait3A_460 = arith.constant 77 : i32
    %dma_wait3A_461 = arith.constant 128 : i32
    %dma_wait3A_462 = arith.constant 0 : i32
    %dma_wait3A_463 = tpu.memref_slice %arg11[%dma_wait3A_461, %dma_wait3A_462] : memref<256x64xf32, #tpu.memory_space<vmem>> -> memref<128x64xf32, #tpu.memory_space<vmem>>
    %dma_wait3A_464 = arith.constant 0 : i32
    %dma_wait3A_465 = tpu.memref_slice %arg7[%dma_wait3A_460, %dma_wait3A_464] : memref<79x128xi32, #tpu.memory_space<vmem>> -> memref<1x128xi32, #tpu.memory_space<vmem>>
    %dma_wait3A_466 = tpu.memref_squeeze %dma_wait3A_465 : memref<1x128xi32, #tpu.memory_space<vmem>> -> memref<128xi32, #tpu.memory_space<vmem>>
    %dma_wait3A_467 = arith.constant 0 : i32
    %dma_wait3A_468 = arith.constant 0 : i32
    %dma_wait3A_469 = tpu.memref_slice %arg2[%dma_wait3A_467, %dma_wait3A_468] : memref<10240x64xf32, #tpu.memory_space<hbm>> -> memref<10240x64xf32, #tpu.memory_space<hbm>>
    tpu.wait_indirect_dma semaphore(%arg16 : memref<!tpu.dma_semaphore, #tpu.memory_space<semaphore_mem>>) src(%dma_wait3A_469 : memref<10240x64xf32, #tpu.memory_space<hbm>>) dst(%dma_wait3A_463 : memref<128x64xf32, #tpu.memory_space<vmem>>)
    %dma_start3A_470 = arith.constant 76 : i32
    %dma_start3A_471 = arith.constant 0 : i32
    %dma_start3A_472 = arith.constant 0 : i32
    %dma_start3A_473 = tpu.memref_slice %arg11[%dma_start3A_471, %dma_start3A_472] : memref<256x64xf32, #tpu.memory_space<vmem>> -> memref<128x64xf32, #tpu.memory_space<vmem>>
    %dma_start3A_474 = arith.constant 0 : i32
    %dma_start3A_475 = tpu.memref_slice %arg8[%dma_start3A_470, %dma_start3A_474] : memref<79x128xi32, #tpu.memory_space<vmem>> -> memref<1x128xi32, #tpu.memory_space<vmem>>
    %dma_start3A_476 = tpu.memref_squeeze %dma_start3A_475 : memref<1x128xi32, #tpu.memory_space<vmem>> -> memref<128xi32, #tpu.memory_space<vmem>>
    %dma_start3A_477 = arith.constant 0 : i32
    %dma_start3A_478 = arith.constant 0 : i32
    %dma_start3A_479 = tpu.memref_slice %arg13[%dma_start3A_477, %dma_start3A_478] : memref<10240x64xf32, #tpu.memory_space<vmem_shared>> -> memref<10240x64xf32, #tpu.memory_space<vmem_shared>>
    tpu.enqueue_indirect_dma source(%dma_start3A_473 : memref<128x64xf32, #tpu.memory_space<vmem>>) target(%dma_start3A_479 : memref<10240x64xf32, #tpu.memory_space<vmem_shared>>) offsets(%dma_start3A_476 : memref<128xi32, #tpu.memory_space<vmem>>) semaphore(%arg20 : memref<!tpu.dma_semaphore, #tpu.memory_space<semaphore_mem>>) {add = true}
    %dma_start3A_480 = arith.constant 77 : i32
    %dma_start3A_481 = arith.constant 128 : i32
    %dma_start3A_482 = arith.constant 0 : i32
    %dma_start3A_483 = tpu.memref_slice %arg11[%dma_start3A_481, %dma_start3A_482] : memref<256x64xf32, #tpu.memory_space<vmem>> -> memref<128x64xf32, #tpu.memory_space<vmem>>
    %dma_start3A_484 = arith.constant 0 : i32
    %dma_start3A_485 = tpu.memref_slice %arg8[%dma_start3A_480, %dma_start3A_484] : memref<79x128xi32, #tpu.memory_space<vmem>> -> memref<1x128xi32, #tpu.memory_space<vmem>>
    %dma_start3A_486 = tpu.memref_squeeze %dma_start3A_485 : memref<1x128xi32, #tpu.memory_space<vmem>> -> memref<128xi32, #tpu.memory_space<vmem>>
    %dma_start3A_487 = arith.constant 0 : i32
    %dma_start3A_488 = arith.constant 0 : i32
    %dma_start3A_489 = tpu.memref_slice %arg13[%dma_start3A_487, %dma_start3A_488] : memref<10240x64xf32, #tpu.memory_space<vmem_shared>> -> memref<10240x64xf32, #tpu.memory_space<vmem_shared>>
    tpu.enqueue_indirect_dma source(%dma_start3A_483 : memref<128x64xf32, #tpu.memory_space<vmem>>) target(%dma_start3A_489 : memref<10240x64xf32, #tpu.memory_space<vmem_shared>>) offsets(%dma_start3A_486 : memref<128xi32, #tpu.memory_space<vmem>>) semaphore(%arg20 : memref<!tpu.dma_semaphore, #tpu.memory_space<semaphore_mem>>) {add = true}
    %dma_wait3A_490 = arith.constant 70 : i32
    %dma_wait3A_491 = arith.constant 0 : i32
    %dma_wait3A_492 = arith.constant 0 : i32
    %dma_wait3A_493 = tpu.memref_slice %arg12[%dma_wait3A_491, %dma_wait3A_492] : memref<256x64xf32, #tpu.memory_space<vmem>> -> memref<128x64xf32, #tpu.memory_space<vmem>>
    %dma_wait3A_494 = arith.constant 0 : i32
    %dma_wait3A_495 = tpu.memref_slice %arg8[%dma_wait3A_490, %dma_wait3A_494] : memref<79x128xi32, #tpu.memory_space<vmem>> -> memref<1x128xi32, #tpu.memory_space<vmem>>
    %dma_wait3A_496 = tpu.memref_squeeze %dma_wait3A_495 : memref<1x128xi32, #tpu.memory_space<vmem>> -> memref<128xi32, #tpu.memory_space<vmem>>
    %dma_wait3A_497 = arith.constant 0 : i32
    %dma_wait3A_498 = arith.constant 0 : i32
    %dma_wait3A_499 = tpu.memref_slice %arg13[%dma_wait3A_497, %dma_wait3A_498] : memref<10240x64xf32, #tpu.memory_space<vmem_shared>> -> memref<10240x64xf32, #tpu.memory_space<vmem_shared>>
    tpu.wait_indirect_dma semaphore(%arg21 : memref<!tpu.dma_semaphore, #tpu.memory_space<semaphore_mem>>) src(%dma_wait3A_493 : memref<128x64xf32, #tpu.memory_space<vmem>>) dst(%dma_wait3A_499 : memref<10240x64xf32, #tpu.memory_space<vmem_shared>>)
    %dma_wait3A_500 = arith.constant 71 : i32
    %dma_wait3A_501 = arith.constant 128 : i32
    %dma_wait3A_502 = arith.constant 0 : i32
    %dma_wait3A_503 = tpu.memref_slice %arg12[%dma_wait3A_501, %dma_wait3A_502] : memref<256x64xf32, #tpu.memory_space<vmem>> -> memref<128x64xf32, #tpu.memory_space<vmem>>
    %dma_wait3A_504 = arith.constant 0 : i32
    %dma_wait3A_505 = tpu.memref_slice %arg8[%dma_wait3A_500, %dma_wait3A_504] : memref<79x128xi32, #tpu.memory_space<vmem>> -> memref<1x128xi32, #tpu.memory_space<vmem>>
    %dma_wait3A_506 = tpu.memref_squeeze %dma_wait3A_505 : memref<1x128xi32, #tpu.memory_space<vmem>> -> memref<128xi32, #tpu.memory_space<vmem>>
    %dma_wait3A_507 = arith.constant 0 : i32
    %dma_wait3A_508 = arith.constant 0 : i32
    %dma_wait3A_509 = tpu.memref_slice %arg13[%dma_wait3A_507, %dma_wait3A_508] : memref<10240x64xf32, #tpu.memory_space<vmem_shared>> -> memref<10240x64xf32, #tpu.memory_space<vmem_shared>>
    tpu.wait_indirect_dma semaphore(%arg21 : memref<!tpu.dma_semaphore, #tpu.memory_space<semaphore_mem>>) src(%dma_wait3A_503 : memref<128x64xf32, #tpu.memory_space<vmem>>) dst(%dma_wait3A_509 : memref<10240x64xf32, #tpu.memory_space<vmem_shared>>)
    %dma_wait3A_510 = arith.constant 72 : i32
    %dma_wait3A_511 = arith.constant 0 : i32
    %dma_wait3A_512 = arith.constant 0 : i32
    %dma_wait3A_513 = tpu.memref_slice %arg9[%dma_wait3A_511, %dma_wait3A_512] : memref<256x64xf32, #tpu.memory_space<vmem>> -> memref<128x64xf32, #tpu.memory_space<vmem>>
    %dma_wait3A_514 = arith.constant 0 : i32
    %dma_wait3A_515 = tpu.memref_slice %arg8[%dma_wait3A_510, %dma_wait3A_514] : memref<79x128xi32, #tpu.memory_space<vmem>> -> memref<1x128xi32, #tpu.memory_space<vmem>>
    %dma_wait3A_516 = tpu.memref_squeeze %dma_wait3A_515 : memref<1x128xi32, #tpu.memory_space<vmem>> -> memref<128xi32, #tpu.memory_space<vmem>>
    %dma_wait3A_517 = arith.constant 0 : i32
    %dma_wait3A_518 = arith.constant 0 : i32
    %dma_wait3A_519 = tpu.memref_slice %arg13[%dma_wait3A_517, %dma_wait3A_518] : memref<10240x64xf32, #tpu.memory_space<vmem_shared>> -> memref<10240x64xf32, #tpu.memory_space<vmem_shared>>
    tpu.wait_indirect_dma semaphore(%arg18 : memref<!tpu.dma_semaphore, #tpu.memory_space<semaphore_mem>>) src(%dma_wait3A_513 : memref<128x64xf32, #tpu.memory_space<vmem>>) dst(%dma_wait3A_519 : memref<10240x64xf32, #tpu.memory_space<vmem_shared>>)
    %dma_wait3A_520 = arith.constant 73 : i32
    %dma_wait3A_521 = arith.constant 128 : i32
    %dma_wait3A_522 = arith.constant 0 : i32
    %dma_wait3A_523 = tpu.memref_slice %arg9[%dma_wait3A_521, %dma_wait3A_522] : memref<256x64xf32, #tpu.memory_space<vmem>> -> memref<128x64xf32, #tpu.memory_space<vmem>>
    %dma_wait3A_524 = arith.constant 0 : i32
    %dma_wait3A_525 = tpu.memref_slice %arg8[%dma_wait3A_520, %dma_wait3A_524] : memref<79x128xi32, #tpu.memory_space<vmem>> -> memref<1x128xi32, #tpu.memory_space<vmem>>
    %dma_wait3A_526 = tpu.memref_squeeze %dma_wait3A_525 : memref<1x128xi32, #tpu.memory_space<vmem>> -> memref<128xi32, #tpu.memory_space<vmem>>
    %dma_wait3A_527 = arith.constant 0 : i32
    %dma_wait3A_528 = arith.constant 0 : i32
    %dma_wait3A_529 = tpu.memref_slice %arg13[%dma_wait3A_527, %dma_wait3A_528] : memref<10240x64xf32, #tpu.memory_space<vmem_shared>> -> memref<10240x64xf32, #tpu.memory_space<vmem_shared>>
    tpu.wait_indirect_dma semaphore(%arg18 : memref<!tpu.dma_semaphore, #tpu.memory_space<semaphore_mem>>) src(%dma_wait3A_523 : memref<128x64xf32, #tpu.memory_space<vmem>>) dst(%dma_wait3A_529 : memref<10240x64xf32, #tpu.memory_space<vmem_shared>>)
    %dma_wait3A_530 = arith.constant 74 : i32
    %dma_wait3A_531 = arith.constant 0 : i32
    %dma_wait3A_532 = arith.constant 0 : i32
    %dma_wait3A_533 = tpu.memref_slice %arg10[%dma_wait3A_531, %dma_wait3A_532] : memref<256x64xf32, #tpu.memory_space<vmem>> -> memref<128x64xf32, #tpu.memory_space<vmem>>
    %dma_wait3A_534 = arith.constant 0 : i32
    %dma_wait3A_535 = tpu.memref_slice %arg8[%dma_wait3A_530, %dma_wait3A_534] : memref<79x128xi32, #tpu.memory_space<vmem>> -> memref<1x128xi32, #tpu.memory_space<vmem>>
    %dma_wait3A_536 = tpu.memref_squeeze %dma_wait3A_535 : memref<1x128xi32, #tpu.memory_space<vmem>> -> memref<128xi32, #tpu.memory_space<vmem>>
    %dma_wait3A_537 = arith.constant 0 : i32
    %dma_wait3A_538 = arith.constant 0 : i32
    %dma_wait3A_539 = tpu.memref_slice %arg13[%dma_wait3A_537, %dma_wait3A_538] : memref<10240x64xf32, #tpu.memory_space<vmem_shared>> -> memref<10240x64xf32, #tpu.memory_space<vmem_shared>>
    tpu.wait_indirect_dma semaphore(%arg19 : memref<!tpu.dma_semaphore, #tpu.memory_space<semaphore_mem>>) src(%dma_wait3A_533 : memref<128x64xf32, #tpu.memory_space<vmem>>) dst(%dma_wait3A_539 : memref<10240x64xf32, #tpu.memory_space<vmem_shared>>)
    %dma_wait3A_540 = arith.constant 75 : i32
    %dma_wait3A_541 = arith.constant 128 : i32
    %dma_wait3A_542 = arith.constant 0 : i32
    %dma_wait3A_543 = tpu.memref_slice %arg10[%dma_wait3A_541, %dma_wait3A_542] : memref<256x64xf32, #tpu.memory_space<vmem>> -> memref<128x64xf32, #tpu.memory_space<vmem>>
    %dma_wait3A_544 = arith.constant 0 : i32
    %dma_wait3A_545 = tpu.memref_slice %arg8[%dma_wait3A_540, %dma_wait3A_544] : memref<79x128xi32, #tpu.memory_space<vmem>> -> memref<1x128xi32, #tpu.memory_space<vmem>>
    %dma_wait3A_546 = tpu.memref_squeeze %dma_wait3A_545 : memref<1x128xi32, #tpu.memory_space<vmem>> -> memref<128xi32, #tpu.memory_space<vmem>>
    %dma_wait3A_547 = arith.constant 0 : i32
    %dma_wait3A_548 = arith.constant 0 : i32
    %dma_wait3A_549 = tpu.memref_slice %arg13[%dma_wait3A_547, %dma_wait3A_548] : memref<10240x64xf32, #tpu.memory_space<vmem_shared>> -> memref<10240x64xf32, #tpu.memory_space<vmem_shared>>
    tpu.wait_indirect_dma semaphore(%arg19 : memref<!tpu.dma_semaphore, #tpu.memory_space<semaphore_mem>>) src(%dma_wait3A_543 : memref<128x64xf32, #tpu.memory_space<vmem>>) dst(%dma_wait3A_549 : memref<10240x64xf32, #tpu.memory_space<vmem_shared>>)
    %dma_wait3A_550 = arith.constant 76 : i32
    %dma_wait3A_551 = arith.constant 0 : i32
    %dma_wait3A_552 = arith.constant 0 : i32
    %dma_wait3A_553 = tpu.memref_slice %arg11[%dma_wait3A_551, %dma_wait3A_552] : memref<256x64xf32, #tpu.memory_space<vmem>> -> memref<128x64xf32, #tpu.memory_space<vmem>>
    %dma_wait3A_554 = arith.constant 0 : i32
    %dma_wait3A_555 = tpu.memref_slice %arg8[%dma_wait3A_550, %dma_wait3A_554] : memref<79x128xi32, #tpu.memory_space<vmem>> -> memref<1x128xi32, #tpu.memory_space<vmem>>
    %dma_wait3A_556 = tpu.memref_squeeze %dma_wait3A_555 : memref<1x128xi32, #tpu.memory_space<vmem>> -> memref<128xi32, #tpu.memory_space<vmem>>
    %dma_wait3A_557 = arith.constant 0 : i32
    %dma_wait3A_558 = arith.constant 0 : i32
    %dma_wait3A_559 = tpu.memref_slice %arg13[%dma_wait3A_557, %dma_wait3A_558] : memref<10240x64xf32, #tpu.memory_space<vmem_shared>> -> memref<10240x64xf32, #tpu.memory_space<vmem_shared>>
    tpu.wait_indirect_dma semaphore(%arg20 : memref<!tpu.dma_semaphore, #tpu.memory_space<semaphore_mem>>) src(%dma_wait3A_553 : memref<128x64xf32, #tpu.memory_space<vmem>>) dst(%dma_wait3A_559 : memref<10240x64xf32, #tpu.memory_space<vmem_shared>>)
    %dma_wait3A_560 = arith.constant 77 : i32
    %dma_wait3A_561 = arith.constant 128 : i32
    %dma_wait3A_562 = arith.constant 0 : i32
    %dma_wait3A_563 = tpu.memref_slice %arg11[%dma_wait3A_561, %dma_wait3A_562] : memref<256x64xf32, #tpu.memory_space<vmem>> -> memref<128x64xf32, #tpu.memory_space<vmem>>
    %dma_wait3A_564 = arith.constant 0 : i32
    %dma_wait3A_565 = tpu.memref_slice %arg8[%dma_wait3A_560, %dma_wait3A_564] : memref<79x128xi32, #tpu.memory_space<vmem>> -> memref<1x128xi32, #tpu.memory_space<vmem>>
    %dma_wait3A_566 = tpu.memref_squeeze %dma_wait3A_565 : memref<1x128xi32, #tpu.memory_space<vmem>> -> memref<128xi32, #tpu.memory_space<vmem>>
    %dma_wait3A_567 = arith.constant 0 : i32
    %dma_wait3A_568 = arith.constant 0 : i32
    %dma_wait3A_569 = tpu.memref_slice %arg13[%dma_wait3A_567, %dma_wait3A_568] : memref<10240x64xf32, #tpu.memory_space<vmem_shared>> -> memref<10240x64xf32, #tpu.memory_space<vmem_shared>>
    tpu.wait_indirect_dma semaphore(%arg20 : memref<!tpu.dma_semaphore, #tpu.memory_space<semaphore_mem>>) src(%dma_wait3A_563 : memref<128x64xf32, #tpu.memory_space<vmem>>) dst(%dma_wait3A_569 : memref<10240x64xf32, #tpu.memory_space<vmem_shared>>)
    %lt3A_570 = arith.constant 4 : i32
    %lt3A_571 = arith.cmpi slt, %add3A, %lt3A_570 : i32
    %convert_element_type3A_572 = arith.extui %lt3A_571 : i1 to i32
    %cond3A_573 = arith.constant 0 : i32
    %cond3A_574 = arith.cmpi ne, %convert_element_type3A_572, %cond3A_573 : i32
    scf.if %cond3A_574 {
      %dma_start3A_576 = arith.constant 78 : i32
      %dma_start3A_577 = arith.constant 0 : i32
      %dma_start3A_578 = arith.constant 0 : i32
      %dma_start3A_579 = tpu.memref_slice %arg9[%dma_start3A_577, %dma_start3A_578] : memref<256x64xf32, #tpu.memory_space<vmem>> -> memref<128x64xf32, #tpu.memory_space<vmem>>
      %dma_start3A_580 = arith.constant 0 : i32
      %dma_start3A_581 = tpu.memref_slice %arg7[%dma_start3A_576, %dma_start3A_580] : memref<79x128xi32, #tpu.memory_space<vmem>> -> memref<1x128xi32, #tpu.memory_space<vmem>>
      %dma_start3A_582 = tpu.memref_squeeze %dma_start3A_581 : memref<1x128xi32, #tpu.memory_space<vmem>> -> memref<128xi32, #tpu.memory_space<vmem>>
      %dma_start3A_583 = arith.constant 0 : i32
      %dma_start3A_584 = arith.constant 0 : i32
      %dma_start3A_585 = tpu.memref_slice %arg2[%dma_start3A_583, %dma_start3A_584] : memref<10240x64xf32, #tpu.memory_space<hbm>> -> memref<10240x64xf32, #tpu.memory_space<hbm>>
      tpu.enqueue_indirect_dma source(%dma_start3A_585 : memref<10240x64xf32, #tpu.memory_space<hbm>>) target(%dma_start3A_579 : memref<128x64xf32, #tpu.memory_space<vmem>>) offsets(%dma_start3A_582 : memref<128xi32, #tpu.memory_space<vmem>>) semaphore(%arg14 : memref<!tpu.dma_semaphore, #tpu.memory_space<semaphore_mem>>)
      %dma_wait3A_586 = arith.constant 78 : i32
      %dma_wait3A_587 = arith.constant 0 : i32
      %dma_wait3A_588 = arith.constant 0 : i32
      %dma_wait3A_589 = tpu.memref_slice %arg9[%dma_wait3A_587, %dma_wait3A_588] : memref<256x64xf32, #tpu.memory_space<vmem>> -> memref<128x64xf32, #tpu.memory_space<vmem>>
      %dma_wait3A_590 = arith.constant 0 : i32
      %dma_wait3A_591 = tpu.memref_slice %arg7[%dma_wait3A_586, %dma_wait3A_590] : memref<79x128xi32, #tpu.memory_space<vmem>> -> memref<1x128xi32, #tpu.memory_space<vmem>>
      %dma_wait3A_592 = tpu.memref_squeeze %dma_wait3A_591 : memref<1x128xi32, #tpu.memory_space<vmem>> -> memref<128xi32, #tpu.memory_space<vmem>>
      %dma_wait3A_593 = arith.constant 0 : i32
      %dma_wait3A_594 = arith.constant 0 : i32
      %dma_wait3A_595 = tpu.memref_slice %arg2[%dma_wait3A_593, %dma_wait3A_594] : memref<10240x64xf32, #tpu.memory_space<hbm>> -> memref<10240x64xf32, #tpu.memory_space<hbm>>
      tpu.wait_indirect_dma semaphore(%arg14 : memref<!tpu.dma_semaphore, #tpu.memory_space<semaphore_mem>>) src(%dma_wait3A_595 : memref<10240x64xf32, #tpu.memory_space<hbm>>) dst(%dma_wait3A_589 : memref<128x64xf32, #tpu.memory_space<vmem>>)
      %run_scoped3A = arith.constant 78 : i32
      "tpu.region"() ({
        %run_scoped3A_596 = tpu.sem_alloc : memref<!tpu.dma_semaphore, #tpu.memory_space<semaphore_mem>>
        %dma_start3A_597 = arith.constant 0 : i32
        %dma_start3A_598 = arith.constant 0 : i32
        %dma_start3A_599 = tpu.memref_slice %arg9[%dma_start3A_597, %dma_start3A_598] : memref<256x64xf32, #tpu.memory_space<vmem>> -> memref<128x64xf32, #tpu.memory_space<vmem>>
        %dma_start3A_600 = arith.constant 0 : i32
        %dma_start3A_601 = tpu.memref_slice %arg8[%run_scoped3A, %dma_start3A_600] : memref<79x128xi32, #tpu.memory_space<vmem>> -> memref<1x128xi32, #tpu.memory_space<vmem>>
        %dma_start3A_602 = tpu.memref_squeeze %dma_start3A_601 : memref<1x128xi32, #tpu.memory_space<vmem>> -> memref<128xi32, #tpu.memory_space<vmem>>
        %dma_start3A_603 = arith.constant 0 : i32
        %dma_start3A_604 = arith.constant 0 : i32
        %dma_start3A_605 = tpu.memref_slice %arg13[%dma_start3A_603, %dma_start3A_604] : memref<10240x64xf32, #tpu.memory_space<vmem_shared>> -> memref<10240x64xf32, #tpu.memory_space<vmem_shared>>
        tpu.enqueue_indirect_dma source(%dma_start3A_599 : memref<128x64xf32, #tpu.memory_space<vmem>>) target(%dma_start3A_605 : memref<10240x64xf32, #tpu.memory_space<vmem_shared>>) offsets(%dma_start3A_602 : memref<128xi32, #tpu.memory_space<vmem>>) semaphore(%run_scoped3A_596 : memref<!tpu.dma_semaphore, #tpu.memory_space<semaphore_mem>>) {add = true}
        %dma_wait3A_606 = arith.constant 0 : i32
        %dma_wait3A_607 = arith.constant 0 : i32
        %dma_wait3A_608 = tpu.memref_slice %arg9[%dma_wait3A_606, %dma_wait3A_607] : memref<256x64xf32, #tpu.memory_space<vmem>> -> memref<128x64xf32, #tpu.memory_space<vmem>>
        %dma_wait3A_609 = arith.constant 0 : i32
        %dma_wait3A_610 = tpu.memref_slice %arg8[%run_scoped3A, %dma_wait3A_609] : memref<79x128xi32, #tpu.memory_space<vmem>> -> memref<1x128xi32, #tpu.memory_space<vmem>>
        %dma_wait3A_611 = tpu.memref_squeeze %dma_wait3A_610 : memref<1x128xi32, #tpu.memory_space<vmem>> -> memref<128xi32, #tpu.memory_space<vmem>>
        %dma_wait3A_612 = arith.constant 0 : i32
        %dma_wait3A_613 = arith.constant 0 : i32
        %dma_wait3A_614 = tpu.memref_slice %arg13[%dma_wait3A_612, %dma_wait3A_613] : memref<10240x64xf32, #tpu.memory_space<vmem_shared>> -> memref<10240x64xf32, #tpu.memory_space<vmem_shared>>
        tpu.wait_indirect_dma semaphore(%run_scoped3A_596 : memref<!tpu.dma_semaphore, #tpu.memory_space<semaphore_mem>>) src(%dma_wait3A_608 : memref<128x64xf32, #tpu.memory_space<vmem>>) dst(%dma_wait3A_614 : memref<10240x64xf32, #tpu.memory_space<vmem_shared>>)
        tpu.yield
      }) : () -> ()
    } else {
    }
    %barrier3A_575 = arith.constant 0 : index
    tpu.barrier barrier_id(%barrier3A_575)
    "tpu.region"() ({
      %run_scoped3A = tpu.sem_alloc : memref<!tpu.dma_semaphore, #tpu.memory_space<semaphore_mem>>
      %dma_start3A_576 = arith.constant 0 : i32
      %dma_start3A_577 = tpu.memref_slice %arg6[%arg0, %mul3A_2, %dma_start3A_576] : memref<2x10240x64xf32, #tpu.memory_space<hbm>> -> memref<1x640x64xf32, #tpu.memory_space<hbm>>
      %dma_start3A_578 = tpu.memref_squeeze %dma_start3A_577 : memref<1x640x64xf32, #tpu.memory_space<hbm>> -> memref<640x64xf32, #tpu.memory_space<hbm>>
      %dma_start3A_579 = arith.constant 0 : i32
      %dma_start3A_580 = tpu.memref_slice %arg13[%mul3A_2, %dma_start3A_579] : memref<10240x64xf32, #tpu.memory_space<vmem_shared>> -> memref<640x64xf32, #tpu.memory_space<vmem_shared>>
      tpu.enqueue_dma source(%dma_start3A_580 : memref<640x64xf32, #tpu.memory_space<vmem_shared>>) target(%dma_start3A_578 : memref<640x64xf32, #tpu.memory_space<hbm>>) target_semaphore(%run_scoped3A : memref<!tpu.dma_semaphore, #tpu.memory_space<semaphore_mem>>)
      %dma_wait3A_581 = arith.constant 0 : i32
      %dma_wait3A_582 = tpu.memref_slice %arg6[%arg0, %mul3A_2, %dma_wait3A_581] : memref<2x10240x64xf32, #tpu.memory_space<hbm>> -> memref<1x640x64xf32, #tpu.memory_space<hbm>>
      %dma_wait3A_583 = tpu.memref_squeeze %dma_wait3A_582 : memref<1x640x64xf32, #tpu.memory_space<hbm>> -> memref<640x64xf32, #tpu.memory_space<hbm>>
      %dma_wait3A_584 = arith.constant 0 : i32
      %dma_wait3A_585 = tpu.memref_slice %arg13[%mul3A_2, %dma_wait3A_584] : memref<10240x64xf32, #tpu.memory_space<vmem_shared>> -> memref<640x64xf32, #tpu.memory_space<vmem_shared>>
      tpu.wait_dma2 semaphore(%run_scoped3A : memref<!tpu.dma_semaphore, #tpu.memory_space<semaphore_mem>>) src(%dma_wait3A_585 : memref<640x64xf32, #tpu.memory_space<vmem_shared>>) dst(%dma_wait3A_583 : memref<640x64xf32, #tpu.memory_space<hbm>>)
      tpu.yield
    }) : () -> ()
    return
  }
}

#map = affine_map<(d0, d1) -> (0, 0)>
#map1 = affine_map<(d0, d1) -> (0, 0, 0)>
module attributes {stable_mosaic.version = 14 : i64} {
  func.func @body(%arg0: i32, %arg1: i32, %arg2: memref<10240x32xf32, #tpu.memory_space<hbm>>, %arg3: memref<2500x128xi32, #tpu.memory_space<hbm>>, %arg4: memref<2500x128xi32, #tpu.memory_space<hbm>>, %arg5: memref<10240x32xf32, #tpu.memory_space<hbm>>, %arg6: memref<2x10240x32xf32, #tpu.memory_space<hbm>>, %arg7: memref<79x128xi32, #tpu.memory_space<vmem>>, %arg8: memref<79x128xi32, #tpu.memory_space<vmem>>, %arg9: memref<256x32xf32, #tpu.memory_space<vmem>>, %arg10: memref<256x32xf32, #tpu.memory_space<vmem>>, %arg11: memref<256x32xf32, #tpu.memory_space<vmem>>, %arg12: memref<256x32xf32, #tpu.memory_space<vmem>>, %arg13: memref<10240x32xf32, #tpu.memory_space<vmem_shared>>, %arg14: memref<!tpu.dma_semaphore, #tpu.memory_space<semaphore_mem>>, %arg15: memref<!tpu.dma_semaphore, #tpu.memory_space<semaphore_mem>>, %arg16: memref<!tpu.dma_semaphore, #tpu.memory_space<semaphore_mem>>, %arg17: memref<!tpu.dma_semaphore, #tpu.memory_space<semaphore_mem>>, %arg18: memref<!tpu.dma_semaphore, #tpu.memory_space<semaphore_mem>>, %arg19: memref<!tpu.dma_semaphore, #tpu.memory_space<semaphore_mem>>, %arg20: memref<!tpu.dma_semaphore, #tpu.memory_space<semaphore_mem>>, %arg21: memref<!tpu.dma_semaphore, #tpu.memory_space<semaphore_mem>>) attributes {dimension_semantics = [#tpu.dimension_semantics<core_parallel>, #tpu.dimension_semantics<subcore_parallel>], iteration_bounds = array<i64: 2, 16>, scalar_prefetch = 0 : i64, scratch_operands = 15 : i64, tpu.core_type = #tpu.core_type<sc_vector_subcore>, window_params = [{transform_indices = #map}, {transform_indices = #map}, {transform_indices = #map}, {transform_indices = #map}, {transform_indices = #map1}]} {
    %mul3A = arith.constant 2 : i32
    %mul3A_0 = arith.muli %arg1, %mul3A : i32
    %add3A = arith.addi %mul3A_0, %arg0 : i32
    %mul3A_1 = arith.constant 640 : i32
    %mul3A_2 = arith.muli %arg1, %mul3A_1 : i32
    "tpu.region"() ({
      %run_scoped3A = tpu.sem_alloc : memref<!tpu.dma_semaphore, #tpu.memory_space<semaphore_mem>>
      %dma_start3A_576 = arith.constant 0 : i32
      %dma_start3A_577 = tpu.memref_slice %arg13[%mul3A_2, %dma_start3A_576] : memref<10240x32xf32, #tpu.memory_space<vmem_shared>> -> memref<640x32xf32, #tpu.memory_space<vmem_shared>>
      %dma_start3A_578 = arith.constant 0 : i32
      %dma_start3A_579 = tpu.memref_slice %arg5[%mul3A_2, %dma_start3A_578] : memref<10240x32xf32, #tpu.memory_space<hbm>> -> memref<640x32xf32, #tpu.memory_space<hbm>>
      tpu.enqueue_dma source(%dma_start3A_579 : memref<640x32xf32, #tpu.memory_space<hbm>>) target(%dma_start3A_577 : memref<640x32xf32, #tpu.memory_space<vmem_shared>>) target_semaphore(%run_scoped3A : memref<!tpu.dma_semaphore, #tpu.memory_space<semaphore_mem>>)
      %dma_wait3A_580 = arith.constant 0 : i32
      %dma_wait3A_581 = tpu.memref_slice %arg13[%mul3A_2, %dma_wait3A_580] : memref<10240x32xf32, #tpu.memory_space<vmem_shared>> -> memref<640x32xf32, #tpu.memory_space<vmem_shared>>
      %dma_wait3A_582 = arith.constant 0 : i32
      %dma_wait3A_583 = tpu.memref_slice %arg5[%mul3A_2, %dma_wait3A_582] : memref<10240x32xf32, #tpu.memory_space<hbm>> -> memref<640x32xf32, #tpu.memory_space<hbm>>
      tpu.wait_dma2 semaphore(%run_scoped3A : memref<!tpu.dma_semaphore, #tpu.memory_space<semaphore_mem>>) src(%dma_wait3A_583 : memref<640x32xf32, #tpu.memory_space<hbm>>) dst(%dma_wait3A_581 : memref<640x32xf32, #tpu.memory_space<vmem_shared>>)
      tpu.yield
    }) : () -> ()
    %mul3A_3 = arith.constant 78 : i32
    %mul3A_4 = arith.muli %mul3A_3, %add3A : i32
    "tpu.region"() ({
      %run_scoped3A = tpu.sem_alloc : memref<!tpu.dma_semaphore, #tpu.memory_space<semaphore_mem>>
      %dma_start3A_576 = arith.constant 0 : i32
      %dma_start3A_577 = arith.constant 0 : i32
      %dma_start3A_578 = tpu.memref_slice %arg7[%dma_start3A_576, %dma_start3A_577] : memref<79x128xi32, #tpu.memory_space<vmem>> -> memref<78x128xi32, #tpu.memory_space<vmem>>
      %dma_start3A_579 = arith.constant 0 : i32
      %dma_start3A_580 = tpu.memref_slice %arg3[%mul3A_4, %dma_start3A_579] : memref<2500x128xi32, #tpu.memory_space<hbm>> -> memref<78x128xi32, #tpu.memory_space<hbm>>
      %dma_start3A_581 = arith.constant 0 : i32
      %dma_start3A_582 = arith.constant 0 : i32
      %dma_start3A_583 = tpu.memref_slice %arg7[%dma_start3A_581, %dma_start3A_582] : memref<79x128xi32, #tpu.memory_space<vmem>> -> memref<78x128xi32, #tpu.memory_space<vmem>>
      %dma_start3A_584 = arith.constant 0 : i32
      %dma_start3A_585 = tpu.memref_slice %arg3[%mul3A_4, %dma_start3A_584] : memref<2500x128xi32, #tpu.memory_space<hbm>> -> memref<78x128xi32, #tpu.memory_space<hbm>>
      tpu.enqueue_dma source(%dma_start3A_585 : memref<78x128xi32, #tpu.memory_space<hbm>>) target(%dma_start3A_583 : memref<78x128xi32, #tpu.memory_space<vmem>>) target_semaphore(%run_scoped3A : memref<!tpu.dma_semaphore, #tpu.memory_space<semaphore_mem>>)
      %dma_wait3A_586 = arith.constant 0 : i32
      %dma_wait3A_587 = arith.constant 0 : i32
      %dma_wait3A_588 = tpu.memref_slice %arg7[%dma_wait3A_586, %dma_wait3A_587] : memref<79x128xi32, #tpu.memory_space<vmem>> -> memref<78x128xi32, #tpu.memory_space<vmem>>
      %dma_wait3A_589 = arith.constant 0 : i32
      %dma_wait3A_590 = tpu.memref_slice %arg3[%mul3A_4, %dma_wait3A_589] : memref<2500x128xi32, #tpu.memory_space<hbm>> -> memref<78x128xi32, #tpu.memory_space<hbm>>
      %dma_wait3A_591 = arith.constant 0 : i32
      %dma_wait3A_592 = arith.constant 0 : i32
      %dma_wait3A_593 = tpu.memref_slice %arg7[%dma_wait3A_591, %dma_wait3A_592] : memref<79x128xi32, #tpu.memory_space<vmem>> -> memref<78x128xi32, #tpu.memory_space<vmem>>
      %dma_wait3A_594 = arith.constant 0 : i32
      %dma_wait3A_595 = tpu.memref_slice %arg3[%mul3A_4, %dma_wait3A_594] : memref<2500x128xi32, #tpu.memory_space<hbm>> -> memref<78x128xi32, #tpu.memory_space<hbm>>
      tpu.wait_dma2 semaphore(%run_scoped3A : memref<!tpu.dma_semaphore, #tpu.memory_space<semaphore_mem>>) src(%dma_wait3A_595 : memref<78x128xi32, #tpu.memory_space<hbm>>) dst(%dma_wait3A_593 : memref<78x128xi32, #tpu.memory_space<vmem>>)
      tpu.yield
    }) : () -> ()
    "tpu.region"() ({
      %run_scoped3A = tpu.sem_alloc : memref<!tpu.dma_semaphore, #tpu.memory_space<semaphore_mem>>
      %dma_start3A_576 = arith.constant 0 : i32
      %dma_start3A_577 = arith.constant 0 : i32
      %dma_start3A_578 = tpu.memref_slice %arg8[%dma_start3A_576, %dma_start3A_577] : memref<79x128xi32, #tpu.memory_space<vmem>> -> memref<78x128xi32, #tpu.memory_space<vmem>>
      %dma_start3A_579 = arith.constant 0 : i32
      %dma_start3A_580 = tpu.memref_slice %arg4[%mul3A_4, %dma_start3A_579] : memref<2500x128xi32, #tpu.memory_space<hbm>> -> memref<78x128xi32, #tpu.memory_space<hbm>>
      %dma_start3A_581 = arith.constant 0 : i32
      %dma_start3A_582 = arith.constant 0 : i32
      %dma_start3A_583 = tpu.memref_slice %arg8[%dma_start3A_581, %dma_start3A_582] : memref<79x128xi32, #tpu.memory_space<vmem>> -> memref<78x128xi32, #tpu.memory_space<vmem>>
      %dma_start3A_584 = arith.constant 0 : i32
      %dma_start3A_585 = tpu.memref_slice %arg4[%mul3A_4, %dma_start3A_584] : memref<2500x128xi32, #tpu.memory_space<hbm>> -> memref<78x128xi32, #tpu.memory_space<hbm>>
      tpu.enqueue_dma source(%dma_start3A_585 : memref<78x128xi32, #tpu.memory_space<hbm>>) target(%dma_start3A_583 : memref<78x128xi32, #tpu.memory_space<vmem>>) target_semaphore(%run_scoped3A : memref<!tpu.dma_semaphore, #tpu.memory_space<semaphore_mem>>)
      %dma_wait3A_586 = arith.constant 0 : i32
      %dma_wait3A_587 = arith.constant 0 : i32
      %dma_wait3A_588 = tpu.memref_slice %arg8[%dma_wait3A_586, %dma_wait3A_587] : memref<79x128xi32, #tpu.memory_space<vmem>> -> memref<78x128xi32, #tpu.memory_space<vmem>>
      %dma_wait3A_589 = arith.constant 0 : i32
      %dma_wait3A_590 = tpu.memref_slice %arg4[%mul3A_4, %dma_wait3A_589] : memref<2500x128xi32, #tpu.memory_space<hbm>> -> memref<78x128xi32, #tpu.memory_space<hbm>>
      %dma_wait3A_591 = arith.constant 0 : i32
      %dma_wait3A_592 = arith.constant 0 : i32
      %dma_wait3A_593 = tpu.memref_slice %arg8[%dma_wait3A_591, %dma_wait3A_592] : memref<79x128xi32, #tpu.memory_space<vmem>> -> memref<78x128xi32, #tpu.memory_space<vmem>>
      %dma_wait3A_594 = arith.constant 0 : i32
      %dma_wait3A_595 = tpu.memref_slice %arg4[%mul3A_4, %dma_wait3A_594] : memref<2500x128xi32, #tpu.memory_space<hbm>> -> memref<78x128xi32, #tpu.memory_space<hbm>>
      tpu.wait_dma2 semaphore(%run_scoped3A : memref<!tpu.dma_semaphore, #tpu.memory_space<semaphore_mem>>) src(%dma_wait3A_595 : memref<78x128xi32, #tpu.memory_space<hbm>>) dst(%dma_wait3A_593 : memref<78x128xi32, #tpu.memory_space<vmem>>)
      tpu.yield
    }) : () -> ()
    %lt3A = arith.constant 4 : i32
    %lt3A_5 = arith.cmpi slt, %add3A, %lt3A : i32
    %convert_element_type3A = arith.extui %lt3A_5 : i1 to i32
    %cond3A = arith.constant 0 : i32
    %cond3A_6 = arith.cmpi ne, %convert_element_type3A, %cond3A : i32
    scf.if %cond3A_6 {
      %add3A_576 = arith.constant 2496 : i32
      %add3A_577 = arith.addi %add3A_576, %add3A : i32
      "tpu.region"() ({
        %run_scoped3A = tpu.sem_alloc : memref<!tpu.dma_semaphore, #tpu.memory_space<semaphore_mem>>
        %dma_start3A_578 = arith.constant 78 : i32
        %dma_start3A_579 = arith.constant 0 : i32
        %dma_start3A_580 = tpu.memref_slice %arg7[%dma_start3A_578, %dma_start3A_579] : memref<79x128xi32, #tpu.memory_space<vmem>> -> memref<1x128xi32, #tpu.memory_space<vmem>>
        %dma_start3A_581 = arith.constant 0 : i32
        %dma_start3A_582 = tpu.memref_slice %arg3[%add3A_577, %dma_start3A_581] : memref<2500x128xi32, #tpu.memory_space<hbm>> -> memref<1x128xi32, #tpu.memory_space<hbm>>
        %dma_start3A_583 = arith.constant 78 : i32
        %dma_start3A_584 = arith.constant 0 : i32
        %dma_start3A_585 = tpu.memref_slice %arg7[%dma_start3A_583, %dma_start3A_584] : memref<79x128xi32, #tpu.memory_space<vmem>> -> memref<1x128xi32, #tpu.memory_space<vmem>>
        %dma_start3A_586 = arith.constant 0 : i32
        %dma_start3A_587 = tpu.memref_slice %arg3[%add3A_577, %dma_start3A_586] : memref<2500x128xi32, #tpu.memory_space<hbm>> -> memref<1x128xi32, #tpu.memory_space<hbm>>
        tpu.enqueue_dma source(%dma_start3A_587 : memref<1x128xi32, #tpu.memory_space<hbm>>) target(%dma_start3A_585 : memref<1x128xi32, #tpu.memory_space<vmem>>) target_semaphore(%run_scoped3A : memref<!tpu.dma_semaphore, #tpu.memory_space<semaphore_mem>>)
        %dma_wait3A_588 = arith.constant 78 : i32
        %dma_wait3A_589 = arith.constant 0 : i32
        %dma_wait3A_590 = tpu.memref_slice %arg7[%dma_wait3A_588, %dma_wait3A_589] : memref<79x128xi32, #tpu.memory_space<vmem>> -> memref<1x128xi32, #tpu.memory_space<vmem>>
        %dma_wait3A_591 = arith.constant 0 : i32
        %dma_wait3A_592 = tpu.memref_slice %arg3[%add3A_577, %dma_wait3A_591] : memref<2500x128xi32, #tpu.memory_space<hbm>> -> memref<1x128xi32, #tpu.memory_space<hbm>>
        %dma_wait3A_593 = arith.constant 78 : i32
        %dma_wait3A_594 = arith.constant 0 : i32
        %dma_wait3A_595 = tpu.memref_slice %arg7[%dma_wait3A_593, %dma_wait3A_594] : memref<79x128xi32, #tpu.memory_space<vmem>> -> memref<1x128xi32, #tpu.memory_space<vmem>>
        %dma_wait3A_596 = arith.constant 0 : i32
        %dma_wait3A_597 = tpu.memref_slice %arg3[%add3A_577, %dma_wait3A_596] : memref<2500x128xi32, #tpu.memory_space<hbm>> -> memref<1x128xi32, #tpu.memory_space<hbm>>
        tpu.wait_dma2 semaphore(%run_scoped3A : memref<!tpu.dma_semaphore, #tpu.memory_space<semaphore_mem>>) src(%dma_wait3A_597 : memref<1x128xi32, #tpu.memory_space<hbm>>) dst(%dma_wait3A_595 : memref<1x128xi32, #tpu.memory_space<vmem>>)
        tpu.yield
      }) : () -> ()
      "tpu.region"() ({
        %run_scoped3A = tpu.sem_alloc : memref<!tpu.dma_semaphore, #tpu.memory_space<semaphore_mem>>
        %dma_start3A_578 = arith.constant 78 : i32
        %dma_start3A_579 = arith.constant 0 : i32
        %dma_start3A_580 = tpu.memref_slice %arg8[%dma_start3A_578, %dma_start3A_579] : memref<79x128xi32, #tpu.memory_space<vmem>> -> memref<1x128xi32, #tpu.memory_space<vmem>>
        %dma_start3A_581 = arith.constant 0 : i32
        %dma_start3A_582 = tpu.memref_slice %arg4[%add3A_577, %dma_start3A_581] : memref<2500x128xi32, #tpu.memory_space<hbm>> -> memref<1x128xi32, #tpu.memory_space<hbm>>
        %dma_start3A_583 = arith.constant 78 : i32
        %dma_start3A_584 = arith.constant 0 : i32
        %dma_start3A_585 = tpu.memref_slice %arg8[%dma_start3A_583, %dma_start3A_584] : memref<79x128xi32, #tpu.memory_space<vmem>> -> memref<1x128xi32, #tpu.memory_space<vmem>>
        %dma_start3A_586 = arith.constant 0 : i32
        %dma_start3A_587 = tpu.memref_slice %arg4[%add3A_577, %dma_start3A_586] : memref<2500x128xi32, #tpu.memory_space<hbm>> -> memref<1x128xi32, #tpu.memory_space<hbm>>
        tpu.enqueue_dma source(%dma_start3A_587 : memref<1x128xi32, #tpu.memory_space<hbm>>) target(%dma_start3A_585 : memref<1x128xi32, #tpu.memory_space<vmem>>) target_semaphore(%run_scoped3A : memref<!tpu.dma_semaphore, #tpu.memory_space<semaphore_mem>>)
        %dma_wait3A_588 = arith.constant 78 : i32
        %dma_wait3A_589 = arith.constant 0 : i32
        %dma_wait3A_590 = tpu.memref_slice %arg8[%dma_wait3A_588, %dma_wait3A_589] : memref<79x128xi32, #tpu.memory_space<vmem>> -> memref<1x128xi32, #tpu.memory_space<vmem>>
        %dma_wait3A_591 = arith.constant 0 : i32
        %dma_wait3A_592 = tpu.memref_slice %arg4[%add3A_577, %dma_wait3A_591] : memref<2500x128xi32, #tpu.memory_space<hbm>> -> memref<1x128xi32, #tpu.memory_space<hbm>>
        %dma_wait3A_593 = arith.constant 78 : i32
        %dma_wait3A_594 = arith.constant 0 : i32
        %dma_wait3A_595 = tpu.memref_slice %arg8[%dma_wait3A_593, %dma_wait3A_594] : memref<79x128xi32, #tpu.memory_space<vmem>> -> memref<1x128xi32, #tpu.memory_space<vmem>>
        %dma_wait3A_596 = arith.constant 0 : i32
        %dma_wait3A_597 = tpu.memref_slice %arg4[%add3A_577, %dma_wait3A_596] : memref<2500x128xi32, #tpu.memory_space<hbm>> -> memref<1x128xi32, #tpu.memory_space<hbm>>
        tpu.wait_dma2 semaphore(%run_scoped3A : memref<!tpu.dma_semaphore, #tpu.memory_space<semaphore_mem>>) src(%dma_wait3A_597 : memref<1x128xi32, #tpu.memory_space<hbm>>) dst(%dma_wait3A_595 : memref<1x128xi32, #tpu.memory_space<vmem>>)
        tpu.yield
      }) : () -> ()
    } else {
    }
    %barrier3A = arith.constant 0 : index
    tpu.barrier barrier_id(%barrier3A)
    %dma_start3A = arith.constant 0 : i32
    %dma_start3A_7 = arith.constant 0 : i32
    %dma_start3A_8 = arith.constant 0 : i32
    %dma_start3A_9 = tpu.memref_slice %arg9[%dma_start3A_7, %dma_start3A_8] : memref<256x32xf32, #tpu.memory_space<vmem>> -> memref<128x32xf32, #tpu.memory_space<vmem>>
    %dma_start3A_10 = arith.constant 0 : i32
    %dma_start3A_11 = tpu.memref_slice %arg7[%dma_start3A, %dma_start3A_10] : memref<79x128xi32, #tpu.memory_space<vmem>> -> memref<1x128xi32, #tpu.memory_space<vmem>>
    %dma_start3A_12 = tpu.memref_squeeze %dma_start3A_11 : memref<1x128xi32, #tpu.memory_space<vmem>> -> memref<128xi32, #tpu.memory_space<vmem>>
    %dma_start3A_13 = arith.constant 0 : i32
    %dma_start3A_14 = arith.constant 0 : i32
    %dma_start3A_15 = tpu.memref_slice %arg2[%dma_start3A_13, %dma_start3A_14] : memref<10240x32xf32, #tpu.memory_space<hbm>> -> memref<10240x32xf32, #tpu.memory_space<hbm>>
    tpu.enqueue_indirect_dma source(%dma_start3A_15 : memref<10240x32xf32, #tpu.memory_space<hbm>>) target(%dma_start3A_9 : memref<128x32xf32, #tpu.memory_space<vmem>>) offsets(%dma_start3A_12 : memref<128xi32, #tpu.memory_space<vmem>>) semaphore(%arg14 : memref<!tpu.dma_semaphore, #tpu.memory_space<semaphore_mem>>)
    %dma_start3A_16 = arith.constant 1 : i32
    %dma_start3A_17 = arith.constant 128 : i32
    %dma_start3A_18 = arith.constant 0 : i32
    %dma_start3A_19 = tpu.memref_slice %arg9[%dma_start3A_17, %dma_start3A_18] : memref<256x32xf32, #tpu.memory_space<vmem>> -> memref<128x32xf32, #tpu.memory_space<vmem>>
    %dma_start3A_20 = arith.constant 0 : i32
    %dma_start3A_21 = tpu.memref_slice %arg7[%dma_start3A_16, %dma_start3A_20] : memref<79x128xi32, #tpu.memory_space<vmem>> -> memref<1x128xi32, #tpu.memory_space<vmem>>
    %dma_start3A_22 = tpu.memref_squeeze %dma_start3A_21 : memref<1x128xi32, #tpu.memory_space<vmem>> -> memref<128xi32, #tpu.memory_space<vmem>>
    %dma_start3A_23 = arith.constant 0 : i32
    %dma_start3A_24 = arith.constant 0 : i32
    %dma_start3A_25 = tpu.memref_slice %arg2[%dma_start3A_23, %dma_start3A_24] : memref<10240x32xf32, #tpu.memory_space<hbm>> -> memref<10240x32xf32, #tpu.memory_space<hbm>>
    tpu.enqueue_indirect_dma source(%dma_start3A_25 : memref<10240x32xf32, #tpu.memory_space<hbm>>) target(%dma_start3A_19 : memref<128x32xf32, #tpu.memory_space<vmem>>) offsets(%dma_start3A_22 : memref<128xi32, #tpu.memory_space<vmem>>) semaphore(%arg14 : memref<!tpu.dma_semaphore, #tpu.memory_space<semaphore_mem>>)
    %dma_start3A_26 = arith.constant 2 : i32
    %dma_start3A_27 = arith.constant 0 : i32
    %dma_start3A_28 = arith.constant 0 : i32
    %dma_start3A_29 = tpu.memref_slice %arg10[%dma_start3A_27, %dma_start3A_28] : memref<256x32xf32, #tpu.memory_space<vmem>> -> memref<128x32xf32, #tpu.memory_space<vmem>>
    %dma_start3A_30 = arith.constant 0 : i32
    %dma_start3A_31 = tpu.memref_slice %arg7[%dma_start3A_26, %dma_start3A_30] : memref<79x128xi32, #tpu.memory_space<vmem>> -> memref<1x128xi32, #tpu.memory_space<vmem>>
    %dma_start3A_32 = tpu.memref_squeeze %dma_start3A_31 : memref<1x128xi32, #tpu.memory_space<vmem>> -> memref<128xi32, #tpu.memory_space<vmem>>
    %dma_start3A_33 = arith.constant 0 : i32
    %dma_start3A_34 = arith.constant 0 : i32
    %dma_start3A_35 = tpu.memref_slice %arg2[%dma_start3A_33, %dma_start3A_34] : memref<10240x32xf32, #tpu.memory_space<hbm>> -> memref<10240x32xf32, #tpu.memory_space<hbm>>
    tpu.enqueue_indirect_dma source(%dma_start3A_35 : memref<10240x32xf32, #tpu.memory_space<hbm>>) target(%dma_start3A_29 : memref<128x32xf32, #tpu.memory_space<vmem>>) offsets(%dma_start3A_32 : memref<128xi32, #tpu.memory_space<vmem>>) semaphore(%arg15 : memref<!tpu.dma_semaphore, #tpu.memory_space<semaphore_mem>>)
    %dma_start3A_36 = arith.constant 3 : i32
    %dma_start3A_37 = arith.constant 128 : i32
    %dma_start3A_38 = arith.constant 0 : i32
    %dma_start3A_39 = tpu.memref_slice %arg10[%dma_start3A_37, %dma_start3A_38] : memref<256x32xf32, #tpu.memory_space<vmem>> -> memref<128x32xf32, #tpu.memory_space<vmem>>
    %dma_start3A_40 = arith.constant 0 : i32
    %dma_start3A_41 = tpu.memref_slice %arg7[%dma_start3A_36, %dma_start3A_40] : memref<79x128xi32, #tpu.memory_space<vmem>> -> memref<1x128xi32, #tpu.memory_space<vmem>>
    %dma_start3A_42 = tpu.memref_squeeze %dma_start3A_41 : memref<1x128xi32, #tpu.memory_space<vmem>> -> memref<128xi32, #tpu.memory_space<vmem>>
    %dma_start3A_43 = arith.constant 0 : i32
    %dma_start3A_44 = arith.constant 0 : i32
    %dma_start3A_45 = tpu.memref_slice %arg2[%dma_start3A_43, %dma_start3A_44] : memref<10240x32xf32, #tpu.memory_space<hbm>> -> memref<10240x32xf32, #tpu.memory_space<hbm>>
    tpu.enqueue_indirect_dma source(%dma_start3A_45 : memref<10240x32xf32, #tpu.memory_space<hbm>>) target(%dma_start3A_39 : memref<128x32xf32, #tpu.memory_space<vmem>>) offsets(%dma_start3A_42 : memref<128xi32, #tpu.memory_space<vmem>>) semaphore(%arg15 : memref<!tpu.dma_semaphore, #tpu.memory_space<semaphore_mem>>)
    %dma_wait3A = arith.constant 0 : i32
    %dma_wait3A_46 = arith.constant 0 : i32
    %dma_wait3A_47 = arith.constant 0 : i32
    %dma_wait3A_48 = tpu.memref_slice %arg9[%dma_wait3A_46, %dma_wait3A_47] : memref<256x32xf32, #tpu.memory_space<vmem>> -> memref<128x32xf32, #tpu.memory_space<vmem>>
    %dma_wait3A_49 = arith.constant 0 : i32
    %dma_wait3A_50 = tpu.memref_slice %arg7[%dma_wait3A, %dma_wait3A_49] : memref<79x128xi32, #tpu.memory_space<vmem>> -> memref<1x128xi32, #tpu.memory_space<vmem>>
    %dma_wait3A_51 = tpu.memref_squeeze %dma_wait3A_50 : memref<1x128xi32, #tpu.memory_space<vmem>> -> memref<128xi32, #tpu.memory_space<vmem>>
    %dma_wait3A_52 = arith.constant 0 : i32
    %dma_wait3A_53 = arith.constant 0 : i32
    %dma_wait3A_54 = tpu.memref_slice %arg2[%dma_wait3A_52, %dma_wait3A_53] : memref<10240x32xf32, #tpu.memory_space<hbm>> -> memref<10240x32xf32, #tpu.memory_space<hbm>>
    tpu.wait_indirect_dma semaphore(%arg14 : memref<!tpu.dma_semaphore, #tpu.memory_space<semaphore_mem>>) src(%dma_wait3A_54 : memref<10240x32xf32, #tpu.memory_space<hbm>>) dst(%dma_wait3A_48 : memref<128x32xf32, #tpu.memory_space<vmem>>)
    %dma_wait3A_55 = arith.constant 1 : i32
    %dma_wait3A_56 = arith.constant 128 : i32
    %dma_wait3A_57 = arith.constant 0 : i32
    %dma_wait3A_58 = tpu.memref_slice %arg9[%dma_wait3A_56, %dma_wait3A_57] : memref<256x32xf32, #tpu.memory_space<vmem>> -> memref<128x32xf32, #tpu.memory_space<vmem>>
    %dma_wait3A_59 = arith.constant 0 : i32
    %dma_wait3A_60 = tpu.memref_slice %arg7[%dma_wait3A_55, %dma_wait3A_59] : memref<79x128xi32, #tpu.memory_space<vmem>> -> memref<1x128xi32, #tpu.memory_space<vmem>>
    %dma_wait3A_61 = tpu.memref_squeeze %dma_wait3A_60 : memref<1x128xi32, #tpu.memory_space<vmem>> -> memref<128xi32, #tpu.memory_space<vmem>>
    %dma_wait3A_62 = arith.constant 0 : i32
    %dma_wait3A_63 = arith.constant 0 : i32
    %dma_wait3A_64 = tpu.memref_slice %arg2[%dma_wait3A_62, %dma_wait3A_63] : memref<10240x32xf32, #tpu.memory_space<hbm>> -> memref<10240x32xf32, #tpu.memory_space<hbm>>
    tpu.wait_indirect_dma semaphore(%arg14 : memref<!tpu.dma_semaphore, #tpu.memory_space<semaphore_mem>>) src(%dma_wait3A_64 : memref<10240x32xf32, #tpu.memory_space<hbm>>) dst(%dma_wait3A_58 : memref<128x32xf32, #tpu.memory_space<vmem>>)
    %dma_start3A_65 = arith.constant 0 : i32
    %dma_start3A_66 = arith.constant 0 : i32
    %dma_start3A_67 = arith.constant 0 : i32
    %dma_start3A_68 = tpu.memref_slice %arg9[%dma_start3A_66, %dma_start3A_67] : memref<256x32xf32, #tpu.memory_space<vmem>> -> memref<128x32xf32, #tpu.memory_space<vmem>>
    %dma_start3A_69 = arith.constant 0 : i32
    %dma_start3A_70 = tpu.memref_slice %arg8[%dma_start3A_65, %dma_start3A_69] : memref<79x128xi32, #tpu.memory_space<vmem>> -> memref<1x128xi32, #tpu.memory_space<vmem>>
    %dma_start3A_71 = tpu.memref_squeeze %dma_start3A_70 : memref<1x128xi32, #tpu.memory_space<vmem>> -> memref<128xi32, #tpu.memory_space<vmem>>
    %dma_start3A_72 = arith.constant 0 : i32
    %dma_start3A_73 = arith.constant 0 : i32
    %dma_start3A_74 = tpu.memref_slice %arg13[%dma_start3A_72, %dma_start3A_73] : memref<10240x32xf32, #tpu.memory_space<vmem_shared>> -> memref<10240x32xf32, #tpu.memory_space<vmem_shared>>
    tpu.enqueue_indirect_dma source(%dma_start3A_68 : memref<128x32xf32, #tpu.memory_space<vmem>>) target(%dma_start3A_74 : memref<10240x32xf32, #tpu.memory_space<vmem_shared>>) offsets(%dma_start3A_71 : memref<128xi32, #tpu.memory_space<vmem>>) semaphore(%arg18 : memref<!tpu.dma_semaphore, #tpu.memory_space<semaphore_mem>>) {add = true}
    %dma_start3A_75 = arith.constant 1 : i32
    %dma_start3A_76 = arith.constant 128 : i32
    %dma_start3A_77 = arith.constant 0 : i32
    %dma_start3A_78 = tpu.memref_slice %arg9[%dma_start3A_76, %dma_start3A_77] : memref<256x32xf32, #tpu.memory_space<vmem>> -> memref<128x32xf32, #tpu.memory_space<vmem>>
    %dma_start3A_79 = arith.constant 0 : i32
    %dma_start3A_80 = tpu.memref_slice %arg8[%dma_start3A_75, %dma_start3A_79] : memref<79x128xi32, #tpu.memory_space<vmem>> -> memref<1x128xi32, #tpu.memory_space<vmem>>
    %dma_start3A_81 = tpu.memref_squeeze %dma_start3A_80 : memref<1x128xi32, #tpu.memory_space<vmem>> -> memref<128xi32, #tpu.memory_space<vmem>>
    %dma_start3A_82 = arith.constant 0 : i32
    %dma_start3A_83 = arith.constant 0 : i32
    %dma_start3A_84 = tpu.memref_slice %arg13[%dma_start3A_82, %dma_start3A_83] : memref<10240x32xf32, #tpu.memory_space<vmem_shared>> -> memref<10240x32xf32, #tpu.memory_space<vmem_shared>>
    tpu.enqueue_indirect_dma source(%dma_start3A_78 : memref<128x32xf32, #tpu.memory_space<vmem>>) target(%dma_start3A_84 : memref<10240x32xf32, #tpu.memory_space<vmem_shared>>) offsets(%dma_start3A_81 : memref<128xi32, #tpu.memory_space<vmem>>) semaphore(%arg18 : memref<!tpu.dma_semaphore, #tpu.memory_space<semaphore_mem>>) {add = true}
    %dma_start3A_85 = arith.constant 4 : i32
    %dma_start3A_86 = arith.constant 0 : i32
    %dma_start3A_87 = arith.constant 0 : i32
    %dma_start3A_88 = tpu.memref_slice %arg11[%dma_start3A_86, %dma_start3A_87] : memref<256x32xf32, #tpu.memory_space<vmem>> -> memref<128x32xf32, #tpu.memory_space<vmem>>
    %dma_start3A_89 = arith.constant 0 : i32
    %dma_start3A_90 = tpu.memref_slice %arg7[%dma_start3A_85, %dma_start3A_89] : memref<79x128xi32, #tpu.memory_space<vmem>> -> memref<1x128xi32, #tpu.memory_space<vmem>>
    %dma_start3A_91 = tpu.memref_squeeze %dma_start3A_90 : memref<1x128xi32, #tpu.memory_space<vmem>> -> memref<128xi32, #tpu.memory_space<vmem>>
    %dma_start3A_92 = arith.constant 0 : i32
    %dma_start3A_93 = arith.constant 0 : i32
    %dma_start3A_94 = tpu.memref_slice %arg2[%dma_start3A_92, %dma_start3A_93] : memref<10240x32xf32, #tpu.memory_space<hbm>> -> memref<10240x32xf32, #tpu.memory_space<hbm>>
    tpu.enqueue_indirect_dma source(%dma_start3A_94 : memref<10240x32xf32, #tpu.memory_space<hbm>>) target(%dma_start3A_88 : memref<128x32xf32, #tpu.memory_space<vmem>>) offsets(%dma_start3A_91 : memref<128xi32, #tpu.memory_space<vmem>>) semaphore(%arg16 : memref<!tpu.dma_semaphore, #tpu.memory_space<semaphore_mem>>)
    %dma_start3A_95 = arith.constant 5 : i32
    %dma_start3A_96 = arith.constant 128 : i32
    %dma_start3A_97 = arith.constant 0 : i32
    %dma_start3A_98 = tpu.memref_slice %arg11[%dma_start3A_96, %dma_start3A_97] : memref<256x32xf32, #tpu.memory_space<vmem>> -> memref<128x32xf32, #tpu.memory_space<vmem>>
    %dma_start3A_99 = arith.constant 0 : i32
    %dma_start3A_100 = tpu.memref_slice %arg7[%dma_start3A_95, %dma_start3A_99] : memref<79x128xi32, #tpu.memory_space<vmem>> -> memref<1x128xi32, #tpu.memory_space<vmem>>
    %dma_start3A_101 = tpu.memref_squeeze %dma_start3A_100 : memref<1x128xi32, #tpu.memory_space<vmem>> -> memref<128xi32, #tpu.memory_space<vmem>>
    %dma_start3A_102 = arith.constant 0 : i32
    %dma_start3A_103 = arith.constant 0 : i32
    %dma_start3A_104 = tpu.memref_slice %arg2[%dma_start3A_102, %dma_start3A_103] : memref<10240x32xf32, #tpu.memory_space<hbm>> -> memref<10240x32xf32, #tpu.memory_space<hbm>>
    tpu.enqueue_indirect_dma source(%dma_start3A_104 : memref<10240x32xf32, #tpu.memory_space<hbm>>) target(%dma_start3A_98 : memref<128x32xf32, #tpu.memory_space<vmem>>) offsets(%dma_start3A_101 : memref<128xi32, #tpu.memory_space<vmem>>) semaphore(%arg16 : memref<!tpu.dma_semaphore, #tpu.memory_space<semaphore_mem>>)
    %dma_wait3A_105 = arith.constant 2 : i32
    %dma_wait3A_106 = arith.constant 0 : i32
    %dma_wait3A_107 = arith.constant 0 : i32
    %dma_wait3A_108 = tpu.memref_slice %arg10[%dma_wait3A_106, %dma_wait3A_107] : memref<256x32xf32, #tpu.memory_space<vmem>> -> memref<128x32xf32, #tpu.memory_space<vmem>>
    %dma_wait3A_109 = arith.constant 0 : i32
    %dma_wait3A_110 = tpu.memref_slice %arg7[%dma_wait3A_105, %dma_wait3A_109] : memref<79x128xi32, #tpu.memory_space<vmem>> -> memref<1x128xi32, #tpu.memory_space<vmem>>
    %dma_wait3A_111 = tpu.memref_squeeze %dma_wait3A_110 : memref<1x128xi32, #tpu.memory_space<vmem>> -> memref<128xi32, #tpu.memory_space<vmem>>
    %dma_wait3A_112 = arith.constant 0 : i32
    %dma_wait3A_113 = arith.constant 0 : i32
    %dma_wait3A_114 = tpu.memref_slice %arg2[%dma_wait3A_112, %dma_wait3A_113] : memref<10240x32xf32, #tpu.memory_space<hbm>> -> memref<10240x32xf32, #tpu.memory_space<hbm>>
    tpu.wait_indirect_dma semaphore(%arg15 : memref<!tpu.dma_semaphore, #tpu.memory_space<semaphore_mem>>) src(%dma_wait3A_114 : memref<10240x32xf32, #tpu.memory_space<hbm>>) dst(%dma_wait3A_108 : memref<128x32xf32, #tpu.memory_space<vmem>>)
    %dma_wait3A_115 = arith.constant 3 : i32
    %dma_wait3A_116 = arith.constant 128 : i32
    %dma_wait3A_117 = arith.constant 0 : i32
    %dma_wait3A_118 = tpu.memref_slice %arg10[%dma_wait3A_116, %dma_wait3A_117] : memref<256x32xf32, #tpu.memory_space<vmem>> -> memref<128x32xf32, #tpu.memory_space<vmem>>
    %dma_wait3A_119 = arith.constant 0 : i32
    %dma_wait3A_120 = tpu.memref_slice %arg7[%dma_wait3A_115, %dma_wait3A_119] : memref<79x128xi32, #tpu.memory_space<vmem>> -> memref<1x128xi32, #tpu.memory_space<vmem>>
    %dma_wait3A_121 = tpu.memref_squeeze %dma_wait3A_120 : memref<1x128xi32, #tpu.memory_space<vmem>> -> memref<128xi32, #tpu.memory_space<vmem>>
    %dma_wait3A_122 = arith.constant 0 : i32
    %dma_wait3A_123 = arith.constant 0 : i32
    %dma_wait3A_124 = tpu.memref_slice %arg2[%dma_wait3A_122, %dma_wait3A_123] : memref<10240x32xf32, #tpu.memory_space<hbm>> -> memref<10240x32xf32, #tpu.memory_space<hbm>>
    tpu.wait_indirect_dma semaphore(%arg15 : memref<!tpu.dma_semaphore, #tpu.memory_space<semaphore_mem>>) src(%dma_wait3A_124 : memref<10240x32xf32, #tpu.memory_space<hbm>>) dst(%dma_wait3A_118 : memref<128x32xf32, #tpu.memory_space<vmem>>)
    %dma_start3A_125 = arith.constant 2 : i32
    %dma_start3A_126 = arith.constant 0 : i32
    %dma_start3A_127 = arith.constant 0 : i32
    %dma_start3A_128 = tpu.memref_slice %arg10[%dma_start3A_126, %dma_start3A_127] : memref<256x32xf32, #tpu.memory_space<vmem>> -> memref<128x32xf32, #tpu.memory_space<vmem>>
    %dma_start3A_129 = arith.constant 0 : i32
    %dma_start3A_130 = tpu.memref_slice %arg8[%dma_start3A_125, %dma_start3A_129] : memref<79x128xi32, #tpu.memory_space<vmem>> -> memref<1x128xi32, #tpu.memory_space<vmem>>
    %dma_start3A_131 = tpu.memref_squeeze %dma_start3A_130 : memref<1x128xi32, #tpu.memory_space<vmem>> -> memref<128xi32, #tpu.memory_space<vmem>>
    %dma_start3A_132 = arith.constant 0 : i32
    %dma_start3A_133 = arith.constant 0 : i32
    %dma_start3A_134 = tpu.memref_slice %arg13[%dma_start3A_132, %dma_start3A_133] : memref<10240x32xf32, #tpu.memory_space<vmem_shared>> -> memref<10240x32xf32, #tpu.memory_space<vmem_shared>>
    tpu.enqueue_indirect_dma source(%dma_start3A_128 : memref<128x32xf32, #tpu.memory_space<vmem>>) target(%dma_start3A_134 : memref<10240x32xf32, #tpu.memory_space<vmem_shared>>) offsets(%dma_start3A_131 : memref<128xi32, #tpu.memory_space<vmem>>) semaphore(%arg19 : memref<!tpu.dma_semaphore, #tpu.memory_space<semaphore_mem>>) {add = true}
    %dma_start3A_135 = arith.constant 3 : i32
    %dma_start3A_136 = arith.constant 128 : i32
    %dma_start3A_137 = arith.constant 0 : i32
    %dma_start3A_138 = tpu.memref_slice %arg10[%dma_start3A_136, %dma_start3A_137] : memref<256x32xf32, #tpu.memory_space<vmem>> -> memref<128x32xf32, #tpu.memory_space<vmem>>
    %dma_start3A_139 = arith.constant 0 : i32
    %dma_start3A_140 = tpu.memref_slice %arg8[%dma_start3A_135, %dma_start3A_139] : memref<79x128xi32, #tpu.memory_space<vmem>> -> memref<1x128xi32, #tpu.memory_space<vmem>>
    %dma_start3A_141 = tpu.memref_squeeze %dma_start3A_140 : memref<1x128xi32, #tpu.memory_space<vmem>> -> memref<128xi32, #tpu.memory_space<vmem>>
    %dma_start3A_142 = arith.constant 0 : i32
    %dma_start3A_143 = arith.constant 0 : i32
    %dma_start3A_144 = tpu.memref_slice %arg13[%dma_start3A_142, %dma_start3A_143] : memref<10240x32xf32, #tpu.memory_space<vmem_shared>> -> memref<10240x32xf32, #tpu.memory_space<vmem_shared>>
    tpu.enqueue_indirect_dma source(%dma_start3A_138 : memref<128x32xf32, #tpu.memory_space<vmem>>) target(%dma_start3A_144 : memref<10240x32xf32, #tpu.memory_space<vmem_shared>>) offsets(%dma_start3A_141 : memref<128xi32, #tpu.memory_space<vmem>>) semaphore(%arg19 : memref<!tpu.dma_semaphore, #tpu.memory_space<semaphore_mem>>) {add = true}
    %dma_start3A_145 = arith.constant 6 : i32
    %dma_start3A_146 = arith.constant 0 : i32
    %dma_start3A_147 = arith.constant 0 : i32
    %dma_start3A_148 = tpu.memref_slice %arg12[%dma_start3A_146, %dma_start3A_147] : memref<256x32xf32, #tpu.memory_space<vmem>> -> memref<128x32xf32, #tpu.memory_space<vmem>>
    %dma_start3A_149 = arith.constant 0 : i32
    %dma_start3A_150 = tpu.memref_slice %arg7[%dma_start3A_145, %dma_start3A_149] : memref<79x128xi32, #tpu.memory_space<vmem>> -> memref<1x128xi32, #tpu.memory_space<vmem>>
    %dma_start3A_151 = tpu.memref_squeeze %dma_start3A_150 : memref<1x128xi32, #tpu.memory_space<vmem>> -> memref<128xi32, #tpu.memory_space<vmem>>
    %dma_start3A_152 = arith.constant 0 : i32
    %dma_start3A_153 = arith.constant 0 : i32
    %dma_start3A_154 = tpu.memref_slice %arg2[%dma_start3A_152, %dma_start3A_153] : memref<10240x32xf32, #tpu.memory_space<hbm>> -> memref<10240x32xf32, #tpu.memory_space<hbm>>
    tpu.enqueue_indirect_dma source(%dma_start3A_154 : memref<10240x32xf32, #tpu.memory_space<hbm>>) target(%dma_start3A_148 : memref<128x32xf32, #tpu.memory_space<vmem>>) offsets(%dma_start3A_151 : memref<128xi32, #tpu.memory_space<vmem>>) semaphore(%arg17 : memref<!tpu.dma_semaphore, #tpu.memory_space<semaphore_mem>>)
    %dma_start3A_155 = arith.constant 7 : i32
    %dma_start3A_156 = arith.constant 128 : i32
    %dma_start3A_157 = arith.constant 0 : i32
    %dma_start3A_158 = tpu.memref_slice %arg12[%dma_start3A_156, %dma_start3A_157] : memref<256x32xf32, #tpu.memory_space<vmem>> -> memref<128x32xf32, #tpu.memory_space<vmem>>
    %dma_start3A_159 = arith.constant 0 : i32
    %dma_start3A_160 = tpu.memref_slice %arg7[%dma_start3A_155, %dma_start3A_159] : memref<79x128xi32, #tpu.memory_space<vmem>> -> memref<1x128xi32, #tpu.memory_space<vmem>>
    %dma_start3A_161 = tpu.memref_squeeze %dma_start3A_160 : memref<1x128xi32, #tpu.memory_space<vmem>> -> memref<128xi32, #tpu.memory_space<vmem>>
    %dma_start3A_162 = arith.constant 0 : i32
    %dma_start3A_163 = arith.constant 0 : i32
    %dma_start3A_164 = tpu.memref_slice %arg2[%dma_start3A_162, %dma_start3A_163] : memref<10240x32xf32, #tpu.memory_space<hbm>> -> memref<10240x32xf32, #tpu.memory_space<hbm>>
    tpu.enqueue_indirect_dma source(%dma_start3A_164 : memref<10240x32xf32, #tpu.memory_space<hbm>>) target(%dma_start3A_158 : memref<128x32xf32, #tpu.memory_space<vmem>>) offsets(%dma_start3A_161 : memref<128xi32, #tpu.memory_space<vmem>>) semaphore(%arg17 : memref<!tpu.dma_semaphore, #tpu.memory_space<semaphore_mem>>)
    %dma_wait3A_165 = arith.constant 4 : i32
    %dma_wait3A_166 = arith.constant 0 : i32
    %dma_wait3A_167 = arith.constant 0 : i32
    %dma_wait3A_168 = tpu.memref_slice %arg11[%dma_wait3A_166, %dma_wait3A_167] : memref<256x32xf32, #tpu.memory_space<vmem>> -> memref<128x32xf32, #tpu.memory_space<vmem>>
    %dma_wait3A_169 = arith.constant 0 : i32
    %dma_wait3A_170 = tpu.memref_slice %arg7[%dma_wait3A_165, %dma_wait3A_169] : memref<79x128xi32, #tpu.memory_space<vmem>> -> memref<1x128xi32, #tpu.memory_space<vmem>>
    %dma_wait3A_171 = tpu.memref_squeeze %dma_wait3A_170 : memref<1x128xi32, #tpu.memory_space<vmem>> -> memref<128xi32, #tpu.memory_space<vmem>>
    %dma_wait3A_172 = arith.constant 0 : i32
    %dma_wait3A_173 = arith.constant 0 : i32
    %dma_wait3A_174 = tpu.memref_slice %arg2[%dma_wait3A_172, %dma_wait3A_173] : memref<10240x32xf32, #tpu.memory_space<hbm>> -> memref<10240x32xf32, #tpu.memory_space<hbm>>
    tpu.wait_indirect_dma semaphore(%arg16 : memref<!tpu.dma_semaphore, #tpu.memory_space<semaphore_mem>>) src(%dma_wait3A_174 : memref<10240x32xf32, #tpu.memory_space<hbm>>) dst(%dma_wait3A_168 : memref<128x32xf32, #tpu.memory_space<vmem>>)
    %dma_wait3A_175 = arith.constant 5 : i32
    %dma_wait3A_176 = arith.constant 128 : i32
    %dma_wait3A_177 = arith.constant 0 : i32
    %dma_wait3A_178 = tpu.memref_slice %arg11[%dma_wait3A_176, %dma_wait3A_177] : memref<256x32xf32, #tpu.memory_space<vmem>> -> memref<128x32xf32, #tpu.memory_space<vmem>>
    %dma_wait3A_179 = arith.constant 0 : i32
    %dma_wait3A_180 = tpu.memref_slice %arg7[%dma_wait3A_175, %dma_wait3A_179] : memref<79x128xi32, #tpu.memory_space<vmem>> -> memref<1x128xi32, #tpu.memory_space<vmem>>
    %dma_wait3A_181 = tpu.memref_squeeze %dma_wait3A_180 : memref<1x128xi32, #tpu.memory_space<vmem>> -> memref<128xi32, #tpu.memory_space<vmem>>
    %dma_wait3A_182 = arith.constant 0 : i32
    %dma_wait3A_183 = arith.constant 0 : i32
    %dma_wait3A_184 = tpu.memref_slice %arg2[%dma_wait3A_182, %dma_wait3A_183] : memref<10240x32xf32, #tpu.memory_space<hbm>> -> memref<10240x32xf32, #tpu.memory_space<hbm>>
    tpu.wait_indirect_dma semaphore(%arg16 : memref<!tpu.dma_semaphore, #tpu.memory_space<semaphore_mem>>) src(%dma_wait3A_184 : memref<10240x32xf32, #tpu.memory_space<hbm>>) dst(%dma_wait3A_178 : memref<128x32xf32, #tpu.memory_space<vmem>>)
    %dma_start3A_185 = arith.constant 4 : i32
    %dma_start3A_186 = arith.constant 0 : i32
    %dma_start3A_187 = arith.constant 0 : i32
    %dma_start3A_188 = tpu.memref_slice %arg11[%dma_start3A_186, %dma_start3A_187] : memref<256x32xf32, #tpu.memory_space<vmem>> -> memref<128x32xf32, #tpu.memory_space<vmem>>
    %dma_start3A_189 = arith.constant 0 : i32
    %dma_start3A_190 = tpu.memref_slice %arg8[%dma_start3A_185, %dma_start3A_189] : memref<79x128xi32, #tpu.memory_space<vmem>> -> memref<1x128xi32, #tpu.memory_space<vmem>>
    %dma_start3A_191 = tpu.memref_squeeze %dma_start3A_190 : memref<1x128xi32, #tpu.memory_space<vmem>> -> memref<128xi32, #tpu.memory_space<vmem>>
    %dma_start3A_192 = arith.constant 0 : i32
    %dma_start3A_193 = arith.constant 0 : i32
    %dma_start3A_194 = tpu.memref_slice %arg13[%dma_start3A_192, %dma_start3A_193] : memref<10240x32xf32, #tpu.memory_space<vmem_shared>> -> memref<10240x32xf32, #tpu.memory_space<vmem_shared>>
    tpu.enqueue_indirect_dma source(%dma_start3A_188 : memref<128x32xf32, #tpu.memory_space<vmem>>) target(%dma_start3A_194 : memref<10240x32xf32, #tpu.memory_space<vmem_shared>>) offsets(%dma_start3A_191 : memref<128xi32, #tpu.memory_space<vmem>>) semaphore(%arg20 : memref<!tpu.dma_semaphore, #tpu.memory_space<semaphore_mem>>) {add = true}
    %dma_start3A_195 = arith.constant 5 : i32
    %dma_start3A_196 = arith.constant 128 : i32
    %dma_start3A_197 = arith.constant 0 : i32
    %dma_start3A_198 = tpu.memref_slice %arg11[%dma_start3A_196, %dma_start3A_197] : memref<256x32xf32, #tpu.memory_space<vmem>> -> memref<128x32xf32, #tpu.memory_space<vmem>>
    %dma_start3A_199 = arith.constant 0 : i32
    %dma_start3A_200 = tpu.memref_slice %arg8[%dma_start3A_195, %dma_start3A_199] : memref<79x128xi32, #tpu.memory_space<vmem>> -> memref<1x128xi32, #tpu.memory_space<vmem>>
    %dma_start3A_201 = tpu.memref_squeeze %dma_start3A_200 : memref<1x128xi32, #tpu.memory_space<vmem>> -> memref<128xi32, #tpu.memory_space<vmem>>
    %dma_start3A_202 = arith.constant 0 : i32
    %dma_start3A_203 = arith.constant 0 : i32
    %dma_start3A_204 = tpu.memref_slice %arg13[%dma_start3A_202, %dma_start3A_203] : memref<10240x32xf32, #tpu.memory_space<vmem_shared>> -> memref<10240x32xf32, #tpu.memory_space<vmem_shared>>
    tpu.enqueue_indirect_dma source(%dma_start3A_198 : memref<128x32xf32, #tpu.memory_space<vmem>>) target(%dma_start3A_204 : memref<10240x32xf32, #tpu.memory_space<vmem_shared>>) offsets(%dma_start3A_201 : memref<128xi32, #tpu.memory_space<vmem>>) semaphore(%arg20 : memref<!tpu.dma_semaphore, #tpu.memory_space<semaphore_mem>>) {add = true}
    %dma_wait3A_205 = arith.constant 0 : i32
    %dma_wait3A_206 = arith.constant 0 : i32
    %dma_wait3A_207 = arith.constant 0 : i32
    %dma_wait3A_208 = tpu.memref_slice %arg9[%dma_wait3A_206, %dma_wait3A_207] : memref<256x32xf32, #tpu.memory_space<vmem>> -> memref<128x32xf32, #tpu.memory_space<vmem>>
    %dma_wait3A_209 = arith.constant 0 : i32
    %dma_wait3A_210 = tpu.memref_slice %arg8[%dma_wait3A_205, %dma_wait3A_209] : memref<79x128xi32, #tpu.memory_space<vmem>> -> memref<1x128xi32, #tpu.memory_space<vmem>>
    %dma_wait3A_211 = tpu.memref_squeeze %dma_wait3A_210 : memref<1x128xi32, #tpu.memory_space<vmem>> -> memref<128xi32, #tpu.memory_space<vmem>>
    %dma_wait3A_212 = arith.constant 0 : i32
    %dma_wait3A_213 = arith.constant 0 : i32
    %dma_wait3A_214 = tpu.memref_slice %arg13[%dma_wait3A_212, %dma_wait3A_213] : memref<10240x32xf32, #tpu.memory_space<vmem_shared>> -> memref<10240x32xf32, #tpu.memory_space<vmem_shared>>
    tpu.wait_indirect_dma semaphore(%arg18 : memref<!tpu.dma_semaphore, #tpu.memory_space<semaphore_mem>>) src(%dma_wait3A_208 : memref<128x32xf32, #tpu.memory_space<vmem>>) dst(%dma_wait3A_214 : memref<10240x32xf32, #tpu.memory_space<vmem_shared>>)
    %dma_wait3A_215 = arith.constant 1 : i32
    %dma_wait3A_216 = arith.constant 128 : i32
    %dma_wait3A_217 = arith.constant 0 : i32
    %dma_wait3A_218 = tpu.memref_slice %arg9[%dma_wait3A_216, %dma_wait3A_217] : memref<256x32xf32, #tpu.memory_space<vmem>> -> memref<128x32xf32, #tpu.memory_space<vmem>>
    %dma_wait3A_219 = arith.constant 0 : i32
    %dma_wait3A_220 = tpu.memref_slice %arg8[%dma_wait3A_215, %dma_wait3A_219] : memref<79x128xi32, #tpu.memory_space<vmem>> -> memref<1x128xi32, #tpu.memory_space<vmem>>
    %dma_wait3A_221 = tpu.memref_squeeze %dma_wait3A_220 : memref<1x128xi32, #tpu.memory_space<vmem>> -> memref<128xi32, #tpu.memory_space<vmem>>
    %dma_wait3A_222 = arith.constant 0 : i32
    %dma_wait3A_223 = arith.constant 0 : i32
    %dma_wait3A_224 = tpu.memref_slice %arg13[%dma_wait3A_222, %dma_wait3A_223] : memref<10240x32xf32, #tpu.memory_space<vmem_shared>> -> memref<10240x32xf32, #tpu.memory_space<vmem_shared>>
    tpu.wait_indirect_dma semaphore(%arg18 : memref<!tpu.dma_semaphore, #tpu.memory_space<semaphore_mem>>) src(%dma_wait3A_218 : memref<128x32xf32, #tpu.memory_space<vmem>>) dst(%dma_wait3A_224 : memref<10240x32xf32, #tpu.memory_space<vmem_shared>>)
    %dma_start3A_225 = arith.constant 8 : i32
    %dma_start3A_226 = arith.constant 0 : i32
    %dma_start3A_227 = arith.constant 0 : i32
    %dma_start3A_228 = tpu.memref_slice %arg9[%dma_start3A_226, %dma_start3A_227] : memref<256x32xf32, #tpu.memory_space<vmem>> -> memref<128x32xf32, #tpu.memory_space<vmem>>
    %dma_start3A_229 = arith.constant 0 : i32
    %dma_start3A_230 = tpu.memref_slice %arg7[%dma_start3A_225, %dma_start3A_229] : memref<79x128xi32, #tpu.memory_space<vmem>> -> memref<1x128xi32, #tpu.memory_space<vmem>>
    %dma_start3A_231 = tpu.memref_squeeze %dma_start3A_230 : memref<1x128xi32, #tpu.memory_space<vmem>> -> memref<128xi32, #tpu.memory_space<vmem>>
    %dma_start3A_232 = arith.constant 0 : i32
    %dma_start3A_233 = arith.constant 0 : i32
    %dma_start3A_234 = tpu.memref_slice %arg2[%dma_start3A_232, %dma_start3A_233] : memref<10240x32xf32, #tpu.memory_space<hbm>> -> memref<10240x32xf32, #tpu.memory_space<hbm>>
    tpu.enqueue_indirect_dma source(%dma_start3A_234 : memref<10240x32xf32, #tpu.memory_space<hbm>>) target(%dma_start3A_228 : memref<128x32xf32, #tpu.memory_space<vmem>>) offsets(%dma_start3A_231 : memref<128xi32, #tpu.memory_space<vmem>>) semaphore(%arg14 : memref<!tpu.dma_semaphore, #tpu.memory_space<semaphore_mem>>)
    %dma_start3A_235 = arith.constant 9 : i32
    %dma_start3A_236 = arith.constant 128 : i32
    %dma_start3A_237 = arith.constant 0 : i32
    %dma_start3A_238 = tpu.memref_slice %arg9[%dma_start3A_236, %dma_start3A_237] : memref<256x32xf32, #tpu.memory_space<vmem>> -> memref<128x32xf32, #tpu.memory_space<vmem>>
    %dma_start3A_239 = arith.constant 0 : i32
    %dma_start3A_240 = tpu.memref_slice %arg7[%dma_start3A_235, %dma_start3A_239] : memref<79x128xi32, #tpu.memory_space<vmem>> -> memref<1x128xi32, #tpu.memory_space<vmem>>
    %dma_start3A_241 = tpu.memref_squeeze %dma_start3A_240 : memref<1x128xi32, #tpu.memory_space<vmem>> -> memref<128xi32, #tpu.memory_space<vmem>>
    %dma_start3A_242 = arith.constant 0 : i32
    %dma_start3A_243 = arith.constant 0 : i32
    %dma_start3A_244 = tpu.memref_slice %arg2[%dma_start3A_242, %dma_start3A_243] : memref<10240x32xf32, #tpu.memory_space<hbm>> -> memref<10240x32xf32, #tpu.memory_space<hbm>>
    tpu.enqueue_indirect_dma source(%dma_start3A_244 : memref<10240x32xf32, #tpu.memory_space<hbm>>) target(%dma_start3A_238 : memref<128x32xf32, #tpu.memory_space<vmem>>) offsets(%dma_start3A_241 : memref<128xi32, #tpu.memory_space<vmem>>) semaphore(%arg14 : memref<!tpu.dma_semaphore, #tpu.memory_space<semaphore_mem>>)
    %dma_wait3A_245 = arith.constant 6 : i32
    %dma_wait3A_246 = arith.constant 0 : i32
    %dma_wait3A_247 = arith.constant 0 : i32
    %dma_wait3A_248 = tpu.memref_slice %arg12[%dma_wait3A_246, %dma_wait3A_247] : memref<256x32xf32, #tpu.memory_space<vmem>> -> memref<128x32xf32, #tpu.memory_space<vmem>>
    %dma_wait3A_249 = arith.constant 0 : i32
    %dma_wait3A_250 = tpu.memref_slice %arg7[%dma_wait3A_245, %dma_wait3A_249] : memref<79x128xi32, #tpu.memory_space<vmem>> -> memref<1x128xi32, #tpu.memory_space<vmem>>
    %dma_wait3A_251 = tpu.memref_squeeze %dma_wait3A_250 : memref<1x128xi32, #tpu.memory_space<vmem>> -> memref<128xi32, #tpu.memory_space<vmem>>
    %dma_wait3A_252 = arith.constant 0 : i32
    %dma_wait3A_253 = arith.constant 0 : i32
    %dma_wait3A_254 = tpu.memref_slice %arg2[%dma_wait3A_252, %dma_wait3A_253] : memref<10240x32xf32, #tpu.memory_space<hbm>> -> memref<10240x32xf32, #tpu.memory_space<hbm>>
    tpu.wait_indirect_dma semaphore(%arg17 : memref<!tpu.dma_semaphore, #tpu.memory_space<semaphore_mem>>) src(%dma_wait3A_254 : memref<10240x32xf32, #tpu.memory_space<hbm>>) dst(%dma_wait3A_248 : memref<128x32xf32, #tpu.memory_space<vmem>>)
    %dma_wait3A_255 = arith.constant 7 : i32
    %dma_wait3A_256 = arith.constant 128 : i32
    %dma_wait3A_257 = arith.constant 0 : i32
    %dma_wait3A_258 = tpu.memref_slice %arg12[%dma_wait3A_256, %dma_wait3A_257] : memref<256x32xf32, #tpu.memory_space<vmem>> -> memref<128x32xf32, #tpu.memory_space<vmem>>
    %dma_wait3A_259 = arith.constant 0 : i32
    %dma_wait3A_260 = tpu.memref_slice %arg7[%dma_wait3A_255, %dma_wait3A_259] : memref<79x128xi32, #tpu.memory_space<vmem>> -> memref<1x128xi32, #tpu.memory_space<vmem>>
    %dma_wait3A_261 = tpu.memref_squeeze %dma_wait3A_260 : memref<1x128xi32, #tpu.memory_space<vmem>> -> memref<128xi32, #tpu.memory_space<vmem>>
    %dma_wait3A_262 = arith.constant 0 : i32
    %dma_wait3A_263 = arith.constant 0 : i32
    %dma_wait3A_264 = tpu.memref_slice %arg2[%dma_wait3A_262, %dma_wait3A_263] : memref<10240x32xf32, #tpu.memory_space<hbm>> -> memref<10240x32xf32, #tpu.memory_space<hbm>>
    tpu.wait_indirect_dma semaphore(%arg17 : memref<!tpu.dma_semaphore, #tpu.memory_space<semaphore_mem>>) src(%dma_wait3A_264 : memref<10240x32xf32, #tpu.memory_space<hbm>>) dst(%dma_wait3A_258 : memref<128x32xf32, #tpu.memory_space<vmem>>)
    %dma_start3A_265 = arith.constant 6 : i32
    %dma_start3A_266 = arith.constant 0 : i32
    %dma_start3A_267 = arith.constant 0 : i32
    %dma_start3A_268 = tpu.memref_slice %arg12[%dma_start3A_266, %dma_start3A_267] : memref<256x32xf32, #tpu.memory_space<vmem>> -> memref<128x32xf32, #tpu.memory_space<vmem>>
    %dma_start3A_269 = arith.constant 0 : i32
    %dma_start3A_270 = tpu.memref_slice %arg8[%dma_start3A_265, %dma_start3A_269] : memref<79x128xi32, #tpu.memory_space<vmem>> -> memref<1x128xi32, #tpu.memory_space<vmem>>
    %dma_start3A_271 = tpu.memref_squeeze %dma_start3A_270 : memref<1x128xi32, #tpu.memory_space<vmem>> -> memref<128xi32, #tpu.memory_space<vmem>>
    %dma_start3A_272 = arith.constant 0 : i32
    %dma_start3A_273 = arith.constant 0 : i32
    %dma_start3A_274 = tpu.memref_slice %arg13[%dma_start3A_272, %dma_start3A_273] : memref<10240x32xf32, #tpu.memory_space<vmem_shared>> -> memref<10240x32xf32, #tpu.memory_space<vmem_shared>>
    tpu.enqueue_indirect_dma source(%dma_start3A_268 : memref<128x32xf32, #tpu.memory_space<vmem>>) target(%dma_start3A_274 : memref<10240x32xf32, #tpu.memory_space<vmem_shared>>) offsets(%dma_start3A_271 : memref<128xi32, #tpu.memory_space<vmem>>) semaphore(%arg21 : memref<!tpu.dma_semaphore, #tpu.memory_space<semaphore_mem>>) {add = true}
    %dma_start3A_275 = arith.constant 7 : i32
    %dma_start3A_276 = arith.constant 128 : i32
    %dma_start3A_277 = arith.constant 0 : i32
    %dma_start3A_278 = tpu.memref_slice %arg12[%dma_start3A_276, %dma_start3A_277] : memref<256x32xf32, #tpu.memory_space<vmem>> -> memref<128x32xf32, #tpu.memory_space<vmem>>
    %dma_start3A_279 = arith.constant 0 : i32
    %dma_start3A_280 = tpu.memref_slice %arg8[%dma_start3A_275, %dma_start3A_279] : memref<79x128xi32, #tpu.memory_space<vmem>> -> memref<1x128xi32, #tpu.memory_space<vmem>>
    %dma_start3A_281 = tpu.memref_squeeze %dma_start3A_280 : memref<1x128xi32, #tpu.memory_space<vmem>> -> memref<128xi32, #tpu.memory_space<vmem>>
    %dma_start3A_282 = arith.constant 0 : i32
    %dma_start3A_283 = arith.constant 0 : i32
    %dma_start3A_284 = tpu.memref_slice %arg13[%dma_start3A_282, %dma_start3A_283] : memref<10240x32xf32, #tpu.memory_space<vmem_shared>> -> memref<10240x32xf32, #tpu.memory_space<vmem_shared>>
    tpu.enqueue_indirect_dma source(%dma_start3A_278 : memref<128x32xf32, #tpu.memory_space<vmem>>) target(%dma_start3A_284 : memref<10240x32xf32, #tpu.memory_space<vmem_shared>>) offsets(%dma_start3A_281 : memref<128xi32, #tpu.memory_space<vmem>>) semaphore(%arg21 : memref<!tpu.dma_semaphore, #tpu.memory_space<semaphore_mem>>) {add = true}
    %dma_wait3A_285 = arith.constant 2 : i32
    %dma_wait3A_286 = arith.constant 0 : i32
    %dma_wait3A_287 = arith.constant 0 : i32
    %dma_wait3A_288 = tpu.memref_slice %arg10[%dma_wait3A_286, %dma_wait3A_287] : memref<256x32xf32, #tpu.memory_space<vmem>> -> memref<128x32xf32, #tpu.memory_space<vmem>>
    %dma_wait3A_289 = arith.constant 0 : i32
    %dma_wait3A_290 = tpu.memref_slice %arg8[%dma_wait3A_285, %dma_wait3A_289] : memref<79x128xi32, #tpu.memory_space<vmem>> -> memref<1x128xi32, #tpu.memory_space<vmem>>
    %dma_wait3A_291 = tpu.memref_squeeze %dma_wait3A_290 : memref<1x128xi32, #tpu.memory_space<vmem>> -> memref<128xi32, #tpu.memory_space<vmem>>
    %dma_wait3A_292 = arith.constant 0 : i32
    %dma_wait3A_293 = arith.constant 0 : i32
    %dma_wait3A_294 = tpu.memref_slice %arg13[%dma_wait3A_292, %dma_wait3A_293] : memref<10240x32xf32, #tpu.memory_space<vmem_shared>> -> memref<10240x32xf32, #tpu.memory_space<vmem_shared>>
    tpu.wait_indirect_dma semaphore(%arg19 : memref<!tpu.dma_semaphore, #tpu.memory_space<semaphore_mem>>) src(%dma_wait3A_288 : memref<128x32xf32, #tpu.memory_space<vmem>>) dst(%dma_wait3A_294 : memref<10240x32xf32, #tpu.memory_space<vmem_shared>>)
    %dma_wait3A_295 = arith.constant 3 : i32
    %dma_wait3A_296 = arith.constant 128 : i32
    %dma_wait3A_297 = arith.constant 0 : i32
    %dma_wait3A_298 = tpu.memref_slice %arg10[%dma_wait3A_296, %dma_wait3A_297] : memref<256x32xf32, #tpu.memory_space<vmem>> -> memref<128x32xf32, #tpu.memory_space<vmem>>
    %dma_wait3A_299 = arith.constant 0 : i32
    %dma_wait3A_300 = tpu.memref_slice %arg8[%dma_wait3A_295, %dma_wait3A_299] : memref<79x128xi32, #tpu.memory_space<vmem>> -> memref<1x128xi32, #tpu.memory_space<vmem>>
    %dma_wait3A_301 = tpu.memref_squeeze %dma_wait3A_300 : memref<1x128xi32, #tpu.memory_space<vmem>> -> memref<128xi32, #tpu.memory_space<vmem>>
    %dma_wait3A_302 = arith.constant 0 : i32
    %dma_wait3A_303 = arith.constant 0 : i32
    %dma_wait3A_304 = tpu.memref_slice %arg13[%dma_wait3A_302, %dma_wait3A_303] : memref<10240x32xf32, #tpu.memory_space<vmem_shared>> -> memref<10240x32xf32, #tpu.memory_space<vmem_shared>>
    tpu.wait_indirect_dma semaphore(%arg19 : memref<!tpu.dma_semaphore, #tpu.memory_space<semaphore_mem>>) src(%dma_wait3A_298 : memref<128x32xf32, #tpu.memory_space<vmem>>) dst(%dma_wait3A_304 : memref<10240x32xf32, #tpu.memory_space<vmem_shared>>)
    %dma_start3A_305 = arith.constant 10 : i32
    %dma_start3A_306 = arith.constant 0 : i32
    %dma_start3A_307 = arith.constant 0 : i32
    %dma_start3A_308 = tpu.memref_slice %arg10[%dma_start3A_306, %dma_start3A_307] : memref<256x32xf32, #tpu.memory_space<vmem>> -> memref<128x32xf32, #tpu.memory_space<vmem>>
    %dma_start3A_309 = arith.constant 0 : i32
    %dma_start3A_310 = tpu.memref_slice %arg7[%dma_start3A_305, %dma_start3A_309] : memref<79x128xi32, #tpu.memory_space<vmem>> -> memref<1x128xi32, #tpu.memory_space<vmem>>
    %dma_start3A_311 = tpu.memref_squeeze %dma_start3A_310 : memref<1x128xi32, #tpu.memory_space<vmem>> -> memref<128xi32, #tpu.memory_space<vmem>>
    %dma_start3A_312 = arith.constant 0 : i32
    %dma_start3A_313 = arith.constant 0 : i32
    %dma_start3A_314 = tpu.memref_slice %arg2[%dma_start3A_312, %dma_start3A_313] : memref<10240x32xf32, #tpu.memory_space<hbm>> -> memref<10240x32xf32, #tpu.memory_space<hbm>>
    tpu.enqueue_indirect_dma source(%dma_start3A_314 : memref<10240x32xf32, #tpu.memory_space<hbm>>) target(%dma_start3A_308 : memref<128x32xf32, #tpu.memory_space<vmem>>) offsets(%dma_start3A_311 : memref<128xi32, #tpu.memory_space<vmem>>) semaphore(%arg15 : memref<!tpu.dma_semaphore, #tpu.memory_space<semaphore_mem>>)
    %dma_start3A_315 = arith.constant 11 : i32
    %dma_start3A_316 = arith.constant 128 : i32
    %dma_start3A_317 = arith.constant 0 : i32
    %dma_start3A_318 = tpu.memref_slice %arg10[%dma_start3A_316, %dma_start3A_317] : memref<256x32xf32, #tpu.memory_space<vmem>> -> memref<128x32xf32, #tpu.memory_space<vmem>>
    %dma_start3A_319 = arith.constant 0 : i32
    %dma_start3A_320 = tpu.memref_slice %arg7[%dma_start3A_315, %dma_start3A_319] : memref<79x128xi32, #tpu.memory_space<vmem>> -> memref<1x128xi32, #tpu.memory_space<vmem>>
    %dma_start3A_321 = tpu.memref_squeeze %dma_start3A_320 : memref<1x128xi32, #tpu.memory_space<vmem>> -> memref<128xi32, #tpu.memory_space<vmem>>
    %dma_start3A_322 = arith.constant 0 : i32
    %dma_start3A_323 = arith.constant 0 : i32
    %dma_start3A_324 = tpu.memref_slice %arg2[%dma_start3A_322, %dma_start3A_323] : memref<10240x32xf32, #tpu.memory_space<hbm>> -> memref<10240x32xf32, #tpu.memory_space<hbm>>
    tpu.enqueue_indirect_dma source(%dma_start3A_324 : memref<10240x32xf32, #tpu.memory_space<hbm>>) target(%dma_start3A_318 : memref<128x32xf32, #tpu.memory_space<vmem>>) offsets(%dma_start3A_321 : memref<128xi32, #tpu.memory_space<vmem>>) semaphore(%arg15 : memref<!tpu.dma_semaphore, #tpu.memory_space<semaphore_mem>>)
    %scan3A = arith.constant 0 : i32
    %scan3A_325 = arith.constant 1 : i32
    %scan3A_326 = arith.constant 8 : i32
    %scan3A_327 = arith.addi %scan3A_325, %scan3A_326 : i32
    %scan3A_328 = arith.constant 1 : i32
    scf.for %scan3A_576 = %scan3A_325 to %scan3A_327 step %scan3A_328  : i32 {
      %mul3A_577 = arith.constant 4 : i32
      %mul3A_578 = arith.muli %mul3A_577, %scan3A_576 : i32
      %add3A_579 = arith.constant 0 : i32
      %add3A_580 = arith.addi %mul3A_578, %add3A_579 : i32
      %mul3A_581 = arith.constant 2 : i32
      %mul3A_582 = arith.muli %add3A_580, %mul3A_581 : i32
      %add3A_583 = arith.constant 0 : i32
      %add3A_584 = arith.addi %mul3A_582, %add3A_583 : i32
      %dma_wait3A_585 = arith.constant 0 : i32
      %dma_wait3A_586 = arith.constant 0 : i32
      %dma_wait3A_587 = tpu.memref_slice %arg9[%dma_wait3A_585, %dma_wait3A_586] : memref<256x32xf32, #tpu.memory_space<vmem>> -> memref<128x32xf32, #tpu.memory_space<vmem>>
      %dma_wait3A_588 = arith.constant 0 : i32
      %dma_wait3A_589 = tpu.memref_slice %arg7[%add3A_584, %dma_wait3A_588] : memref<79x128xi32, #tpu.memory_space<vmem>> -> memref<1x128xi32, #tpu.memory_space<vmem>>
      %dma_wait3A_590 = tpu.memref_squeeze %dma_wait3A_589 : memref<1x128xi32, #tpu.memory_space<vmem>> -> memref<128xi32, #tpu.memory_space<vmem>>
      %dma_wait3A_591 = arith.constant 0 : i32
      %dma_wait3A_592 = arith.constant 0 : i32
      %dma_wait3A_593 = tpu.memref_slice %arg2[%dma_wait3A_591, %dma_wait3A_592] : memref<10240x32xf32, #tpu.memory_space<hbm>> -> memref<10240x32xf32, #tpu.memory_space<hbm>>
      tpu.wait_indirect_dma semaphore(%arg14 : memref<!tpu.dma_semaphore, #tpu.memory_space<semaphore_mem>>) src(%dma_wait3A_593 : memref<10240x32xf32, #tpu.memory_space<hbm>>) dst(%dma_wait3A_587 : memref<128x32xf32, #tpu.memory_space<vmem>>)
      %mul3A_594 = arith.constant 2 : i32
      %mul3A_595 = arith.muli %add3A_580, %mul3A_594 : i32
      %add3A_596 = arith.constant 1 : i32
      %add3A_597 = arith.addi %mul3A_595, %add3A_596 : i32
      %dma_wait3A_598 = arith.constant 128 : i32
      %dma_wait3A_599 = arith.constant 0 : i32
      %dma_wait3A_600 = tpu.memref_slice %arg9[%dma_wait3A_598, %dma_wait3A_599] : memref<256x32xf32, #tpu.memory_space<vmem>> -> memref<128x32xf32, #tpu.memory_space<vmem>>
      %dma_wait3A_601 = arith.constant 0 : i32
      %dma_wait3A_602 = tpu.memref_slice %arg7[%add3A_597, %dma_wait3A_601] : memref<79x128xi32, #tpu.memory_space<vmem>> -> memref<1x128xi32, #tpu.memory_space<vmem>>
      %dma_wait3A_603 = tpu.memref_squeeze %dma_wait3A_602 : memref<1x128xi32, #tpu.memory_space<vmem>> -> memref<128xi32, #tpu.memory_space<vmem>>
      %dma_wait3A_604 = arith.constant 0 : i32
      %dma_wait3A_605 = arith.constant 0 : i32
      %dma_wait3A_606 = tpu.memref_slice %arg2[%dma_wait3A_604, %dma_wait3A_605] : memref<10240x32xf32, #tpu.memory_space<hbm>> -> memref<10240x32xf32, #tpu.memory_space<hbm>>
      tpu.wait_indirect_dma semaphore(%arg14 : memref<!tpu.dma_semaphore, #tpu.memory_space<semaphore_mem>>) src(%dma_wait3A_606 : memref<10240x32xf32, #tpu.memory_space<hbm>>) dst(%dma_wait3A_600 : memref<128x32xf32, #tpu.memory_space<vmem>>)
      %mul3A_607 = arith.constant 2 : i32
      %mul3A_608 = arith.muli %add3A_580, %mul3A_607 : i32
      %add3A_609 = arith.constant 0 : i32
      %add3A_610 = arith.addi %mul3A_608, %add3A_609 : i32
      %dma_start3A_611 = arith.constant 0 : i32
      %dma_start3A_612 = arith.constant 0 : i32
      %dma_start3A_613 = tpu.memref_slice %arg9[%dma_start3A_611, %dma_start3A_612] : memref<256x32xf32, #tpu.memory_space<vmem>> -> memref<128x32xf32, #tpu.memory_space<vmem>>
      %dma_start3A_614 = arith.constant 0 : i32
      %dma_start3A_615 = tpu.memref_slice %arg8[%add3A_610, %dma_start3A_614] : memref<79x128xi32, #tpu.memory_space<vmem>> -> memref<1x128xi32, #tpu.memory_space<vmem>>
      %dma_start3A_616 = tpu.memref_squeeze %dma_start3A_615 : memref<1x128xi32, #tpu.memory_space<vmem>> -> memref<128xi32, #tpu.memory_space<vmem>>
      %dma_start3A_617 = arith.constant 0 : i32
      %dma_start3A_618 = arith.constant 0 : i32
      %dma_start3A_619 = tpu.memref_slice %arg13[%dma_start3A_617, %dma_start3A_618] : memref<10240x32xf32, #tpu.memory_space<vmem_shared>> -> memref<10240x32xf32, #tpu.memory_space<vmem_shared>>
      tpu.enqueue_indirect_dma source(%dma_start3A_613 : memref<128x32xf32, #tpu.memory_space<vmem>>) target(%dma_start3A_619 : memref<10240x32xf32, #tpu.memory_space<vmem_shared>>) offsets(%dma_start3A_616 : memref<128xi32, #tpu.memory_space<vmem>>) semaphore(%arg18 : memref<!tpu.dma_semaphore, #tpu.memory_space<semaphore_mem>>) {add = true}
      %mul3A_620 = arith.constant 2 : i32
      %mul3A_621 = arith.muli %add3A_580, %mul3A_620 : i32
      %add3A_622 = arith.constant 1 : i32
      %add3A_623 = arith.addi %mul3A_621, %add3A_622 : i32
      %dma_start3A_624 = arith.constant 128 : i32
      %dma_start3A_625 = arith.constant 0 : i32
      %dma_start3A_626 = tpu.memref_slice %arg9[%dma_start3A_624, %dma_start3A_625] : memref<256x32xf32, #tpu.memory_space<vmem>> -> memref<128x32xf32, #tpu.memory_space<vmem>>
      %dma_start3A_627 = arith.constant 0 : i32
      %dma_start3A_628 = tpu.memref_slice %arg8[%add3A_623, %dma_start3A_627] : memref<79x128xi32, #tpu.memory_space<vmem>> -> memref<1x128xi32, #tpu.memory_space<vmem>>
      %dma_start3A_629 = tpu.memref_squeeze %dma_start3A_628 : memref<1x128xi32, #tpu.memory_space<vmem>> -> memref<128xi32, #tpu.memory_space<vmem>>
      %dma_start3A_630 = arith.constant 0 : i32
      %dma_start3A_631 = arith.constant 0 : i32
      %dma_start3A_632 = tpu.memref_slice %arg13[%dma_start3A_630, %dma_start3A_631] : memref<10240x32xf32, #tpu.memory_space<vmem_shared>> -> memref<10240x32xf32, #tpu.memory_space<vmem_shared>>
      tpu.enqueue_indirect_dma source(%dma_start3A_626 : memref<128x32xf32, #tpu.memory_space<vmem>>) target(%dma_start3A_632 : memref<10240x32xf32, #tpu.memory_space<vmem_shared>>) offsets(%dma_start3A_629 : memref<128xi32, #tpu.memory_space<vmem>>) semaphore(%arg18 : memref<!tpu.dma_semaphore, #tpu.memory_space<semaphore_mem>>) {add = true}
      %sub3A = arith.constant 2 : i32
      %sub3A_633 = arith.subi %add3A_580, %sub3A : i32
      %mul3A_634 = arith.constant 2 : i32
      %mul3A_635 = arith.muli %sub3A_633, %mul3A_634 : i32
      %add3A_636 = arith.constant 0 : i32
      %add3A_637 = arith.addi %mul3A_635, %add3A_636 : i32
      %dma_wait3A_638 = arith.constant 0 : i32
      %dma_wait3A_639 = arith.constant 0 : i32
      %dma_wait3A_640 = tpu.memref_slice %arg11[%dma_wait3A_638, %dma_wait3A_639] : memref<256x32xf32, #tpu.memory_space<vmem>> -> memref<128x32xf32, #tpu.memory_space<vmem>>
      %dma_wait3A_641 = arith.constant 0 : i32
      %dma_wait3A_642 = tpu.memref_slice %arg8[%add3A_637, %dma_wait3A_641] : memref<79x128xi32, #tpu.memory_space<vmem>> -> memref<1x128xi32, #tpu.memory_space<vmem>>
      %dma_wait3A_643 = tpu.memref_squeeze %dma_wait3A_642 : memref<1x128xi32, #tpu.memory_space<vmem>> -> memref<128xi32, #tpu.memory_space<vmem>>
      %dma_wait3A_644 = arith.constant 0 : i32
      %dma_wait3A_645 = arith.constant 0 : i32
      %dma_wait3A_646 = tpu.memref_slice %arg13[%dma_wait3A_644, %dma_wait3A_645] : memref<10240x32xf32, #tpu.memory_space<vmem_shared>> -> memref<10240x32xf32, #tpu.memory_space<vmem_shared>>
      tpu.wait_indirect_dma semaphore(%arg20 : memref<!tpu.dma_semaphore, #tpu.memory_space<semaphore_mem>>) src(%dma_wait3A_640 : memref<128x32xf32, #tpu.memory_space<vmem>>) dst(%dma_wait3A_646 : memref<10240x32xf32, #tpu.memory_space<vmem_shared>>)
      %mul3A_647 = arith.constant 2 : i32
      %mul3A_648 = arith.muli %sub3A_633, %mul3A_647 : i32
      %add3A_649 = arith.constant 1 : i32
      %add3A_650 = arith.addi %mul3A_648, %add3A_649 : i32
      %dma_wait3A_651 = arith.constant 128 : i32
      %dma_wait3A_652 = arith.constant 0 : i32
      %dma_wait3A_653 = tpu.memref_slice %arg11[%dma_wait3A_651, %dma_wait3A_652] : memref<256x32xf32, #tpu.memory_space<vmem>> -> memref<128x32xf32, #tpu.memory_space<vmem>>
      %dma_wait3A_654 = arith.constant 0 : i32
      %dma_wait3A_655 = tpu.memref_slice %arg8[%add3A_650, %dma_wait3A_654] : memref<79x128xi32, #tpu.memory_space<vmem>> -> memref<1x128xi32, #tpu.memory_space<vmem>>
      %dma_wait3A_656 = tpu.memref_squeeze %dma_wait3A_655 : memref<1x128xi32, #tpu.memory_space<vmem>> -> memref<128xi32, #tpu.memory_space<vmem>>
      %dma_wait3A_657 = arith.constant 0 : i32
      %dma_wait3A_658 = arith.constant 0 : i32
      %dma_wait3A_659 = tpu.memref_slice %arg13[%dma_wait3A_657, %dma_wait3A_658] : memref<10240x32xf32, #tpu.memory_space<vmem_shared>> -> memref<10240x32xf32, #tpu.memory_space<vmem_shared>>
      tpu.wait_indirect_dma semaphore(%arg20 : memref<!tpu.dma_semaphore, #tpu.memory_space<semaphore_mem>>) src(%dma_wait3A_653 : memref<128x32xf32, #tpu.memory_space<vmem>>) dst(%dma_wait3A_659 : memref<10240x32xf32, #tpu.memory_space<vmem_shared>>)
      %add3A_660 = arith.constant 2 : i32
      %add3A_661 = arith.addi %add3A_580, %add3A_660 : i32
      %mul3A_662 = arith.constant 2 : i32
      %mul3A_663 = arith.muli %add3A_661, %mul3A_662 : i32
      %add3A_664 = arith.constant 0 : i32
      %add3A_665 = arith.addi %mul3A_663, %add3A_664 : i32
      %dma_start3A_666 = arith.constant 0 : i32
      %dma_start3A_667 = arith.constant 0 : i32
      %dma_start3A_668 = tpu.memref_slice %arg11[%dma_start3A_666, %dma_start3A_667] : memref<256x32xf32, #tpu.memory_space<vmem>> -> memref<128x32xf32, #tpu.memory_space<vmem>>
      %dma_start3A_669 = arith.constant 0 : i32
      %dma_start3A_670 = tpu.memref_slice %arg7[%add3A_665, %dma_start3A_669] : memref<79x128xi32, #tpu.memory_space<vmem>> -> memref<1x128xi32, #tpu.memory_space<vmem>>
      %dma_start3A_671 = tpu.memref_squeeze %dma_start3A_670 : memref<1x128xi32, #tpu.memory_space<vmem>> -> memref<128xi32, #tpu.memory_space<vmem>>
      %dma_start3A_672 = arith.constant 0 : i32
      %dma_start3A_673 = arith.constant 0 : i32
      %dma_start3A_674 = tpu.memref_slice %arg2[%dma_start3A_672, %dma_start3A_673] : memref<10240x32xf32, #tpu.memory_space<hbm>> -> memref<10240x32xf32, #tpu.memory_space<hbm>>
      tpu.enqueue_indirect_dma source(%dma_start3A_674 : memref<10240x32xf32, #tpu.memory_space<hbm>>) target(%dma_start3A_668 : memref<128x32xf32, #tpu.memory_space<vmem>>) offsets(%dma_start3A_671 : memref<128xi32, #tpu.memory_space<vmem>>) semaphore(%arg16 : memref<!tpu.dma_semaphore, #tpu.memory_space<semaphore_mem>>)
      %mul3A_675 = arith.constant 2 : i32
      %mul3A_676 = arith.muli %add3A_661, %mul3A_675 : i32
      %add3A_677 = arith.constant 1 : i32
      %add3A_678 = arith.addi %mul3A_676, %add3A_677 : i32
      %dma_start3A_679 = arith.constant 128 : i32
      %dma_start3A_680 = arith.constant 0 : i32
      %dma_start3A_681 = tpu.memref_slice %arg11[%dma_start3A_679, %dma_start3A_680] : memref<256x32xf32, #tpu.memory_space<vmem>> -> memref<128x32xf32, #tpu.memory_space<vmem>>
      %dma_start3A_682 = arith.constant 0 : i32
      %dma_start3A_683 = tpu.memref_slice %arg7[%add3A_678, %dma_start3A_682] : memref<79x128xi32, #tpu.memory_space<vmem>> -> memref<1x128xi32, #tpu.memory_space<vmem>>
      %dma_start3A_684 = tpu.memref_squeeze %dma_start3A_683 : memref<1x128xi32, #tpu.memory_space<vmem>> -> memref<128xi32, #tpu.memory_space<vmem>>
      %dma_start3A_685 = arith.constant 0 : i32
      %dma_start3A_686 = arith.constant 0 : i32
      %dma_start3A_687 = tpu.memref_slice %arg2[%dma_start3A_685, %dma_start3A_686] : memref<10240x32xf32, #tpu.memory_space<hbm>> -> memref<10240x32xf32, #tpu.memory_space<hbm>>
      tpu.enqueue_indirect_dma source(%dma_start3A_687 : memref<10240x32xf32, #tpu.memory_space<hbm>>) target(%dma_start3A_681 : memref<128x32xf32, #tpu.memory_space<vmem>>) offsets(%dma_start3A_684 : memref<128xi32, #tpu.memory_space<vmem>>) semaphore(%arg16 : memref<!tpu.dma_semaphore, #tpu.memory_space<semaphore_mem>>)
      %mul3A_688 = arith.constant 4 : i32
      %mul3A_689 = arith.muli %mul3A_688, %scan3A_576 : i32
      %add3A_690 = arith.constant 1 : i32
      %add3A_691 = arith.addi %mul3A_689, %add3A_690 : i32
      %mul3A_692 = arith.constant 2 : i32
      %mul3A_693 = arith.muli %add3A_691, %mul3A_692 : i32
      %add3A_694 = arith.constant 0 : i32
      %add3A_695 = arith.addi %mul3A_693, %add3A_694 : i32
      %dma_wait3A_696 = arith.constant 0 : i32
      %dma_wait3A_697 = arith.constant 0 : i32
      %dma_wait3A_698 = tpu.memref_slice %arg10[%dma_wait3A_696, %dma_wait3A_697] : memref<256x32xf32, #tpu.memory_space<vmem>> -> memref<128x32xf32, #tpu.memory_space<vmem>>
      %dma_wait3A_699 = arith.constant 0 : i32
      %dma_wait3A_700 = tpu.memref_slice %arg7[%add3A_695, %dma_wait3A_699] : memref<79x128xi32, #tpu.memory_space<vmem>> -> memref<1x128xi32, #tpu.memory_space<vmem>>
      %dma_wait3A_701 = tpu.memref_squeeze %dma_wait3A_700 : memref<1x128xi32, #tpu.memory_space<vmem>> -> memref<128xi32, #tpu.memory_space<vmem>>
      %dma_wait3A_702 = arith.constant 0 : i32
      %dma_wait3A_703 = arith.constant 0 : i32
      %dma_wait3A_704 = tpu.memref_slice %arg2[%dma_wait3A_702, %dma_wait3A_703] : memref<10240x32xf32, #tpu.memory_space<hbm>> -> memref<10240x32xf32, #tpu.memory_space<hbm>>
      tpu.wait_indirect_dma semaphore(%arg15 : memref<!tpu.dma_semaphore, #tpu.memory_space<semaphore_mem>>) src(%dma_wait3A_704 : memref<10240x32xf32, #tpu.memory_space<hbm>>) dst(%dma_wait3A_698 : memref<128x32xf32, #tpu.memory_space<vmem>>)
      %mul3A_705 = arith.constant 2 : i32
      %mul3A_706 = arith.muli %add3A_691, %mul3A_705 : i32
      %add3A_707 = arith.constant 1 : i32
      %add3A_708 = arith.addi %mul3A_706, %add3A_707 : i32
      %dma_wait3A_709 = arith.constant 128 : i32
      %dma_wait3A_710 = arith.constant 0 : i32
      %dma_wait3A_711 = tpu.memref_slice %arg10[%dma_wait3A_709, %dma_wait3A_710] : memref<256x32xf32, #tpu.memory_space<vmem>> -> memref<128x32xf32, #tpu.memory_space<vmem>>
      %dma_wait3A_712 = arith.constant 0 : i32
      %dma_wait3A_713 = tpu.memref_slice %arg7[%add3A_708, %dma_wait3A_712] : memref<79x128xi32, #tpu.memory_space<vmem>> -> memref<1x128xi32, #tpu.memory_space<vmem>>
      %dma_wait3A_714 = tpu.memref_squeeze %dma_wait3A_713 : memref<1x128xi32, #tpu.memory_space<vmem>> -> memref<128xi32, #tpu.memory_space<vmem>>
      %dma_wait3A_715 = arith.constant 0 : i32
      %dma_wait3A_716 = arith.constant 0 : i32
      %dma_wait3A_717 = tpu.memref_slice %arg2[%dma_wait3A_715, %dma_wait3A_716] : memref<10240x32xf32, #tpu.memory_space<hbm>> -> memref<10240x32xf32, #tpu.memory_space<hbm>>
      tpu.wait_indirect_dma semaphore(%arg15 : memref<!tpu.dma_semaphore, #tpu.memory_space<semaphore_mem>>) src(%dma_wait3A_717 : memref<10240x32xf32, #tpu.memory_space<hbm>>) dst(%dma_wait3A_711 : memref<128x32xf32, #tpu.memory_space<vmem>>)
      %mul3A_718 = arith.constant 2 : i32
      %mul3A_719 = arith.muli %add3A_691, %mul3A_718 : i32
      %add3A_720 = arith.constant 0 : i32
      %add3A_721 = arith.addi %mul3A_719, %add3A_720 : i32
      %dma_start3A_722 = arith.constant 0 : i32
      %dma_start3A_723 = arith.constant 0 : i32
      %dma_start3A_724 = tpu.memref_slice %arg10[%dma_start3A_722, %dma_start3A_723] : memref<256x32xf32, #tpu.memory_space<vmem>> -> memref<128x32xf32, #tpu.memory_space<vmem>>
      %dma_start3A_725 = arith.constant 0 : i32
      %dma_start3A_726 = tpu.memref_slice %arg8[%add3A_721, %dma_start3A_725] : memref<79x128xi32, #tpu.memory_space<vmem>> -> memref<1x128xi32, #tpu.memory_space<vmem>>
      %dma_start3A_727 = tpu.memref_squeeze %dma_start3A_726 : memref<1x128xi32, #tpu.memory_space<vmem>> -> memref<128xi32, #tpu.memory_space<vmem>>
      %dma_start3A_728 = arith.constant 0 : i32
      %dma_start3A_729 = arith.constant 0 : i32
      %dma_start3A_730 = tpu.memref_slice %arg13[%dma_start3A_728, %dma_start3A_729] : memref<10240x32xf32, #tpu.memory_space<vmem_shared>> -> memref<10240x32xf32, #tpu.memory_space<vmem_shared>>
      tpu.enqueue_indirect_dma source(%dma_start3A_724 : memref<128x32xf32, #tpu.memory_space<vmem>>) target(%dma_start3A_730 : memref<10240x32xf32, #tpu.memory_space<vmem_shared>>) offsets(%dma_start3A_727 : memref<128xi32, #tpu.memory_space<vmem>>) semaphore(%arg19 : memref<!tpu.dma_semaphore, #tpu.memory_space<semaphore_mem>>) {add = true}
      %mul3A_731 = arith.constant 2 : i32
      %mul3A_732 = arith.muli %add3A_691, %mul3A_731 : i32
      %add3A_733 = arith.constant 1 : i32
      %add3A_734 = arith.addi %mul3A_732, %add3A_733 : i32
      %dma_start3A_735 = arith.constant 128 : i32
      %dma_start3A_736 = arith.constant 0 : i32
      %dma_start3A_737 = tpu.memref_slice %arg10[%dma_start3A_735, %dma_start3A_736] : memref<256x32xf32, #tpu.memory_space<vmem>> -> memref<128x32xf32, #tpu.memory_space<vmem>>
      %dma_start3A_738 = arith.constant 0 : i32
      %dma_start3A_739 = tpu.memref_slice %arg8[%add3A_734, %dma_start3A_738] : memref<79x128xi32, #tpu.memory_space<vmem>> -> memref<1x128xi32, #tpu.memory_space<vmem>>
      %dma_start3A_740 = tpu.memref_squeeze %dma_start3A_739 : memref<1x128xi32, #tpu.memory_space<vmem>> -> memref<128xi32, #tpu.memory_space<vmem>>
      %dma_start3A_741 = arith.constant 0 : i32
      %dma_start3A_742 = arith.constant 0 : i32
      %dma_start3A_743 = tpu.memref_slice %arg13[%dma_start3A_741, %dma_start3A_742] : memref<10240x32xf32, #tpu.memory_space<vmem_shared>> -> memref<10240x32xf32, #tpu.memory_space<vmem_shared>>
      tpu.enqueue_indirect_dma source(%dma_start3A_737 : memref<128x32xf32, #tpu.memory_space<vmem>>) target(%dma_start3A_743 : memref<10240x32xf32, #tpu.memory_space<vmem_shared>>) offsets(%dma_start3A_740 : memref<128xi32, #tpu.memory_space<vmem>>) semaphore(%arg19 : memref<!tpu.dma_semaphore, #tpu.memory_space<semaphore_mem>>) {add = true}
      %sub3A_744 = arith.constant 2 : i32
      %sub3A_745 = arith.subi %add3A_691, %sub3A_744 : i32
      %mul3A_746 = arith.constant 2 : i32
      %mul3A_747 = arith.muli %sub3A_745, %mul3A_746 : i32
      %add3A_748 = arith.constant 0 : i32
      %add3A_749 = arith.addi %mul3A_747, %add3A_748 : i32
      %dma_wait3A_750 = arith.constant 0 : i32
      %dma_wait3A_751 = arith.constant 0 : i32
      %dma_wait3A_752 = tpu.memref_slice %arg12[%dma_wait3A_750, %dma_wait3A_751] : memref<256x32xf32, #tpu.memory_space<vmem>> -> memref<128x32xf32, #tpu.memory_space<vmem>>
      %dma_wait3A_753 = arith.constant 0 : i32
      %dma_wait3A_754 = tpu.memref_slice %arg8[%add3A_749, %dma_wait3A_753] : memref<79x128xi32, #tpu.memory_space<vmem>> -> memref<1x128xi32, #tpu.memory_space<vmem>>
      %dma_wait3A_755 = tpu.memref_squeeze %dma_wait3A_754 : memref<1x128xi32, #tpu.memory_space<vmem>> -> memref<128xi32, #tpu.memory_space<vmem>>
      %dma_wait3A_756 = arith.constant 0 : i32
      %dma_wait3A_757 = arith.constant 0 : i32
      %dma_wait3A_758 = tpu.memref_slice %arg13[%dma_wait3A_756, %dma_wait3A_757] : memref<10240x32xf32, #tpu.memory_space<vmem_shared>> -> memref<10240x32xf32, #tpu.memory_space<vmem_shared>>
      tpu.wait_indirect_dma semaphore(%arg21 : memref<!tpu.dma_semaphore, #tpu.memory_space<semaphore_mem>>) src(%dma_wait3A_752 : memref<128x32xf32, #tpu.memory_space<vmem>>) dst(%dma_wait3A_758 : memref<10240x32xf32, #tpu.memory_space<vmem_shared>>)
      %mul3A_759 = arith.constant 2 : i32
      %mul3A_760 = arith.muli %sub3A_745, %mul3A_759 : i32
      %add3A_761 = arith.constant 1 : i32
      %add3A_762 = arith.addi %mul3A_760, %add3A_761 : i32
      %dma_wait3A_763 = arith.constant 128 : i32
      %dma_wait3A_764 = arith.constant 0 : i32
      %dma_wait3A_765 = tpu.memref_slice %arg12[%dma_wait3A_763, %dma_wait3A_764] : memref<256x32xf32, #tpu.memory_space<vmem>> -> memref<128x32xf32, #tpu.memory_space<vmem>>
      %dma_wait3A_766 = arith.constant 0 : i32
      %dma_wait3A_767 = tpu.memref_slice %arg8[%add3A_762, %dma_wait3A_766] : memref<79x128xi32, #tpu.memory_space<vmem>> -> memref<1x128xi32, #tpu.memory_space<vmem>>
      %dma_wait3A_768 = tpu.memref_squeeze %dma_wait3A_767 : memref<1x128xi32, #tpu.memory_space<vmem>> -> memref<128xi32, #tpu.memory_space<vmem>>
      %dma_wait3A_769 = arith.constant 0 : i32
      %dma_wait3A_770 = arith.constant 0 : i32
      %dma_wait3A_771 = tpu.memref_slice %arg13[%dma_wait3A_769, %dma_wait3A_770] : memref<10240x32xf32, #tpu.memory_space<vmem_shared>> -> memref<10240x32xf32, #tpu.memory_space<vmem_shared>>
      tpu.wait_indirect_dma semaphore(%arg21 : memref<!tpu.dma_semaphore, #tpu.memory_space<semaphore_mem>>) src(%dma_wait3A_765 : memref<128x32xf32, #tpu.memory_space<vmem>>) dst(%dma_wait3A_771 : memref<10240x32xf32, #tpu.memory_space<vmem_shared>>)
      %add3A_772 = arith.constant 2 : i32
      %add3A_773 = arith.addi %add3A_691, %add3A_772 : i32
      %mul3A_774 = arith.constant 2 : i32
      %mul3A_775 = arith.muli %add3A_773, %mul3A_774 : i32
      %add3A_776 = arith.constant 0 : i32
      %add3A_777 = arith.addi %mul3A_775, %add3A_776 : i32
      %dma_start3A_778 = arith.constant 0 : i32
      %dma_start3A_779 = arith.constant 0 : i32
      %dma_start3A_780 = tpu.memref_slice %arg12[%dma_start3A_778, %dma_start3A_779] : memref<256x32xf32, #tpu.memory_space<vmem>> -> memref<128x32xf32, #tpu.memory_space<vmem>>
      %dma_start3A_781 = arith.constant 0 : i32
      %dma_start3A_782 = tpu.memref_slice %arg7[%add3A_777, %dma_start3A_781] : memref<79x128xi32, #tpu.memory_space<vmem>> -> memref<1x128xi32, #tpu.memory_space<vmem>>
      %dma_start3A_783 = tpu.memref_squeeze %dma_start3A_782 : memref<1x128xi32, #tpu.memory_space<vmem>> -> memref<128xi32, #tpu.memory_space<vmem>>
      %dma_start3A_784 = arith.constant 0 : i32
      %dma_start3A_785 = arith.constant 0 : i32
      %dma_start3A_786 = tpu.memref_slice %arg2[%dma_start3A_784, %dma_start3A_785] : memref<10240x32xf32, #tpu.memory_space<hbm>> -> memref<10240x32xf32, #tpu.memory_space<hbm>>
      tpu.enqueue_indirect_dma source(%dma_start3A_786 : memref<10240x32xf32, #tpu.memory_space<hbm>>) target(%dma_start3A_780 : memref<128x32xf32, #tpu.memory_space<vmem>>) offsets(%dma_start3A_783 : memref<128xi32, #tpu.memory_space<vmem>>) semaphore(%arg17 : memref<!tpu.dma_semaphore, #tpu.memory_space<semaphore_mem>>)
      %mul3A_787 = arith.constant 2 : i32
      %mul3A_788 = arith.muli %add3A_773, %mul3A_787 : i32
      %add3A_789 = arith.constant 1 : i32
      %add3A_790 = arith.addi %mul3A_788, %add3A_789 : i32
      %dma_start3A_791 = arith.constant 128 : i32
      %dma_start3A_792 = arith.constant 0 : i32
      %dma_start3A_793 = tpu.memref_slice %arg12[%dma_start3A_791, %dma_start3A_792] : memref<256x32xf32, #tpu.memory_space<vmem>> -> memref<128x32xf32, #tpu.memory_space<vmem>>
      %dma_start3A_794 = arith.constant 0 : i32
      %dma_start3A_795 = tpu.memref_slice %arg7[%add3A_790, %dma_start3A_794] : memref<79x128xi32, #tpu.memory_space<vmem>> -> memref<1x128xi32, #tpu.memory_space<vmem>>
      %dma_start3A_796 = tpu.memref_squeeze %dma_start3A_795 : memref<1x128xi32, #tpu.memory_space<vmem>> -> memref<128xi32, #tpu.memory_space<vmem>>
      %dma_start3A_797 = arith.constant 0 : i32
      %dma_start3A_798 = arith.constant 0 : i32
      %dma_start3A_799 = tpu.memref_slice %arg2[%dma_start3A_797, %dma_start3A_798] : memref<10240x32xf32, #tpu.memory_space<hbm>> -> memref<10240x32xf32, #tpu.memory_space<hbm>>
      tpu.enqueue_indirect_dma source(%dma_start3A_799 : memref<10240x32xf32, #tpu.memory_space<hbm>>) target(%dma_start3A_793 : memref<128x32xf32, #tpu.memory_space<vmem>>) offsets(%dma_start3A_796 : memref<128xi32, #tpu.memory_space<vmem>>) semaphore(%arg17 : memref<!tpu.dma_semaphore, #tpu.memory_space<semaphore_mem>>)
      %mul3A_800 = arith.constant 4 : i32
      %mul3A_801 = arith.muli %mul3A_800, %scan3A_576 : i32
      %add3A_802 = arith.constant 2 : i32
      %add3A_803 = arith.addi %mul3A_801, %add3A_802 : i32
      %mul3A_804 = arith.constant 2 : i32
      %mul3A_805 = arith.muli %add3A_803, %mul3A_804 : i32
      %add3A_806 = arith.constant 0 : i32
      %add3A_807 = arith.addi %mul3A_805, %add3A_806 : i32
      %dma_wait3A_808 = arith.constant 0 : i32
      %dma_wait3A_809 = arith.constant 0 : i32
      %dma_wait3A_810 = tpu.memref_slice %arg11[%dma_wait3A_808, %dma_wait3A_809] : memref<256x32xf32, #tpu.memory_space<vmem>> -> memref<128x32xf32, #tpu.memory_space<vmem>>
      %dma_wait3A_811 = arith.constant 0 : i32
      %dma_wait3A_812 = tpu.memref_slice %arg7[%add3A_807, %dma_wait3A_811] : memref<79x128xi32, #tpu.memory_space<vmem>> -> memref<1x128xi32, #tpu.memory_space<vmem>>
      %dma_wait3A_813 = tpu.memref_squeeze %dma_wait3A_812 : memref<1x128xi32, #tpu.memory_space<vmem>> -> memref<128xi32, #tpu.memory_space<vmem>>
      %dma_wait3A_814 = arith.constant 0 : i32
      %dma_wait3A_815 = arith.constant 0 : i32
      %dma_wait3A_816 = tpu.memref_slice %arg2[%dma_wait3A_814, %dma_wait3A_815] : memref<10240x32xf32, #tpu.memory_space<hbm>> -> memref<10240x32xf32, #tpu.memory_space<hbm>>
      tpu.wait_indirect_dma semaphore(%arg16 : memref<!tpu.dma_semaphore, #tpu.memory_space<semaphore_mem>>) src(%dma_wait3A_816 : memref<10240x32xf32, #tpu.memory_space<hbm>>) dst(%dma_wait3A_810 : memref<128x32xf32, #tpu.memory_space<vmem>>)
      %mul3A_817 = arith.constant 2 : i32
      %mul3A_818 = arith.muli %add3A_803, %mul3A_817 : i32
      %add3A_819 = arith.constant 1 : i32
      %add3A_820 = arith.addi %mul3A_818, %add3A_819 : i32
      %dma_wait3A_821 = arith.constant 128 : i32
      %dma_wait3A_822 = arith.constant 0 : i32
      %dma_wait3A_823 = tpu.memref_slice %arg11[%dma_wait3A_821, %dma_wait3A_822] : memref<256x32xf32, #tpu.memory_space<vmem>> -> memref<128x32xf32, #tpu.memory_space<vmem>>
      %dma_wait3A_824 = arith.constant 0 : i32
      %dma_wait3A_825 = tpu.memref_slice %arg7[%add3A_820, %dma_wait3A_824] : memref<79x128xi32, #tpu.memory_space<vmem>> -> memref<1x128xi32, #tpu.memory_space<vmem>>
      %dma_wait3A_826 = tpu.memref_squeeze %dma_wait3A_825 : memref<1x128xi32, #tpu.memory_space<vmem>> -> memref<128xi32, #tpu.memory_space<vmem>>
      %dma_wait3A_827 = arith.constant 0 : i32
      %dma_wait3A_828 = arith.constant 0 : i32
      %dma_wait3A_829 = tpu.memref_slice %arg2[%dma_wait3A_827, %dma_wait3A_828] : memref<10240x32xf32, #tpu.memory_space<hbm>> -> memref<10240x32xf32, #tpu.memory_space<hbm>>
      tpu.wait_indirect_dma semaphore(%arg16 : memref<!tpu.dma_semaphore, #tpu.memory_space<semaphore_mem>>) src(%dma_wait3A_829 : memref<10240x32xf32, #tpu.memory_space<hbm>>) dst(%dma_wait3A_823 : memref<128x32xf32, #tpu.memory_space<vmem>>)
      %mul3A_830 = arith.constant 2 : i32
      %mul3A_831 = arith.muli %add3A_803, %mul3A_830 : i32
      %add3A_832 = arith.constant 0 : i32
      %add3A_833 = arith.addi %mul3A_831, %add3A_832 : i32
      %dma_start3A_834 = arith.constant 0 : i32
      %dma_start3A_835 = arith.constant 0 : i32
      %dma_start3A_836 = tpu.memref_slice %arg11[%dma_start3A_834, %dma_start3A_835] : memref<256x32xf32, #tpu.memory_space<vmem>> -> memref<128x32xf32, #tpu.memory_space<vmem>>
      %dma_start3A_837 = arith.constant 0 : i32
      %dma_start3A_838 = tpu.memref_slice %arg8[%add3A_833, %dma_start3A_837] : memref<79x128xi32, #tpu.memory_space<vmem>> -> memref<1x128xi32, #tpu.memory_space<vmem>>
      %dma_start3A_839 = tpu.memref_squeeze %dma_start3A_838 : memref<1x128xi32, #tpu.memory_space<vmem>> -> memref<128xi32, #tpu.memory_space<vmem>>
      %dma_start3A_840 = arith.constant 0 : i32
      %dma_start3A_841 = arith.constant 0 : i32
      %dma_start3A_842 = tpu.memref_slice %arg13[%dma_start3A_840, %dma_start3A_841] : memref<10240x32xf32, #tpu.memory_space<vmem_shared>> -> memref<10240x32xf32, #tpu.memory_space<vmem_shared>>
      tpu.enqueue_indirect_dma source(%dma_start3A_836 : memref<128x32xf32, #tpu.memory_space<vmem>>) target(%dma_start3A_842 : memref<10240x32xf32, #tpu.memory_space<vmem_shared>>) offsets(%dma_start3A_839 : memref<128xi32, #tpu.memory_space<vmem>>) semaphore(%arg20 : memref<!tpu.dma_semaphore, #tpu.memory_space<semaphore_mem>>) {add = true}
      %mul3A_843 = arith.constant 2 : i32
      %mul3A_844 = arith.muli %add3A_803, %mul3A_843 : i32
      %add3A_845 = arith.constant 1 : i32
      %add3A_846 = arith.addi %mul3A_844, %add3A_845 : i32
      %dma_start3A_847 = arith.constant 128 : i32
      %dma_start3A_848 = arith.constant 0 : i32
      %dma_start3A_849 = tpu.memref_slice %arg11[%dma_start3A_847, %dma_start3A_848] : memref<256x32xf32, #tpu.memory_space<vmem>> -> memref<128x32xf32, #tpu.memory_space<vmem>>
      %dma_start3A_850 = arith.constant 0 : i32
      %dma_start3A_851 = tpu.memref_slice %arg8[%add3A_846, %dma_start3A_850] : memref<79x128xi32, #tpu.memory_space<vmem>> -> memref<1x128xi32, #tpu.memory_space<vmem>>
      %dma_start3A_852 = tpu.memref_squeeze %dma_start3A_851 : memref<1x128xi32, #tpu.memory_space<vmem>> -> memref<128xi32, #tpu.memory_space<vmem>>
      %dma_start3A_853 = arith.constant 0 : i32
      %dma_start3A_854 = arith.constant 0 : i32
      %dma_start3A_855 = tpu.memref_slice %arg13[%dma_start3A_853, %dma_start3A_854] : memref<10240x32xf32, #tpu.memory_space<vmem_shared>> -> memref<10240x32xf32, #tpu.memory_space<vmem_shared>>
      tpu.enqueue_indirect_dma source(%dma_start3A_849 : memref<128x32xf32, #tpu.memory_space<vmem>>) target(%dma_start3A_855 : memref<10240x32xf32, #tpu.memory_space<vmem_shared>>) offsets(%dma_start3A_852 : memref<128xi32, #tpu.memory_space<vmem>>) semaphore(%arg20 : memref<!tpu.dma_semaphore, #tpu.memory_space<semaphore_mem>>) {add = true}
      %sub3A_856 = arith.constant 2 : i32
      %sub3A_857 = arith.subi %add3A_803, %sub3A_856 : i32
      %mul3A_858 = arith.constant 2 : i32
      %mul3A_859 = arith.muli %sub3A_857, %mul3A_858 : i32
      %add3A_860 = arith.constant 0 : i32
      %add3A_861 = arith.addi %mul3A_859, %add3A_860 : i32
      %dma_wait3A_862 = arith.constant 0 : i32
      %dma_wait3A_863 = arith.constant 0 : i32
      %dma_wait3A_864 = tpu.memref_slice %arg9[%dma_wait3A_862, %dma_wait3A_863] : memref<256x32xf32, #tpu.memory_space<vmem>> -> memref<128x32xf32, #tpu.memory_space<vmem>>
      %dma_wait3A_865 = arith.constant 0 : i32
      %dma_wait3A_866 = tpu.memref_slice %arg8[%add3A_861, %dma_wait3A_865] : memref<79x128xi32, #tpu.memory_space<vmem>> -> memref<1x128xi32, #tpu.memory_space<vmem>>
      %dma_wait3A_867 = tpu.memref_squeeze %dma_wait3A_866 : memref<1x128xi32, #tpu.memory_space<vmem>> -> memref<128xi32, #tpu.memory_space<vmem>>
      %dma_wait3A_868 = arith.constant 0 : i32
      %dma_wait3A_869 = arith.constant 0 : i32
      %dma_wait3A_870 = tpu.memref_slice %arg13[%dma_wait3A_868, %dma_wait3A_869] : memref<10240x32xf32, #tpu.memory_space<vmem_shared>> -> memref<10240x32xf32, #tpu.memory_space<vmem_shared>>
      tpu.wait_indirect_dma semaphore(%arg18 : memref<!tpu.dma_semaphore, #tpu.memory_space<semaphore_mem>>) src(%dma_wait3A_864 : memref<128x32xf32, #tpu.memory_space<vmem>>) dst(%dma_wait3A_870 : memref<10240x32xf32, #tpu.memory_space<vmem_shared>>)
      %mul3A_871 = arith.constant 2 : i32
      %mul3A_872 = arith.muli %sub3A_857, %mul3A_871 : i32
      %add3A_873 = arith.constant 1 : i32
      %add3A_874 = arith.addi %mul3A_872, %add3A_873 : i32
      %dma_wait3A_875 = arith.constant 128 : i32
      %dma_wait3A_876 = arith.constant 0 : i32
      %dma_wait3A_877 = tpu.memref_slice %arg9[%dma_wait3A_875, %dma_wait3A_876] : memref<256x32xf32, #tpu.memory_space<vmem>> -> memref<128x32xf32, #tpu.memory_space<vmem>>
      %dma_wait3A_878 = arith.constant 0 : i32
      %dma_wait3A_879 = tpu.memref_slice %arg8[%add3A_874, %dma_wait3A_878] : memref<79x128xi32, #tpu.memory_space<vmem>> -> memref<1x128xi32, #tpu.memory_space<vmem>>
      %dma_wait3A_880 = tpu.memref_squeeze %dma_wait3A_879 : memref<1x128xi32, #tpu.memory_space<vmem>> -> memref<128xi32, #tpu.memory_space<vmem>>
      %dma_wait3A_881 = arith.constant 0 : i32
      %dma_wait3A_882 = arith.constant 0 : i32
      %dma_wait3A_883 = tpu.memref_slice %arg13[%dma_wait3A_881, %dma_wait3A_882] : memref<10240x32xf32, #tpu.memory_space<vmem_shared>> -> memref<10240x32xf32, #tpu.memory_space<vmem_shared>>
      tpu.wait_indirect_dma semaphore(%arg18 : memref<!tpu.dma_semaphore, #tpu.memory_space<semaphore_mem>>) src(%dma_wait3A_877 : memref<128x32xf32, #tpu.memory_space<vmem>>) dst(%dma_wait3A_883 : memref<10240x32xf32, #tpu.memory_space<vmem_shared>>)
      %add3A_884 = arith.constant 2 : i32
      %add3A_885 = arith.addi %add3A_803, %add3A_884 : i32
      %mul3A_886 = arith.constant 2 : i32
      %mul3A_887 = arith.muli %add3A_885, %mul3A_886 : i32
      %add3A_888 = arith.constant 0 : i32
      %add3A_889 = arith.addi %mul3A_887, %add3A_888 : i32
      %dma_start3A_890 = arith.constant 0 : i32
      %dma_start3A_891 = arith.constant 0 : i32
      %dma_start3A_892 = tpu.memref_slice %arg9[%dma_start3A_890, %dma_start3A_891] : memref<256x32xf32, #tpu.memory_space<vmem>> -> memref<128x32xf32, #tpu.memory_space<vmem>>
      %dma_start3A_893 = arith.constant 0 : i32
      %dma_start3A_894 = tpu.memref_slice %arg7[%add3A_889, %dma_start3A_893] : memref<79x128xi32, #tpu.memory_space<vmem>> -> memref<1x128xi32, #tpu.memory_space<vmem>>
      %dma_start3A_895 = tpu.memref_squeeze %dma_start3A_894 : memref<1x128xi32, #tpu.memory_space<vmem>> -> memref<128xi32, #tpu.memory_space<vmem>>
      %dma_start3A_896 = arith.constant 0 : i32
      %dma_start3A_897 = arith.constant 0 : i32
      %dma_start3A_898 = tpu.memref_slice %arg2[%dma_start3A_896, %dma_start3A_897] : memref<10240x32xf32, #tpu.memory_space<hbm>> -> memref<10240x32xf32, #tpu.memory_space<hbm>>
      tpu.enqueue_indirect_dma source(%dma_start3A_898 : memref<10240x32xf32, #tpu.memory_space<hbm>>) target(%dma_start3A_892 : memref<128x32xf32, #tpu.memory_space<vmem>>) offsets(%dma_start3A_895 : memref<128xi32, #tpu.memory_space<vmem>>) semaphore(%arg14 : memref<!tpu.dma_semaphore, #tpu.memory_space<semaphore_mem>>)
      %mul3A_899 = arith.constant 2 : i32
      %mul3A_900 = arith.muli %add3A_885, %mul3A_899 : i32
      %add3A_901 = arith.constant 1 : i32
      %add3A_902 = arith.addi %mul3A_900, %add3A_901 : i32
      %dma_start3A_903 = arith.constant 128 : i32
      %dma_start3A_904 = arith.constant 0 : i32
      %dma_start3A_905 = tpu.memref_slice %arg9[%dma_start3A_903, %dma_start3A_904] : memref<256x32xf32, #tpu.memory_space<vmem>> -> memref<128x32xf32, #tpu.memory_space<vmem>>
      %dma_start3A_906 = arith.constant 0 : i32
      %dma_start3A_907 = tpu.memref_slice %arg7[%add3A_902, %dma_start3A_906] : memref<79x128xi32, #tpu.memory_space<vmem>> -> memref<1x128xi32, #tpu.memory_space<vmem>>
      %dma_start3A_908 = tpu.memref_squeeze %dma_start3A_907 : memref<1x128xi32, #tpu.memory_space<vmem>> -> memref<128xi32, #tpu.memory_space<vmem>>
      %dma_start3A_909 = arith.constant 0 : i32
      %dma_start3A_910 = arith.constant 0 : i32
      %dma_start3A_911 = tpu.memref_slice %arg2[%dma_start3A_909, %dma_start3A_910] : memref<10240x32xf32, #tpu.memory_space<hbm>> -> memref<10240x32xf32, #tpu.memory_space<hbm>>
      tpu.enqueue_indirect_dma source(%dma_start3A_911 : memref<10240x32xf32, #tpu.memory_space<hbm>>) target(%dma_start3A_905 : memref<128x32xf32, #tpu.memory_space<vmem>>) offsets(%dma_start3A_908 : memref<128xi32, #tpu.memory_space<vmem>>) semaphore(%arg14 : memref<!tpu.dma_semaphore, #tpu.memory_space<semaphore_mem>>)
      %mul3A_912 = arith.constant 4 : i32
      %mul3A_913 = arith.muli %mul3A_912, %scan3A_576 : i32
      %add3A_914 = arith.constant 3 : i32
      %add3A_915 = arith.addi %mul3A_913, %add3A_914 : i32
      %mul3A_916 = arith.constant 2 : i32
      %mul3A_917 = arith.muli %add3A_915, %mul3A_916 : i32
      %add3A_918 = arith.constant 0 : i32
      %add3A_919 = arith.addi %mul3A_917, %add3A_918 : i32
      %dma_wait3A_920 = arith.constant 0 : i32
      %dma_wait3A_921 = arith.constant 0 : i32
      %dma_wait3A_922 = tpu.memref_slice %arg12[%dma_wait3A_920, %dma_wait3A_921] : memref<256x32xf32, #tpu.memory_space<vmem>> -> memref<128x32xf32, #tpu.memory_space<vmem>>
      %dma_wait3A_923 = arith.constant 0 : i32
      %dma_wait3A_924 = tpu.memref_slice %arg7[%add3A_919, %dma_wait3A_923] : memref<79x128xi32, #tpu.memory_space<vmem>> -> memref<1x128xi32, #tpu.memory_space<vmem>>
      %dma_wait3A_925 = tpu.memref_squeeze %dma_wait3A_924 : memref<1x128xi32, #tpu.memory_space<vmem>> -> memref<128xi32, #tpu.memory_space<vmem>>
      %dma_wait3A_926 = arith.constant 0 : i32
      %dma_wait3A_927 = arith.constant 0 : i32
      %dma_wait3A_928 = tpu.memref_slice %arg2[%dma_wait3A_926, %dma_wait3A_927] : memref<10240x32xf32, #tpu.memory_space<hbm>> -> memref<10240x32xf32, #tpu.memory_space<hbm>>
      tpu.wait_indirect_dma semaphore(%arg17 : memref<!tpu.dma_semaphore, #tpu.memory_space<semaphore_mem>>) src(%dma_wait3A_928 : memref<10240x32xf32, #tpu.memory_space<hbm>>) dst(%dma_wait3A_922 : memref<128x32xf32, #tpu.memory_space<vmem>>)
      %mul3A_929 = arith.constant 2 : i32
      %mul3A_930 = arith.muli %add3A_915, %mul3A_929 : i32
      %add3A_931 = arith.constant 1 : i32
      %add3A_932 = arith.addi %mul3A_930, %add3A_931 : i32
      %dma_wait3A_933 = arith.constant 128 : i32
      %dma_wait3A_934 = arith.constant 0 : i32
      %dma_wait3A_935 = tpu.memref_slice %arg12[%dma_wait3A_933, %dma_wait3A_934] : memref<256x32xf32, #tpu.memory_space<vmem>> -> memref<128x32xf32, #tpu.memory_space<vmem>>
      %dma_wait3A_936 = arith.constant 0 : i32
      %dma_wait3A_937 = tpu.memref_slice %arg7[%add3A_932, %dma_wait3A_936] : memref<79x128xi32, #tpu.memory_space<vmem>> -> memref<1x128xi32, #tpu.memory_space<vmem>>
      %dma_wait3A_938 = tpu.memref_squeeze %dma_wait3A_937 : memref<1x128xi32, #tpu.memory_space<vmem>> -> memref<128xi32, #tpu.memory_space<vmem>>
      %dma_wait3A_939 = arith.constant 0 : i32
      %dma_wait3A_940 = arith.constant 0 : i32
      %dma_wait3A_941 = tpu.memref_slice %arg2[%dma_wait3A_939, %dma_wait3A_940] : memref<10240x32xf32, #tpu.memory_space<hbm>> -> memref<10240x32xf32, #tpu.memory_space<hbm>>
      tpu.wait_indirect_dma semaphore(%arg17 : memref<!tpu.dma_semaphore, #tpu.memory_space<semaphore_mem>>) src(%dma_wait3A_941 : memref<10240x32xf32, #tpu.memory_space<hbm>>) dst(%dma_wait3A_935 : memref<128x32xf32, #tpu.memory_space<vmem>>)
      %mul3A_942 = arith.constant 2 : i32
      %mul3A_943 = arith.muli %add3A_915, %mul3A_942 : i32
      %add3A_944 = arith.constant 0 : i32
      %add3A_945 = arith.addi %mul3A_943, %add3A_944 : i32
      %dma_start3A_946 = arith.constant 0 : i32
      %dma_start3A_947 = arith.constant 0 : i32
      %dma_start3A_948 = tpu.memref_slice %arg12[%dma_start3A_946, %dma_start3A_947] : memref<256x32xf32, #tpu.memory_space<vmem>> -> memref<128x32xf32, #tpu.memory_space<vmem>>
      %dma_start3A_949 = arith.constant 0 : i32
      %dma_start3A_950 = tpu.memref_slice %arg8[%add3A_945, %dma_start3A_949] : memref<79x128xi32, #tpu.memory_space<vmem>> -> memref<1x128xi32, #tpu.memory_space<vmem>>
      %dma_start3A_951 = tpu.memref_squeeze %dma_start3A_950 : memref<1x128xi32, #tpu.memory_space<vmem>> -> memref<128xi32, #tpu.memory_space<vmem>>
      %dma_start3A_952 = arith.constant 0 : i32
      %dma_start3A_953 = arith.constant 0 : i32
      %dma_start3A_954 = tpu.memref_slice %arg13[%dma_start3A_952, %dma_start3A_953] : memref<10240x32xf32, #tpu.memory_space<vmem_shared>> -> memref<10240x32xf32, #tpu.memory_space<vmem_shared>>
      tpu.enqueue_indirect_dma source(%dma_start3A_948 : memref<128x32xf32, #tpu.memory_space<vmem>>) target(%dma_start3A_954 : memref<10240x32xf32, #tpu.memory_space<vmem_shared>>) offsets(%dma_start3A_951 : memref<128xi32, #tpu.memory_space<vmem>>) semaphore(%arg21 : memref<!tpu.dma_semaphore, #tpu.memory_space<semaphore_mem>>) {add = true}
      %mul3A_955 = arith.constant 2 : i32
      %mul3A_956 = arith.muli %add3A_915, %mul3A_955 : i32
      %add3A_957 = arith.constant 1 : i32
      %add3A_958 = arith.addi %mul3A_956, %add3A_957 : i32
      %dma_start3A_959 = arith.constant 128 : i32
      %dma_start3A_960 = arith.constant 0 : i32
      %dma_start3A_961 = tpu.memref_slice %arg12[%dma_start3A_959, %dma_start3A_960] : memref<256x32xf32, #tpu.memory_space<vmem>> -> memref<128x32xf32, #tpu.memory_space<vmem>>
      %dma_start3A_962 = arith.constant 0 : i32
      %dma_start3A_963 = tpu.memref_slice %arg8[%add3A_958, %dma_start3A_962] : memref<79x128xi32, #tpu.memory_space<vmem>> -> memref<1x128xi32, #tpu.memory_space<vmem>>
      %dma_start3A_964 = tpu.memref_squeeze %dma_start3A_963 : memref<1x128xi32, #tpu.memory_space<vmem>> -> memref<128xi32, #tpu.memory_space<vmem>>
      %dma_start3A_965 = arith.constant 0 : i32
      %dma_start3A_966 = arith.constant 0 : i32
      %dma_start3A_967 = tpu.memref_slice %arg13[%dma_start3A_965, %dma_start3A_966] : memref<10240x32xf32, #tpu.memory_space<vmem_shared>> -> memref<10240x32xf32, #tpu.memory_space<vmem_shared>>
      tpu.enqueue_indirect_dma source(%dma_start3A_961 : memref<128x32xf32, #tpu.memory_space<vmem>>) target(%dma_start3A_967 : memref<10240x32xf32, #tpu.memory_space<vmem_shared>>) offsets(%dma_start3A_964 : memref<128xi32, #tpu.memory_space<vmem>>) semaphore(%arg21 : memref<!tpu.dma_semaphore, #tpu.memory_space<semaphore_mem>>) {add = true}
      %sub3A_968 = arith.constant 2 : i32
      %sub3A_969 = arith.subi %add3A_915, %sub3A_968 : i32
      %mul3A_970 = arith.constant 2 : i32
      %mul3A_971 = arith.muli %sub3A_969, %mul3A_970 : i32
      %add3A_972 = arith.constant 0 : i32
      %add3A_973 = arith.addi %mul3A_971, %add3A_972 : i32
      %dma_wait3A_974 = arith.constant 0 : i32
      %dma_wait3A_975 = arith.constant 0 : i32
      %dma_wait3A_976 = tpu.memref_slice %arg10[%dma_wait3A_974, %dma_wait3A_975] : memref<256x32xf32, #tpu.memory_space<vmem>> -> memref<128x32xf32, #tpu.memory_space<vmem>>
      %dma_wait3A_977 = arith.constant 0 : i32
      %dma_wait3A_978 = tpu.memref_slice %arg8[%add3A_973, %dma_wait3A_977] : memref<79x128xi32, #tpu.memory_space<vmem>> -> memref<1x128xi32, #tpu.memory_space<vmem>>
      %dma_wait3A_979 = tpu.memref_squeeze %dma_wait3A_978 : memref<1x128xi32, #tpu.memory_space<vmem>> -> memref<128xi32, #tpu.memory_space<vmem>>
      %dma_wait3A_980 = arith.constant 0 : i32
      %dma_wait3A_981 = arith.constant 0 : i32
      %dma_wait3A_982 = tpu.memref_slice %arg13[%dma_wait3A_980, %dma_wait3A_981] : memref<10240x32xf32, #tpu.memory_space<vmem_shared>> -> memref<10240x32xf32, #tpu.memory_space<vmem_shared>>
      tpu.wait_indirect_dma semaphore(%arg19 : memref<!tpu.dma_semaphore, #tpu.memory_space<semaphore_mem>>) src(%dma_wait3A_976 : memref<128x32xf32, #tpu.memory_space<vmem>>) dst(%dma_wait3A_982 : memref<10240x32xf32, #tpu.memory_space<vmem_shared>>)
      %mul3A_983 = arith.constant 2 : i32
      %mul3A_984 = arith.muli %sub3A_969, %mul3A_983 : i32
      %add3A_985 = arith.constant 1 : i32
      %add3A_986 = arith.addi %mul3A_984, %add3A_985 : i32
      %dma_wait3A_987 = arith.constant 128 : i32
      %dma_wait3A_988 = arith.constant 0 : i32
      %dma_wait3A_989 = tpu.memref_slice %arg10[%dma_wait3A_987, %dma_wait3A_988] : memref<256x32xf32, #tpu.memory_space<vmem>> -> memref<128x32xf32, #tpu.memory_space<vmem>>
      %dma_wait3A_990 = arith.constant 0 : i32
      %dma_wait3A_991 = tpu.memref_slice %arg8[%add3A_986, %dma_wait3A_990] : memref<79x128xi32, #tpu.memory_space<vmem>> -> memref<1x128xi32, #tpu.memory_space<vmem>>
      %dma_wait3A_992 = tpu.memref_squeeze %dma_wait3A_991 : memref<1x128xi32, #tpu.memory_space<vmem>> -> memref<128xi32, #tpu.memory_space<vmem>>
      %dma_wait3A_993 = arith.constant 0 : i32
      %dma_wait3A_994 = arith.constant 0 : i32
      %dma_wait3A_995 = tpu.memref_slice %arg13[%dma_wait3A_993, %dma_wait3A_994] : memref<10240x32xf32, #tpu.memory_space<vmem_shared>> -> memref<10240x32xf32, #tpu.memory_space<vmem_shared>>
      tpu.wait_indirect_dma semaphore(%arg19 : memref<!tpu.dma_semaphore, #tpu.memory_space<semaphore_mem>>) src(%dma_wait3A_989 : memref<128x32xf32, #tpu.memory_space<vmem>>) dst(%dma_wait3A_995 : memref<10240x32xf32, #tpu.memory_space<vmem_shared>>)
      %add3A_996 = arith.constant 2 : i32
      %add3A_997 = arith.addi %add3A_915, %add3A_996 : i32
      %mul3A_998 = arith.constant 2 : i32
      %mul3A_999 = arith.muli %add3A_997, %mul3A_998 : i32
      %add3A_1000 = arith.constant 0 : i32
      %add3A_1001 = arith.addi %mul3A_999, %add3A_1000 : i32
      %dma_start3A_1002 = arith.constant 0 : i32
      %dma_start3A_1003 = arith.constant 0 : i32
      %dma_start3A_1004 = tpu.memref_slice %arg10[%dma_start3A_1002, %dma_start3A_1003] : memref<256x32xf32, #tpu.memory_space<vmem>> -> memref<128x32xf32, #tpu.memory_space<vmem>>
      %dma_start3A_1005 = arith.constant 0 : i32
      %dma_start3A_1006 = tpu.memref_slice %arg7[%add3A_1001, %dma_start3A_1005] : memref<79x128xi32, #tpu.memory_space<vmem>> -> memref<1x128xi32, #tpu.memory_space<vmem>>
      %dma_start3A_1007 = tpu.memref_squeeze %dma_start3A_1006 : memref<1x128xi32, #tpu.memory_space<vmem>> -> memref<128xi32, #tpu.memory_space<vmem>>
      %dma_start3A_1008 = arith.constant 0 : i32
      %dma_start3A_1009 = arith.constant 0 : i32
      %dma_start3A_1010 = tpu.memref_slice %arg2[%dma_start3A_1008, %dma_start3A_1009] : memref<10240x32xf32, #tpu.memory_space<hbm>> -> memref<10240x32xf32, #tpu.memory_space<hbm>>
      tpu.enqueue_indirect_dma source(%dma_start3A_1010 : memref<10240x32xf32, #tpu.memory_space<hbm>>) target(%dma_start3A_1004 : memref<128x32xf32, #tpu.memory_space<vmem>>) offsets(%dma_start3A_1007 : memref<128xi32, #tpu.memory_space<vmem>>) semaphore(%arg15 : memref<!tpu.dma_semaphore, #tpu.memory_space<semaphore_mem>>)
      %mul3A_1011 = arith.constant 2 : i32
      %mul3A_1012 = arith.muli %add3A_997, %mul3A_1011 : i32
      %add3A_1013 = arith.constant 1 : i32
      %add3A_1014 = arith.addi %mul3A_1012, %add3A_1013 : i32
      %dma_start3A_1015 = arith.constant 128 : i32
      %dma_start3A_1016 = arith.constant 0 : i32
      %dma_start3A_1017 = tpu.memref_slice %arg10[%dma_start3A_1015, %dma_start3A_1016] : memref<256x32xf32, #tpu.memory_space<vmem>> -> memref<128x32xf32, #tpu.memory_space<vmem>>
      %dma_start3A_1018 = arith.constant 0 : i32
      %dma_start3A_1019 = tpu.memref_slice %arg7[%add3A_1014, %dma_start3A_1018] : memref<79x128xi32, #tpu.memory_space<vmem>> -> memref<1x128xi32, #tpu.memory_space<vmem>>
      %dma_start3A_1020 = tpu.memref_squeeze %dma_start3A_1019 : memref<1x128xi32, #tpu.memory_space<vmem>> -> memref<128xi32, #tpu.memory_space<vmem>>
      %dma_start3A_1021 = arith.constant 0 : i32
      %dma_start3A_1022 = arith.constant 0 : i32
      %dma_start3A_1023 = tpu.memref_slice %arg2[%dma_start3A_1021, %dma_start3A_1022] : memref<10240x32xf32, #tpu.memory_space<hbm>> -> memref<10240x32xf32, #tpu.memory_space<hbm>>
      tpu.enqueue_indirect_dma source(%dma_start3A_1023 : memref<10240x32xf32, #tpu.memory_space<hbm>>) target(%dma_start3A_1017 : memref<128x32xf32, #tpu.memory_space<vmem>>) offsets(%dma_start3A_1020 : memref<128xi32, #tpu.memory_space<vmem>>) semaphore(%arg15 : memref<!tpu.dma_semaphore, #tpu.memory_space<semaphore_mem>>)
    }
    %scan3A_329 = arith.constant 8 : i32
    %dma_wait3A_330 = arith.constant 72 : i32
    %dma_wait3A_331 = arith.constant 0 : i32
    %dma_wait3A_332 = arith.constant 0 : i32
    %dma_wait3A_333 = tpu.memref_slice %arg9[%dma_wait3A_331, %dma_wait3A_332] : memref<256x32xf32, #tpu.memory_space<vmem>> -> memref<128x32xf32, #tpu.memory_space<vmem>>
    %dma_wait3A_334 = arith.constant 0 : i32
    %dma_wait3A_335 = tpu.memref_slice %arg7[%dma_wait3A_330, %dma_wait3A_334] : memref<79x128xi32, #tpu.memory_space<vmem>> -> memref<1x128xi32, #tpu.memory_space<vmem>>
    %dma_wait3A_336 = tpu.memref_squeeze %dma_wait3A_335 : memref<1x128xi32, #tpu.memory_space<vmem>> -> memref<128xi32, #tpu.memory_space<vmem>>
    %dma_wait3A_337 = arith.constant 0 : i32
    %dma_wait3A_338 = arith.constant 0 : i32
    %dma_wait3A_339 = tpu.memref_slice %arg2[%dma_wait3A_337, %dma_wait3A_338] : memref<10240x32xf32, #tpu.memory_space<hbm>> -> memref<10240x32xf32, #tpu.memory_space<hbm>>
    tpu.wait_indirect_dma semaphore(%arg14 : memref<!tpu.dma_semaphore, #tpu.memory_space<semaphore_mem>>) src(%dma_wait3A_339 : memref<10240x32xf32, #tpu.memory_space<hbm>>) dst(%dma_wait3A_333 : memref<128x32xf32, #tpu.memory_space<vmem>>)
    %dma_wait3A_340 = arith.constant 73 : i32
    %dma_wait3A_341 = arith.constant 128 : i32
    %dma_wait3A_342 = arith.constant 0 : i32
    %dma_wait3A_343 = tpu.memref_slice %arg9[%dma_wait3A_341, %dma_wait3A_342] : memref<256x32xf32, #tpu.memory_space<vmem>> -> memref<128x32xf32, #tpu.memory_space<vmem>>
    %dma_wait3A_344 = arith.constant 0 : i32
    %dma_wait3A_345 = tpu.memref_slice %arg7[%dma_wait3A_340, %dma_wait3A_344] : memref<79x128xi32, #tpu.memory_space<vmem>> -> memref<1x128xi32, #tpu.memory_space<vmem>>
    %dma_wait3A_346 = tpu.memref_squeeze %dma_wait3A_345 : memref<1x128xi32, #tpu.memory_space<vmem>> -> memref<128xi32, #tpu.memory_space<vmem>>
    %dma_wait3A_347 = arith.constant 0 : i32
    %dma_wait3A_348 = arith.constant 0 : i32
    %dma_wait3A_349 = tpu.memref_slice %arg2[%dma_wait3A_347, %dma_wait3A_348] : memref<10240x32xf32, #tpu.memory_space<hbm>> -> memref<10240x32xf32, #tpu.memory_space<hbm>>
    tpu.wait_indirect_dma semaphore(%arg14 : memref<!tpu.dma_semaphore, #tpu.memory_space<semaphore_mem>>) src(%dma_wait3A_349 : memref<10240x32xf32, #tpu.memory_space<hbm>>) dst(%dma_wait3A_343 : memref<128x32xf32, #tpu.memory_space<vmem>>)
    %dma_start3A_350 = arith.constant 72 : i32
    %dma_start3A_351 = arith.constant 0 : i32
    %dma_start3A_352 = arith.constant 0 : i32
    %dma_start3A_353 = tpu.memref_slice %arg9[%dma_start3A_351, %dma_start3A_352] : memref<256x32xf32, #tpu.memory_space<vmem>> -> memref<128x32xf32, #tpu.memory_space<vmem>>
    %dma_start3A_354 = arith.constant 0 : i32
    %dma_start3A_355 = tpu.memref_slice %arg8[%dma_start3A_350, %dma_start3A_354] : memref<79x128xi32, #tpu.memory_space<vmem>> -> memref<1x128xi32, #tpu.memory_space<vmem>>
    %dma_start3A_356 = tpu.memref_squeeze %dma_start3A_355 : memref<1x128xi32, #tpu.memory_space<vmem>> -> memref<128xi32, #tpu.memory_space<vmem>>
    %dma_start3A_357 = arith.constant 0 : i32
    %dma_start3A_358 = arith.constant 0 : i32
    %dma_start3A_359 = tpu.memref_slice %arg13[%dma_start3A_357, %dma_start3A_358] : memref<10240x32xf32, #tpu.memory_space<vmem_shared>> -> memref<10240x32xf32, #tpu.memory_space<vmem_shared>>
    tpu.enqueue_indirect_dma source(%dma_start3A_353 : memref<128x32xf32, #tpu.memory_space<vmem>>) target(%dma_start3A_359 : memref<10240x32xf32, #tpu.memory_space<vmem_shared>>) offsets(%dma_start3A_356 : memref<128xi32, #tpu.memory_space<vmem>>) semaphore(%arg18 : memref<!tpu.dma_semaphore, #tpu.memory_space<semaphore_mem>>) {add = true}
    %dma_start3A_360 = arith.constant 73 : i32
    %dma_start3A_361 = arith.constant 128 : i32
    %dma_start3A_362 = arith.constant 0 : i32
    %dma_start3A_363 = tpu.memref_slice %arg9[%dma_start3A_361, %dma_start3A_362] : memref<256x32xf32, #tpu.memory_space<vmem>> -> memref<128x32xf32, #tpu.memory_space<vmem>>
    %dma_start3A_364 = arith.constant 0 : i32
    %dma_start3A_365 = tpu.memref_slice %arg8[%dma_start3A_360, %dma_start3A_364] : memref<79x128xi32, #tpu.memory_space<vmem>> -> memref<1x128xi32, #tpu.memory_space<vmem>>
    %dma_start3A_366 = tpu.memref_squeeze %dma_start3A_365 : memref<1x128xi32, #tpu.memory_space<vmem>> -> memref<128xi32, #tpu.memory_space<vmem>>
    %dma_start3A_367 = arith.constant 0 : i32
    %dma_start3A_368 = arith.constant 0 : i32
    %dma_start3A_369 = tpu.memref_slice %arg13[%dma_start3A_367, %dma_start3A_368] : memref<10240x32xf32, #tpu.memory_space<vmem_shared>> -> memref<10240x32xf32, #tpu.memory_space<vmem_shared>>
    tpu.enqueue_indirect_dma source(%dma_start3A_363 : memref<128x32xf32, #tpu.memory_space<vmem>>) target(%dma_start3A_369 : memref<10240x32xf32, #tpu.memory_space<vmem_shared>>) offsets(%dma_start3A_366 : memref<128xi32, #tpu.memory_space<vmem>>) semaphore(%arg18 : memref<!tpu.dma_semaphore, #tpu.memory_space<semaphore_mem>>) {add = true}
    %dma_wait3A_370 = arith.constant 68 : i32
    %dma_wait3A_371 = arith.constant 0 : i32
    %dma_wait3A_372 = arith.constant 0 : i32
    %dma_wait3A_373 = tpu.memref_slice %arg11[%dma_wait3A_371, %dma_wait3A_372] : memref<256x32xf32, #tpu.memory_space<vmem>> -> memref<128x32xf32, #tpu.memory_space<vmem>>
    %dma_wait3A_374 = arith.constant 0 : i32
    %dma_wait3A_375 = tpu.memref_slice %arg8[%dma_wait3A_370, %dma_wait3A_374] : memref<79x128xi32, #tpu.memory_space<vmem>> -> memref<1x128xi32, #tpu.memory_space<vmem>>
    %dma_wait3A_376 = tpu.memref_squeeze %dma_wait3A_375 : memref<1x128xi32, #tpu.memory_space<vmem>> -> memref<128xi32, #tpu.memory_space<vmem>>
    %dma_wait3A_377 = arith.constant 0 : i32
    %dma_wait3A_378 = arith.constant 0 : i32
    %dma_wait3A_379 = tpu.memref_slice %arg13[%dma_wait3A_377, %dma_wait3A_378] : memref<10240x32xf32, #tpu.memory_space<vmem_shared>> -> memref<10240x32xf32, #tpu.memory_space<vmem_shared>>
    tpu.wait_indirect_dma semaphore(%arg20 : memref<!tpu.dma_semaphore, #tpu.memory_space<semaphore_mem>>) src(%dma_wait3A_373 : memref<128x32xf32, #tpu.memory_space<vmem>>) dst(%dma_wait3A_379 : memref<10240x32xf32, #tpu.memory_space<vmem_shared>>)
    %dma_wait3A_380 = arith.constant 69 : i32
    %dma_wait3A_381 = arith.constant 128 : i32
    %dma_wait3A_382 = arith.constant 0 : i32
    %dma_wait3A_383 = tpu.memref_slice %arg11[%dma_wait3A_381, %dma_wait3A_382] : memref<256x32xf32, #tpu.memory_space<vmem>> -> memref<128x32xf32, #tpu.memory_space<vmem>>
    %dma_wait3A_384 = arith.constant 0 : i32
    %dma_wait3A_385 = tpu.memref_slice %arg8[%dma_wait3A_380, %dma_wait3A_384] : memref<79x128xi32, #tpu.memory_space<vmem>> -> memref<1x128xi32, #tpu.memory_space<vmem>>
    %dma_wait3A_386 = tpu.memref_squeeze %dma_wait3A_385 : memref<1x128xi32, #tpu.memory_space<vmem>> -> memref<128xi32, #tpu.memory_space<vmem>>
    %dma_wait3A_387 = arith.constant 0 : i32
    %dma_wait3A_388 = arith.constant 0 : i32
    %dma_wait3A_389 = tpu.memref_slice %arg13[%dma_wait3A_387, %dma_wait3A_388] : memref<10240x32xf32, #tpu.memory_space<vmem_shared>> -> memref<10240x32xf32, #tpu.memory_space<vmem_shared>>
    tpu.wait_indirect_dma semaphore(%arg20 : memref<!tpu.dma_semaphore, #tpu.memory_space<semaphore_mem>>) src(%dma_wait3A_383 : memref<128x32xf32, #tpu.memory_space<vmem>>) dst(%dma_wait3A_389 : memref<10240x32xf32, #tpu.memory_space<vmem_shared>>)
    %dma_start3A_390 = arith.constant 76 : i32
    %dma_start3A_391 = arith.constant 0 : i32
    %dma_start3A_392 = arith.constant 0 : i32
    %dma_start3A_393 = tpu.memref_slice %arg11[%dma_start3A_391, %dma_start3A_392] : memref<256x32xf32, #tpu.memory_space<vmem>> -> memref<128x32xf32, #tpu.memory_space<vmem>>
    %dma_start3A_394 = arith.constant 0 : i32
    %dma_start3A_395 = tpu.memref_slice %arg7[%dma_start3A_390, %dma_start3A_394] : memref<79x128xi32, #tpu.memory_space<vmem>> -> memref<1x128xi32, #tpu.memory_space<vmem>>
    %dma_start3A_396 = tpu.memref_squeeze %dma_start3A_395 : memref<1x128xi32, #tpu.memory_space<vmem>> -> memref<128xi32, #tpu.memory_space<vmem>>
    %dma_start3A_397 = arith.constant 0 : i32
    %dma_start3A_398 = arith.constant 0 : i32
    %dma_start3A_399 = tpu.memref_slice %arg2[%dma_start3A_397, %dma_start3A_398] : memref<10240x32xf32, #tpu.memory_space<hbm>> -> memref<10240x32xf32, #tpu.memory_space<hbm>>
    tpu.enqueue_indirect_dma source(%dma_start3A_399 : memref<10240x32xf32, #tpu.memory_space<hbm>>) target(%dma_start3A_393 : memref<128x32xf32, #tpu.memory_space<vmem>>) offsets(%dma_start3A_396 : memref<128xi32, #tpu.memory_space<vmem>>) semaphore(%arg16 : memref<!tpu.dma_semaphore, #tpu.memory_space<semaphore_mem>>)
    %dma_start3A_400 = arith.constant 77 : i32
    %dma_start3A_401 = arith.constant 128 : i32
    %dma_start3A_402 = arith.constant 0 : i32
    %dma_start3A_403 = tpu.memref_slice %arg11[%dma_start3A_401, %dma_start3A_402] : memref<256x32xf32, #tpu.memory_space<vmem>> -> memref<128x32xf32, #tpu.memory_space<vmem>>
    %dma_start3A_404 = arith.constant 0 : i32
    %dma_start3A_405 = tpu.memref_slice %arg7[%dma_start3A_400, %dma_start3A_404] : memref<79x128xi32, #tpu.memory_space<vmem>> -> memref<1x128xi32, #tpu.memory_space<vmem>>
    %dma_start3A_406 = tpu.memref_squeeze %dma_start3A_405 : memref<1x128xi32, #tpu.memory_space<vmem>> -> memref<128xi32, #tpu.memory_space<vmem>>
    %dma_start3A_407 = arith.constant 0 : i32
    %dma_start3A_408 = arith.constant 0 : i32
    %dma_start3A_409 = tpu.memref_slice %arg2[%dma_start3A_407, %dma_start3A_408] : memref<10240x32xf32, #tpu.memory_space<hbm>> -> memref<10240x32xf32, #tpu.memory_space<hbm>>
    tpu.enqueue_indirect_dma source(%dma_start3A_409 : memref<10240x32xf32, #tpu.memory_space<hbm>>) target(%dma_start3A_403 : memref<128x32xf32, #tpu.memory_space<vmem>>) offsets(%dma_start3A_406 : memref<128xi32, #tpu.memory_space<vmem>>) semaphore(%arg16 : memref<!tpu.dma_semaphore, #tpu.memory_space<semaphore_mem>>)
    %dma_wait3A_410 = arith.constant 74 : i32
    %dma_wait3A_411 = arith.constant 0 : i32
    %dma_wait3A_412 = arith.constant 0 : i32
    %dma_wait3A_413 = tpu.memref_slice %arg10[%dma_wait3A_411, %dma_wait3A_412] : memref<256x32xf32, #tpu.memory_space<vmem>> -> memref<128x32xf32, #tpu.memory_space<vmem>>
    %dma_wait3A_414 = arith.constant 0 : i32
    %dma_wait3A_415 = tpu.memref_slice %arg7[%dma_wait3A_410, %dma_wait3A_414] : memref<79x128xi32, #tpu.memory_space<vmem>> -> memref<1x128xi32, #tpu.memory_space<vmem>>
    %dma_wait3A_416 = tpu.memref_squeeze %dma_wait3A_415 : memref<1x128xi32, #tpu.memory_space<vmem>> -> memref<128xi32, #tpu.memory_space<vmem>>
    %dma_wait3A_417 = arith.constant 0 : i32
    %dma_wait3A_418 = arith.constant 0 : i32
    %dma_wait3A_419 = tpu.memref_slice %arg2[%dma_wait3A_417, %dma_wait3A_418] : memref<10240x32xf32, #tpu.memory_space<hbm>> -> memref<10240x32xf32, #tpu.memory_space<hbm>>
    tpu.wait_indirect_dma semaphore(%arg15 : memref<!tpu.dma_semaphore, #tpu.memory_space<semaphore_mem>>) src(%dma_wait3A_419 : memref<10240x32xf32, #tpu.memory_space<hbm>>) dst(%dma_wait3A_413 : memref<128x32xf32, #tpu.memory_space<vmem>>)
    %dma_wait3A_420 = arith.constant 75 : i32
    %dma_wait3A_421 = arith.constant 128 : i32
    %dma_wait3A_422 = arith.constant 0 : i32
    %dma_wait3A_423 = tpu.memref_slice %arg10[%dma_wait3A_421, %dma_wait3A_422] : memref<256x32xf32, #tpu.memory_space<vmem>> -> memref<128x32xf32, #tpu.memory_space<vmem>>
    %dma_wait3A_424 = arith.constant 0 : i32
    %dma_wait3A_425 = tpu.memref_slice %arg7[%dma_wait3A_420, %dma_wait3A_424] : memref<79x128xi32, #tpu.memory_space<vmem>> -> memref<1x128xi32, #tpu.memory_space<vmem>>
    %dma_wait3A_426 = tpu.memref_squeeze %dma_wait3A_425 : memref<1x128xi32, #tpu.memory_space<vmem>> -> memref<128xi32, #tpu.memory_space<vmem>>
    %dma_wait3A_427 = arith.constant 0 : i32
    %dma_wait3A_428 = arith.constant 0 : i32
    %dma_wait3A_429 = tpu.memref_slice %arg2[%dma_wait3A_427, %dma_wait3A_428] : memref<10240x32xf32, #tpu.memory_space<hbm>> -> memref<10240x32xf32, #tpu.memory_space<hbm>>
    tpu.wait_indirect_dma semaphore(%arg15 : memref<!tpu.dma_semaphore, #tpu.memory_space<semaphore_mem>>) src(%dma_wait3A_429 : memref<10240x32xf32, #tpu.memory_space<hbm>>) dst(%dma_wait3A_423 : memref<128x32xf32, #tpu.memory_space<vmem>>)
    %dma_start3A_430 = arith.constant 74 : i32
    %dma_start3A_431 = arith.constant 0 : i32
    %dma_start3A_432 = arith.constant 0 : i32
    %dma_start3A_433 = tpu.memref_slice %arg10[%dma_start3A_431, %dma_start3A_432] : memref<256x32xf32, #tpu.memory_space<vmem>> -> memref<128x32xf32, #tpu.memory_space<vmem>>
    %dma_start3A_434 = arith.constant 0 : i32
    %dma_start3A_435 = tpu.memref_slice %arg8[%dma_start3A_430, %dma_start3A_434] : memref<79x128xi32, #tpu.memory_space<vmem>> -> memref<1x128xi32, #tpu.memory_space<vmem>>
    %dma_start3A_436 = tpu.memref_squeeze %dma_start3A_435 : memref<1x128xi32, #tpu.memory_space<vmem>> -> memref<128xi32, #tpu.memory_space<vmem>>
    %dma_start3A_437 = arith.constant 0 : i32
    %dma_start3A_438 = arith.constant 0 : i32
    %dma_start3A_439 = tpu.memref_slice %arg13[%dma_start3A_437, %dma_start3A_438] : memref<10240x32xf32, #tpu.memory_space<vmem_shared>> -> memref<10240x32xf32, #tpu.memory_space<vmem_shared>>
    tpu.enqueue_indirect_dma source(%dma_start3A_433 : memref<128x32xf32, #tpu.memory_space<vmem>>) target(%dma_start3A_439 : memref<10240x32xf32, #tpu.memory_space<vmem_shared>>) offsets(%dma_start3A_436 : memref<128xi32, #tpu.memory_space<vmem>>) semaphore(%arg19 : memref<!tpu.dma_semaphore, #tpu.memory_space<semaphore_mem>>) {add = true}
    %dma_start3A_440 = arith.constant 75 : i32
    %dma_start3A_441 = arith.constant 128 : i32
    %dma_start3A_442 = arith.constant 0 : i32
    %dma_start3A_443 = tpu.memref_slice %arg10[%dma_start3A_441, %dma_start3A_442] : memref<256x32xf32, #tpu.memory_space<vmem>> -> memref<128x32xf32, #tpu.memory_space<vmem>>
    %dma_start3A_444 = arith.constant 0 : i32
    %dma_start3A_445 = tpu.memref_slice %arg8[%dma_start3A_440, %dma_start3A_444] : memref<79x128xi32, #tpu.memory_space<vmem>> -> memref<1x128xi32, #tpu.memory_space<vmem>>
    %dma_start3A_446 = tpu.memref_squeeze %dma_start3A_445 : memref<1x128xi32, #tpu.memory_space<vmem>> -> memref<128xi32, #tpu.memory_space<vmem>>
    %dma_start3A_447 = arith.constant 0 : i32
    %dma_start3A_448 = arith.constant 0 : i32
    %dma_start3A_449 = tpu.memref_slice %arg13[%dma_start3A_447, %dma_start3A_448] : memref<10240x32xf32, #tpu.memory_space<vmem_shared>> -> memref<10240x32xf32, #tpu.memory_space<vmem_shared>>
    tpu.enqueue_indirect_dma source(%dma_start3A_443 : memref<128x32xf32, #tpu.memory_space<vmem>>) target(%dma_start3A_449 : memref<10240x32xf32, #tpu.memory_space<vmem_shared>>) offsets(%dma_start3A_446 : memref<128xi32, #tpu.memory_space<vmem>>) semaphore(%arg19 : memref<!tpu.dma_semaphore, #tpu.memory_space<semaphore_mem>>) {add = true}
    %dma_wait3A_450 = arith.constant 76 : i32
    %dma_wait3A_451 = arith.constant 0 : i32
    %dma_wait3A_452 = arith.constant 0 : i32
    %dma_wait3A_453 = tpu.memref_slice %arg11[%dma_wait3A_451, %dma_wait3A_452] : memref<256x32xf32, #tpu.memory_space<vmem>> -> memref<128x32xf32, #tpu.memory_space<vmem>>
    %dma_wait3A_454 = arith.constant 0 : i32
    %dma_wait3A_455 = tpu.memref_slice %arg7[%dma_wait3A_450, %dma_wait3A_454] : memref<79x128xi32, #tpu.memory_space<vmem>> -> memref<1x128xi32, #tpu.memory_space<vmem>>
    %dma_wait3A_456 = tpu.memref_squeeze %dma_wait3A_455 : memref<1x128xi32, #tpu.memory_space<vmem>> -> memref<128xi32, #tpu.memory_space<vmem>>
    %dma_wait3A_457 = arith.constant 0 : i32
    %dma_wait3A_458 = arith.constant 0 : i32
    %dma_wait3A_459 = tpu.memref_slice %arg2[%dma_wait3A_457, %dma_wait3A_458] : memref<10240x32xf32, #tpu.memory_space<hbm>> -> memref<10240x32xf32, #tpu.memory_space<hbm>>
    tpu.wait_indirect_dma semaphore(%arg16 : memref<!tpu.dma_semaphore, #tpu.memory_space<semaphore_mem>>) src(%dma_wait3A_459 : memref<10240x32xf32, #tpu.memory_space<hbm>>) dst(%dma_wait3A_453 : memref<128x32xf32, #tpu.memory_space<vmem>>)
    %dma_wait3A_460 = arith.constant 77 : i32
    %dma_wait3A_461 = arith.constant 128 : i32
    %dma_wait3A_462 = arith.constant 0 : i32
    %dma_wait3A_463 = tpu.memref_slice %arg11[%dma_wait3A_461, %dma_wait3A_462] : memref<256x32xf32, #tpu.memory_space<vmem>> -> memref<128x32xf32, #tpu.memory_space<vmem>>
    %dma_wait3A_464 = arith.constant 0 : i32
    %dma_wait3A_465 = tpu.memref_slice %arg7[%dma_wait3A_460, %dma_wait3A_464] : memref<79x128xi32, #tpu.memory_space<vmem>> -> memref<1x128xi32, #tpu.memory_space<vmem>>
    %dma_wait3A_466 = tpu.memref_squeeze %dma_wait3A_465 : memref<1x128xi32, #tpu.memory_space<vmem>> -> memref<128xi32, #tpu.memory_space<vmem>>
    %dma_wait3A_467 = arith.constant 0 : i32
    %dma_wait3A_468 = arith.constant 0 : i32
    %dma_wait3A_469 = tpu.memref_slice %arg2[%dma_wait3A_467, %dma_wait3A_468] : memref<10240x32xf32, #tpu.memory_space<hbm>> -> memref<10240x32xf32, #tpu.memory_space<hbm>>
    tpu.wait_indirect_dma semaphore(%arg16 : memref<!tpu.dma_semaphore, #tpu.memory_space<semaphore_mem>>) src(%dma_wait3A_469 : memref<10240x32xf32, #tpu.memory_space<hbm>>) dst(%dma_wait3A_463 : memref<128x32xf32, #tpu.memory_space<vmem>>)
    %dma_start3A_470 = arith.constant 76 : i32
    %dma_start3A_471 = arith.constant 0 : i32
    %dma_start3A_472 = arith.constant 0 : i32
    %dma_start3A_473 = tpu.memref_slice %arg11[%dma_start3A_471, %dma_start3A_472] : memref<256x32xf32, #tpu.memory_space<vmem>> -> memref<128x32xf32, #tpu.memory_space<vmem>>
    %dma_start3A_474 = arith.constant 0 : i32
    %dma_start3A_475 = tpu.memref_slice %arg8[%dma_start3A_470, %dma_start3A_474] : memref<79x128xi32, #tpu.memory_space<vmem>> -> memref<1x128xi32, #tpu.memory_space<vmem>>
    %dma_start3A_476 = tpu.memref_squeeze %dma_start3A_475 : memref<1x128xi32, #tpu.memory_space<vmem>> -> memref<128xi32, #tpu.memory_space<vmem>>
    %dma_start3A_477 = arith.constant 0 : i32
    %dma_start3A_478 = arith.constant 0 : i32
    %dma_start3A_479 = tpu.memref_slice %arg13[%dma_start3A_477, %dma_start3A_478] : memref<10240x32xf32, #tpu.memory_space<vmem_shared>> -> memref<10240x32xf32, #tpu.memory_space<vmem_shared>>
    tpu.enqueue_indirect_dma source(%dma_start3A_473 : memref<128x32xf32, #tpu.memory_space<vmem>>) target(%dma_start3A_479 : memref<10240x32xf32, #tpu.memory_space<vmem_shared>>) offsets(%dma_start3A_476 : memref<128xi32, #tpu.memory_space<vmem>>) semaphore(%arg20 : memref<!tpu.dma_semaphore, #tpu.memory_space<semaphore_mem>>) {add = true}
    %dma_start3A_480 = arith.constant 77 : i32
    %dma_start3A_481 = arith.constant 128 : i32
    %dma_start3A_482 = arith.constant 0 : i32
    %dma_start3A_483 = tpu.memref_slice %arg11[%dma_start3A_481, %dma_start3A_482] : memref<256x32xf32, #tpu.memory_space<vmem>> -> memref<128x32xf32, #tpu.memory_space<vmem>>
    %dma_start3A_484 = arith.constant 0 : i32
    %dma_start3A_485 = tpu.memref_slice %arg8[%dma_start3A_480, %dma_start3A_484] : memref<79x128xi32, #tpu.memory_space<vmem>> -> memref<1x128xi32, #tpu.memory_space<vmem>>
    %dma_start3A_486 = tpu.memref_squeeze %dma_start3A_485 : memref<1x128xi32, #tpu.memory_space<vmem>> -> memref<128xi32, #tpu.memory_space<vmem>>
    %dma_start3A_487 = arith.constant 0 : i32
    %dma_start3A_488 = arith.constant 0 : i32
    %dma_start3A_489 = tpu.memref_slice %arg13[%dma_start3A_487, %dma_start3A_488] : memref<10240x32xf32, #tpu.memory_space<vmem_shared>> -> memref<10240x32xf32, #tpu.memory_space<vmem_shared>>
    tpu.enqueue_indirect_dma source(%dma_start3A_483 : memref<128x32xf32, #tpu.memory_space<vmem>>) target(%dma_start3A_489 : memref<10240x32xf32, #tpu.memory_space<vmem_shared>>) offsets(%dma_start3A_486 : memref<128xi32, #tpu.memory_space<vmem>>) semaphore(%arg20 : memref<!tpu.dma_semaphore, #tpu.memory_space<semaphore_mem>>) {add = true}
    %dma_wait3A_490 = arith.constant 70 : i32
    %dma_wait3A_491 = arith.constant 0 : i32
    %dma_wait3A_492 = arith.constant 0 : i32
    %dma_wait3A_493 = tpu.memref_slice %arg12[%dma_wait3A_491, %dma_wait3A_492] : memref<256x32xf32, #tpu.memory_space<vmem>> -> memref<128x32xf32, #tpu.memory_space<vmem>>
    %dma_wait3A_494 = arith.constant 0 : i32
    %dma_wait3A_495 = tpu.memref_slice %arg8[%dma_wait3A_490, %dma_wait3A_494] : memref<79x128xi32, #tpu.memory_space<vmem>> -> memref<1x128xi32, #tpu.memory_space<vmem>>
    %dma_wait3A_496 = tpu.memref_squeeze %dma_wait3A_495 : memref<1x128xi32, #tpu.memory_space<vmem>> -> memref<128xi32, #tpu.memory_space<vmem>>
    %dma_wait3A_497 = arith.constant 0 : i32
    %dma_wait3A_498 = arith.constant 0 : i32
    %dma_wait3A_499 = tpu.memref_slice %arg13[%dma_wait3A_497, %dma_wait3A_498] : memref<10240x32xf32, #tpu.memory_space<vmem_shared>> -> memref<10240x32xf32, #tpu.memory_space<vmem_shared>>
    tpu.wait_indirect_dma semaphore(%arg21 : memref<!tpu.dma_semaphore, #tpu.memory_space<semaphore_mem>>) src(%dma_wait3A_493 : memref<128x32xf32, #tpu.memory_space<vmem>>) dst(%dma_wait3A_499 : memref<10240x32xf32, #tpu.memory_space<vmem_shared>>)
    %dma_wait3A_500 = arith.constant 71 : i32
    %dma_wait3A_501 = arith.constant 128 : i32
    %dma_wait3A_502 = arith.constant 0 : i32
    %dma_wait3A_503 = tpu.memref_slice %arg12[%dma_wait3A_501, %dma_wait3A_502] : memref<256x32xf32, #tpu.memory_space<vmem>> -> memref<128x32xf32, #tpu.memory_space<vmem>>
    %dma_wait3A_504 = arith.constant 0 : i32
    %dma_wait3A_505 = tpu.memref_slice %arg8[%dma_wait3A_500, %dma_wait3A_504] : memref<79x128xi32, #tpu.memory_space<vmem>> -> memref<1x128xi32, #tpu.memory_space<vmem>>
    %dma_wait3A_506 = tpu.memref_squeeze %dma_wait3A_505 : memref<1x128xi32, #tpu.memory_space<vmem>> -> memref<128xi32, #tpu.memory_space<vmem>>
    %dma_wait3A_507 = arith.constant 0 : i32
    %dma_wait3A_508 = arith.constant 0 : i32
    %dma_wait3A_509 = tpu.memref_slice %arg13[%dma_wait3A_507, %dma_wait3A_508] : memref<10240x32xf32, #tpu.memory_space<vmem_shared>> -> memref<10240x32xf32, #tpu.memory_space<vmem_shared>>
    tpu.wait_indirect_dma semaphore(%arg21 : memref<!tpu.dma_semaphore, #tpu.memory_space<semaphore_mem>>) src(%dma_wait3A_503 : memref<128x32xf32, #tpu.memory_space<vmem>>) dst(%dma_wait3A_509 : memref<10240x32xf32, #tpu.memory_space<vmem_shared>>)
    %dma_wait3A_510 = arith.constant 72 : i32
    %dma_wait3A_511 = arith.constant 0 : i32
    %dma_wait3A_512 = arith.constant 0 : i32
    %dma_wait3A_513 = tpu.memref_slice %arg9[%dma_wait3A_511, %dma_wait3A_512] : memref<256x32xf32, #tpu.memory_space<vmem>> -> memref<128x32xf32, #tpu.memory_space<vmem>>
    %dma_wait3A_514 = arith.constant 0 : i32
    %dma_wait3A_515 = tpu.memref_slice %arg8[%dma_wait3A_510, %dma_wait3A_514] : memref<79x128xi32, #tpu.memory_space<vmem>> -> memref<1x128xi32, #tpu.memory_space<vmem>>
    %dma_wait3A_516 = tpu.memref_squeeze %dma_wait3A_515 : memref<1x128xi32, #tpu.memory_space<vmem>> -> memref<128xi32, #tpu.memory_space<vmem>>
    %dma_wait3A_517 = arith.constant 0 : i32
    %dma_wait3A_518 = arith.constant 0 : i32
    %dma_wait3A_519 = tpu.memref_slice %arg13[%dma_wait3A_517, %dma_wait3A_518] : memref<10240x32xf32, #tpu.memory_space<vmem_shared>> -> memref<10240x32xf32, #tpu.memory_space<vmem_shared>>
    tpu.wait_indirect_dma semaphore(%arg18 : memref<!tpu.dma_semaphore, #tpu.memory_space<semaphore_mem>>) src(%dma_wait3A_513 : memref<128x32xf32, #tpu.memory_space<vmem>>) dst(%dma_wait3A_519 : memref<10240x32xf32, #tpu.memory_space<vmem_shared>>)
    %dma_wait3A_520 = arith.constant 73 : i32
    %dma_wait3A_521 = arith.constant 128 : i32
    %dma_wait3A_522 = arith.constant 0 : i32
    %dma_wait3A_523 = tpu.memref_slice %arg9[%dma_wait3A_521, %dma_wait3A_522] : memref<256x32xf32, #tpu.memory_space<vmem>> -> memref<128x32xf32, #tpu.memory_space<vmem>>
    %dma_wait3A_524 = arith.constant 0 : i32
    %dma_wait3A_525 = tpu.memref_slice %arg8[%dma_wait3A_520, %dma_wait3A_524] : memref<79x128xi32, #tpu.memory_space<vmem>> -> memref<1x128xi32, #tpu.memory_space<vmem>>
    %dma_wait3A_526 = tpu.memref_squeeze %dma_wait3A_525 : memref<1x128xi32, #tpu.memory_space<vmem>> -> memref<128xi32, #tpu.memory_space<vmem>>
    %dma_wait3A_527 = arith.constant 0 : i32
    %dma_wait3A_528 = arith.constant 0 : i32
    %dma_wait3A_529 = tpu.memref_slice %arg13[%dma_wait3A_527, %dma_wait3A_528] : memref<10240x32xf32, #tpu.memory_space<vmem_shared>> -> memref<10240x32xf32, #tpu.memory_space<vmem_shared>>
    tpu.wait_indirect_dma semaphore(%arg18 : memref<!tpu.dma_semaphore, #tpu.memory_space<semaphore_mem>>) src(%dma_wait3A_523 : memref<128x32xf32, #tpu.memory_space<vmem>>) dst(%dma_wait3A_529 : memref<10240x32xf32, #tpu.memory_space<vmem_shared>>)
    %dma_wait3A_530 = arith.constant 74 : i32
    %dma_wait3A_531 = arith.constant 0 : i32
    %dma_wait3A_532 = arith.constant 0 : i32
    %dma_wait3A_533 = tpu.memref_slice %arg10[%dma_wait3A_531, %dma_wait3A_532] : memref<256x32xf32, #tpu.memory_space<vmem>> -> memref<128x32xf32, #tpu.memory_space<vmem>>
    %dma_wait3A_534 = arith.constant 0 : i32
    %dma_wait3A_535 = tpu.memref_slice %arg8[%dma_wait3A_530, %dma_wait3A_534] : memref<79x128xi32, #tpu.memory_space<vmem>> -> memref<1x128xi32, #tpu.memory_space<vmem>>
    %dma_wait3A_536 = tpu.memref_squeeze %dma_wait3A_535 : memref<1x128xi32, #tpu.memory_space<vmem>> -> memref<128xi32, #tpu.memory_space<vmem>>
    %dma_wait3A_537 = arith.constant 0 : i32
    %dma_wait3A_538 = arith.constant 0 : i32
    %dma_wait3A_539 = tpu.memref_slice %arg13[%dma_wait3A_537, %dma_wait3A_538] : memref<10240x32xf32, #tpu.memory_space<vmem_shared>> -> memref<10240x32xf32, #tpu.memory_space<vmem_shared>>
    tpu.wait_indirect_dma semaphore(%arg19 : memref<!tpu.dma_semaphore, #tpu.memory_space<semaphore_mem>>) src(%dma_wait3A_533 : memref<128x32xf32, #tpu.memory_space<vmem>>) dst(%dma_wait3A_539 : memref<10240x32xf32, #tpu.memory_space<vmem_shared>>)
    %dma_wait3A_540 = arith.constant 75 : i32
    %dma_wait3A_541 = arith.constant 128 : i32
    %dma_wait3A_542 = arith.constant 0 : i32
    %dma_wait3A_543 = tpu.memref_slice %arg10[%dma_wait3A_541, %dma_wait3A_542] : memref<256x32xf32, #tpu.memory_space<vmem>> -> memref<128x32xf32, #tpu.memory_space<vmem>>
    %dma_wait3A_544 = arith.constant 0 : i32
    %dma_wait3A_545 = tpu.memref_slice %arg8[%dma_wait3A_540, %dma_wait3A_544] : memref<79x128xi32, #tpu.memory_space<vmem>> -> memref<1x128xi32, #tpu.memory_space<vmem>>
    %dma_wait3A_546 = tpu.memref_squeeze %dma_wait3A_545 : memref<1x128xi32, #tpu.memory_space<vmem>> -> memref<128xi32, #tpu.memory_space<vmem>>
    %dma_wait3A_547 = arith.constant 0 : i32
    %dma_wait3A_548 = arith.constant 0 : i32
    %dma_wait3A_549 = tpu.memref_slice %arg13[%dma_wait3A_547, %dma_wait3A_548] : memref<10240x32xf32, #tpu.memory_space<vmem_shared>> -> memref<10240x32xf32, #tpu.memory_space<vmem_shared>>
    tpu.wait_indirect_dma semaphore(%arg19 : memref<!tpu.dma_semaphore, #tpu.memory_space<semaphore_mem>>) src(%dma_wait3A_543 : memref<128x32xf32, #tpu.memory_space<vmem>>) dst(%dma_wait3A_549 : memref<10240x32xf32, #tpu.memory_space<vmem_shared>>)
    %dma_wait3A_550 = arith.constant 76 : i32
    %dma_wait3A_551 = arith.constant 0 : i32
    %dma_wait3A_552 = arith.constant 0 : i32
    %dma_wait3A_553 = tpu.memref_slice %arg11[%dma_wait3A_551, %dma_wait3A_552] : memref<256x32xf32, #tpu.memory_space<vmem>> -> memref<128x32xf32, #tpu.memory_space<vmem>>
    %dma_wait3A_554 = arith.constant 0 : i32
    %dma_wait3A_555 = tpu.memref_slice %arg8[%dma_wait3A_550, %dma_wait3A_554] : memref<79x128xi32, #tpu.memory_space<vmem>> -> memref<1x128xi32, #tpu.memory_space<vmem>>
    %dma_wait3A_556 = tpu.memref_squeeze %dma_wait3A_555 : memref<1x128xi32, #tpu.memory_space<vmem>> -> memref<128xi32, #tpu.memory_space<vmem>>
    %dma_wait3A_557 = arith.constant 0 : i32
    %dma_wait3A_558 = arith.constant 0 : i32
    %dma_wait3A_559 = tpu.memref_slice %arg13[%dma_wait3A_557, %dma_wait3A_558] : memref<10240x32xf32, #tpu.memory_space<vmem_shared>> -> memref<10240x32xf32, #tpu.memory_space<vmem_shared>>
    tpu.wait_indirect_dma semaphore(%arg20 : memref<!tpu.dma_semaphore, #tpu.memory_space<semaphore_mem>>) src(%dma_wait3A_553 : memref<128x32xf32, #tpu.memory_space<vmem>>) dst(%dma_wait3A_559 : memref<10240x32xf32, #tpu.memory_space<vmem_shared>>)
    %dma_wait3A_560 = arith.constant 77 : i32
    %dma_wait3A_561 = arith.constant 128 : i32
    %dma_wait3A_562 = arith.constant 0 : i32
    %dma_wait3A_563 = tpu.memref_slice %arg11[%dma_wait3A_561, %dma_wait3A_562] : memref<256x32xf32, #tpu.memory_space<vmem>> -> memref<128x32xf32, #tpu.memory_space<vmem>>
    %dma_wait3A_564 = arith.constant 0 : i32
    %dma_wait3A_565 = tpu.memref_slice %arg8[%dma_wait3A_560, %dma_wait3A_564] : memref<79x128xi32, #tpu.memory_space<vmem>> -> memref<1x128xi32, #tpu.memory_space<vmem>>
    %dma_wait3A_566 = tpu.memref_squeeze %dma_wait3A_565 : memref<1x128xi32, #tpu.memory_space<vmem>> -> memref<128xi32, #tpu.memory_space<vmem>>
    %dma_wait3A_567 = arith.constant 0 : i32
    %dma_wait3A_568 = arith.constant 0 : i32
    %dma_wait3A_569 = tpu.memref_slice %arg13[%dma_wait3A_567, %dma_wait3A_568] : memref<10240x32xf32, #tpu.memory_space<vmem_shared>> -> memref<10240x32xf32, #tpu.memory_space<vmem_shared>>
    tpu.wait_indirect_dma semaphore(%arg20 : memref<!tpu.dma_semaphore, #tpu.memory_space<semaphore_mem>>) src(%dma_wait3A_563 : memref<128x32xf32, #tpu.memory_space<vmem>>) dst(%dma_wait3A_569 : memref<10240x32xf32, #tpu.memory_space<vmem_shared>>)
    %lt3A_570 = arith.constant 4 : i32
    %lt3A_571 = arith.cmpi slt, %add3A, %lt3A_570 : i32
    %convert_element_type3A_572 = arith.extui %lt3A_571 : i1 to i32
    %cond3A_573 = arith.constant 0 : i32
    %cond3A_574 = arith.cmpi ne, %convert_element_type3A_572, %cond3A_573 : i32
    scf.if %cond3A_574 {
      %dma_start3A_576 = arith.constant 78 : i32
      %dma_start3A_577 = arith.constant 0 : i32
      %dma_start3A_578 = arith.constant 0 : i32
      %dma_start3A_579 = tpu.memref_slice %arg9[%dma_start3A_577, %dma_start3A_578] : memref<256x32xf32, #tpu.memory_space<vmem>> -> memref<128x32xf32, #tpu.memory_space<vmem>>
      %dma_start3A_580 = arith.constant 0 : i32
      %dma_start3A_581 = tpu.memref_slice %arg7[%dma_start3A_576, %dma_start3A_580] : memref<79x128xi32, #tpu.memory_space<vmem>> -> memref<1x128xi32, #tpu.memory_space<vmem>>
      %dma_start3A_582 = tpu.memref_squeeze %dma_start3A_581 : memref<1x128xi32, #tpu.memory_space<vmem>> -> memref<128xi32, #tpu.memory_space<vmem>>
      %dma_start3A_583 = arith.constant 0 : i32
      %dma_start3A_584 = arith.constant 0 : i32
      %dma_start3A_585 = tpu.memref_slice %arg2[%dma_start3A_583, %dma_start3A_584] : memref<10240x32xf32, #tpu.memory_space<hbm>> -> memref<10240x32xf32, #tpu.memory_space<hbm>>
      tpu.enqueue_indirect_dma source(%dma_start3A_585 : memref<10240x32xf32, #tpu.memory_space<hbm>>) target(%dma_start3A_579 : memref<128x32xf32, #tpu.memory_space<vmem>>) offsets(%dma_start3A_582 : memref<128xi32, #tpu.memory_space<vmem>>) semaphore(%arg14 : memref<!tpu.dma_semaphore, #tpu.memory_space<semaphore_mem>>)
      %dma_wait3A_586 = arith.constant 78 : i32
      %dma_wait3A_587 = arith.constant 0 : i32
      %dma_wait3A_588 = arith.constant 0 : i32
      %dma_wait3A_589 = tpu.memref_slice %arg9[%dma_wait3A_587, %dma_wait3A_588] : memref<256x32xf32, #tpu.memory_space<vmem>> -> memref<128x32xf32, #tpu.memory_space<vmem>>
      %dma_wait3A_590 = arith.constant 0 : i32
      %dma_wait3A_591 = tpu.memref_slice %arg7[%dma_wait3A_586, %dma_wait3A_590] : memref<79x128xi32, #tpu.memory_space<vmem>> -> memref<1x128xi32, #tpu.memory_space<vmem>>
      %dma_wait3A_592 = tpu.memref_squeeze %dma_wait3A_591 : memref<1x128xi32, #tpu.memory_space<vmem>> -> memref<128xi32, #tpu.memory_space<vmem>>
      %dma_wait3A_593 = arith.constant 0 : i32
      %dma_wait3A_594 = arith.constant 0 : i32
      %dma_wait3A_595 = tpu.memref_slice %arg2[%dma_wait3A_593, %dma_wait3A_594] : memref<10240x32xf32, #tpu.memory_space<hbm>> -> memref<10240x32xf32, #tpu.memory_space<hbm>>
      tpu.wait_indirect_dma semaphore(%arg14 : memref<!tpu.dma_semaphore, #tpu.memory_space<semaphore_mem>>) src(%dma_wait3A_595 : memref<10240x32xf32, #tpu.memory_space<hbm>>) dst(%dma_wait3A_589 : memref<128x32xf32, #tpu.memory_space<vmem>>)
      %run_scoped3A = arith.constant 78 : i32
      "tpu.region"() ({
        %run_scoped3A_596 = tpu.sem_alloc : memref<!tpu.dma_semaphore, #tpu.memory_space<semaphore_mem>>
        %dma_start3A_597 = arith.constant 0 : i32
        %dma_start3A_598 = arith.constant 0 : i32
        %dma_start3A_599 = tpu.memref_slice %arg9[%dma_start3A_597, %dma_start3A_598] : memref<256x32xf32, #tpu.memory_space<vmem>> -> memref<128x32xf32, #tpu.memory_space<vmem>>
        %dma_start3A_600 = arith.constant 0 : i32
        %dma_start3A_601 = tpu.memref_slice %arg8[%run_scoped3A, %dma_start3A_600] : memref<79x128xi32, #tpu.memory_space<vmem>> -> memref<1x128xi32, #tpu.memory_space<vmem>>
        %dma_start3A_602 = tpu.memref_squeeze %dma_start3A_601 : memref<1x128xi32, #tpu.memory_space<vmem>> -> memref<128xi32, #tpu.memory_space<vmem>>
        %dma_start3A_603 = arith.constant 0 : i32
        %dma_start3A_604 = arith.constant 0 : i32
        %dma_start3A_605 = tpu.memref_slice %arg13[%dma_start3A_603, %dma_start3A_604] : memref<10240x32xf32, #tpu.memory_space<vmem_shared>> -> memref<10240x32xf32, #tpu.memory_space<vmem_shared>>
        tpu.enqueue_indirect_dma source(%dma_start3A_599 : memref<128x32xf32, #tpu.memory_space<vmem>>) target(%dma_start3A_605 : memref<10240x32xf32, #tpu.memory_space<vmem_shared>>) offsets(%dma_start3A_602 : memref<128xi32, #tpu.memory_space<vmem>>) semaphore(%run_scoped3A_596 : memref<!tpu.dma_semaphore, #tpu.memory_space<semaphore_mem>>) {add = true}
        %dma_wait3A_606 = arith.constant 0 : i32
        %dma_wait3A_607 = arith.constant 0 : i32
        %dma_wait3A_608 = tpu.memref_slice %arg9[%dma_wait3A_606, %dma_wait3A_607] : memref<256x32xf32, #tpu.memory_space<vmem>> -> memref<128x32xf32, #tpu.memory_space<vmem>>
        %dma_wait3A_609 = arith.constant 0 : i32
        %dma_wait3A_610 = tpu.memref_slice %arg8[%run_scoped3A, %dma_wait3A_609] : memref<79x128xi32, #tpu.memory_space<vmem>> -> memref<1x128xi32, #tpu.memory_space<vmem>>
        %dma_wait3A_611 = tpu.memref_squeeze %dma_wait3A_610 : memref<1x128xi32, #tpu.memory_space<vmem>> -> memref<128xi32, #tpu.memory_space<vmem>>
        %dma_wait3A_612 = arith.constant 0 : i32
        %dma_wait3A_613 = arith.constant 0 : i32
        %dma_wait3A_614 = tpu.memref_slice %arg13[%dma_wait3A_612, %dma_wait3A_613] : memref<10240x32xf32, #tpu.memory_space<vmem_shared>> -> memref<10240x32xf32, #tpu.memory_space<vmem_shared>>
        tpu.wait_indirect_dma semaphore(%run_scoped3A_596 : memref<!tpu.dma_semaphore, #tpu.memory_space<semaphore_mem>>) src(%dma_wait3A_608 : memref<128x32xf32, #tpu.memory_space<vmem>>) dst(%dma_wait3A_614 : memref<10240x32xf32, #tpu.memory_space<vmem_shared>>)
        tpu.yield
      }) : () -> ()
    } else {
    }
    %barrier3A_575 = arith.constant 0 : index
    tpu.barrier barrier_id(%barrier3A_575)
    "tpu.region"() ({
      %run_scoped3A = tpu.sem_alloc : memref<!tpu.dma_semaphore, #tpu.memory_space<semaphore_mem>>
      %dma_start3A_576 = arith.constant 0 : i32
      %dma_start3A_577 = tpu.memref_slice %arg6[%arg0, %mul3A_2, %dma_start3A_576] : memref<2x10240x32xf32, #tpu.memory_space<hbm>> -> memref<1x640x32xf32, #tpu.memory_space<hbm>>
      %dma_start3A_578 = tpu.memref_squeeze %dma_start3A_577 : memref<1x640x32xf32, #tpu.memory_space<hbm>> -> memref<640x32xf32, #tpu.memory_space<hbm>>
      %dma_start3A_579 = arith.constant 0 : i32
      %dma_start3A_580 = tpu.memref_slice %arg13[%mul3A_2, %dma_start3A_579] : memref<10240x32xf32, #tpu.memory_space<vmem_shared>> -> memref<640x32xf32, #tpu.memory_space<vmem_shared>>
      tpu.enqueue_dma source(%dma_start3A_580 : memref<640x32xf32, #tpu.memory_space<vmem_shared>>) target(%dma_start3A_578 : memref<640x32xf32, #tpu.memory_space<hbm>>) target_semaphore(%run_scoped3A : memref<!tpu.dma_semaphore, #tpu.memory_space<semaphore_mem>>)
      %dma_wait3A_581 = arith.constant 0 : i32
      %dma_wait3A_582 = tpu.memref_slice %arg6[%arg0, %mul3A_2, %dma_wait3A_581] : memref<2x10240x32xf32, #tpu.memory_space<hbm>> -> memref<1x640x32xf32, #tpu.memory_space<hbm>>
      %dma_wait3A_583 = tpu.memref_squeeze %dma_wait3A_582 : memref<1x640x32xf32, #tpu.memory_space<hbm>> -> memref<640x32xf32, #tpu.memory_space<hbm>>
      %dma_wait3A_584 = arith.constant 0 : i32
      %dma_wait3A_585 = tpu.memref_slice %arg13[%mul3A_2, %dma_wait3A_584] : memref<10240x32xf32, #tpu.memory_space<vmem_shared>> -> memref<640x32xf32, #tpu.memory_space<vmem_shared>>
      tpu.wait_dma2 semaphore(%run_scoped3A : memref<!tpu.dma_semaphore, #tpu.memory_space<semaphore_mem>>) src(%dma_wait3A_585 : memref<640x32xf32, #tpu.memory_space<vmem_shared>>) dst(%dma_wait3A_583 : memref<640x32xf32, #tpu.memory_space<hbm>>)
      tpu.yield
    }) : () -> ()
    return
  }
}

#map = affine_map<(d0, d1) -> (0)>
#map1 = affine_map<(d0, d1) -> (0, 0)>
module attributes {stable_mosaic.version = 14 : i64} {
  func.func @body(%arg0: i32, %arg1: i32, %arg2: memref<10240xf32, #tpu.memory_space<hbm>>, %arg3: memref<320000xi32, #tpu.memory_space<hbm>>, %arg4: memref<320000xi32, #tpu.memory_space<hbm>>, %arg5: memref<10240xf32, #tpu.memory_space<hbm>>, %arg6: memref<32x10240xf32, #tpu.memory_space<hbm>>, %arg7: memref<10240xf32, #tpu.memory_space<vmem>>, %arg8: memref<10240xf32, #tpu.memory_space<vmem>>, %arg9: memref<9984xi32, #tpu.memory_space<vmem>>, %arg10: memref<9984xi32, #tpu.memory_space<vmem>>, %arg11: memref<128xi32, #tpu.memory_space<vmem>>, %arg12: memref<128xi32, #tpu.memory_space<vmem>>) attributes {dimension_semantics = [#tpu.dimension_semantics<core_parallel>, #tpu.dimension_semantics<subcore_parallel>], iteration_bounds = array<i64: 2, 16>, scalar_prefetch = 0 : i64, scratch_operands = 6 : i64, tpu.core_type = #tpu.core_type<sc_vector_subcore>, window_params = [{transform_indices = #map}, {transform_indices = #map}, {transform_indices = #map}, {transform_indices = #map}, {transform_indices = #map1}]} {
    %mul3A = arith.constant 2 : i32
    %mul3A_0 = arith.muli %arg1, %mul3A : i32
    %add3A = arith.addi %mul3A_0, %arg0 : i32
    "tpu.region"() ({
      %run_scoped3A = tpu.sem_alloc : memref<!tpu.dma_semaphore, #tpu.memory_space<semaphore_mem>>
      tpu.enqueue_dma source(%arg2 : memref<10240xf32, #tpu.memory_space<hbm>>) target(%arg7 : memref<10240xf32, #tpu.memory_space<vmem>>) target_semaphore(%run_scoped3A : memref<!tpu.dma_semaphore, #tpu.memory_space<semaphore_mem>>)
      tpu.wait_dma2 semaphore(%run_scoped3A : memref<!tpu.dma_semaphore, #tpu.memory_space<semaphore_mem>>) src(%arg2 : memref<10240xf32, #tpu.memory_space<hbm>>) dst(%arg7 : memref<10240xf32, #tpu.memory_space<vmem>>)
      tpu.yield
    }) : () -> ()
    "tpu.region"() ({
      %run_scoped3A = tpu.sem_alloc : memref<!tpu.dma_semaphore, #tpu.memory_space<semaphore_mem>>
      tpu.enqueue_dma source(%arg5 : memref<10240xf32, #tpu.memory_space<hbm>>) target(%arg8 : memref<10240xf32, #tpu.memory_space<vmem>>) target_semaphore(%run_scoped3A : memref<!tpu.dma_semaphore, #tpu.memory_space<semaphore_mem>>)
      tpu.wait_dma2 semaphore(%run_scoped3A : memref<!tpu.dma_semaphore, #tpu.memory_space<semaphore_mem>>) src(%arg5 : memref<10240xf32, #tpu.memory_space<hbm>>) dst(%arg8 : memref<10240xf32, #tpu.memory_space<vmem>>)
      tpu.yield
    }) : () -> ()
    %mul3A_1 = arith.constant 9984 : i32
    %mul3A_2 = arith.muli %add3A, %mul3A_1 : i32
    "tpu.region"() ({
      %run_scoped3A = tpu.sem_alloc : memref<!tpu.dma_semaphore, #tpu.memory_space<semaphore_mem>>
      %dma_start3A = tpu.memref_slice %arg3[%mul3A_2] : memref<320000xi32, #tpu.memory_space<hbm>> -> memref<9984xi32, #tpu.memory_space<hbm>>
      %dma_start3A_15 = tpu.memref_slice %arg3[%mul3A_2] : memref<320000xi32, #tpu.memory_space<hbm>> -> memref<9984xi32, #tpu.memory_space<hbm>>
      tpu.enqueue_dma source(%dma_start3A_15 : memref<9984xi32, #tpu.memory_space<hbm>>) target(%arg9 : memref<9984xi32, #tpu.memory_space<vmem>>) target_semaphore(%run_scoped3A : memref<!tpu.dma_semaphore, #tpu.memory_space<semaphore_mem>>)
      %dma_wait3A = tpu.memref_slice %arg3[%mul3A_2] : memref<320000xi32, #tpu.memory_space<hbm>> -> memref<9984xi32, #tpu.memory_space<hbm>>
      %dma_wait3A_16 = tpu.memref_slice %arg3[%mul3A_2] : memref<320000xi32, #tpu.memory_space<hbm>> -> memref<9984xi32, #tpu.memory_space<hbm>>
      tpu.wait_dma2 semaphore(%run_scoped3A : memref<!tpu.dma_semaphore, #tpu.memory_space<semaphore_mem>>) src(%dma_wait3A_16 : memref<9984xi32, #tpu.memory_space<hbm>>) dst(%arg9 : memref<9984xi32, #tpu.memory_space<vmem>>)
      tpu.yield
    }) : () -> ()
    "tpu.region"() ({
      %run_scoped3A = tpu.sem_alloc : memref<!tpu.dma_semaphore, #tpu.memory_space<semaphore_mem>>
      %dma_start3A = tpu.memref_slice %arg4[%mul3A_2] : memref<320000xi32, #tpu.memory_space<hbm>> -> memref<9984xi32, #tpu.memory_space<hbm>>
      %dma_start3A_15 = tpu.memref_slice %arg4[%mul3A_2] : memref<320000xi32, #tpu.memory_space<hbm>> -> memref<9984xi32, #tpu.memory_space<hbm>>
      tpu.enqueue_dma source(%dma_start3A_15 : memref<9984xi32, #tpu.memory_space<hbm>>) target(%arg10 : memref<9984xi32, #tpu.memory_space<vmem>>) target_semaphore(%run_scoped3A : memref<!tpu.dma_semaphore, #tpu.memory_space<semaphore_mem>>)
      %dma_wait3A = tpu.memref_slice %arg4[%mul3A_2] : memref<320000xi32, #tpu.memory_space<hbm>> -> memref<9984xi32, #tpu.memory_space<hbm>>
      %dma_wait3A_16 = tpu.memref_slice %arg4[%mul3A_2] : memref<320000xi32, #tpu.memory_space<hbm>> -> memref<9984xi32, #tpu.memory_space<hbm>>
      tpu.wait_dma2 semaphore(%run_scoped3A : memref<!tpu.dma_semaphore, #tpu.memory_space<semaphore_mem>>) src(%dma_wait3A_16 : memref<9984xi32, #tpu.memory_space<hbm>>) dst(%arg10 : memref<9984xi32, #tpu.memory_space<vmem>>)
      tpu.yield
    }) : () -> ()
    %lt3A = arith.constant 4 : i32
    %lt3A_3 = arith.cmpi slt, %add3A, %lt3A : i32
    %convert_element_type3A = arith.extui %lt3A_3 : i1 to i32
    %cond3A = arith.constant 0 : i32
    %cond3A_4 = arith.cmpi ne, %convert_element_type3A, %cond3A : i32
    scf.if %cond3A_4 {
      %mul3A_15 = arith.constant 128 : i32
      %mul3A_16 = arith.muli %mul3A_15, %add3A : i32
      %add3A_17 = arith.constant 319488 : i32
      %add3A_18 = arith.addi %add3A_17, %mul3A_16 : i32
      "tpu.region"() ({
        %run_scoped3A = tpu.sem_alloc : memref<!tpu.dma_semaphore, #tpu.memory_space<semaphore_mem>>
        %dma_start3A = tpu.memref_slice %arg3[%add3A_18] : memref<320000xi32, #tpu.memory_space<hbm>> -> memref<128xi32, #tpu.memory_space<hbm>>
        %dma_start3A_19 = tpu.memref_slice %arg3[%add3A_18] : memref<320000xi32, #tpu.memory_space<hbm>> -> memref<128xi32, #tpu.memory_space<hbm>>
        tpu.enqueue_dma source(%dma_start3A_19 : memref<128xi32, #tpu.memory_space<hbm>>) target(%arg11 : memref<128xi32, #tpu.memory_space<vmem>>) target_semaphore(%run_scoped3A : memref<!tpu.dma_semaphore, #tpu.memory_space<semaphore_mem>>)
        %dma_wait3A = tpu.memref_slice %arg3[%add3A_18] : memref<320000xi32, #tpu.memory_space<hbm>> -> memref<128xi32, #tpu.memory_space<hbm>>
        %dma_wait3A_20 = tpu.memref_slice %arg3[%add3A_18] : memref<320000xi32, #tpu.memory_space<hbm>> -> memref<128xi32, #tpu.memory_space<hbm>>
        tpu.wait_dma2 semaphore(%run_scoped3A : memref<!tpu.dma_semaphore, #tpu.memory_space<semaphore_mem>>) src(%dma_wait3A_20 : memref<128xi32, #tpu.memory_space<hbm>>) dst(%arg11 : memref<128xi32, #tpu.memory_space<vmem>>)
        tpu.yield
      }) : () -> ()
      "tpu.region"() ({
        %run_scoped3A = tpu.sem_alloc : memref<!tpu.dma_semaphore, #tpu.memory_space<semaphore_mem>>
        %dma_start3A = tpu.memref_slice %arg4[%add3A_18] : memref<320000xi32, #tpu.memory_space<hbm>> -> memref<128xi32, #tpu.memory_space<hbm>>
        %dma_start3A_19 = tpu.memref_slice %arg4[%add3A_18] : memref<320000xi32, #tpu.memory_space<hbm>> -> memref<128xi32, #tpu.memory_space<hbm>>
        tpu.enqueue_dma source(%dma_start3A_19 : memref<128xi32, #tpu.memory_space<hbm>>) target(%arg12 : memref<128xi32, #tpu.memory_space<vmem>>) target_semaphore(%run_scoped3A : memref<!tpu.dma_semaphore, #tpu.memory_space<semaphore_mem>>)
        %dma_wait3A = tpu.memref_slice %arg4[%add3A_18] : memref<320000xi32, #tpu.memory_space<hbm>> -> memref<128xi32, #tpu.memory_space<hbm>>
        %dma_wait3A_20 = tpu.memref_slice %arg4[%add3A_18] : memref<320000xi32, #tpu.memory_space<hbm>> -> memref<128xi32, #tpu.memory_space<hbm>>
        tpu.wait_dma2 semaphore(%run_scoped3A : memref<!tpu.dma_semaphore, #tpu.memory_space<semaphore_mem>>) src(%dma_wait3A_20 : memref<128xi32, #tpu.memory_space<hbm>>) dst(%arg12 : memref<128xi32, #tpu.memory_space<vmem>>)
        tpu.yield
      }) : () -> ()
    } else {
    }
    %scan3A = arith.constant 0 : i32
    %scan3A_5 = arith.constant 0 : i32
    %scan3A_6 = arith.constant 624 : i32
    %scan3A_7 = arith.addi %scan3A_5, %scan3A_6 : i32
    %scan3A_8 = arith.constant 1 : i32
    scf.for %scan3A_15 = %scan3A_5 to %scan3A_7 step %scan3A_8  : i32 {
      %mul3A_16 = arith.constant 16 : i32
      %mul3A_17 = arith.muli %scan3A_15, %mul3A_16 : i32
      %get3A = arith.index_cast %mul3A_17 : i32 to index
      %get3A_18 = tpu.vector_load %arg9[%get3A] {strides = array<i32>} : memref<9984xi32, #tpu.memory_space<vmem>>, vector<16xi32>,
      %mul3A_19 = arith.constant 16 : i32
      %mul3A_20 = arith.muli %scan3A_15, %mul3A_19 : i32
      %get3A_21 = arith.index_cast %mul3A_20 : i32 to index
      %get3A_22 = tpu.vector_load %arg10[%get3A_21] {strides = array<i32>} : memref<9984xi32, #tpu.memory_space<vmem>>, vector<16xi32>,
      %gather3A = tpu.vector_load_idx %arg7[%get3A_18] : memref<10240xf32, #tpu.memory_space<vmem>>[vector<16xi32>], vector<16xf32>,
      tpu.vector_store_idx %arg8[%get3A_22], %gather3A {add = true} : memref<10240xf32, #tpu.memory_space<vmem>>[vector<16xi32>], vector<16xf32>,
    }
    %scan3A_9 = arith.constant 624 : i32
    %lt3A_10 = arith.constant 4 : i32
    %lt3A_11 = arith.cmpi slt, %add3A, %lt3A_10 : i32
    %convert_element_type3A_12 = arith.extui %lt3A_11 : i1 to i32
    %cond3A_13 = arith.constant 0 : i32
    %cond3A_14 = arith.cmpi ne, %convert_element_type3A_12, %cond3A_13 : i32
    scf.if %cond3A_14 {
      %scan3A_15 = arith.constant 0 : i32
      %scan3A_16 = arith.constant 0 : i32
      %scan3A_17 = arith.constant 8 : i32
      %scan3A_18 = arith.addi %scan3A_16, %scan3A_17 : i32
      %scan3A_19 = arith.constant 1 : i32
      scf.for %scan3A_21 = %scan3A_16 to %scan3A_18 step %scan3A_19  : i32 {
        %mul3A_22 = arith.constant 16 : i32
        %mul3A_23 = arith.muli %scan3A_21, %mul3A_22 : i32
        %get3A = arith.index_cast %mul3A_23 : i32 to index
        %get3A_24 = tpu.vector_load %arg11[%get3A] {strides = array<i32>} : memref<128xi32, #tpu.memory_space<vmem>>, vector<16xi32>,
        %mul3A_25 = arith.constant 16 : i32
        %mul3A_26 = arith.muli %scan3A_21, %mul3A_25 : i32
        %get3A_27 = arith.index_cast %mul3A_26 : i32 to index
        %get3A_28 = tpu.vector_load %arg12[%get3A_27] {strides = array<i32>} : memref<128xi32, #tpu.memory_space<vmem>>, vector<16xi32>,
        %gather3A = tpu.vector_load_idx %arg7[%get3A_24] : memref<10240xf32, #tpu.memory_space<vmem>>[vector<16xi32>], vector<16xf32>,
        tpu.vector_store_idx %arg8[%get3A_28], %gather3A {add = true} : memref<10240xf32, #tpu.memory_space<vmem>>[vector<16xi32>], vector<16xf32>,
      }
      %scan3A_20 = arith.constant 8 : i32
    } else {
    }
    "tpu.region"() ({
      %run_scoped3A = tpu.sem_alloc : memref<!tpu.dma_semaphore, #tpu.memory_space<semaphore_mem>>
      %dma_start3A = arith.constant 0 : i32
      %dma_start3A_15 = tpu.memref_slice %arg6[%add3A, %dma_start3A] : memref<32x10240xf32, #tpu.memory_space<hbm>> -> memref<1x10240xf32, #tpu.memory_space<hbm>>
      %dma_start3A_16 = tpu.memref_squeeze %dma_start3A_15 : memref<1x10240xf32, #tpu.memory_space<hbm>> -> memref<10240xf32, #tpu.memory_space<hbm>>
      %dma_start3A_17 = arith.constant 0 : i32
      %dma_start3A_18 = tpu.memref_slice %arg6[%add3A, %dma_start3A_17] : memref<32x10240xf32, #tpu.memory_space<hbm>> -> memref<1x10240xf32, #tpu.memory_space<hbm>>
      %dma_start3A_19 = tpu.memref_squeeze %dma_start3A_18 : memref<1x10240xf32, #tpu.memory_space<hbm>> -> memref<10240xf32, #tpu.memory_space<hbm>>
      tpu.enqueue_dma source(%arg8 : memref<10240xf32, #tpu.memory_space<vmem>>) target(%dma_start3A_19 : memref<10240xf32, #tpu.memory_space<hbm>>) target_semaphore(%run_scoped3A : memref<!tpu.dma_semaphore, #tpu.memory_space<semaphore_mem>>)
      %dma_wait3A = arith.constant 0 : i32
      %dma_wait3A_20 = tpu.memref_slice %arg6[%add3A, %dma_wait3A] : memref<32x10240xf32, #tpu.memory_space<hbm>> -> memref<1x10240xf32, #tpu.memory_space<hbm>>
      %dma_wait3A_21 = tpu.memref_squeeze %dma_wait3A_20 : memref<1x10240xf32, #tpu.memory_space<hbm>> -> memref<10240xf32, #tpu.memory_space<hbm>>
      %dma_wait3A_22 = arith.constant 0 : i32
      %dma_wait3A_23 = tpu.memref_slice %arg6[%add3A, %dma_wait3A_22] : memref<32x10240xf32, #tpu.memory_space<hbm>> -> memref<1x10240xf32, #tpu.memory_space<hbm>>
      %dma_wait3A_24 = tpu.memref_squeeze %dma_wait3A_23 : memref<1x10240xf32, #tpu.memory_space<hbm>> -> memref<10240xf32, #tpu.memory_space<hbm>>
      tpu.wait_dma2 semaphore(%run_scoped3A : memref<!tpu.dma_semaphore, #tpu.memory_space<semaphore_mem>>) src(%arg8 : memref<10240xf32, #tpu.memory_space<vmem>>) dst(%dma_wait3A_24 : memref<10240xf32, #tpu.memory_space<hbm>>)
      tpu.yield
    }) : () -> ()
    return
  }
}

module attributes {stable_mosaic.version = 14 : i64} {
  func.func @_mm_body(%arg0: i32, %arg1: memref<2048x128xf32, #tpu.memory_space<vmem>>, %arg2: memref<128x64xf32, #tpu.memory_space<vmem>>, %arg3: memref<2048x64xf32, #tpu.memory_space<vmem>>) attributes {dimension_semantics = [#tpu.dimension_semantics<arbitrary>], iteration_bounds = array<i64: 5>, scalar_prefetch = 0 : i64, scratch_operands = 0 : i64, tpu.core_type = #tpu.core_type<tc>, window_params = [{transform_indices = @transform_0, window_bounds = array<i64: 2048, 128>}, {pipeline_mode = #tpu.pipeline_mode<synchronous>, transform_indices = @transform_1, window_bounds = array<i64: 128, 64>}, {transform_indices = @transform_2, window_bounds = array<i64: 2048, 64>}]} {
    %get3A = arith.constant 0 : index
    %get3A_0 = arith.constant 0 : index
    %get3A_1 = vector.load %arg1[%get3A, %get3A_0] : memref<2048x128xf32, #tpu.memory_space<vmem>>, vector<2048x128xf32>
    %get3A_2 = arith.constant 0 : index
    %get3A_3 = arith.constant 0 : index
    %get3A_4 = vector.load %arg2[%get3A_2, %get3A_3] : memref<128x64xf32, #tpu.memory_space<vmem>>, vector<128x64xf32>
    %dot_general3A = arith.constant dense<0.000000e+00> : vector<2048x64xf32>
    %dot_general3A_5 = tpu.matmul %get3A_1, %get3A_4, %dot_general3A {dimension_numbers = #tpu.dot_dimension_numbers<[1], [0], [0], [1], [0, 0, 1, 1], [], []>, transpose_lhs_hint = false} : vector<2048x128xf32>, vector<128x64xf32>, vector<2048x64xf32> -> vector<2048x64xf32>
    %swap3A = arith.constant 0 : index
    %swap3A_6 = arith.constant 0 : index
    %swap3A_7 = vector.load %arg3[%swap3A, %swap3A_6] : memref<2048x64xf32, #tpu.memory_space<vmem>>, vector<2048x64xf32>
    tpu.vector_store %arg3[%swap3A, %swap3A_6], %dot_general3A_5 {strides = array<i32>} : memref<2048x64xf32, #tpu.memory_space<vmem>>, vector<2048x64xf32>,
    return
  }
  func.func @transform_0(%arg0: i32) -> (i32, i32) {
    %c0_i32 = arith.constant 0 : i32
    %c0_i32_0 = arith.constant 0 : i32
    return %arg0, %c0_i32 : i32, i32
  }
  func.func @transform_1(%arg0: i32) -> (i32, i32) {
    %c0_i32 = arith.constant 0 : i32
    %c0_i32_0 = arith.constant 0 : i32
    %c0_i32_1 = arith.constant 0 : i32
    return %c0_i32, %c0_i32_0 : i32, i32
  }
  func.func @transform_2(%arg0: i32) -> (i32, i32) {
    %c0_i32 = arith.constant 0 : i32
    %c0_i32_0 = arith.constant 0 : i32
    return %arg0, %c0_i32 : i32, i32
  }
}

module attributes {stable_mosaic.version = 14 : i64} {
  func.func @_layer1_body(%arg0: i32, %arg1: memref<2x2048x64xf32, #tpu.memory_space<vmem>>, %arg2: memref<32x2048xf32, #tpu.memory_space<vmem>>, %arg3: memref<2048x128xf32, #tpu.memory_space<vmem>>, %arg4: memref<128x64xf32, #tpu.memory_space<vmem>>, %arg5: memref<1x64xf32, #tpu.memory_space<vmem>>, %arg6: memref<1x64xf32, #tpu.memory_space<vmem>>, %arg7: memref<1x64xf32, #tpu.memory_space<vmem>>, %arg8: memref<64x32xf32, #tpu.memory_space<vmem>>, %arg9: memref<2048x64xf32, #tpu.memory_space<vmem>>, %arg10: memref<2048x32xf32, #tpu.memory_space<vmem>>, %arg11: memref<2048x1xf32, #tpu.memory_space<vmem>>) attributes {dimension_semantics = [#tpu.dimension_semantics<arbitrary>], iteration_bounds = array<i64: 5>, scalar_prefetch = 0 : i64, scratch_operands = 0 : i64, tpu.core_type = #tpu.core_type<tc>, window_params = [{transform_indices = @transform_0, window_bounds = array<i64: 2, 2048, 64>}, {transform_indices = @transform_1, window_bounds = array<i64: 32, 2048>}, {transform_indices = @transform_2, window_bounds = array<i64: 2048, 128>}, {pipeline_mode = #tpu.pipeline_mode<synchronous>, transform_indices = @transform_3, window_bounds = array<i64: 128, 64>}, {pipeline_mode = #tpu.pipeline_mode<synchronous>, transform_indices = @transform_4, window_bounds = array<i64: 1, 64>}, {pipeline_mode = #tpu.pipeline_mode<synchronous>, transform_indices = @transform_5, window_bounds = array<i64: 1, 64>}, {pipeline_mode = #tpu.pipeline_mode<synchronous>, transform_indices = @transform_6, window_bounds = array<i64: 1, 64>}, {pipeline_mode = #tpu.pipeline_mode<synchronous>, transform_indices = @transform_7, window_bounds = array<i64: 64, 32>}, {transform_indices = @transform_8, window_bounds = array<i64: 2048, 64>}, {transform_indices = @transform_9, window_bounds = array<i64: 2048, 32>}, {transform_indices = @transform_10, window_bounds = array<i64: 2048, 1>}]} {
    %get3A = arith.constant 0 : index
    %get3A_0 = arith.constant 0 : index
    %get3A_1 = arith.constant 0 : index
    %get3A_2 = vector.load %arg1[%get3A, %get3A_0, %get3A_1] : memref<2x2048x64xf32, #tpu.memory_space<vmem>>, vector<1x2048x64xf32>
    %get3A_3 = vector.shape_cast %get3A_2 : vector<1x2048x64xf32> to vector<2048x64xf32>
    %get3A_4 = arith.constant 1 : index
    %get3A_5 = arith.constant 0 : index
    %get3A_6 = arith.constant 0 : index
    %get3A_7 = vector.load %arg1[%get3A_4, %get3A_5, %get3A_6] : memref<2x2048x64xf32, #tpu.memory_space<vmem>>, vector<1x2048x64xf32>
    %get3A_8 = vector.shape_cast %get3A_7 : vector<1x2048x64xf32> to vector<2048x64xf32>
    %add3A = arith.addf %get3A_3, %get3A_8 : vector<2048x64xf32>
    %get3A_9 = arith.constant 0 : index
    %get3A_10 = arith.constant 0 : index
    %get3A_11 = vector.load %arg2[%get3A_9, %get3A_10] : memref<32x2048xf32, #tpu.memory_space<vmem>>, vector<32x2048xf32>
    %reduce_sum3A = arith.constant dense<0.000000e+00> : vector<2048xf32>
    %reduce_sum3A_12 = vector.multi_reduction <add>, %get3A_11, %reduce_sum3A [0] : vector<32x2048xf32> to vector<2048xf32>
    %max3A = arith.constant 1.000000e+00 : f32
    %max3A_13 = vector.broadcast %max3A : f32 to vector<2048xf32>
    %max3A_14 = arith.maximumf %reduce_sum3A_12, %max3A_13 : vector<2048xf32>
    %broadcast_in_dim3A = vector.shape_cast %max3A_14 : vector<2048xf32> to vector<2048x1xf32>
    %div3A = vector.broadcast %broadcast_in_dim3A : vector<2048x1xf32> to vector<2048x64xf32>
    %div3A_15 = arith.divf %add3A, %div3A : vector<2048x64xf32>
    %get3A_16 = arith.constant 0 : index
    %get3A_17 = arith.constant 0 : index
    %get3A_18 = vector.load %arg5[%get3A_16, %get3A_17] : memref<1x64xf32, #tpu.memory_space<vmem>>, vector<1x64xf32>
    %add3A_19 = vector.broadcast %get3A_18 : vector<1x64xf32> to vector<2048x64xf32>
    %add3A_20 = arith.addf %div3A_15, %add3A_19 : vector<2048x64xf32>
    %get3A_21 = arith.constant 0 : index
    %get3A_22 = arith.constant 0 : index
    %get3A_23 = vector.load %arg3[%get3A_21, %get3A_22] : memref<2048x128xf32, #tpu.memory_space<vmem>>, vector<2048x128xf32>
    %get3A_24 = arith.constant 0 : index
    %get3A_25 = arith.constant 0 : index
    %get3A_26 = vector.load %arg4[%get3A_24, %get3A_25] : memref<128x64xf32, #tpu.memory_space<vmem>>, vector<128x64xf32>
    %dot_general3A = arith.constant dense<0.000000e+00> : vector<2048x64xf32>
    %dot_general3A_27 = tpu.matmul %get3A_23, %get3A_26, %dot_general3A {dimension_numbers = #tpu.dot_dimension_numbers<[1], [0], [0], [1], [0, 0, 1, 1], [], []>, transpose_lhs_hint = false} : vector<2048x128xf32>, vector<128x64xf32>, vector<2048x64xf32> -> vector<2048x64xf32>
    %add3A_28 = arith.addf %add3A_20, %dot_general3A_27 : vector<2048x64xf32>
    %reduce_sum3A_29 = arith.constant dense<0.000000e+00> : vector<2048xf32>
    %reduce_sum3A_30 = vector.multi_reduction <add>, %add3A_28, %reduce_sum3A_29 [1] : vector<2048x64xf32> to vector<2048xf32>
    %broadcast_in_dim3A_31 = vector.shape_cast %reduce_sum3A_30 : vector<2048xf32> to vector<2048x1xf32>
    %div3A_32 = arith.constant 6.400000e+01 : f32
    %div3A_33 = vector.broadcast %div3A_32 : f32 to vector<2048x1xf32>
    %div3A_34 = arith.divf %broadcast_in_dim3A_31, %div3A_33 : vector<2048x1xf32>
    %sub3A = vector.broadcast %div3A_34 : vector<2048x1xf32> to vector<2048x64xf32>
    %sub3A_35 = arith.subf %add3A_28, %sub3A : vector<2048x64xf32>
    %integer_pow3A = arith.mulf %sub3A_35, %sub3A_35 : vector<2048x64xf32>
    %reduce_sum3A_36 = arith.constant dense<0.000000e+00> : vector<2048xf32>
    %reduce_sum3A_37 = vector.multi_reduction <add>, %integer_pow3A, %reduce_sum3A_36 [1] : vector<2048x64xf32> to vector<2048xf32>
    %broadcast_in_dim3A_38 = vector.shape_cast %reduce_sum3A_37 : vector<2048xf32> to vector<2048x1xf32>
    %div3A_39 = arith.constant 6.400000e+01 : f32
    %div3A_40 = vector.broadcast %div3A_39 : f32 to vector<2048x1xf32>
    %div3A_41 = arith.divf %broadcast_in_dim3A_38, %div3A_40 : vector<2048x1xf32>
    %sub3A_42 = vector.broadcast %div3A_34 : vector<2048x1xf32> to vector<2048x64xf32>
    %sub3A_43 = arith.subf %add3A_28, %sub3A_42 : vector<2048x64xf32>
    %add3A_44 = arith.constant 9.99999974E-6 : f32
    %add3A_45 = vector.broadcast %add3A_44 : f32 to vector<2048x1xf32>
    %add3A_46 = arith.addf %div3A_41, %add3A_45 : vector<2048x1xf32>
    %rsqrt3A = math.rsqrt %add3A_46 : vector<2048x1xf32>
    %mul3A = vector.broadcast %rsqrt3A : vector<2048x1xf32> to vector<2048x64xf32>
    %mul3A_47 = arith.mulf %sub3A_43, %mul3A : vector<2048x64xf32>
    %get3A_48 = arith.constant 0 : index
    %get3A_49 = arith.constant 0 : index
    %get3A_50 = vector.load %arg6[%get3A_48, %get3A_49] : memref<1x64xf32, #tpu.memory_space<vmem>>, vector<1x64xf32>
    %mul3A_51 = vector.broadcast %get3A_50 : vector<1x64xf32> to vector<2048x64xf32>
    %mul3A_52 = arith.mulf %mul3A_47, %mul3A_51 : vector<2048x64xf32>
    %get3A_53 = arith.constant 0 : index
    %get3A_54 = arith.constant 0 : index
    %get3A_55 = vector.load %arg7[%get3A_53, %get3A_54] : memref<1x64xf32, #tpu.memory_space<vmem>>, vector<1x64xf32>
    %add3A_56 = vector.broadcast %get3A_55 : vector<1x64xf32> to vector<2048x64xf32>
    %add3A_57 = arith.addf %mul3A_52, %add3A_56 : vector<2048x64xf32>
    %mul3A_58 = arith.constant 5.000000e-01 : f32
    %mul3A_59 = vector.broadcast %mul3A_58 : f32 to vector<2048x64xf32>
    %mul3A_60 = arith.mulf %add3A_57, %mul3A_59 : vector<2048x64xf32>
    %mul3A_61 = arith.constant 0.707106769 : f32
    %mul3A_62 = vector.broadcast %mul3A_61 : f32 to vector<2048x64xf32>
    %mul3A_63 = arith.mulf %add3A_57, %mul3A_62 : vector<2048x64xf32>
    %erf3A = math.erf %mul3A_63 : vector<2048x64xf32>
    %add3A_64 = arith.constant 1.000000e+00 : f32
    %add3A_65 = vector.broadcast %add3A_64 : f32 to vector<2048x64xf32>
    %add3A_66 = arith.addf %add3A_65, %erf3A : vector<2048x64xf32>
    %mul3A_67 = arith.mulf %mul3A_60, %add3A_66 : vector<2048x64xf32>
    %swap3A = arith.constant 0 : index
    %swap3A_68 = arith.constant 0 : index
    %swap3A_69 = vector.load %arg9[%swap3A, %swap3A_68] : memref<2048x64xf32, #tpu.memory_space<vmem>>, vector<2048x64xf32>
    tpu.vector_store %arg9[%swap3A, %swap3A_68], %mul3A_67 {strides = array<i32>} : memref<2048x64xf32, #tpu.memory_space<vmem>>, vector<2048x64xf32>,
    %get3A_70 = arith.constant 0 : index
    %get3A_71 = arith.constant 0 : index
    %get3A_72 = vector.load %arg8[%get3A_70, %get3A_71] : memref<64x32xf32, #tpu.memory_space<vmem>>, vector<64x32xf32>
    %dot_general3A_73 = arith.constant dense<0.000000e+00> : vector<2048x32xf32>
    %dot_general3A_74 = tpu.matmul %mul3A_67, %get3A_72, %dot_general3A_73 {dimension_numbers = #tpu.dot_dimension_numbers<[1], [0], [0], [1], [0, 0, 1, 1], [], []>, transpose_lhs_hint = false} : vector<2048x64xf32>, vector<64x32xf32>, vector<2048x32xf32> -> vector<2048x32xf32>
    %swap3A_75 = arith.constant 0 : index
    %swap3A_76 = arith.constant 0 : index
    %swap3A_77 = vector.load %arg10[%swap3A_75, %swap3A_76] : memref<2048x32xf32, #tpu.memory_space<vmem>>, vector<2048x32xf32>
    tpu.vector_store %arg10[%swap3A_75, %swap3A_76], %dot_general3A_74 {strides = array<i32>} : memref<2048x32xf32, #tpu.memory_space<vmem>>, vector<2048x32xf32>,
    %swap3A_78 = arith.constant 0 : index
    %swap3A_79 = arith.constant 0 : index
    %swap3A_80 = vector.load %arg11[%swap3A_78, %swap3A_79] : memref<2048x1xf32, #tpu.memory_space<vmem>>, vector<2048x1xf32>
    tpu.vector_store %arg11[%swap3A_78, %swap3A_79], %broadcast_in_dim3A {strides = array<i32>} : memref<2048x1xf32, #tpu.memory_space<vmem>>, vector<2048x1xf32>,
    return
  }
  func.func @transform_0(%arg0: i32) -> (i32, i32, i32) {
    %c0_i32 = arith.constant 0 : i32
    %c0_i32_0 = arith.constant 0 : i32
    %c0_i32_1 = arith.constant 0 : i32
    return %c0_i32, %arg0, %c0_i32_0 : i32, i32, i32
  }
  func.func @transform_1(%arg0: i32) -> (i32, i32) {
    %c0_i32 = arith.constant 0 : i32
    %c0_i32_0 = arith.constant 0 : i32
    return %c0_i32, %arg0 : i32, i32
  }
  func.func @transform_2(%arg0: i32) -> (i32, i32) {
    %c0_i32 = arith.constant 0 : i32
    %c0_i32_0 = arith.constant 0 : i32
    return %arg0, %c0_i32 : i32, i32
  }
  func.func @transform_3(%arg0: i32) -> (i32, i32) {
    %c0_i32 = arith.constant 0 : i32
    %c0_i32_0 = arith.constant 0 : i32
    %c0_i32_1 = arith.constant 0 : i32
    return %c0_i32, %c0_i32_0 : i32, i32
  }
  func.func @transform_4(%arg0: i32) -> (i32, i32) {
    %c0_i32 = arith.constant 0 : i32
    %c0_i32_0 = arith.constant 0 : i32
    %c0_i32_1 = arith.constant 0 : i32
    return %c0_i32, %c0_i32_0 : i32, i32
  }
  func.func @transform_5(%arg0: i32) -> (i32, i32) {
    %c0_i32 = arith.constant 0 : i32
    %c0_i32_0 = arith.constant 0 : i32
    %c0_i32_1 = arith.constant 0 : i32
    return %c0_i32, %c0_i32_0 : i32, i32
  }
  func.func @transform_6(%arg0: i32) -> (i32, i32) {
    %c0_i32 = arith.constant 0 : i32
    %c0_i32_0 = arith.constant 0 : i32
    %c0_i32_1 = arith.constant 0 : i32
    return %c0_i32, %c0_i32_0 : i32, i32
  }
  func.func @transform_7(%arg0: i32) -> (i32, i32) {
    %c0_i32 = arith.constant 0 : i32
    %c0_i32_0 = arith.constant 0 : i32
    %c0_i32_1 = arith.constant 0 : i32
    return %c0_i32, %c0_i32_0 : i32, i32
  }
  func.func @transform_8(%arg0: i32) -> (i32, i32) {
    %c0_i32 = arith.constant 0 : i32
    %c0_i32_0 = arith.constant 0 : i32
    return %arg0, %c0_i32 : i32, i32
  }
  func.func @transform_9(%arg0: i32) -> (i32, i32) {
    %c0_i32 = arith.constant 0 : i32
    %c0_i32_0 = arith.constant 0 : i32
    return %arg0, %c0_i32 : i32, i32
  }
  func.func @transform_10(%arg0: i32) -> (i32, i32) {
    %c0_i32 = arith.constant 0 : i32
    %c0_i32_0 = arith.constant 0 : i32
    return %arg0, %c0_i32 : i32, i32
  }
}

module attributes {stable_mosaic.version = 14 : i64} {
  func.func @_layer2_body(%arg0: i32, %arg1: memref<2x2048x32xf32, #tpu.memory_space<vmem>>, %arg2: memref<2048x1xf32, #tpu.memory_space<vmem>>, %arg3: memref<2048x64xf32, #tpu.memory_space<vmem>>, %arg4: memref<64x32xf32, #tpu.memory_space<vmem>>, %arg5: memref<1x32xf32, #tpu.memory_space<vmem>>, %arg6: memref<1x32xf32, #tpu.memory_space<vmem>>, %arg7: memref<1x32xf32, #tpu.memory_space<vmem>>, %arg8: memref<32x1xf32, #tpu.memory_space<vmem>>, %arg9: memref<2048x32xf32, #tpu.memory_space<vmem>>, %arg10: memref<2048xf32, #tpu.memory_space<vmem>>) attributes {dimension_semantics = [#tpu.dimension_semantics<arbitrary>], iteration_bounds = array<i64: 5>, scalar_prefetch = 0 : i64, scratch_operands = 0 : i64, tpu.core_type = #tpu.core_type<tc>, window_params = [{transform_indices = @transform_0, window_bounds = array<i64: 2, 2048, 32>}, {transform_indices = @transform_1, window_bounds = array<i64: 2048, 1>}, {transform_indices = @transform_2, window_bounds = array<i64: 2048, 64>}, {pipeline_mode = #tpu.pipeline_mode<synchronous>, transform_indices = @transform_3, window_bounds = array<i64: 64, 32>}, {pipeline_mode = #tpu.pipeline_mode<synchronous>, transform_indices = @transform_4, window_bounds = array<i64: 1, 32>}, {pipeline_mode = #tpu.pipeline_mode<synchronous>, transform_indices = @transform_5, window_bounds = array<i64: 1, 32>}, {pipeline_mode = #tpu.pipeline_mode<synchronous>, transform_indices = @transform_6, window_bounds = array<i64: 1, 32>}, {pipeline_mode = #tpu.pipeline_mode<synchronous>, transform_indices = @transform_7, window_bounds = array<i64: 32, 1>}, {transform_indices = @transform_8, window_bounds = array<i64: 2048, 32>}, {transform_indices = @transform_9, window_bounds = array<i64: 2048>}]} {
    %get3A = arith.constant 0 : index
    %get3A_0 = arith.constant 0 : index
    %get3A_1 = arith.constant 0 : index
    %get3A_2 = vector.load %arg1[%get3A, %get3A_0, %get3A_1] : memref<2x2048x32xf32, #tpu.memory_space<vmem>>, vector<1x2048x32xf32>
    %get3A_3 = vector.shape_cast %get3A_2 : vector<1x2048x32xf32> to vector<2048x32xf32>
    %get3A_4 = arith.constant 1 : index
    %get3A_5 = arith.constant 0 : index
    %get3A_6 = arith.constant 0 : index
    %get3A_7 = vector.load %arg1[%get3A_4, %get3A_5, %get3A_6] : memref<2x2048x32xf32, #tpu.memory_space<vmem>>, vector<1x2048x32xf32>
    %get3A_8 = vector.shape_cast %get3A_7 : vector<1x2048x32xf32> to vector<2048x32xf32>
    %add3A = arith.addf %get3A_3, %get3A_8 : vector<2048x32xf32>
    %get3A_9 = arith.constant 0 : index
    %get3A_10 = arith.constant 0 : index
    %get3A_11 = vector.load %arg2[%get3A_9, %get3A_10] : memref<2048x1xf32, #tpu.memory_space<vmem>>, vector<2048x1xf32>
    %div3A = vector.broadcast %get3A_11 : vector<2048x1xf32> to vector<2048x32xf32>
    %div3A_12 = arith.divf %add3A, %div3A : vector<2048x32xf32>
    %get3A_13 = arith.constant 0 : index
    %get3A_14 = arith.constant 0 : index
    %get3A_15 = vector.load %arg5[%get3A_13, %get3A_14] : memref<1x32xf32, #tpu.memory_space<vmem>>, vector<1x32xf32>
    %add3A_16 = vector.broadcast %get3A_15 : vector<1x32xf32> to vector<2048x32xf32>
    %add3A_17 = arith.addf %div3A_12, %add3A_16 : vector<2048x32xf32>
    %get3A_18 = arith.constant 0 : index
    %get3A_19 = arith.constant 0 : index
    %get3A_20 = vector.load %arg3[%get3A_18, %get3A_19] : memref<2048x64xf32, #tpu.memory_space<vmem>>, vector<2048x64xf32>
    %get3A_21 = arith.constant 0 : index
    %get3A_22 = arith.constant 0 : index
    %get3A_23 = vector.load %arg4[%get3A_21, %get3A_22] : memref<64x32xf32, #tpu.memory_space<vmem>>, vector<64x32xf32>
    %dot_general3A = arith.constant dense<0.000000e+00> : vector<2048x32xf32>
    %dot_general3A_24 = tpu.matmul %get3A_20, %get3A_23, %dot_general3A {dimension_numbers = #tpu.dot_dimension_numbers<[1], [0], [0], [1], [0, 0, 1, 1], [], []>, transpose_lhs_hint = false} : vector<2048x64xf32>, vector<64x32xf32>, vector<2048x32xf32> -> vector<2048x32xf32>
    %add3A_25 = arith.addf %add3A_17, %dot_general3A_24 : vector<2048x32xf32>
    %reduce_sum3A = arith.constant dense<0.000000e+00> : vector<2048xf32>
    %reduce_sum3A_26 = vector.multi_reduction <add>, %add3A_25, %reduce_sum3A [1] : vector<2048x32xf32> to vector<2048xf32>
    %broadcast_in_dim3A = vector.shape_cast %reduce_sum3A_26 : vector<2048xf32> to vector<2048x1xf32>
    %div3A_27 = arith.constant 3.200000e+01 : f32
    %div3A_28 = vector.broadcast %div3A_27 : f32 to vector<2048x1xf32>
    %div3A_29 = arith.divf %broadcast_in_dim3A, %div3A_28 : vector<2048x1xf32>
    %sub3A = vector.broadcast %div3A_29 : vector<2048x1xf32> to vector<2048x32xf32>
    %sub3A_30 = arith.subf %add3A_25, %sub3A : vector<2048x32xf32>
    %integer_pow3A = arith.mulf %sub3A_30, %sub3A_30 : vector<2048x32xf32>
    %reduce_sum3A_31 = arith.constant dense<0.000000e+00> : vector<2048xf32>
    %reduce_sum3A_32 = vector.multi_reduction <add>, %integer_pow3A, %reduce_sum3A_31 [1] : vector<2048x32xf32> to vector<2048xf32>
    %broadcast_in_dim3A_33 = vector.shape_cast %reduce_sum3A_32 : vector<2048xf32> to vector<2048x1xf32>
    %div3A_34 = arith.constant 3.200000e+01 : f32
    %div3A_35 = vector.broadcast %div3A_34 : f32 to vector<2048x1xf32>
    %div3A_36 = arith.divf %broadcast_in_dim3A_33, %div3A_35 : vector<2048x1xf32>
    %sub3A_37 = vector.broadcast %div3A_29 : vector<2048x1xf32> to vector<2048x32xf32>
    %sub3A_38 = arith.subf %add3A_25, %sub3A_37 : vector<2048x32xf32>
    %add3A_39 = arith.constant 9.99999974E-6 : f32
    %add3A_40 = vector.broadcast %add3A_39 : f32 to vector<2048x1xf32>
    %add3A_41 = arith.addf %div3A_36, %add3A_40 : vector<2048x1xf32>
    %rsqrt3A = math.rsqrt %add3A_41 : vector<2048x1xf32>
    %mul3A = vector.broadcast %rsqrt3A : vector<2048x1xf32> to vector<2048x32xf32>
    %mul3A_42 = arith.mulf %sub3A_38, %mul3A : vector<2048x32xf32>
    %get3A_43 = arith.constant 0 : index
    %get3A_44 = arith.constant 0 : index
    %get3A_45 = vector.load %arg6[%get3A_43, %get3A_44] : memref<1x32xf32, #tpu.memory_space<vmem>>, vector<1x32xf32>
    %mul3A_46 = vector.broadcast %get3A_45 : vector<1x32xf32> to vector<2048x32xf32>
    %mul3A_47 = arith.mulf %mul3A_42, %mul3A_46 : vector<2048x32xf32>
    %get3A_48 = arith.constant 0 : index
    %get3A_49 = arith.constant 0 : index
    %get3A_50 = vector.load %arg7[%get3A_48, %get3A_49] : memref<1x32xf32, #tpu.memory_space<vmem>>, vector<1x32xf32>
    %add3A_51 = vector.broadcast %get3A_50 : vector<1x32xf32> to vector<2048x32xf32>
    %add3A_52 = arith.addf %mul3A_47, %add3A_51 : vector<2048x32xf32>
    %mul3A_53 = arith.constant 5.000000e-01 : f32
    %mul3A_54 = vector.broadcast %mul3A_53 : f32 to vector<2048x32xf32>
    %mul3A_55 = arith.mulf %add3A_52, %mul3A_54 : vector<2048x32xf32>
    %mul3A_56 = arith.constant 0.707106769 : f32
    %mul3A_57 = vector.broadcast %mul3A_56 : f32 to vector<2048x32xf32>
    %mul3A_58 = arith.mulf %add3A_52, %mul3A_57 : vector<2048x32xf32>
    %erf3A = math.erf %mul3A_58 : vector<2048x32xf32>
    %add3A_59 = arith.constant 1.000000e+00 : f32
    %add3A_60 = vector.broadcast %add3A_59 : f32 to vector<2048x32xf32>
    %add3A_61 = arith.addf %add3A_60, %erf3A : vector<2048x32xf32>
    %mul3A_62 = arith.mulf %mul3A_55, %add3A_61 : vector<2048x32xf32>
    %swap3A = arith.constant 0 : index
    %swap3A_63 = arith.constant 0 : index
    %swap3A_64 = vector.load %arg9[%swap3A, %swap3A_63] : memref<2048x32xf32, #tpu.memory_space<vmem>>, vector<2048x32xf32>
    tpu.vector_store %arg9[%swap3A, %swap3A_63], %mul3A_62 {strides = array<i32>} : memref<2048x32xf32, #tpu.memory_space<vmem>>, vector<2048x32xf32>,
    %get3A_65 = arith.constant 0 : index
    %get3A_66 = arith.constant 0 : index
    %get3A_67 = vector.load %arg8[%get3A_65, %get3A_66] : memref<32x1xf32, #tpu.memory_space<vmem>>, vector<32x1xf32>
    %dot_general3A_68 = arith.constant dense<0.000000e+00> : vector<2048x1xf32>
    %dot_general3A_69 = tpu.matmul %mul3A_62, %get3A_67, %dot_general3A_68 {dimension_numbers = #tpu.dot_dimension_numbers<[1], [0], [0], [1], [0, 0, 1, 1], [], []>, transpose_lhs_hint = false} : vector<2048x32xf32>, vector<32x1xf32>, vector<2048x1xf32> -> vector<2048x1xf32>
    %squeeze3A = vector.shape_cast %dot_general3A_69 : vector<2048x1xf32> to vector<2048xf32>
    %swap3A_70 = arith.constant 0 : index
    %swap3A_71 = vector.load %arg10[%swap3A_70] : memref<2048xf32, #tpu.memory_space<vmem>>, vector<2048xf32>
    tpu.vector_store %arg10[%swap3A_70], %squeeze3A {strides = array<i32>} : memref<2048xf32, #tpu.memory_space<vmem>>, vector<2048xf32>,
    return
  }
  func.func @transform_0(%arg0: i32) -> (i32, i32, i32) {
    %c0_i32 = arith.constant 0 : i32
    %c0_i32_0 = arith.constant 0 : i32
    %c0_i32_1 = arith.constant 0 : i32
    return %c0_i32, %arg0, %c0_i32_0 : i32, i32, i32
  }
  func.func @transform_1(%arg0: i32) -> (i32, i32) {
    %c0_i32 = arith.constant 0 : i32
    %c0_i32_0 = arith.constant 0 : i32
    return %arg0, %c0_i32 : i32, i32
  }
  func.func @transform_2(%arg0: i32) -> (i32, i32) {
    %c0_i32 = arith.constant 0 : i32
    %c0_i32_0 = arith.constant 0 : i32
    return %arg0, %c0_i32 : i32, i32
  }
  func.func @transform_3(%arg0: i32) -> (i32, i32) {
    %c0_i32 = arith.constant 0 : i32
    %c0_i32_0 = arith.constant 0 : i32
    %c0_i32_1 = arith.constant 0 : i32
    return %c0_i32, %c0_i32_0 : i32, i32
  }
  func.func @transform_4(%arg0: i32) -> (i32, i32) {
    %c0_i32 = arith.constant 0 : i32
    %c0_i32_0 = arith.constant 0 : i32
    %c0_i32_1 = arith.constant 0 : i32
    return %c0_i32, %c0_i32_0 : i32, i32
  }
  func.func @transform_5(%arg0: i32) -> (i32, i32) {
    %c0_i32 = arith.constant 0 : i32
    %c0_i32_0 = arith.constant 0 : i32
    %c0_i32_1 = arith.constant 0 : i32
    return %c0_i32, %c0_i32_0 : i32, i32
  }
  func.func @transform_6(%arg0: i32) -> (i32, i32) {
    %c0_i32 = arith.constant 0 : i32
    %c0_i32_0 = arith.constant 0 : i32
    %c0_i32_1 = arith.constant 0 : i32
    return %c0_i32, %c0_i32_0 : i32, i32
  }
  func.func @transform_7(%arg0: i32) -> (i32, i32) {
    %c0_i32 = arith.constant 0 : i32
    %c0_i32_0 = arith.constant 0 : i32
    %c0_i32_1 = arith.constant 0 : i32
    return %c0_i32, %c0_i32_0 : i32, i32
  }
  func.func @transform_8(%arg0: i32) -> (i32, i32) {
    %c0_i32 = arith.constant 0 : i32
    %c0_i32_0 = arith.constant 0 : i32
    return %arg0, %c0_i32 : i32, i32
  }
  func.func @transform_9(%arg0: i32) -> i32 {
    %c0_i32 = arith.constant 0 : i32
    return %arg0 : i32
  }
}

module attributes {stable_mosaic.version = 14 : i64} {
  func.func @_final_body(%arg0: i32, %arg1: memref<32x2048xf32, #tpu.memory_space<vmem>>, %arg2: memref<2048x1xf32, #tpu.memory_space<vmem>>, %arg3: memref<2048x32xf32, #tpu.memory_space<vmem>>, %arg4: memref<32x1xf32, #tpu.memory_space<vmem>>, %arg5: memref<1x1xf32, #tpu.memory_space<vmem>>, %arg6: memref<2048xf32, #tpu.memory_space<vmem>>) attributes {dimension_semantics = [#tpu.dimension_semantics<arbitrary>], iteration_bounds = array<i64: 5>, scalar_prefetch = 0 : i64, scratch_operands = 0 : i64, tpu.core_type = #tpu.core_type<tc>, window_params = [{transform_indices = @transform_0, window_bounds = array<i64: 32, 2048>}, {transform_indices = @transform_1, window_bounds = array<i64: 2048, 1>}, {transform_indices = @transform_2, window_bounds = array<i64: 2048, 32>}, {pipeline_mode = #tpu.pipeline_mode<synchronous>, transform_indices = @transform_3, window_bounds = array<i64: 32, 1>}, {pipeline_mode = #tpu.pipeline_mode<synchronous>, transform_indices = @transform_4, window_bounds = array<i64: 1, 1>}, {transform_indices = @transform_5, window_bounds = array<i64: 2048>}]} {
    %get3A = arith.constant 0 : index
    %get3A_0 = arith.constant 0 : index
    %get3A_1 = vector.load %arg1[%get3A, %get3A_0] : memref<32x2048xf32, #tpu.memory_space<vmem>>, vector<32x2048xf32>
    %reduce_sum3A = arith.constant dense<0.000000e+00> : vector<2048xf32>
    %reduce_sum3A_2 = vector.multi_reduction <add>, %get3A_1, %reduce_sum3A [0] : vector<32x2048xf32> to vector<2048xf32>
    %get3A_3 = arith.constant 0 : index
    %get3A_4 = arith.constant 0 : index
    %get3A_5 = vector.load %arg2[%get3A_3, %get3A_4] : memref<2048x1xf32, #tpu.memory_space<vmem>>, vector<2048x1xf32>
    %squeeze3A = vector.shape_cast %get3A_5 : vector<2048x1xf32> to vector<2048xf32>
    %div3A = arith.divf %reduce_sum3A_2, %squeeze3A : vector<2048xf32>
    %get3A_6 = arith.constant 0 : index
    %get3A_7 = arith.constant 0 : index
    %get3A_8 = vector.load %arg5[%get3A_6, %get3A_7] : memref<1x1xf32, #tpu.memory_space<vmem>>, vector<1x1xf32>
    %get3A_9 = vector.extract %get3A_8[0, 0] : f32 from vector<1x1xf32>
    %add3A = vector.broadcast %get3A_9 : f32 to vector<2048xf32>
    %add3A_10 = arith.addf %div3A, %add3A : vector<2048xf32>
    %get3A_11 = arith.constant 0 : index
    %get3A_12 = arith.constant 0 : index
    %get3A_13 = vector.load %arg3[%get3A_11, %get3A_12] : memref<2048x32xf32, #tpu.memory_space<vmem>>, vector<2048x32xf32>
    %get3A_14 = arith.constant 0 : index
    %get3A_15 = arith.constant 0 : index
    %get3A_16 = vector.load %arg4[%get3A_14, %get3A_15] : memref<32x1xf32, #tpu.memory_space<vmem>>, vector<32x1xf32>
    %dot_general3A = arith.constant dense<0.000000e+00> : vector<2048x1xf32>
    %dot_general3A_17 = tpu.matmul %get3A_13, %get3A_16, %dot_general3A {dimension_numbers = #tpu.dot_dimension_numbers<[1], [0], [0], [1], [0, 0, 1, 1], [], []>, transpose_lhs_hint = false} : vector<2048x32xf32>, vector<32x1xf32>, vector<2048x1xf32> -> vector<2048x1xf32>
    %squeeze3A_18 = vector.shape_cast %dot_general3A_17 : vector<2048x1xf32> to vector<2048xf32>
    %add3A_19 = arith.addf %add3A_10, %squeeze3A_18 : vector<2048xf32>
    %swap3A = arith.constant 0 : index
    %swap3A_20 = vector.load %arg6[%swap3A] : memref<2048xf32, #tpu.memory_space<vmem>>, vector<2048xf32>
    tpu.vector_store %arg6[%swap3A], %add3A_19 {strides = array<i32>} : memref<2048xf32, #tpu.memory_space<vmem>>, vector<2048xf32>,
    return
  }
  func.func @transform_0(%arg0: i32) -> (i32, i32) {
    %c0_i32 = arith.constant 0 : i32
    %c0_i32_0 = arith.constant 0 : i32
    return %c0_i32, %arg0 : i32, i32
  }
  func.func @transform_1(%arg0: i32) -> (i32, i32) {
    %c0_i32 = arith.constant 0 : i32
    %c0_i32_0 = arith.constant 0 : i32
    return %arg0, %c0_i32 : i32, i32
  }
  func.func @transform_2(%arg0: i32) -> (i32, i32) {
    %c0_i32 = arith.constant 0 : i32
    %c0_i32_0 = arith.constant 0 : i32
    return %arg0, %c0_i32 : i32, i32
  }
  func.func @transform_3(%arg0: i32) -> (i32, i32) {
    %c0_i32 = arith.constant 0 : i32
    %c0_i32_0 = arith.constant 0 : i32
    %c0_i32_1 = arith.constant 0 : i32
    return %c0_i32, %c0_i32_0 : i32, i32
  }
  func.func @transform_4(%arg0: i32) -> (i32, i32) {
    %c0_i32 = arith.constant 0 : i32
    %c0_i32_0 = arith.constant 0 : i32
    %c0_i32_1 = arith.constant 0 : i32
    return %c0_i32, %c0_i32_0 : i32, i32
  }
  func.func @transform_5(%arg0: i32) -> i32 {
    %c0_i32 = arith.constant 0 : i32
    return %arg0 : i32
  }
}

</mosaic_0001>

<sc_bundles>
// kernel: kernel.10.cloned.1.call-start
scs
__scs_entry_jumppad:
0x0: {  	(pc) =	sbr.rel $0x88, $3  }
0x1: {  	(tag) =	ssettag $0x0;
	lr =	simm.s32 $0x1  }
0x2: {  	[smem:$0x3F92] =	sst lr;
	_ =	strace $0xD0000000  }
0x3: {  	_ = 	snop  }
0x4: {  	_ = 	snop  }
0x5: {  	_ = 	snop  }
0x6: {  	_ = 	snop  }
0x7: {  	_ = 	snop  }
__scs_overlays_trampoline_lowered:
0x8: {  	[smem:$0x3FA1] =	sst s0  }
0x9: {  	[smem:$0x3FA2] =	sst s1  }
0xa: {  	[smem:$0x3FA3] =	sst s2  }
0xb: {  	[smem:$0x3FA4] =	sst s3  }
0xc: {  	[smem:$0x3FA5] =	sst s4  }
0xd: {  	[smem:$0x3FA6] =	sst s5  }
0xe: {  	[smem:$0x3FA7] =	sst s6  }
0xf: {  	[smem:$0x3FA8] =	sst s7  }
0x10: {  	[smem:$0x3FA9] =	sst s8  }
0x11: {  	[smem:$0x3FAA] =	sst s9;
	s0 =	simm.s32 @!p0 $0x0  }
0x12: {  	s1 =	sld [smem:$0x3F90];
	s0 =	simm.s32 @p0 $0x1  }
0x13: {  	[smem:$0x3FAB] =	sst s0;
	s0 =	simm.s32 @!p1 $0x0  }
0x14: {  	s2 =	sld [smem:$0x3F8F];
	s0 =	simm.s32 @p1 $0x1  }
0x15: {  	[smem:$0x3FAC] =	sst s0;
	s0 =	simm.s32 @!p2 $0x0  }
0x16: {  	s3 =	sld [smem:$0x3FDB];
	s0 =	simm.s32 @p2 $0x1  }
0x17: {  	s4 =	simm.s32 $0x1BF5;
	[smem:$0x3FAE] =	sst s0  }
0x18: {  	s0 =	sld [smem:$0x3F91];
	_ =	swait.ge [sflag:s4], $0x0  }
0x19: {  	s7 =	sld [smem:$0x3F92]  }
0x1a: {  	s8 =	sadd.s32 $0xFFFFE003, lr  }
0x1b: {  	s9 =	sadd.s32 $0xFFFFFEF7, lr;
	s5 =	simm.s32 $0xFFFFFFFF;
	p2 =	slt.u32 s8, $0xFFFFF086  }
0x1c: {  	p1 =	slt.u32 s9, $0xF7A;
	s5 =	simm.s32 @!p2 $0x0  }
0x1d: {  	s5 =	simm.s32 @p1 $0x1;
	p0 =	seq.s32 s7, s2  }
0x1e: {  	s7 =	smul.u32 @!p0 $0xF7A, s2;
	p2 =	seq.s32 @!p0 s5, $0x0  }
0x1f: {  	s9 =	smul.u32 $0xF7A, s1;
	s8 =	simm.s32 @!p0 $0x1BF5;
	p2 =	por !p2, p0  }
0x20: {  	[sflag:s8] =	ssyncset.s32 @!p0 $0xFFFFF086;
	s6 =	sadd.s32 @!p0 s3, s7;
	s7 =	simm.s32 @!p0 $0x108  }
0x21: {  	s3 =	sadd.s32 s3, s9;
	s6 =	sadd.s32 @!p0 $0x88, s6;
	s7 =	simm.s32 @p2 $0x1082  }
0x22: {  	[simem:s7], [sflag:s8] =	dma.local @!p0 [hbm:s6], $0xF7A  }
0x23: {  	s9 =	sor.u32 $0xD0000000, s2;
	s6 =	simm.s32 $0x108;
	_ =	swait.ge @!p0 [sflag:s8], $0x0  }
0x24: {  	s3 =	sadd.s32 $0x88, s3;
	s6 =	simm.s32 @!p1 $0x1082;
	[sflag:s4] =	ssyncset.s32 $0xFFFFF086  }
0x25: {  	[simem:s6], [sflag:s4] =	dma.local [hbm:s3], $0xF7A  }
0x26: {  	[smem:$0x3F92] =	sst s1;
	(tag) =	ssettag s2;
	_ =	strace s9  }
0x27: {  	s1 =	sld [smem:$0x3FA2]  }
0x28: {  	s2 =	sld [smem:$0x3FA3]  }
0x29: {  	s4 =	sld [smem:$0x3FA5]  }
0x2a: {  	p0 =	seq.s32 s5, $0x0;
	s5 =	sld [smem:$0x3FA6]  }
0x2b: {  	s6 =	sld [smem:$0x3FA7]  }
0x2c: {  	s7 =	sld [smem:$0x3FA8]  }
0x2d: {  	s3 =	simm.s32 $0x108;
	s8 =	sld [smem:$0x3FA9]  }
0x2e: {  	s3 =	simm.s32 @!p0 $0x1082;
	s9 =	sld [smem:$0x3FAA]  }
0x2f: {  	lr =	sadd.s32 s0, s3;
	s0 =	sld [smem:$0x3FA1]  }
0x30: {  	s3 =	sld [smem:$0x3FA4]  }
0x31: {  	[smem:$0x3FAD] =	sst s10  }
0x32: {  	s10 =	sld [smem:$0x3FAB];
	_ =	sdelay $0x3  }
0x33: {  	p0 =	seq.s32 s10, $0x1;
	s10 =	sld [smem:$0x3FAD];
	_ =	sdelay $0x3  }
0x34: {  	[smem:$0x3FAD] =	sst s10  }
0x35: {  	s10 =	sld [smem:$0x3FAC];
	_ =	sdelay $0x3  }
0x36: {  	p1 =	seq.s32 s10, $0x1;
	s10 =	sld [smem:$0x3FAD];
	_ =	sdelay $0x3  }
0x37: {  	[smem:$0x3FAD] =	sst s10  }
0x38: {  	s10 =	sld [smem:$0x3FAE]  }
0x39: {  	_ = 	snop;
	(pc) =	sbr.ind lr, $3  }
0x3a: {  	_ = 	snop  }
0x3b: {  	_ = 	snop  }
0x3c: {  	p2 =	seq.s32 s10, $0x1;
	s10 =	sld [smem:$0x3FAD]  }
0x3d: {  	_ =	shalt  }
0x3e: {  	_ =	shalt  }
0x3f: {  	_ =	shalt  }
0x40: {  	_ =	shalt  }
0x41: {  	_ =	shalt  }
0x42: {  	_ =	shalt  }
0x43: {  	_ =	shalt  }
0x44: {  	_ =	shalt  }
0x45: {  	_ =	shalt  }
0x46: {  	_ =	shalt  }
0x47: {  	_ =	shalt  }
0x48: {  	_ =	shalt  }
0x49: {  	_ =	shalt  }
0x4a: {  	_ =	shalt  }
0x4b: {  	_ =	shalt  }
0x4c: {  	_ =	shalt  }
0x4d: {  	_ =	shalt  }
0x4e: {  	_ =	shalt  }
0x4f: {  	_ =	shalt  }
0x50: {  	_ =	shalt  }
0x51: {  	_ =	shalt  }
0x52: {  	_ =	shalt  }
0x53: {  	_ =	shalt  }
0x54: {  	_ =	shalt  }
0x55: {  	_ =	shalt  }
0x56: {  	_ =	shalt  }
0x57: {  	_ =	shalt  }
0x58: {  	_ =	shalt  }
0x59: {  	_ =	shalt  }
0x5a: {  	_ =	shalt  }
0x5b: {  	_ =	shalt  }
0x5c: {  	_ =	shalt  }
0x5d: {  	_ =	shalt  }
0x5e: {  	_ =	shalt  }
0x5f: {  	_ =	shalt  }
0x60: {  	_ =	shalt  }
0x61: {  	_ =	shalt  }
0x62: {  	_ =	shalt  }
0x63: {  	_ =	shalt  }
0x64: {  	_ =	shalt  }
0x65: {  	_ =	shalt  }
0x66: {  	_ =	shalt  }
0x67: {  	_ =	shalt  }
0x68: {  	_ =	shalt  }
0x69: {  	_ =	shalt  }
0x6a: {  	_ =	shalt  }
0x6b: {  	_ =	shalt  }
0x6c: {  	_ =	shalt  }
0x6d: {  	_ =	shalt  }
0x6e: {  	_ =	shalt  }
0x6f: {  	_ =	shalt  }
0x70: {  	_ =	shalt  }
0x71: {  	_ =	shalt  }
0x72: {  	_ =	shalt  }
0x73: {  	_ =	shalt  }
0x74: {  	_ =	shalt  }
0x75: {  	_ =	shalt  }
0x76: {  	_ =	shalt  }
0x77: {  	_ =	shalt  }
0x78: {  	_ =	shalt  }
0x79: {  	_ =	shalt  }
0x7a: {  	_ =	shalt  }
0x7b: {  	_ =	shalt  }
0x7c: {  	_ =	shalt  }
0x7d: {  	_ =	shalt  }
0x7e: {  	_ =	shalt  }
0x7f: {  	_ =	shalt  }
0x80: {  	_ =	shalt  }
0x81: {  	_ =	shalt  }
0x82: {  	_ =	shalt  }
0x83: {  	_ =	shalt  }
0x84: {  	_ =	shalt  }
0x85: {  	_ =	shalt  }
0x86: {  	_ =	shalt  }
0x87: {  	_ =	shalt  }
.Lfunc_end0:
.L_simem_size_0:
called_computation_lowered:
.L_overlay_start_0:
0x88: {  	s2 =	sld [smem:$0x3FD9]  }
0x89: {  	s3 =	sld [smem:$0x3FFE];
	_ =	sdelay $0x1  }
0x8a: {  	s1 =	srdreg.scid  }
0x8b: {  	s0 =	sand.u32 $0x1, s1  }
0x8c: {  	s17 =	sshll.u32 s0, $0xA;
	s2 =	sadd.s32 s3, s2  }
0x8d: {  	s2 =	sadd.s32 s2, s17  }
0x8e: {  	[smem:$0x3FB9] =	sst s2  }
0x8f: {  	_ = 	snop  }
0x90: {  	s18 =	sld [smem:$0x3FD0];
	(tm) =	ssettm $0x1  }
0x91: {  	s19 =	sld [smem:$0x3FFB];
	_ =	sdelay $0x3  }
0x92: {  	_ =	strace s19  }
0x93: {  	s2 =	sld [smem:$0x3FFC];
	_ =	sdelay $0x3  }
0x94: {  	_ =	strace s2  }
0x95: {  	s2 =	sld [smem:$0x3FFD];
	_ =	sdelay $0x3  }
0x96: {  	_ =	strace s2  }
0x97: {  	_ =	strace $0x8FFFFFFF  }
0x98: {  	s20 =	sld [smem:$0x3FDB];
	_ =	sdelay $0x1  }
0x99: {  	s4 =	simm.s32 $_scs_section_size  }
0x9a: {  	s5 =	simm.s32 $_size__tile_overlayer_lowered;
	s6 =	simm.s32 $_tile_overlayer_lowered  }
0x9b: {  	s7 =	simm.s32 $0x1BFF;
	s21 =	sshll.u32 s6, $0x1;
	s4 =	sadd.s32 s4, s20  }
0x9c: {  	s22 =	simm.s32 $0x0;
	s5 =	sshll.u32 s5, $0x1;
	s6 =	sadd.s32 s21, s4  }
0x9d: {  	[timem:s22], [sflag:s7] =	dma.local [hbm:s6], s5  }
0x9e: {  	_ =	swait.ge [sflag:s7], s5  }
0x9f: {  	s5 =	ssub.s32 $0x0, s5;
	[sflag:s7] =	ssyncset.done $0x0  }
0xa0: {  	[sflag:s7] =	ssyncadd.s32 s5;
	_ =	sdelay $0x1  }
0xa1: {  	s23 =	simm.s32 $0x1B8B  }
0xa2: {  	_ =	swait.ge [sflag:s23], $0x1  }
0xa3: {  	[sflag:s23] =	ssyncset.done $0x0  }
0xa4: {  	[sflag:s23] =	ssyncadd.s32 $0xFFFFFFFF  }
0xa5: {  	s5 =	sld [smem:$0x0]  }
0xa6: {  	s6 =	sand.u32 $0xFFFFFFFE, s1  }
0xa7: {  	p0 =	sne.s32 s1, s6  }
0xa8: {  	s6 =	sshll.u32 @p0 s6, $0xE  }
0xa9: {  	s6 =	sadd.s32 @p0 $0x11B8D, s6;
	s7 =	sshll.u32 @p0 s5, $0x11  }
0xaa: {  	s6 =	sor.u32 @p0 s7, s6  }
0xab: {  	[sflag:s6] =	ssyncadd.remote.s32 @p0 $0x1;
	_ =	sdelay $0x1  }
0xac: {  	s6 =	simm.s32 @p0 $0x1B8D  }
0xad: {  	_ =	swait.eq @p0 [sflag:s6], $0x1  }
0xae: {  	[sflag:s6] =	ssyncadd.s32 @p0 $0xFFFFFFFF  }
0xaf: {  	s7 =	sshll.u32 @!p0 s1, $0xE  }
0xb0: {  	s7 =	sor.u32 @!p0 $0x4000, s7;
	s6 =	simm.s32 @!p0 $0x1B8D  }
0xb1: {  	s5 =	sshll.u32 @!p0 s5, $0x11;
	s7 =	sadd.s32 @!p0 $0x11B8D, s7;
	_ =	swait.eq @!p0 [sflag:s6], $0x1  }
0xb2: {  	s5 =	sor.u32 @!p0 s5, s7;
	[sflag:s6] =	ssyncadd.s32 @!p0 $0xFFFFFFFF  }
0xb3: {  	s25 =	simm.s32 $0x1B8E;
	s24 =	sld [smem:$0x3FFE];
	[sflag:s5] =	ssyncadd.remote.s32 @!p0 $0x1  }
0xb4: {  	s26 =	simm.s32 $execute0_lowered;
	[smem:$0x3FD2] =	sst s25  }
0xb5: {  	s6 =	sshll.u32 s26, $0x1;
	_ =	strace $0x80000049;
	[dreg:$0x1] =	wrdreg $0xFFFFFFFF  }
0xb6: {  	s28 =	simm.s32 $_size_execute0_lowered;
	s4 =	sadd.s32 s4, s6;
	[dreg:$0x0] =	wrdreg $0x0  }
0xb7: {  	s6 =	sshll.u32 s28, $0x1;
	[dreg:$0x2] =	wrdreg s4  }
0xb8: {  	[dreg:$0x3] =	wrdreg s6  }
0xb9: {  	[dreg:$0x4] =	wrdreg $0xC0  }
0xba: {  	_ =	task [dreg:s22], $0x5FFFF  }
0xbb: {  	[dreg:$0x1] =	wrdreg $0xFFFFFFFF  }
0xbc: {  	[dreg:$0x0] =	wrdreg $0x60  }
0xbd: {  	[dreg:$0x2] =	wrdreg s24  }
0xbe: {  	[dreg:$0x3] =	wrdreg s18  }
0xbf: {  	[dreg:$0x4] =	wrdreg $0x9  }
0xc0: {  	_ =	task.clear_ibuf [dreg:s22], $0x5FFFF;
	_ =	strace $0x90000049  }
0xc1: {  	s29 =	simm.s32 $0x9;
	_ =	strace $0x8000004B  }
0xc2: {  	_ =	swait.ge [sflag:s29], $0x1  }
0xc3: {  	[sflag:s29] =	ssyncadd.s32 $0xFFFFFFFF  }
0xc4: {  	_ =	strace $0x9000004B  }
0xc5: {  	_ =	sfence  }
0xc6: {  	s30 =	sld [smem:$0x0];
	_ =	sdelay $0x2  }
0xc7: {  	s31 =	sshll.u32 s1, $0xD;
	s1 =	sshrl.u32 s1, $0x2  }
0xc8: {  	s4 =	sand.u32 $0x4000, s31;
	s1 =	sadd.s32 s1, s30  }
0xc9: {  	s0 =	sor.u32 s4, s0;
	s1 =	sshll.u32 s1, $0x11  }
0xca: {  	s0 =	sor.u32 s1, s0  }
0xcb: {  	s0 =	sadd.s32 $0x8F2B, s0  }
0xcc: {  	[sflag:s0] =	ssyncadd.remote.s32 $0x1  }
0xcd: {  	_ =	sfence.sel $0xFFFF  }
0xce: {  	[dreg:$0x0] =	wrdreg $0xFFFFFFFF;
	(pc) =	sbr.abs _section_cstart, $3  }
0xcf: {  	[dreg:$0x1] =	wrdreg $0xFFFFFFFF  }
0xd0: {  	_ =	task.clear_ibuf [dreg:s22], $0x2FFFF;
	_ =	strace $0x9FFFFFFF  }
0xd1: {  	(tm) =	ssettm $0x7FFFFFFF  }
tec
execute0_lowered:
.L_overlay_start_1:
0x0: {  	(tag) =	ssettag $0x1  }
0x1: {  	s4 =	rddreg [dreg:$0x0]  }
0x2: {  	s2 =	rddreg [dreg:$0x1]  }
0x3: {  	s0 =	rddreg [dreg:$0x2]  }
0x4: {  	s5 =	srdreg.scid;
	s1 =	stileid.u32  }
0x5: {  	s3 =	simm.s32 $0x0;
	s5 =	sand.u32 $0x1, s5;
	s6 =	sshll.u32 s1, $0x1  }
0x6: {  	[smem:$0x7FF] =	sst s3;
	s6 =	sor.u32 s5, s6  }
0x7: {  	s7 =	sadd.s32 $0x2600, s4;
	p0 =	sgt.u32 s1, $0x1;
	s8 =	smul.u32 $0x500, s6  }
0x8: {  	s5 =	ssub.s32 $0x2, s5;
	s9 =	smul.u32 $0x4E0, s6;
	s6 =	sshll.u32 s6, $0x4  }
0x9: {  	_ =	strace $0x8000004A;
	s31 =	sshrl.u32 s5, $0x1;
	s6 =	sadd.s32 s6, s7  }
0xa: {  	s10 =	ssub.s32 s5, s31;
	s8 =	sadd.s32 s8, s4;
	s4 =	sadd.s32 s7, s9  }
0xb: {  	s5 =	sadd.s32 $0x9C00, s6;
	s7 =	smax.u32 s10, $0x1;
	s9 =	simm.s32 $0x2800  }
0xc: {  	v0 =	vimm.f32 $1.000000000e+00;
	s10 =	simm.s32 $0x0;
	s6 =	sadd.s32 $0x66200, s8;
	s8 =	simm.s32 $0x1  }
.LBB2_1:
0xd: {  	[tilespmem:s3], [sflag:$0x1] =	stream.linear.gather [hbm4b:s2+s3], $0x2800, $0x38;
	[tilespmem:$0x4F80] =	vst v63  }
0xe: {  	_ =	swait.ge [sflag:s8], $0x2800  }
0xf: {  	[sflag:s8] =	ssyncset.done $0x0  }
0x10: {  	[sflag:s8] =	ssyncadd.s32 $0xFFFFD800  }
0x11: {  	[tilespmem:s9], [sflag:$0x1] =	stream.linear.gather [hbm4b:s4+s3], $0x2700, $0x38;
	[tilespmem:$0x4F80] =	vst v63  }
0x12: {  	_ =	swait.ge [sflag:s8], $0x2700  }
0x13: {  	[sflag:s8] =	ssyncset.done $0x0  }
0x14: {  	s11 =	simm.s32 @!p0 $0x0;
	s12 =	simm.s32 @!p0 $0x4F00;
	[sflag:s8] =	ssyncadd.s32 $0xFFFFD900  }
0x15: {  	[tilespmem:s12], [sflag:$0x1] =	stream.linear.gather @!p0 [hbm4b:s5+s11], $0x80, $0x38;
	[tilespmem:$0x4F80] =	vst v63  }
0x16: {  	s11 =	simm.s32 @!p0 $0x1  }
0x17: {  	_ =	swait.ge @!p0 [sflag:s11], $0x80  }
0x18: {  	[sflag:s11] =	ssyncset.done @!p0 $0x0  }
0x19: {  	s12 =	simm.s32 $0x0;
	[sflag:s11] =	ssyncadd.s32 @!p0 $0xFFFFFF80;
	s11 =	simm.s32 $0x40  }
.LBB2_2:
0x1a: {  	p1 =	sne.s32 s11, $0x9BC0;
	v1 =	vld [tilespmem:s12+$0x2800];
	_ =	sdelay $0x3  }
.Ltmp0:
0x1b: {  	(pc) =	sbr.rel @p1 .LBB2_2-.Ltmp0, $2  }
0x1c: {  	_ =	sdelay $0x2  }
0x1d: {  	s12 =	sshra.s32 s11, $0x2;
	s11 =	sadd.s32 $0x40, s11;
	[tilespmem:v1+s3+$0x0] =	vst.idx.add.f32.msk $0xffff, v0  }
0x1e: {  	v1 =	vld [tilespmem:s12+$0x2800];
	_ =	sdelay $0x7  }
0x1f: {  	[tilespmem:v1+s3+$0x0] =	vst.idx.add.f32.msk $0xffff, v0  }
0x20: {  	v1 =	vld @!p0 [tilespmem:$0x4F00];
	_ =	sdelay $0x6  }
0x21: {  	v2 =	vimm.f32 @!p0 $1.000000000e+00;
	s11 =	simm.s32 @!p0 $0x0  }
0x22: {  	[tilespmem:v1+s11+$0x0] =	vst.idx.add.f32.msk @!p0 $0xffff, v2  }
0x23: {  	v1 =	vld @!p0 [tilespmem:$0x4F10];
	_ =	sdelay $0x7  }
0x24: {  	[tilespmem:v1+s11+$0x0] =	vst.idx.add.f32.msk @!p0 $0xffff, v2  }
0x25: {  	v1 =	vld @!p0 [tilespmem:$0x4F20];
	_ =	sdelay $0x7  }
0x26: {  	[tilespmem:v1+s11+$0x0] =	vst.idx.add.f32.msk @!p0 $0xffff, v2  }
0x27: {  	v1 =	vld @!p0 [tilespmem:$0x4F30];
	_ =	sdelay $0x7  }
0x28: {  	[tilespmem:v1+s11+$0x0] =	vst.idx.add.f32.msk @!p0 $0xffff, v2  }
0x29: {  	v1 =	vld @!p0 [tilespmem:$0x4F40];
	_ =	sdelay $0x7  }
0x2a: {  	[tilespmem:v1+s11+$0x0] =	vst.idx.add.f32.msk @!p0 $0xffff, v2  }
0x2b: {  	v1 =	vld @!p0 [tilespmem:$0x4F50];
	_ =	sdelay $0x7  }
0x2c: {  	[tilespmem:v1+s11+$0x0] =	vst.idx.add.f32.msk @!p0 $0xffff, v2  }
0x2d: {  	v1 =	vld @!p0 [tilespmem:$0x4F60];
	_ =	sdelay $0x7  }
0x2e: {  	[tilespmem:v1+s11+$0x0] =	vst.idx.add.f32.msk @!p0 $0xffff, v2  }
0x2f: {  	v1 =	vld @!p0 [tilespmem:$0x4F70];
	_ =	sdelay $0x5  }
0x30: {  	s10 =	sadd.s32 $0x1, s10  }
0x31: {  	p1 =	sne.s32 s10, s7  }
.Ltmp1:
0x32: {  	[tilespmem:v1+s11+$0x0] =	vst.idx.add.f32.msk @!p0 $0xffff, v2;
	(pc) =	sbr.rel @p1 .LBB2_1-.Ltmp1, $4  }
0x33: {  	[hbm4b:s6+s3] =	stream.linear.scatter [tilespmem:s3], [sflag:$0x1], $0x2800, $0x38;
	[tilespmem:$0x4F80] =	vst v63  }
0x34: {  	_ =	swait.ge [sflag:s8], $0x2800  }
0x35: {  	[sflag:s8] =	ssyncset.done $0x0  }
0x36: {  	[sflag:s8] =	ssyncadd.s32 $0xFFFFD800  }
0x37: {  	_ =	sfence.sel $0x180000  }
0x38: {  	[bflag:$0x0] =	sbarrier.arrive $0xFFFF  }
0x39: {  	p0 =	sne.s32 s1, $0x0;
	_ =	strace $0x9000004A  }
0x3a: {  	s0 =	sadd.s32 @!p0 $0x100000, s0;
	[bflag:$0x2] =	sbarrier.arrive $0xFFFF  }
0x3b: {  	[sflag:s0] =	ssyncadd.tile.s32 @!p0 $0x1;
	_ =	shalt  }
.Lfunc_end2:
_tile_overlayer_lowered:
.L_overlay_start_2:
0x3c: {  	(tag) =	ssettag $0x2  }
0x3d: {  	s0 =	rddreg [dreg:$0x0];
	s2 =	stileid.u32  }
0x3e: {  	s1 =	rddreg [dreg:$0x1];
	p0 =	sne.s32 s2, $0x0  }
0x3f: {  	s3 =	rddreg [dreg:$0x2];
	[bflag:$0x3] =	sbarrier.arrive $0xFFFF;
	s2 =	simm.s32 @!p0 $0x1C01  }
0x40: {  	[timem:s3], [sflag:s2] =	dma.local @!p0 [hbm:s0], s1  }
0x41: {  	s0 =	simm.s32 @!p0 $0x1  }
0x42: {  	_ =	swait.ge @!p0 [sflag:s0], s1  }
0x43: {  	s1 =	ssub.s32 @!p0 $0x0, s1;
	[sflag:s0] =	ssyncset.done @!p0 $0x0  }
0x44: {  	[sflag:s0] =	ssyncadd.s32 @!p0 s1  }
0x45: {  	[bflag:$0x3] =	sbarrier.arrive $0xFFFF  }
0x46: {  	_ =	shalt  }

// kernel: kernel.13.cloned.1.call-start
scs
__scs_entry_jumppad:
0x0: {  	(pc) =	sbr.rel $0x88, $3  }
0x1: {  	(tag) =	ssettag $0x0;
	lr =	simm.s32 $0x1  }
0x2: {  	[smem:$0x3F92] =	sst lr;
	_ =	strace $0xD0000000  }
0x3: {  	_ = 	snop  }
0x4: {  	_ = 	snop  }
0x5: {  	_ = 	snop  }
0x6: {  	_ = 	snop  }
0x7: {  	_ = 	snop  }
__scs_overlays_trampoline_lowered:
0x8: {  	[smem:$0x3FA1] =	sst s0  }
0x9: {  	[smem:$0x3FA2] =	sst s1  }
0xa: {  	[smem:$0x3FA3] =	sst s2  }
0xb: {  	[smem:$0x3FA4] =	sst s3  }
0xc: {  	[smem:$0x3FA5] =	sst s4  }
0xd: {  	[smem:$0x3FA6] =	sst s5  }
0xe: {  	[smem:$0x3FA7] =	sst s6  }
0xf: {  	[smem:$0x3FA8] =	sst s7  }
0x10: {  	[smem:$0x3FA9] =	sst s8  }
0x11: {  	[smem:$0x3FAA] =	sst s9;
	s0 =	simm.s32 @!p0 $0x0  }
0x12: {  	s1 =	sld [smem:$0x3F90];
	s0 =	simm.s32 @p0 $0x1  }
0x13: {  	[smem:$0x3FAB] =	sst s0;
	s0 =	simm.s32 @!p1 $0x0  }
0x14: {  	s2 =	sld [smem:$0x3F8F];
	s0 =	simm.s32 @p1 $0x1  }
0x15: {  	[smem:$0x3FAC] =	sst s0;
	s0 =	simm.s32 @!p2 $0x0  }
0x16: {  	s3 =	sld [smem:$0x3FDB];
	s0 =	simm.s32 @p2 $0x1  }
0x17: {  	s4 =	simm.s32 $0x1BF5;
	[smem:$0x3FAE] =	sst s0  }
0x18: {  	s0 =	sld [smem:$0x3F91];
	_ =	swait.ge [sflag:s4], $0x0  }
0x19: {  	s7 =	sld [smem:$0x3F92]  }
0x1a: {  	s8 =	sadd.s32 $0xFFFFE003, lr  }
0x1b: {  	s9 =	sadd.s32 $0xFFFFFEF7, lr;
	s5 =	simm.s32 $0xFFFFFFFF;
	p2 =	slt.u32 s8, $0xFFFFF086  }
0x1c: {  	p1 =	slt.u32 s9, $0xF7A;
	s5 =	simm.s32 @!p2 $0x0  }
0x1d: {  	s5 =	simm.s32 @p1 $0x1;
	p0 =	seq.s32 s7, s2  }
0x1e: {  	s7 =	smul.u32 @!p0 $0xF7A, s2;
	p2 =	seq.s32 @!p0 s5, $0x0  }
0x1f: {  	s9 =	smul.u32 $0xF7A, s1;
	s8 =	simm.s32 @!p0 $0x1BF5;
	p2 =	por !p2, p0  }
0x20: {  	[sflag:s8] =	ssyncset.s32 @!p0 $0xFFFFF086;
	s6 =	sadd.s32 @!p0 s3, s7;
	s7 =	simm.s32 @!p0 $0x108  }
0x21: {  	s3 =	sadd.s32 s3, s9;
	s6 =	sadd.s32 @!p0 $0x88, s6;
	s7 =	simm.s32 @p2 $0x1082  }
0x22: {  	[simem:s7], [sflag:s8] =	dma.local @!p0 [hbm:s6], $0xF7A  }
0x23: {  	s9 =	sor.u32 $0xD0000000, s2;
	s6 =	simm.s32 $0x108;
	_ =	swait.ge @!p0 [sflag:s8], $0x0  }
0x24: {  	s3 =	sadd.s32 $0x88, s3;
	s6 =	simm.s32 @!p1 $0x1082;
	[sflag:s4] =	ssyncset.s32 $0xFFFFF086  }
0x25: {  	[simem:s6], [sflag:s4] =	dma.local [hbm:s3], $0xF7A  }
0x26: {  	[smem:$0x3F92] =	sst s1;
	(tag) =	ssettag s2;
	_ =	strace s9  }
0x27: {  	s1 =	sld [smem:$0x3FA2]  }
0x28: {  	s2 =	sld [smem:$0x3FA3]  }
0x29: {  	s4 =	sld [smem:$0x3FA5]  }
0x2a: {  	p0 =	seq.s32 s5, $0x0;
	s5 =	sld [smem:$0x3FA6]  }
0x2b: {  	s6 =	sld [smem:$0x3FA7]  }
0x2c: {  	s7 =	sld [smem:$0x3FA8]  }
0x2d: {  	s3 =	simm.s32 $0x108;
	s8 =	sld [smem:$0x3FA9]  }
0x2e: {  	s3 =	simm.s32 @!p0 $0x1082;
	s9 =	sld [smem:$0x3FAA]  }
0x2f: {  	lr =	sadd.s32 s0, s3;
	s0 =	sld [smem:$0x3FA1]  }
0x30: {  	s3 =	sld [smem:$0x3FA4]  }
0x31: {  	[smem:$0x3FAD] =	sst s10  }
0x32: {  	s10 =	sld [smem:$0x3FAB];
	_ =	sdelay $0x3  }
0x33: {  	p0 =	seq.s32 s10, $0x1;
	s10 =	sld [smem:$0x3FAD];
	_ =	sdelay $0x3  }
0x34: {  	[smem:$0x3FAD] =	sst s10  }
0x35: {  	s10 =	sld [smem:$0x3FAC];
	_ =	sdelay $0x3  }
0x36: {  	p1 =	seq.s32 s10, $0x1;
	s10 =	sld [smem:$0x3FAD];
	_ =	sdelay $0x3  }
0x37: {  	[smem:$0x3FAD] =	sst s10  }
0x38: {  	s10 =	sld [smem:$0x3FAE]  }
0x39: {  	_ = 	snop;
	(pc) =	sbr.ind lr, $3  }
0x3a: {  	_ = 	snop  }
0x3b: {  	_ = 	snop  }
0x3c: {  	p2 =	seq.s32 s10, $0x1;
	s10 =	sld [smem:$0x3FAD]  }
0x3d: {  	_ =	shalt  }
0x3e: {  	_ =	shalt  }
0x3f: {  	_ =	shalt  }
0x40: {  	_ =	shalt  }
0x41: {  	_ =	shalt  }
0x42: {  	_ =	shalt  }
0x43: {  	_ =	shalt  }
0x44: {  	_ =	shalt  }
0x45: {  	_ =	shalt  }
0x46: {  	_ =	shalt  }
0x47: {  	_ =	shalt  }
0x48: {  	_ =	shalt  }
0x49: {  	_ =	shalt  }
0x4a: {  	_ =	shalt  }
0x4b: {  	_ =	shalt  }
0x4c: {  	_ =	shalt  }
0x4d: {  	_ =	shalt  }
0x4e: {  	_ =	shalt  }
0x4f: {  	_ =	shalt  }
0x50: {  	_ =	shalt  }
0x51: {  	_ =	shalt  }
0x52: {  	_ =	shalt  }
0x53: {  	_ =	shalt  }
0x54: {  	_ =	shalt  }
0x55: {  	_ =	shalt  }
0x56: {  	_ =	shalt  }
0x57: {  	_ =	shalt  }
0x58: {  	_ =	shalt  }
0x59: {  	_ =	shalt  }
0x5a: {  	_ =	shalt  }
0x5b: {  	_ =	shalt  }
0x5c: {  	_ =	shalt  }
0x5d: {  	_ =	shalt  }
0x5e: {  	_ =	shalt  }
0x5f: {  	_ =	shalt  }
0x60: {  	_ =	shalt  }
0x61: {  	_ =	shalt  }
0x62: {  	_ =	shalt  }
0x63: {  	_ =	shalt  }
0x64: {  	_ =	shalt  }
0x65: {  	_ =	shalt  }
0x66: {  	_ =	shalt  }
0x67: {  	_ =	shalt  }
0x68: {  	_ =	shalt  }
0x69: {  	_ =	shalt  }
0x6a: {  	_ =	shalt  }
0x6b: {  	_ =	shalt  }
0x6c: {  	_ =	shalt  }
0x6d: {  	_ =	shalt  }
0x6e: {  	_ =	shalt  }
0x6f: {  	_ =	shalt  }
0x70: {  	_ =	shalt  }
0x71: {  	_ =	shalt  }
0x72: {  	_ =	shalt  }
0x73: {  	_ =	shalt  }
0x74: {  	_ =	shalt  }
0x75: {  	_ =	shalt  }
0x76: {  	_ =	shalt  }
0x77: {  	_ =	shalt  }
0x78: {  	_ =	shalt  }
0x79: {  	_ =	shalt  }
0x7a: {  	_ =	shalt  }
0x7b: {  	_ =	shalt  }
0x7c: {  	_ =	shalt  }
0x7d: {  	_ =	shalt  }
0x7e: {  	_ =	shalt  }
0x7f: {  	_ =	shalt  }
0x80: {  	_ =	shalt  }
0x81: {  	_ =	shalt  }
0x82: {  	_ =	shalt  }
0x83: {  	_ =	shalt  }
0x84: {  	_ =	shalt  }
0x85: {  	_ =	shalt  }
0x86: {  	_ =	shalt  }
0x87: {  	_ =	shalt  }
.Lfunc_end0:
.L_simem_size_0:
called_computation.1_lowered:
.L_overlay_start_0:
0x88: {  	s2 =	sld [smem:$0x3FD9]  }
0x89: {  	s3 =	sld [smem:$0x3FFE];
	_ =	sdelay $0x1  }
0x8a: {  	s1 =	srdreg.scid  }
0x8b: {  	s0 =	sand.u32 $0x1, s1  }
0x8c: {  	s16 =	sshll.u32 s0, $0xA;
	s2 =	sadd.s32 s3, s2  }
0x8d: {  	s2 =	sadd.s32 s2, s16  }
0x8e: {  	[smem:$0x3FB9] =	sst s2  }
0x8f: {  	_ = 	snop  }
0x90: {  	(tm) =	ssettm $0x1  }
0x91: {  	s17 =	sld [smem:$0x3FFB];
	_ =	sdelay $0x3  }
0x92: {  	_ =	strace s17  }
0x93: {  	s2 =	sld [smem:$0x3FFC];
	_ =	sdelay $0x3  }
0x94: {  	_ =	strace s2  }
0x95: {  	s2 =	sld [smem:$0x3FFD];
	_ =	sdelay $0x3  }
0x96: {  	_ =	strace s2  }
0x97: {  	_ =	strace $0x8FFFFFFF  }
0x98: {  	s18 =	sld [smem:$0x3FDB];
	_ =	sdelay $0x1  }
0x99: {  	s19 =	simm.s32 $_scs_section_size  }
0x9a: {  	s4 =	simm.s32 $_size__tile_overlayer_lowered;
	s5 =	simm.s32 $_tile_overlayer_lowered  }
0x9b: {  	s22 =	simm.s32 $0x1BFF;
	s21 =	sshll.u32 s5, $0x1;
	s2 =	sadd.s32 s19, s18  }
0x9c: {  	s6 =	simm.s32 $0x0;
	s20 =	sshll.u32 s4, $0x1;
	s4 =	sadd.s32 s21, s2  }
0x9d: {  	[timem:s6], [sflag:s22] =	dma.local [hbm:s4], s20  }
0x9e: {  	_ =	swait.ge [sflag:s22], s20  }
0x9f: {  	s3 =	ssub.s32 $0x0, s20;
	[sflag:s22] =	ssyncset.done $0x0  }
0xa0: {  	[sflag:s22] =	ssyncadd.s32 s3;
	_ =	sdelay $0x1  }
0xa1: {  	s23 =	simm.s32 $0x1B8B  }
0xa2: {  	_ =	swait.ge [sflag:s23], $0x1  }
0xa3: {  	[sflag:s23] =	ssyncset.done $0x0  }
0xa4: {  	s25 =	simm.s32 $0x1B8E;
	s24 =	sld [smem:$0x3FFE];
	[sflag:s23] =	ssyncadd.s32 $0xFFFFFFFF  }
0xa5: {  	s26 =	simm.s32 $execute0_lowered;
	[smem:$0x3FD2] =	sst s25  }
0xa6: {  	s4 =	sshll.u32 s26, $0x1;
	_ =	strace $0x80000046;
	[dreg:$0x1] =	wrdreg $0xFFFFFFFF  }
0xa7: {  	s28 =	simm.s32 $_size_execute0_lowered;
	s2 =	sadd.s32 s2, s4;
	[dreg:$0x0] =	wrdreg $0x0  }
0xa8: {  	s4 =	sshll.u32 s28, $0x1;
	[dreg:$0x2] =	wrdreg s2  }
0xa9: {  	[dreg:$0x3] =	wrdreg s4  }
0xaa: {  	[dreg:$0x4] =	wrdreg $0xC0  }
0xab: {  	_ =	task [dreg:s6], $0x5FFFF  }
0xac: {  	[dreg:$0x1] =	wrdreg $0xFFFFFFFF  }
0xad: {  	[dreg:$0x0] =	wrdreg $0x60  }
0xae: {  	[dreg:$0x2] =	wrdreg s24  }
0xaf: {  	[dreg:$0x3] =	wrdreg $0x14F000  }
0xb0: {  	[dreg:$0x4] =	wrdreg $0xA  }
0xb1: {  	_ =	task.clear_ibuf [dreg:s6], $0x5FFFF;
	_ =	strace $0x90000046  }
0xb2: {  	s29 =	simm.s32 $0xA;
	_ =	strace $0x80000048  }
0xb3: {  	_ =	swait.ge [sflag:s29], $0x1  }
0xb4: {  	[sflag:s29] =	ssyncadd.s32 $0xFFFFFFFF  }
0xb5: {  	_ =	strace $0x90000048  }
0xb6: {  	_ =	sfence  }
0xb7: {  	s30 =	sld [smem:$0x0];
	_ =	sdelay $0x2  }
0xb8: {  	s31 =	sshll.u32 s1, $0xD;
	s1 =	sshrl.u32 s1, $0x2  }
0xb9: {  	s3 =	sand.u32 $0x4000, s31;
	s1 =	sadd.s32 s1, s30  }
0xba: {  	s0 =	sor.u32 s3, s0;
	s1 =	sshll.u32 s1, $0x11  }
0xbb: {  	s0 =	sor.u32 s1, s0  }
0xbc: {  	s0 =	sadd.s32 $0x8F2B, s0  }
0xbd: {  	[sflag:s0] =	ssyncadd.remote.s32 $0x1  }
0xbe: {  	_ =	sfence.sel $0xFFFF  }
0xbf: {  	[dreg:$0x0] =	wrdreg $0xFFFFFFFF;
	(pc) =	sbr.abs _section_cstart, $3  }
0xc0: {  	[dreg:$0x1] =	wrdreg $0xFFFFFFFF  }
0xc1: {  	_ =	task.clear_ibuf [dreg:s6], $0x2FFFF;
	_ =	strace $0x9FFFFFFF  }
0xc2: {  	(tm) =	ssettm $0x7FFFFFFF  }
0xc3: {  	_ =	shalt  }
tec
execute0_lowered:
.L_overlay_start_1:
0x0: {  	(tag) =	ssettag $0x1  }
0x1: {  	s0 =	rddreg [dreg:$0x0]  }
0x2: {  	s2 =	rddreg [dreg:$0x1]  }
0x3: {  	s3 =	simm.s32 $0x0;
	s14 =	stileid.u32;
	s1 =	srdreg.scid  }
0x4: {  	s16 =	simm.s32 $0x80;
	s17 =	simm.s32 $0x4F00;
	s18 =	simm.s32 $0x6F00  }
0x5: {  	s20 =	simm.s32 $0x8F00;
	s22 =	simm.s32 $0xAF00;
	s29 =	simm.s32 $0xEF00  }
0x6: {  	s30 =	simm.s32 $0x2;
	s19 =	simm.s32 $0x10F00;
	s28 =	simm.s32 $0x4  }
0x7: {  	s21 =	simm.s32 $0x6;
	s31 =	simm.s32 $0x7;
	[smem:$0x7FF] =	sst s3  }
0x8: {  	s5 =	smul.u32 $0xA000, s14;
	s1 =	sand.u32 $0x1, s1;
	s4 =	sadd.s32 $0x16200, s0  }
0x9: {  	s7 =	sadd.s32 $0xC400, s0;
	s8 =	sadd.s32 $0x2600, s0;
	s12 =	sshll.u32 s14, $0x1  }
0xa: {  	s23 =	sshll.u32 s14, $0x6;
	p0 =	sgt.u32 s14, $0x1;
	s14 =	simm.s32 $0x9  }
0xb: {  	_ =	strace $0x80000047;
	s6 =	smul.u32 $0xA0000, s1;
	s10 =	ssub.s32 $0x2, s1  }
0xc: {  	s1 =	sor.u32 s1, s12;
	s9 =	sshrl.u32 s5, $0x3;
	s11 =	sshrl.u32 s10, $0x1  }
0xd: {  	s24 =	smul.u32 $0x4E0, s1;
	s1 =	sshll.u32 s1, $0x4;
	s9 =	sadd.s32 s9, s0  }
0xe: {  	s6 =	sadd.s32 s5, s6;
	s13 =	ssub.s32 s10, s11;
	s5 =	sadd.s32 s5, s2  }
0xf: {  	s1 =	sor.u32 $0x9C00, s1;
	s6 =	sshrl.u32 s6, $0x3;
	s9 =	sadd.s32 $0x2A200, s9  }
0x10: {  	s25 =	sadd.s32 s7, s24;
	s26 =	sadd.s32 s8, s24;
	s7 =	sadd.s32 s7, s1  }
0x11: {  	s10 =	sadd.s32 s8, s1;
	s12 =	smax.u32 s13, $0x1;
	[dreg:$0x3] =	wrdreg s9  }
0x12: {  	s13 =	sshrl.u32 s5, $0x3;
	s24 =	simm.s32 $0x12F00;
	[dreg:$0x4] =	wrdreg s25  }
0x13: {  	s1 =	simm.s32 $0x8;
	s5 =	simm.s32 $0x0;
	[dreg:$0x5] =	wrdreg s26  }
0x14: {  	s0 =	sadd.s32 s6, s0;
	s6 =	sor.u32 $0x1C09, s23;
	[dreg:$0x6] =	wrdreg s7  }
0x15: {  	s23 =	simm.s32 $0x1;
	s26 =	simm.s32 $0xCF00;
	s25 =	simm.s32 $0x3  }
0x16: {  	s9 =	simm.s32 $0x2780;
	s11 =	sadd.s32 $0x3E200, s0;
	s0 =	simm.s32 $0x5  }
.LBB2_1:
0x17: {  	s7 =	rddreg [dreg:$0x3]  }
0x18: {  	[spmem:s13], [sflag:s6] =	dma.local [hbm:s7], $0x1400  }
0x19: {  	_ =	swait.ge [sflag:s14], $0x1400  }
0x1a: {  	[sflag:s14] =	ssyncset.done $0x0  }
0x1b: {  	s8 =	rddreg [dreg:$0x4];
	[sflag:s14] =	ssyncadd.s32 $0xFFFFEC00  }
0x1c: {  	[tilespmem:s3], [sflag:$0x9] =	stream.linear.gather [hbm4b:s8+s3], $0x2700, $0x38;
	[tilespmem:$0x1EF00] =	vst v63  }
0x1d: {  	_ =	swait.ge [sflag:s14], $0x2700  }
0x1e: {  	[sflag:s14] =	ssyncset.done $0x0  }
0x1f: {  	s15 =	rddreg [dreg:$0x5];
	[sflag:s14] =	ssyncadd.s32 $0xFFFFD900  }
0x20: {  	[tilespmem:s9], [sflag:$0x9] =	stream.linear.gather [hbm4b:s15+s3], $0x2700, $0x38;
	[tilespmem:$0x1EF00] =	vst v63  }
0x21: {  	_ =	swait.ge [sflag:s14], $0x2700  }
0x22: {  	s7 =	simm.s32 @!p0 $0x0;
	[sflag:s14] =	ssyncset.done $0x0  }
0x23: {  	s8 =	simm.s32 @!p0 $0x2700;
	s15 =	rddreg [dreg:$0x6];
	[sflag:s14] =	ssyncadd.s32 $0xFFFFD900  }
0x24: {  	[tilespmem:s8], [sflag:$0x9] =	stream.linear.gather @!p0 [hbm4b:s15+s7], $0x80, $0x38;
	[tilespmem:$0x1EF00] =	vst v63  }
0x25: {  	s8 =	simm.s32 @!p0 $0x9  }
0x26: {  	_ =	swait.ge @!p0 [sflag:s8], $0x80  }
0x27: {  	[sflag:s8] =	ssyncset.done @!p0 $0x0  }
0x28: {  	s15 =	simm.s32 @!p0 $0x4E80;
	[sflag:s8] =	ssyncadd.s32 @!p0 $0xFFFFFF80  }
0x29: {  	[tilespmem:s15], [sflag:$0x9] =	stream.linear.gather @!p0 [hbm4b:s10+s7], $0x80, $0x38;
	[tilespmem:$0x1EF00] =	vst v63  }
0x2a: {  	_ =	swait.ge @!p0 [sflag:s8], $0x80  }
0x2b: {  	[sflag:s8] =	ssyncset.done @!p0 $0x0  }
0x2c: {  	[sflag:s8] =	ssyncadd.s32 @!p0 $0xFFFFFF80  }
0x2d: {  	[bflag:$0x0] =	sbarrier.arrive $0xFFFF  }
0x2e: {  	[tilespmem:s17], [sflag:$0x1] =	stream.indirect.gather [hbm4b:s4+s16], $0x40, s3, s16, $0xb8;
	[tilespmem:$0x1EF00] =	vst v63  }
0x2f: {  	_ = 	snop  }
0x30: {  	[tilespmem:s18], [sflag:$0x1] =	stream.indirect.gather [hbm4b:s4+s16], $0x40, s16, s16, $0xb8;
	[tilespmem:$0x1EF00] =	vst v63  }
0x31: {  	s8 =	simm.s32 $0x100  }
0x32: {  	[tilespmem:s20], [sflag:$0x2] =	stream.indirect.gather [hbm4b:s4+s16], $0x40, s8, s16, $0xb8;
	[tilespmem:$0x1EF00] =	vst v63  }
0x33: {  	s15 =	simm.s32 $0x180  }
0x34: {  	[tilespmem:s22], [sflag:$0x2] =	stream.indirect.gather [hbm4b:s4+s16], $0x40, s15, s16, $0xb8;
	[tilespmem:$0x1EF00] =	vst v63  }
0x35: {  	_ =	swait.ge [sflag:s23], $0x2000  }
0x36: {  	[sflag:s23] =	ssyncset.done $0x0  }
0x37: {  	[sflag:s23] =	ssyncadd.s32 $0xFFFFE000  }
0x38: {  	_ =	swait.ge [sflag:s23], $0x2000  }
0x39: {  	[sflag:s23] =	ssyncset.done $0x0  }
0x3a: {  	[sflag:s23] =	ssyncadd.s32 $0xFFFFE000  }
0x3b: {  	[spmem:s2] =	stream.indirect.scatter.add.f32 [tilespmem:s17], [sflag:$0x5], $0x40, s9, s16, $0xb8;
	[tilespmem:$0x1EF00] =	vst v63  }
0x3c: {  	s8 =	simm.s32 $0x2800  }
0x3d: {  	[spmem:s2] =	stream.indirect.scatter.add.f32 [tilespmem:s18], [sflag:$0x5], $0x40, s8, s16, $0xb8;
	[tilespmem:$0x1EF00] =	vst v63  }
0x3e: {  	s15 =	simm.s32 $0x200  }
0x3f: {  	[tilespmem:s26], [sflag:$0x3] =	stream.indirect.gather [hbm4b:s4+s16], $0x40, s15, s16, $0xb8;
	[tilespmem:$0x1EF00] =	vst v63  }
0x40: {  	s8 =	simm.s32 $0x280  }
0x41: {  	[tilespmem:s29], [sflag:$0x3] =	stream.indirect.gather [hbm4b:s4+s16], $0x40, s8, s16, $0xb8;
	[tilespmem:$0x1EF00] =	vst v63  }
0x42: {  	_ =	swait.ge [sflag:s30], $0x2000  }
0x43: {  	[sflag:s30] =	ssyncset.done $0x0  }
0x44: {  	[sflag:s30] =	ssyncadd.s32 $0xFFFFE000  }
0x45: {  	_ =	swait.ge [sflag:s30], $0x2000  }
0x46: {  	[sflag:s30] =	ssyncset.done $0x0  }
0x47: {  	s15 =	simm.s32 $0x2880;
	[sflag:s30] =	ssyncadd.s32 $0xFFFFE000  }
0x48: {  	[spmem:s2] =	stream.indirect.scatter.add.f32 [tilespmem:s20], [sflag:$0x6], $0x40, s15, s16, $0xb8;
	[tilespmem:$0x1EF00] =	vst v63  }
0x49: {  	s8 =	simm.s32 $0x2900  }
0x4a: {  	[spmem:s2] =	stream.indirect.scatter.add.f32 [tilespmem:s22], [sflag:$0x6], $0x40, s8, s16, $0xb8;
	[tilespmem:$0x1EF00] =	vst v63  }
0x4b: {  	s15 =	simm.s32 $0x300  }
0x4c: {  	[tilespmem:s19], [sflag:$0x4] =	stream.indirect.gather [hbm4b:s4+s16], $0x40, s15, s16, $0xb8;
	[tilespmem:$0x1EF00] =	vst v63  }
0x4d: {  	s8 =	simm.s32 $0x380  }
0x4e: {  	[tilespmem:s24], [sflag:$0x4] =	stream.indirect.gather [hbm4b:s4+s16], $0x40, s8, s16, $0xb8;
	[tilespmem:$0x1EF00] =	vst v63  }
0x4f: {  	_ =	swait.ge [sflag:s25], $0x2000  }
0x50: {  	[sflag:s25] =	ssyncset.done $0x0  }
0x51: {  	[sflag:s25] =	ssyncadd.s32 $0xFFFFE000  }
0x52: {  	_ =	swait.ge [sflag:s25], $0x2000  }
0x53: {  	[sflag:s25] =	ssyncset.done $0x0  }
0x54: {  	s15 =	simm.s32 $0x2980;
	[sflag:s25] =	ssyncadd.s32 $0xFFFFE000  }
0x55: {  	[spmem:s2] =	stream.indirect.scatter.add.f32 [tilespmem:s26], [sflag:$0x7], $0x40, s15, s16, $0xb8;
	[tilespmem:$0x1EF00] =	vst v63  }
0x56: {  	s8 =	simm.s32 $0x2A00  }
0x57: {  	[spmem:s2] =	stream.indirect.scatter.add.f32 [tilespmem:s29], [sflag:$0x7], $0x40, s8, s16, $0xb8;
	[tilespmem:$0x1EF00] =	vst v63  }
0x58: {  	_ =	swait.ge [sflag:s0], $0x2000  }
0x59: {  	[sflag:s0] =	ssyncset.done $0x0  }
0x5a: {  	[sflag:s0] =	ssyncadd.s32 $0xFFFFE000  }
0x5b: {  	_ =	swait.ge [sflag:s0], $0x2000  }
0x5c: {  	[sflag:s0] =	ssyncset.done $0x0  }
0x5d: {  	s15 =	simm.s32 $0x400;
	[sflag:s0] =	ssyncadd.s32 $0xFFFFE000  }
0x5e: {  	[tilespmem:s17], [sflag:$0x1] =	stream.indirect.gather [hbm4b:s4+s16], $0x40, s15, s16, $0xb8;
	[tilespmem:$0x1EF00] =	vst v63  }
0x5f: {  	s8 =	simm.s32 $0x480  }
0x60: {  	[tilespmem:s18], [sflag:$0x1] =	stream.indirect.gather [hbm4b:s4+s16], $0x40, s8, s16, $0xb8;
	[tilespmem:$0x1EF00] =	vst v63  }
0x61: {  	_ =	swait.ge [sflag:s28], $0x2000  }
0x62: {  	[sflag:s28] =	ssyncset.done $0x0  }
0x63: {  	[sflag:s28] =	ssyncadd.s32 $0xFFFFE000  }
0x64: {  	_ =	swait.ge [sflag:s28], $0x2000  }
0x65: {  	[sflag:s28] =	ssyncset.done $0x0  }
0x66: {  	s15 =	simm.s32 $0x2A80;
	[sflag:s28] =	ssyncadd.s32 $0xFFFFE000  }
0x67: {  	[spmem:s2] =	stream.indirect.scatter.add.f32 [tilespmem:s19], [sflag:$0x8], $0x40, s15, s16, $0xb8;
	[tilespmem:$0x1EF00] =	vst v63  }
0x68: {  	s8 =	simm.s32 $0x2B00  }
0x69: {  	[spmem:s2] =	stream.indirect.scatter.add.f32 [tilespmem:s24], [sflag:$0x8], $0x40, s8, s16, $0xb8;
	[tilespmem:$0x1EF00] =	vst v63  }
0x6a: {  	_ =	swait.ge [sflag:s21], $0x2000  }
0x6b: {  	[sflag:s21] =	ssyncset.done $0x0  }
0x6c: {  	[sflag:s21] =	ssyncadd.s32 $0xFFFFE000  }
0x6d: {  	_ =	swait.ge [sflag:s21], $0x2000  }
0x6e: {  	[sflag:s21] =	ssyncset.done $0x0  }
0x6f: {  	s15 =	simm.s32 $0x500;
	[sflag:s21] =	ssyncadd.s32 $0xFFFFE000  }
0x70: {  	[tilespmem:s20], [sflag:$0x2] =	stream.indirect.gather [hbm4b:s4+s16], $0x40, s15, s16, $0xb8;
	[tilespmem:$0x1EF00] =	vst v63  }
0x71: {  	s8 =	simm.s32 $0x580  }
0x72: {  	[tilespmem:s22], [sflag:$0x2] =	stream.indirect.gather [hbm4b:s4+s16], $0x40, s8, s16, $0xb8;
	[tilespmem:$0x1EF00] =	vst v63  }
0x73: {  	_ =	swait.ge [sflag:s23], $0x2000  }
0x74: {  	[sflag:s23] =	ssyncset.done $0x0  }
0x75: {  	[sflag:s23] =	ssyncadd.s32 $0xFFFFE000  }
0x76: {  	_ =	swait.ge [sflag:s23], $0x2000  }
0x77: {  	[sflag:s23] =	ssyncset.done $0x0  }
0x78: {  	s15 =	simm.s32 $0x2B80;
	[sflag:s23] =	ssyncadd.s32 $0xFFFFE000  }
0x79: {  	[spmem:s2] =	stream.indirect.scatter.add.f32 [tilespmem:s17], [sflag:$0x5], $0x40, s15, s16, $0xb8;
	[tilespmem:$0x1EF00] =	vst v63  }
0x7a: {  	s8 =	simm.s32 $0x2C00  }
0x7b: {  	[spmem:s2] =	stream.indirect.scatter.add.f32 [tilespmem:s18], [sflag:$0x5], $0x40, s8, s16, $0xb8;
	[tilespmem:$0x1EF00] =	vst v63  }
0x7c: {  	_ =	swait.ge [sflag:s31], $0x2000  }
0x7d: {  	[sflag:s31] =	ssyncset.done $0x0  }
0x7e: {  	[sflag:s31] =	ssyncadd.s32 $0xFFFFE000  }
0x7f: {  	_ =	swait.ge [sflag:s31], $0x2000  }
0x80: {  	[sflag:s31] =	ssyncset.done $0x0  }
0x81: {  	s15 =	simm.s32 $0x600;
	[sflag:s31] =	ssyncadd.s32 $0xFFFFE000  }
0x82: {  	[tilespmem:s26], [sflag:$0x3] =	stream.indirect.gather [hbm4b:s4+s16], $0x40, s15, s16, $0xb8;
	[tilespmem:$0x1EF00] =	vst v63  }
0x83: {  	s8 =	simm.s32 $0x680  }
0x84: {  	[tilespmem:s29], [sflag:$0x3] =	stream.indirect.gather [hbm4b:s4+s16], $0x40, s8, s16, $0xb8;
	[tilespmem:$0x1EF00] =	vst v63  }
0x85: {  	_ =	swait.ge [sflag:s30], $0x2000  }
0x86: {  	[sflag:s30] =	ssyncset.done $0x0  }
0x87: {  	[sflag:s30] =	ssyncadd.s32 $0xFFFFE000  }
0x88: {  	_ =	swait.ge [sflag:s30], $0x2000  }
0x89: {  	[sflag:s30] =	ssyncset.done $0x0  }
0x8a: {  	s15 =	simm.s32 $0x2C80;
	[sflag:s30] =	ssyncadd.s32 $0xFFFFE000  }
0x8b: {  	[spmem:s2] =	stream.indirect.scatter.add.f32 [tilespmem:s20], [sflag:$0x6], $0x40, s15, s16, $0xb8;
	[tilespmem:$0x1EF00] =	vst v63  }
0x8c: {  	s8 =	simm.s32 $0x2D00  }
0x8d: {  	[spmem:s2] =	stream.indirect.scatter.add.f32 [tilespmem:s22], [sflag:$0x6], $0x40, s8, s16, $0xb8;
	[tilespmem:$0x1EF00] =	vst v63  }
0x8e: {  	_ =	swait.ge [sflag:s1], $0x2000  }
0x8f: {  	[sflag:s1] =	ssyncset.done $0x0  }
0x90: {  	[sflag:s1] =	ssyncadd.s32 $0xFFFFE000  }
0x91: {  	_ =	swait.ge [sflag:s1], $0x2000  }
0x92: {  	[sflag:s1] =	ssyncset.done $0x0  }
0x93: {  	s15 =	simm.s32 $0x700;
	[sflag:s1] =	ssyncadd.s32 $0xFFFFE000  }
0x94: {  	[tilespmem:s19], [sflag:$0x4] =	stream.indirect.gather [hbm4b:s4+s16], $0x40, s15, s16, $0xb8;
	[tilespmem:$0x1EF00] =	vst v63  }
0x95: {  	s8 =	simm.s32 $0x780  }
0x96: {  	[tilespmem:s24], [sflag:$0x4] =	stream.indirect.gather [hbm4b:s4+s16], $0x40, s8, s16, $0xb8;
	[tilespmem:$0x1EF00] =	vst v63  }
0x97: {  	_ =	swait.ge [sflag:s25], $0x2000  }
0x98: {  	[sflag:s25] =	ssyncset.done $0x0  }
0x99: {  	[sflag:s25] =	ssyncadd.s32 $0xFFFFE000  }
0x9a: {  	_ =	swait.ge [sflag:s25], $0x2000  }
0x9b: {  	[sflag:s25] =	ssyncset.done $0x0  }
0x9c: {  	s15 =	simm.s32 $0x2D80;
	[sflag:s25] =	ssyncadd.s32 $0xFFFFE000  }
0x9d: {  	[spmem:s2] =	stream.indirect.scatter.add.f32 [tilespmem:s26], [sflag:$0x7], $0x40, s15, s16, $0xb8;
	[tilespmem:$0x1EF00] =	vst v63  }
0x9e: {  	s8 =	simm.s32 $0x2E00  }
0x9f: {  	[spmem:s2] =	stream.indirect.scatter.add.f32 [tilespmem:s29], [sflag:$0x7], $0x40, s8, s16, $0xb8;
	[tilespmem:$0x1EF00] =	vst v63  }
0xa0: {  	_ =	swait.ge [sflag:s0], $0x2000  }
0xa1: {  	[sflag:s0] =	ssyncset.done $0x0  }
0xa2: {  	[sflag:s0] =	ssyncadd.s32 $0xFFFFE000  }
0xa3: {  	_ =	swait.ge [sflag:s0], $0x2000  }
0xa4: {  	[sflag:s0] =	ssyncset.done $0x0  }
0xa5: {  	s15 =	simm.s32 $0x800;
	[sflag:s0] =	ssyncadd.s32 $0xFFFFE000  }
0xa6: {  	[tilespmem:s17], [sflag:$0x1] =	stream.indirect.gather [hbm4b:s4+s16], $0x40, s15, s16, $0xb8;
	[tilespmem:$0x1EF00] =	vst v63  }
0xa7: {  	s8 =	simm.s32 $0x880  }
0xa8: {  	[tilespmem:s18], [sflag:$0x1] =	stream.indirect.gather [hbm4b:s4+s16], $0x40, s8, s16, $0xb8;
	[tilespmem:$0x1EF00] =	vst v63  }
0xa9: {  	_ =	swait.ge [sflag:s28], $0x2000  }
0xaa: {  	[sflag:s28] =	ssyncset.done $0x0  }
0xab: {  	[sflag:s28] =	ssyncadd.s32 $0xFFFFE000  }
0xac: {  	_ =	swait.ge [sflag:s28], $0x2000  }
0xad: {  	[sflag:s28] =	ssyncset.done $0x0  }
0xae: {  	s15 =	simm.s32 $0x2E80;
	[sflag:s28] =	ssyncadd.s32 $0xFFFFE000  }
0xaf: {  	[spmem:s2] =	stream.indirect.scatter.add.f32 [tilespmem:s19], [sflag:$0x8], $0x40, s15, s16, $0xb8;
	[tilespmem:$0x1EF00] =	vst v63  }
0xb0: {  	s8 =	simm.s32 $0x2F00  }
0xb1: {  	[spmem:s2] =	stream.indirect.scatter.add.f32 [tilespmem:s24], [sflag:$0x8], $0x40, s8, s16, $0xb8;
	[tilespmem:$0x1EF00] =	vst v63  }
0xb2: {  	_ =	swait.ge [sflag:s21], $0x2000  }
0xb3: {  	[sflag:s21] =	ssyncset.done $0x0  }
0xb4: {  	[sflag:s21] =	ssyncadd.s32 $0xFFFFE000  }
0xb5: {  	_ =	swait.ge [sflag:s21], $0x2000  }
0xb6: {  	s7 =	simm.s32 $0x1000;
	[sflag:s21] =	ssyncset.done $0x0  }
0xb7: {  	s15 =	simm.s32 $0x900;
	s8 =	simm.s32 $0x980;
	[sflag:s21] =	ssyncadd.s32 $0xFFFFE000  }
0xb8: {  	[tilespmem:s20], [sflag:$0x2] =	stream.indirect.gather [hbm4b:s4+s16], $0x40, s15, s16, $0xb8;
	[tilespmem:$0x1EF00] =	vst v63  }
.LBB2_2:
0xb9: {  	[tilespmem:s22], [sflag:$0x2] =	stream.indirect.gather [hbm4b:s4+s16], $0x40, s8, s16, $0xb8;
	[tilespmem:$0x1EF00] =	vst v63  }
0xba: {  	s8 =	smov.u32 s7  }
0xbb: {  	p1 =	sne.s32 s7, $0x7000;
	s7 =	sadd.s32 $0x1000, s7;
	_ =	swait.ge [sflag:s23], $0x2000  }
0xbc: {  	[sflag:s23] =	ssyncset.done $0x0  }
0xbd: {  	[sflag:s23] =	ssyncadd.s32 $0xFFFFE000  }
0xbe: {  	_ =	swait.ge [sflag:s23], $0x2000  }
0xbf: {  	s8 =	sshra.s32 s8, $0x2;
	[sflag:s23] =	ssyncset.done $0x0  }
0xc0: {  	s15 =	sadd.s32 $0x2B80, s8;
	[sflag:s23] =	ssyncadd.s32 $0xFFFFE000  }
0xc1: {  	[spmem:s2] =	stream.indirect.scatter.add.f32 [tilespmem:s17], [sflag:$0x5], $0x40, s15, s16, $0xb8;
	[tilespmem:$0x1EF00] =	vst v63  }
0xc2: {  	s15 =	sadd.s32 $0x2C00, s8  }
0xc3: {  	[spmem:s2] =	stream.indirect.scatter.add.f32 [tilespmem:s18], [sflag:$0x5], $0x40, s15, s16, $0xb8;
	[tilespmem:$0x1EF00] =	vst v63  }
0xc4: {  	_ =	swait.ge [sflag:s31], $0x2000  }
0xc5: {  	[sflag:s31] =	ssyncset.done $0x0  }
0xc6: {  	[sflag:s31] =	ssyncadd.s32 $0xFFFFE000  }
0xc7: {  	_ =	swait.ge [sflag:s31], $0x2000  }
0xc8: {  	[sflag:s31] =	ssyncset.done $0x0  }
0xc9: {  	s15 =	sadd.s32 $0x600, s8;
	[sflag:s31] =	ssyncadd.s32 $0xFFFFE000  }
0xca: {  	[tilespmem:s26], [sflag:$0x3] =	stream.indirect.gather [hbm4b:s4+s16], $0x40, s15, s16, $0xb8;
	[tilespmem:$0x1EF00] =	vst v63  }
0xcb: {  	s15 =	sadd.s32 $0x680, s8  }
0xcc: {  	[tilespmem:s29], [sflag:$0x3] =	stream.indirect.gather [hbm4b:s4+s16], $0x40, s15, s16, $0xb8;
	[tilespmem:$0x1EF00] =	vst v63  }
0xcd: {  	_ =	swait.ge [sflag:s30], $0x2000  }
0xce: {  	[sflag:s30] =	ssyncset.done $0x0  }
0xcf: {  	[sflag:s30] =	ssyncadd.s32 $0xFFFFE000  }
0xd0: {  	_ =	swait.ge [sflag:s30], $0x2000  }
0xd1: {  	[sflag:s30] =	ssyncset.done $0x0  }
0xd2: {  	s15 =	sadd.s32 $0x2C80, s8;
	[sflag:s30] =	ssyncadd.s32 $0xFFFFE000  }
0xd3: {  	[spmem:s2] =	stream.indirect.scatter.add.f32 [tilespmem:s20], [sflag:$0x6], $0x40, s15, s16, $0xb8;
	[tilespmem:$0x1EF00] =	vst v63  }
0xd4: {  	s15 =	sadd.s32 $0x2D00, s8  }
0xd5: {  	[spmem:s2] =	stream.indirect.scatter.add.f32 [tilespmem:s22], [sflag:$0x6], $0x40, s15, s16, $0xb8;
	[tilespmem:$0x1EF00] =	vst v63  }
0xd6: {  	_ =	swait.ge [sflag:s1], $0x2000  }
0xd7: {  	[sflag:s1] =	ssyncset.done $0x0  }
0xd8: {  	[sflag:s1] =	ssyncadd.s32 $0xFFFFE000  }
0xd9: {  	_ =	swait.ge [sflag:s1], $0x2000  }
0xda: {  	[sflag:s1] =	ssyncset.done $0x0  }
0xdb: {  	s15 =	sadd.s32 $0x700, s8;
	[sflag:s1] =	ssyncadd.s32 $0xFFFFE000  }
0xdc: {  	[tilespmem:s19], [sflag:$0x4] =	stream.indirect.gather [hbm4b:s4+s16], $0x40, s15, s16, $0xb8;
	[tilespmem:$0x1EF00] =	vst v63  }
0xdd: {  	s15 =	sadd.s32 $0x780, s8  }
0xde: {  	[tilespmem:s24], [sflag:$0x4] =	stream.indirect.gather [hbm4b:s4+s16], $0x40, s15, s16, $0xb8;
	[tilespmem:$0x1EF00] =	vst v63  }
0xdf: {  	_ =	swait.ge [sflag:s25], $0x2000  }
0xe0: {  	[sflag:s25] =	ssyncset.done $0x0  }
0xe1: {  	[sflag:s25] =	ssyncadd.s32 $0xFFFFE000  }
0xe2: {  	_ =	swait.ge [sflag:s25], $0x2000  }
0xe3: {  	[sflag:s25] =	ssyncset.done $0x0  }
0xe4: {  	s15 =	sadd.s32 $0x2D80, s8;
	[sflag:s25] =	ssyncadd.s32 $0xFFFFE000  }
0xe5: {  	[spmem:s2] =	stream.indirect.scatter.add.f32 [tilespmem:s26], [sflag:$0x7], $0x40, s15, s16, $0xb8;
	[tilespmem:$0x1EF00] =	vst v63  }
0xe6: {  	s15 =	sadd.s32 $0x2E00, s8  }
0xe7: {  	[spmem:s2] =	stream.indirect.scatter.add.f32 [tilespmem:s29], [sflag:$0x7], $0x40, s15, s16, $0xb8;
	[tilespmem:$0x1EF00] =	vst v63  }
0xe8: {  	_ =	swait.ge [sflag:s0], $0x2000  }
0xe9: {  	[sflag:s0] =	ssyncset.done $0x0  }
0xea: {  	[sflag:s0] =	ssyncadd.s32 $0xFFFFE000  }
0xeb: {  	_ =	swait.ge [sflag:s0], $0x2000  }
0xec: {  	[sflag:s0] =	ssyncset.done $0x0  }
0xed: {  	s15 =	sadd.s32 $0x800, s8;
	[sflag:s0] =	ssyncadd.s32 $0xFFFFE000  }
0xee: {  	[tilespmem:s17], [sflag:$0x1] =	stream.indirect.gather [hbm4b:s4+s16], $0x40, s15, s16, $0xb8;
	[tilespmem:$0x1EF00] =	vst v63  }
0xef: {  	s15 =	sadd.s32 $0x880, s8  }
0xf0: {  	[tilespmem:s18], [sflag:$0x1] =	stream.indirect.gather [hbm4b:s4+s16], $0x40, s15, s16, $0xb8;
	[tilespmem:$0x1EF00] =	vst v63  }
0xf1: {  	_ =	swait.ge [sflag:s28], $0x2000  }
0xf2: {  	[sflag:s28] =	ssyncset.done $0x0  }
0xf3: {  	[sflag:s28] =	ssyncadd.s32 $0xFFFFE000  }
0xf4: {  	_ =	swait.ge [sflag:s28], $0x2000  }
0xf5: {  	[sflag:s28] =	ssyncset.done $0x0  }
0xf6: {  	s15 =	sadd.s32 $0x2E80, s8;
	[sflag:s28] =	ssyncadd.s32 $0xFFFFE000  }
0xf7: {  	[spmem:s2] =	stream.indirect.scatter.add.f32 [tilespmem:s19], [sflag:$0x8], $0x40, s15, s16, $0xb8;
	[tilespmem:$0x1EF00] =	vst v63  }
0xf8: {  	s15 =	sadd.s32 $0x2F00, s8  }
0xf9: {  	[spmem:s2] =	stream.indirect.scatter.add.f32 [tilespmem:s24], [sflag:$0x8], $0x40, s15, s16, $0xb8;
	[tilespmem:$0x1EF00] =	vst v63  }
0xfa: {  	_ =	swait.ge [sflag:s21], $0x2000  }
0xfb: {  	[sflag:s21] =	ssyncset.done $0x0  }
0xfc: {  	[sflag:s21] =	ssyncadd.s32 $0xFFFFE000  }
.Ltmp0:
0xfd: {  	_ =	swait.ge [sflag:s21], $0x2000;
	(pc) =	sbr.rel @p1 .LBB2_2-.Ltmp0, $4  }
0xfe: {  	[sflag:s21] =	ssyncset.done $0x0  }
0xff: {  	s15 =	sadd.s32 $0x900, s8;
	[sflag:s21] =	ssyncadd.s32 $0xFFFFE000  }
0x100: {  	[tilespmem:s20], [sflag:$0x2] =	stream.indirect.gather [hbm4b:s4+s16], $0x40, s15, s16, $0xb8;
	[tilespmem:$0x1EF00] =	vst v63  }
0x101: {  	s8 =	sadd.s32 $0x980, s8  }
0x102: {  	[tilespmem:s22], [sflag:$0x2] =	stream.indirect.gather [hbm4b:s4+s16], $0x40, s8, s16, $0xb8;
	[tilespmem:$0x1EF00] =	vst v63  }
0x103: {  	_ =	swait.ge [sflag:s23], $0x2000  }
0x104: {  	[sflag:s23] =	ssyncset.done $0x0  }
0x105: {  	[sflag:s23] =	ssyncadd.s32 $0xFFFFE000  }
0x106: {  	_ =	swait.ge [sflag:s23], $0x2000  }
0x107: {  	[sflag:s23] =	ssyncset.done $0x0  }
0x108: {  	s7 =	simm.s32 $0x4B80;
	[sflag:s23] =	ssyncadd.s32 $0xFFFFE000  }
0x109: {  	[spmem:s2] =	stream.indirect.scatter.add.f32 [tilespmem:s17], [sflag:$0x5], $0x40, s7, s16, $0xb8;
	[tilespmem:$0x1EF00] =	vst v63  }
0x10a: {  	s15 =	simm.s32 $0x4C00  }
0x10b: {  	[spmem:s2] =	stream.indirect.scatter.add.f32 [tilespmem:s18], [sflag:$0x5], $0x40, s15, s16, $0xb8;
	[tilespmem:$0x1EF00] =	vst v63  }
0x10c: {  	_ =	swait.ge [sflag:s31], $0x2000  }
0x10d: {  	[sflag:s31] =	ssyncset.done $0x0  }
0x10e: {  	[sflag:s31] =	ssyncadd.s32 $0xFFFFE000  }
0x10f: {  	_ =	swait.ge [sflag:s31], $0x2000  }
0x110: {  	[sflag:s31] =	ssyncset.done $0x0  }
0x111: {  	s8 =	simm.s32 $0x2600;
	[sflag:s31] =	ssyncadd.s32 $0xFFFFE000  }
0x112: {  	[tilespmem:s26], [sflag:$0x3] =	stream.indirect.gather [hbm4b:s4+s16], $0x40, s8, s16, $0xb8;
	[tilespmem:$0x1EF00] =	vst v63  }
0x113: {  	s15 =	simm.s32 $0x2680  }
0x114: {  	[tilespmem:s29], [sflag:$0x3] =	stream.indirect.gather [hbm4b:s4+s16], $0x40, s15, s16, $0xb8;
	[tilespmem:$0x1EF00] =	vst v63  }
0x115: {  	_ =	swait.ge [sflag:s30], $0x2000  }
0x116: {  	[sflag:s30] =	ssyncset.done $0x0  }
0x117: {  	[sflag:s30] =	ssyncadd.s32 $0xFFFFE000  }
0x118: {  	_ =	swait.ge [sflag:s30], $0x2000  }
0x119: {  	[sflag:s30] =	ssyncset.done $0x0  }
0x11a: {  	s8 =	simm.s32 $0x4C80;
	[sflag:s30] =	ssyncadd.s32 $0xFFFFE000  }
0x11b: {  	[spmem:s2] =	stream.indirect.scatter.add.f32 [tilespmem:s20], [sflag:$0x6], $0x40, s8, s16, $0xb8;
	[tilespmem:$0x1EF00] =	vst v63  }
0x11c: {  	s15 =	simm.s32 $0x4D00  }
0x11d: {  	[spmem:s2] =	stream.indirect.scatter.add.f32 [tilespmem:s22], [sflag:$0x6], $0x40, s15, s16, $0xb8;
	[tilespmem:$0x1EF00] =	vst v63  }
0x11e: {  	_ =	swait.ge [sflag:s25], $0x2000  }
0x11f: {  	[sflag:s25] =	ssyncset.done $0x0  }
0x120: {  	[sflag:s25] =	ssyncadd.s32 $0xFFFFE000  }
0x121: {  	_ =	swait.ge [sflag:s25], $0x2000  }
0x122: {  	[sflag:s25] =	ssyncset.done $0x0  }
0x123: {  	s8 =	simm.s32 $0x4D80;
	[sflag:s25] =	ssyncadd.s32 $0xFFFFE000  }
0x124: {  	[spmem:s2] =	stream.indirect.scatter.add.f32 [tilespmem:s26], [sflag:$0x7], $0x40, s8, s16, $0xb8;
	[tilespmem:$0x1EF00] =	vst v63  }
0x125: {  	s15 =	simm.s32 $0x4E00  }
0x126: {  	[spmem:s2] =	stream.indirect.scatter.add.f32 [tilespmem:s29], [sflag:$0x7], $0x40, s15, s16, $0xb8;
	[tilespmem:$0x1EF00] =	vst v63  }
0x127: {  	_ =	swait.ge [sflag:s1], $0x2000  }
0x128: {  	[sflag:s1] =	ssyncset.done $0x0  }
0x129: {  	[sflag:s1] =	ssyncadd.s32 $0xFFFFE000  }
0x12a: {  	_ =	swait.ge [sflag:s1], $0x2000  }
0x12b: {  	[sflag:s1] =	ssyncset.done $0x0  }
0x12c: {  	[sflag:s1] =	ssyncadd.s32 $0xFFFFE000  }
0x12d: {  	_ =	swait.ge [sflag:s0], $0x2000  }
0x12e: {  	[sflag:s0] =	ssyncset.done $0x0  }
0x12f: {  	[sflag:s0] =	ssyncadd.s32 $0xFFFFE000  }
0x130: {  	_ =	swait.ge [sflag:s0], $0x2000  }
0x131: {  	[sflag:s0] =	ssyncset.done $0x0  }
0x132: {  	[sflag:s0] =	ssyncadd.s32 $0xFFFFE000  }
0x133: {  	_ =	swait.ge [sflag:s21], $0x2000  }
0x134: {  	[sflag:s21] =	ssyncset.done $0x0  }
0x135: {  	[sflag:s21] =	ssyncadd.s32 $0xFFFFE000  }
0x136: {  	_ =	swait.ge [sflag:s21], $0x2000  }
0x137: {  	[sflag:s21] =	ssyncset.done $0x0  }
0x138: {  	[sflag:s21] =	ssyncadd.s32 $0xFFFFE000  }
0x139: {  	_ =	swait.ge [sflag:s31], $0x2000  }
0x13a: {  	[sflag:s31] =	ssyncset.done $0x0  }
0x13b: {  	[sflag:s31] =	ssyncadd.s32 $0xFFFFE000  }
0x13c: {  	_ =	swait.ge [sflag:s31], $0x2000  }
0x13d: {  	s7 =	simm.s32 @!p0 $0x80;
	[sflag:s31] =	ssyncset.done $0x0  }
0x13e: {  	s8 =	simm.s32 @!p0 $0x2700;
	s15 =	simm.s32 @!p0 $0x4F00;
	[sflag:s31] =	ssyncadd.s32 $0xFFFFE000  }
0x13f: {  	[tilespmem:s15], [sflag:$0x1] =	stream.indirect.gather @!p0 [hbm4b:s4+s7], $0x40, s8, s7, $0xb8;
	[tilespmem:$0x1EF00] =	vst v63  }
0x140: {  	s8 =	simm.s32 @!p0 $0x1  }
0x141: {  	_ =	swait.ge @!p0 [sflag:s8], $0x2000  }
0x142: {  	[sflag:s8] =	ssyncset.done @!p0 $0x0  }
0x143: {  	[sflag:s8] =	ssyncadd.s32 @!p0 $0xFFFFE000;
	s8 =	simm.s32 @!p0 $0x4E80  }
0x144: {  	[spmem:s2] =	stream.indirect.scatter.add.f32 @!p0 [tilespmem:s15], [sflag:$0x9], $0x40, s8, s7, $0xb8;
	[tilespmem:$0x1EF00] =	vst v63  }
0x145: {  	s7 =	simm.s32 @!p0 $0x9  }
0x146: {  	_ =	swait.ge @!p0 [sflag:s7], $0x2000  }
0x147: {  	s5 =	sadd.s32 $0x1, s5;
	[sflag:s7] =	ssyncset.done @!p0 $0x0  }
0x148: {  	p1 =	sne.s32 s5, s12;
	[sflag:s7] =	ssyncadd.s32 @!p0 $0xFFFFE000  }
.Ltmp1:
0x149: {  	[bflag:$0x0] =	sbarrier.arrive $0xFFFF;
	(pc) =	sbr.rel @p1 .LBB2_1-.Ltmp1, $4  }
0x14a: {  	[hbm:s11], [sflag:s6] =	dma.local [spmem:s13], $0x1400  }
0x14b: {  	_ =	swait.ge [sflag:s14], $0x1400  }
0x14c: {  	[sflag:s14] =	ssyncset.done $0x0  }
0x14d: {  	[sflag:s14] =	ssyncadd.s32 $0xFFFFEC00  }
0x14e: {  	_ =	sfence.sel $0x180000  }
0x14f: {  	[bflag:$0x0] =	sbarrier.arrive $0xFFFF  }
0x150: {  	_ =	strace $0x90000047  }
0x151: {  	s0 =	stileid.u32;
	[bflag:$0x2] =	sbarrier.arrive $0xFFFF  }
0x152: {  	p0 =	sne.s32 s0, $0x0;
	s0 =	rddreg [dreg:$0x2]  }
0x153: {  	s0 =	sadd.s32 @!p0 $0x100000, s0  }
0x154: {  	[sflag:s0] =	ssyncadd.tile.s32 @!p0 $0x1;
	_ =	shalt  }
.Lfunc_end2:
_tile_overlayer_lowered:
.L_overlay_start_2:
0x155: {  	(tag) =	ssettag $0x2  }
0x156: {  	s0 =	rddreg [dreg:$0x0];
	s2 =	stileid.u32  }
0x157: {  	s1 =	rddreg [dreg:$0x1];
	p0 =	sne.s32 s2, $0x0  }
0x158: {  	s3 =	rddreg [dreg:$0x2];
	[bflag:$0x3] =	sbarrier.arrive $0xFFFF;
	s2 =	simm.s32 @!p0 $0x1C09  }
0x159: {  	[timem:s3], [sflag:s2] =	dma.local @!p0 [hbm:s0], s1  }
0x15a: {  	s0 =	simm.s32 @!p0 $0x9  }
0x15b: {  	_ =	swait.ge @!p0 [sflag:s0], s1  }
0x15c: {  	s1 =	ssub.s32 @!p0 $0x0, s1;
	[sflag:s0] =	ssyncset.done @!p0 $0x0  }
0x15d: {  	[sflag:s0] =	ssyncadd.s32 @!p0 s1  }
0x15e: {  	[bflag:$0x3] =	sbarrier.arrive $0xFFFF  }
0x15f: {  	_ =	shalt  }

// kernel: kernel.16.cloned.1.call-start
scs
__scs_entry_jumppad:
0x0: {  	(pc) =	sbr.rel $0x88, $3  }
0x1: {  	(tag) =	ssettag $0x0;
	lr =	simm.s32 $0x1  }
0x2: {  	[smem:$0x3F92] =	sst lr;
	_ =	strace $0xD0000000  }
0x3: {  	_ = 	snop  }
0x4: {  	_ = 	snop  }
0x5: {  	_ = 	snop  }
0x6: {  	_ = 	snop  }
0x7: {  	_ = 	snop  }
__scs_overlays_trampoline_lowered:
0x8: {  	[smem:$0x3FA1] =	sst s0  }
0x9: {  	[smem:$0x3FA2] =	sst s1  }
0xa: {  	[smem:$0x3FA3] =	sst s2  }
0xb: {  	[smem:$0x3FA4] =	sst s3  }
0xc: {  	[smem:$0x3FA5] =	sst s4  }
0xd: {  	[smem:$0x3FA6] =	sst s5  }
0xe: {  	[smem:$0x3FA7] =	sst s6  }
0xf: {  	[smem:$0x3FA8] =	sst s7  }
0x10: {  	[smem:$0x3FA9] =	sst s8  }
0x11: {  	[smem:$0x3FAA] =	sst s9;
	s0 =	simm.s32 @!p0 $0x0  }
0x12: {  	s1 =	sld [smem:$0x3F90];
	s0 =	simm.s32 @p0 $0x1  }
0x13: {  	[smem:$0x3FAB] =	sst s0;
	s0 =	simm.s32 @!p1 $0x0  }
0x14: {  	s2 =	sld [smem:$0x3F8F];
	s0 =	simm.s32 @p1 $0x1  }
0x15: {  	[smem:$0x3FAC] =	sst s0;
	s0 =	simm.s32 @!p2 $0x0  }
0x16: {  	s3 =	sld [smem:$0x3FDB];
	s0 =	simm.s32 @p2 $0x1  }
0x17: {  	s4 =	simm.s32 $0x1BF5;
	[smem:$0x3FAE] =	sst s0  }
0x18: {  	s0 =	sld [smem:$0x3F91];
	_ =	swait.ge [sflag:s4], $0x0  }
0x19: {  	s7 =	sld [smem:$0x3F92]  }
0x1a: {  	s8 =	sadd.s32 $0xFFFFE003, lr  }
0x1b: {  	s9 =	sadd.s32 $0xFFFFFEF7, lr;
	s5 =	simm.s32 $0xFFFFFFFF;
	p2 =	slt.u32 s8, $0xFFFFF086  }
0x1c: {  	p1 =	slt.u32 s9, $0xF7A;
	s5 =	simm.s32 @!p2 $0x0  }
0x1d: {  	s5 =	simm.s32 @p1 $0x1;
	p0 =	seq.s32 s7, s2  }
0x1e: {  	s7 =	smul.u32 @!p0 $0xF7A, s2;
	p2 =	seq.s32 @!p0 s5, $0x0  }
0x1f: {  	s9 =	smul.u32 $0xF7A, s1;
	s8 =	simm.s32 @!p0 $0x1BF5;
	p2 =	por !p2, p0  }
0x20: {  	[sflag:s8] =	ssyncset.s32 @!p0 $0xFFFFF086;
	s6 =	sadd.s32 @!p0 s3, s7;
	s7 =	simm.s32 @!p0 $0x108  }
0x21: {  	s3 =	sadd.s32 s3, s9;
	s6 =	sadd.s32 @!p0 $0x88, s6;
	s7 =	simm.s32 @p2 $0x1082  }
0x22: {  	[simem:s7], [sflag:s8] =	dma.local @!p0 [hbm:s6], $0xF7A  }
0x23: {  	s9 =	sor.u32 $0xD0000000, s2;
	s6 =	simm.s32 $0x108;
	_ =	swait.ge @!p0 [sflag:s8], $0x0  }
0x24: {  	s3 =	sadd.s32 $0x88, s3;
	s6 =	simm.s32 @!p1 $0x1082;
	[sflag:s4] =	ssyncset.s32 $0xFFFFF086  }
0x25: {  	[simem:s6], [sflag:s4] =	dma.local [hbm:s3], $0xF7A  }
0x26: {  	[smem:$0x3F92] =	sst s1;
	(tag) =	ssettag s2;
	_ =	strace s9  }
0x27: {  	s1 =	sld [smem:$0x3FA2]  }
0x28: {  	s2 =	sld [smem:$0x3FA3]  }
0x29: {  	s4 =	sld [smem:$0x3FA5]  }
0x2a: {  	p0 =	seq.s32 s5, $0x0;
	s5 =	sld [smem:$0x3FA6]  }
0x2b: {  	s6 =	sld [smem:$0x3FA7]  }
0x2c: {  	s7 =	sld [smem:$0x3FA8]  }
0x2d: {  	s3 =	simm.s32 $0x108;
	s8 =	sld [smem:$0x3FA9]  }
0x2e: {  	s3 =	simm.s32 @!p0 $0x1082;
	s9 =	sld [smem:$0x3FAA]  }
0x2f: {  	lr =	sadd.s32 s0, s3;
	s0 =	sld [smem:$0x3FA1]  }
0x30: {  	s3 =	sld [smem:$0x3FA4]  }
0x31: {  	[smem:$0x3FAD] =	sst s10  }
0x32: {  	s10 =	sld [smem:$0x3FAB];
	_ =	sdelay $0x3  }
0x33: {  	p0 =	seq.s32 s10, $0x1;
	s10 =	sld [smem:$0x3FAD];
	_ =	sdelay $0x3  }
0x34: {  	[smem:$0x3FAD] =	sst s10  }
0x35: {  	s10 =	sld [smem:$0x3FAC];
	_ =	sdelay $0x3  }
0x36: {  	p1 =	seq.s32 s10, $0x1;
	s10 =	sld [smem:$0x3FAD];
	_ =	sdelay $0x3  }
0x37: {  	[smem:$0x3FAD] =	sst s10  }
0x38: {  	s10 =	sld [smem:$0x3FAE]  }
0x39: {  	_ = 	snop;
	(pc) =	sbr.ind lr, $3  }
0x3a: {  	_ = 	snop  }
0x3b: {  	_ = 	snop  }
0x3c: {  	p2 =	seq.s32 s10, $0x1;
	s10 =	sld [smem:$0x3FAD]  }
0x3d: {  	_ =	shalt  }
0x3e: {  	_ =	shalt  }
0x3f: {  	_ =	shalt  }
0x40: {  	_ =	shalt  }
0x41: {  	_ =	shalt  }
0x42: {  	_ =	shalt  }
0x43: {  	_ =	shalt  }
0x44: {  	_ =	shalt  }
0x45: {  	_ =	shalt  }
0x46: {  	_ =	shalt  }
0x47: {  	_ =	shalt  }
0x48: {  	_ =	shalt  }
0x49: {  	_ =	shalt  }
0x4a: {  	_ =	shalt  }
0x4b: {  	_ =	shalt  }
0x4c: {  	_ =	shalt  }
0x4d: {  	_ =	shalt  }
0x4e: {  	_ =	shalt  }
0x4f: {  	_ =	shalt  }
0x50: {  	_ =	shalt  }
0x51: {  	_ =	shalt  }
0x52: {  	_ =	shalt  }
0x53: {  	_ =	shalt  }
0x54: {  	_ =	shalt  }
0x55: {  	_ =	shalt  }
0x56: {  	_ =	shalt  }
0x57: {  	_ =	shalt  }
0x58: {  	_ =	shalt  }
0x59: {  	_ =	shalt  }
0x5a: {  	_ =	shalt  }
0x5b: {  	_ =	shalt  }
0x5c: {  	_ =	shalt  }
0x5d: {  	_ =	shalt  }
0x5e: {  	_ =	shalt  }
0x5f: {  	_ =	shalt  }
0x60: {  	_ =	shalt  }
0x61: {  	_ =	shalt  }
0x62: {  	_ =	shalt  }
0x63: {  	_ =	shalt  }
0x64: {  	_ =	shalt  }
0x65: {  	_ =	shalt  }
0x66: {  	_ =	shalt  }
0x67: {  	_ =	shalt  }
0x68: {  	_ =	shalt  }
0x69: {  	_ =	shalt  }
0x6a: {  	_ =	shalt  }
0x6b: {  	_ =	shalt  }
0x6c: {  	_ =	shalt  }
0x6d: {  	_ =	shalt  }
0x6e: {  	_ =	shalt  }
0x6f: {  	_ =	shalt  }
0x70: {  	_ =	shalt  }
0x71: {  	_ =	shalt  }
0x72: {  	_ =	shalt  }
0x73: {  	_ =	shalt  }
0x74: {  	_ =	shalt  }
0x75: {  	_ =	shalt  }
0x76: {  	_ =	shalt  }
0x77: {  	_ =	shalt  }
0x78: {  	_ =	shalt  }
0x79: {  	_ =	shalt  }
0x7a: {  	_ =	shalt  }
0x7b: {  	_ =	shalt  }
0x7c: {  	_ =	shalt  }
0x7d: {  	_ =	shalt  }
0x7e: {  	_ =	shalt  }
0x7f: {  	_ =	shalt  }
0x80: {  	_ =	shalt  }
0x81: {  	_ =	shalt  }
0x82: {  	_ =	shalt  }
0x83: {  	_ =	shalt  }
0x84: {  	_ =	shalt  }
0x85: {  	_ =	shalt  }
0x86: {  	_ =	shalt  }
0x87: {  	_ =	shalt  }
.Lfunc_end0:
.L_simem_size_0:
called_computation.2_lowered:
.L_overlay_start_0:
0x88: {  	s2 =	sld [smem:$0x3FD9]  }
0x89: {  	s3 =	sld [smem:$0x3FFE];
	_ =	sdelay $0x1  }
0x8a: {  	s1 =	srdreg.scid  }
0x8b: {  	s0 =	sand.u32 $0x1, s1  }
0x8c: {  	s16 =	sshll.u32 s0, $0xA;
	s2 =	sadd.s32 s3, s2  }
0x8d: {  	s2 =	sadd.s32 s2, s16  }
0x8e: {  	[smem:$0x3FB9] =	sst s2  }
0x8f: {  	_ = 	snop  }
0x90: {  	(tm) =	ssettm $0x1  }
0x91: {  	s17 =	sld [smem:$0x3FFB];
	_ =	sdelay $0x3  }
0x92: {  	_ =	strace s17  }
0x93: {  	s2 =	sld [smem:$0x3FFC];
	_ =	sdelay $0x3  }
0x94: {  	_ =	strace s2  }
0x95: {  	s2 =	sld [smem:$0x3FFD];
	_ =	sdelay $0x3  }
0x96: {  	_ =	strace s2  }
0x97: {  	_ =	strace $0x8FFFFFFF  }
0x98: {  	s18 =	sld [smem:$0x3FDB];
	_ =	sdelay $0x1  }
0x99: {  	s19 =	simm.s32 $_scs_section_size  }
0x9a: {  	s4 =	simm.s32 $_size__tile_overlayer_lowered;
	s5 =	simm.s32 $_tile_overlayer_lowered  }
0x9b: {  	s22 =	simm.s32 $0x1BFF;
	s21 =	sshll.u32 s5, $0x1;
	s2 =	sadd.s32 s19, s18  }
0x9c: {  	s6 =	simm.s32 $0x0;
	s20 =	sshll.u32 s4, $0x1;
	s4 =	sadd.s32 s21, s2  }
0x9d: {  	[timem:s6], [sflag:s22] =	dma.local [hbm:s4], s20  }
0x9e: {  	_ =	swait.ge [sflag:s22], s20  }
0x9f: {  	s3 =	ssub.s32 $0x0, s20;
	[sflag:s22] =	ssyncset.done $0x0  }
0xa0: {  	[sflag:s22] =	ssyncadd.s32 s3;
	_ =	sdelay $0x1  }
0xa1: {  	s23 =	simm.s32 $0x1B8B  }
0xa2: {  	_ =	swait.ge [sflag:s23], $0x1  }
0xa3: {  	[sflag:s23] =	ssyncset.done $0x0  }
0xa4: {  	s25 =	simm.s32 $0x1B8E;
	s24 =	sld [smem:$0x3FFE];
	[sflag:s23] =	ssyncadd.s32 $0xFFFFFFFF  }
0xa5: {  	s26 =	simm.s32 $execute0_lowered;
	[smem:$0x3FD2] =	sst s25  }
0xa6: {  	s4 =	sshll.u32 s26, $0x1;
	_ =	strace $0x8000004C;
	[dreg:$0x1] =	wrdreg $0xFFFFFFFF  }
0xa7: {  	s28 =	simm.s32 $_size_execute0_lowered;
	s2 =	sadd.s32 s2, s4;
	[dreg:$0x0] =	wrdreg $0x0  }
0xa8: {  	s4 =	sshll.u32 s28, $0x1;
	[dreg:$0x2] =	wrdreg s2  }
0xa9: {  	[dreg:$0x3] =	wrdreg s4  }
0xaa: {  	[dreg:$0x4] =	wrdreg $0xC0  }
0xab: {  	_ =	task [dreg:s6], $0x5FFFF  }
0xac: {  	[dreg:$0x1] =	wrdreg $0xFFFFFFFF  }
0xad: {  	[dreg:$0x0] =	wrdreg $0x60  }
0xae: {  	[dreg:$0x2] =	wrdreg s24  }
0xaf: {  	[dreg:$0x3] =	wrdreg $0xCF000  }
0xb0: {  	[dreg:$0x4] =	wrdreg $0x9  }
0xb1: {  	_ =	task.clear_ibuf [dreg:s6], $0x5FFFF;
	_ =	strace $0x9000004C  }
0xb2: {  	s29 =	simm.s32 $0x9;
	_ =	strace $0x8000004E  }
0xb3: {  	_ =	swait.ge [sflag:s29], $0x1  }
0xb4: {  	[sflag:s29] =	ssyncadd.s32 $0xFFFFFFFF  }
0xb5: {  	_ =	strace $0x9000004E  }
0xb6: {  	_ =	sfence  }
0xb7: {  	s30 =	sld [smem:$0x0];
	_ =	sdelay $0x2  }
0xb8: {  	s31 =	sshll.u32 s1, $0xD;
	s1 =	sshrl.u32 s1, $0x2  }
0xb9: {  	s3 =	sand.u32 $0x4000, s31;
	s1 =	sadd.s32 s1, s30  }
0xba: {  	s0 =	sor.u32 s3, s0;
	s1 =	sshll.u32 s1, $0x11  }
0xbb: {  	s0 =	sor.u32 s1, s0  }
0xbc: {  	s0 =	sadd.s32 $0x8F2B, s0  }
0xbd: {  	[sflag:s0] =	ssyncadd.remote.s32 $0x1  }
0xbe: {  	_ =	sfence.sel $0xFFFF  }
0xbf: {  	[dreg:$0x0] =	wrdreg $0xFFFFFFFF;
	(pc) =	sbr.abs _section_cstart, $3  }
0xc0: {  	[dreg:$0x1] =	wrdreg $0xFFFFFFFF  }
0xc1: {  	_ =	task.clear_ibuf [dreg:s6], $0x2FFFF;
	_ =	strace $0x9FFFFFFF  }
0xc2: {  	(tm) =	ssettm $0x7FFFFFFF  }
0xc3: {  	_ =	shalt  }
tec
execute0_lowered:
.L_overlay_start_1:
0x0: {  	(tag) =	ssettag $0x1  }
0x1: {  	s0 =	rddreg [dreg:$0x0]  }
0x2: {  	s2 =	rddreg [dreg:$0x1]  }
0x3: {  	s3 =	simm.s32 $0x0;
	s14 =	stileid.u32;
	s1 =	srdreg.scid  }
0x4: {  	s16 =	simm.s32 $0x80;
	s17 =	simm.s32 $0x4F00;
	s18 =	simm.s32 $0x5F00  }
0x5: {  	s20 =	simm.s32 $0x6F00;
	s22 =	simm.s32 $0x7F00;
	s29 =	simm.s32 $0x9F00  }
0x6: {  	s30 =	simm.s32 $0x2;
	s19 =	simm.s32 $0xAF00;
	s28 =	simm.s32 $0x4  }
0x7: {  	s21 =	simm.s32 $0x6;
	s31 =	simm.s32 $0x7;
	[smem:$0x7FF] =	sst s3  }
0x8: {  	s5 =	smul.u32 $0x5000, s14;
	s1 =	sand.u32 $0x1, s1;
	s4 =	sadd.s32 $0x16200, s0  }
0x9: {  	s7 =	sadd.s32 $0xC400, s0;
	s8 =	sadd.s32 $0x2600, s0;
	s12 =	sshll.u32 s14, $0x1  }
0xa: {  	s23 =	sshll.u32 s14, $0x6;
	p0 =	sgt.u32 s14, $0x1;
	s14 =	simm.s32 $0x9  }
0xb: {  	_ =	strace $0x8000004D;
	s6 =	smul.u32 $0x50000, s1;
	s10 =	ssub.s32 $0x2, s1  }
0xc: {  	s1 =	sor.u32 s1, s12;
	s9 =	sshrl.u32 s5, $0x3;
	s11 =	sshrl.u32 s10, $0x1  }
0xd: {  	s24 =	smul.u32 $0x4E0, s1;
	s1 =	sshll.u32 s1, $0x4;
	s9 =	sadd.s32 s9, s0  }
0xe: {  	s6 =	sadd.s32 s5, s6;
	s13 =	ssub.s32 s10, s11;
	s5 =	sadd.s32 s5, s2  }
0xf: {  	s1 =	sor.u32 $0x9C00, s1;
	s6 =	sshrl.u32 s6, $0x3;
	s9 =	sadd.s32 $0x20200, s9  }
0x10: {  	s25 =	sadd.s32 s7, s24;
	s26 =	sadd.s32 s8, s24;
	s7 =	sadd.s32 s7, s1  }
0x11: {  	s10 =	sadd.s32 s8, s1;
	s12 =	smax.u32 s13, $0x1;
	[dreg:$0x3] =	wrdreg s9  }
0x12: {  	s13 =	sshrl.u32 s5, $0x3;
	s24 =	simm.s32 $0xBF00;
	[dreg:$0x4] =	wrdreg s25  }
0x13: {  	s1 =	simm.s32 $0x8;
	s5 =	simm.s32 $0x0;
	[dreg:$0x5] =	wrdreg s26  }
0x14: {  	s0 =	sadd.s32 s6, s0;
	s6 =	sor.u32 $0x1C09, s23;
	[dreg:$0x6] =	wrdreg s7  }
0x15: {  	s23 =	simm.s32 $0x1;
	s26 =	simm.s32 $0x8F00;
	s25 =	simm.s32 $0x3  }
0x16: {  	s9 =	simm.s32 $0x2780;
	s11 =	sadd.s32 $0x2A200, s0;
	s0 =	simm.s32 $0x5  }
.LBB2_1:
0x17: {  	s7 =	rddreg [dreg:$0x3]  }
0x18: {  	[spmem:s13], [sflag:s6] =	dma.local [hbm:s7], $0xA00  }
0x19: {  	_ =	swait.ge [sflag:s14], $0xA00  }
0x1a: {  	[sflag:s14] =	ssyncset.done $0x0  }
0x1b: {  	s8 =	rddreg [dreg:$0x4];
	[sflag:s14] =	ssyncadd.s32 $0xFFFFF600  }
0x1c: {  	[tilespmem:s3], [sflag:$0x9] =	stream.linear.gather [hbm4b:s8+s3], $0x2700, $0x38;
	[tilespmem:$0x11F00] =	vst v63  }
0x1d: {  	_ =	swait.ge [sflag:s14], $0x2700  }
0x1e: {  	[sflag:s14] =	ssyncset.done $0x0  }
0x1f: {  	s15 =	rddreg [dreg:$0x5];
	[sflag:s14] =	ssyncadd.s32 $0xFFFFD900  }
0x20: {  	[tilespmem:s9], [sflag:$0x9] =	stream.linear.gather [hbm4b:s15+s3], $0x2700, $0x38;
	[tilespmem:$0x11F00] =	vst v63  }
0x21: {  	_ =	swait.ge [sflag:s14], $0x2700  }
0x22: {  	s7 =	simm.s32 @!p0 $0x0;
	[sflag:s14] =	ssyncset.done $0x0  }
0x23: {  	s8 =	simm.s32 @!p0 $0x2700;
	s15 =	rddreg [dreg:$0x6];
	[sflag:s14] =	ssyncadd.s32 $0xFFFFD900  }
0x24: {  	[tilespmem:s8], [sflag:$0x9] =	stream.linear.gather @!p0 [hbm4b:s15+s7], $0x80, $0x38;
	[tilespmem:$0x11F00] =	vst v63  }
0x25: {  	s8 =	simm.s32 @!p0 $0x9  }
0x26: {  	_ =	swait.ge @!p0 [sflag:s8], $0x80  }
0x27: {  	[sflag:s8] =	ssyncset.done @!p0 $0x0  }
0x28: {  	s15 =	simm.s32 @!p0 $0x4E80;
	[sflag:s8] =	ssyncadd.s32 @!p0 $0xFFFFFF80  }
0x29: {  	[tilespmem:s15], [sflag:$0x9] =	stream.linear.gather @!p0 [hbm4b:s10+s7], $0x80, $0x38;
	[tilespmem:$0x11F00] =	vst v63  }
0x2a: {  	_ =	swait.ge @!p0 [sflag:s8], $0x80  }
0x2b: {  	[sflag:s8] =	ssyncset.done @!p0 $0x0  }
0x2c: {  	[sflag:s8] =	ssyncadd.s32 @!p0 $0xFFFFFF80  }
0x2d: {  	[bflag:$0x0] =	sbarrier.arrive $0xFFFF  }
0x2e: {  	[tilespmem:s17], [sflag:$0x1] =	stream.indirect.gather [hbm4b:s4+s16], $0x20, s3, s16, $0xb8;
	[tilespmem:$0x11F00] =	vst v63  }
0x2f: {  	_ = 	snop  }
0x30: {  	[tilespmem:s18], [sflag:$0x1] =	stream.indirect.gather [hbm4b:s4+s16], $0x20, s16, s16, $0xb8;
	[tilespmem:$0x11F00] =	vst v63  }
0x31: {  	s8 =	simm.s32 $0x100  }
0x32: {  	[tilespmem:s20], [sflag:$0x2] =	stream.indirect.gather [hbm4b:s4+s16], $0x20, s8, s16, $0xb8;
	[tilespmem:$0x11F00] =	vst v63  }
0x33: {  	s15 =	simm.s32 $0x180  }
0x34: {  	[tilespmem:s22], [sflag:$0x2] =	stream.indirect.gather [hbm4b:s4+s16], $0x20, s15, s16, $0xb8;
	[tilespmem:$0x11F00] =	vst v63  }
0x35: {  	_ =	swait.ge [sflag:s23], $0x1000  }
0x36: {  	[sflag:s23] =	ssyncset.done $0x0  }
0x37: {  	[sflag:s23] =	ssyncadd.s32 $0xFFFFF000  }
0x38: {  	_ =	swait.ge [sflag:s23], $0x1000  }
0x39: {  	[sflag:s23] =	ssyncset.done $0x0  }
0x3a: {  	[sflag:s23] =	ssyncadd.s32 $0xFFFFF000  }
0x3b: {  	[spmem:s2] =	stream.indirect.scatter.add.f32 [tilespmem:s17], [sflag:$0x5], $0x20, s9, s16, $0xb8;
	[tilespmem:$0x11F00] =	vst v63  }
0x3c: {  	s8 =	simm.s32 $0x2800  }
0x3d: {  	[spmem:s2] =	stream.indirect.scatter.add.f32 [tilespmem:s18], [sflag:$0x5], $0x20, s8, s16, $0xb8;
	[tilespmem:$0x11F00] =	vst v63  }
0x3e: {  	s15 =	simm.s32 $0x200  }
0x3f: {  	[tilespmem:s26], [sflag:$0x3] =	stream.indirect.gather [hbm4b:s4+s16], $0x20, s15, s16, $0xb8;
	[tilespmem:$0x11F00] =	vst v63  }
0x40: {  	s8 =	simm.s32 $0x280  }
0x41: {  	[tilespmem:s29], [sflag:$0x3] =	stream.indirect.gather [hbm4b:s4+s16], $0x20, s8, s16, $0xb8;
	[tilespmem:$0x11F00] =	vst v63  }
0x42: {  	_ =	swait.ge [sflag:s30], $0x1000  }
0x43: {  	[sflag:s30] =	ssyncset.done $0x0  }
0x44: {  	[sflag:s30] =	ssyncadd.s32 $0xFFFFF000  }
0x45: {  	_ =	swait.ge [sflag:s30], $0x1000  }
0x46: {  	[sflag:s30] =	ssyncset.done $0x0  }
0x47: {  	s15 =	simm.s32 $0x2880;
	[sflag:s30] =	ssyncadd.s32 $0xFFFFF000  }
0x48: {  	[spmem:s2] =	stream.indirect.scatter.add.f32 [tilespmem:s20], [sflag:$0x6], $0x20, s15, s16, $0xb8;
	[tilespmem:$0x11F00] =	vst v63  }
0x49: {  	s8 =	simm.s32 $0x2900  }
0x4a: {  	[spmem:s2] =	stream.indirect.scatter.add.f32 [tilespmem:s22], [sflag:$0x6], $0x20, s8, s16, $0xb8;
	[tilespmem:$0x11F00] =	vst v63  }
0x4b: {  	s15 =	simm.s32 $0x300  }
0x4c: {  	[tilespmem:s19], [sflag:$0x4] =	stream.indirect.gather [hbm4b:s4+s16], $0x20, s15, s16, $0xb8;
	[tilespmem:$0x11F00] =	vst v63  }
0x4d: {  	s8 =	simm.s32 $0x380  }
0x4e: {  	[tilespmem:s24], [sflag:$0x4] =	stream.indirect.gather [hbm4b:s4+s16], $0x20, s8, s16, $0xb8;
	[tilespmem:$0x11F00] =	vst v63  }
0x4f: {  	_ =	swait.ge [sflag:s25], $0x1000  }
0x50: {  	[sflag:s25] =	ssyncset.done $0x0  }
0x51: {  	[sflag:s25] =	ssyncadd.s32 $0xFFFFF000  }
0x52: {  	_ =	swait.ge [sflag:s25], $0x1000  }
0x53: {  	[sflag:s25] =	ssyncset.done $0x0  }
0x54: {  	s15 =	simm.s32 $0x2980;
	[sflag:s25] =	ssyncadd.s32 $0xFFFFF000  }
0x55: {  	[spmem:s2] =	stream.indirect.scatter.add.f32 [tilespmem:s26], [sflag:$0x7], $0x20, s15, s16, $0xb8;
	[tilespmem:$0x11F00] =	vst v63  }
0x56: {  	s8 =	simm.s32 $0x2A00  }
0x57: {  	[spmem:s2] =	stream.indirect.scatter.add.f32 [tilespmem:s29], [sflag:$0x7], $0x20, s8, s16, $0xb8;
	[tilespmem:$0x11F00] =	vst v63  }
0x58: {  	_ =	swait.ge [sflag:s0], $0x1000  }
0x59: {  	[sflag:s0] =	ssyncset.done $0x0  }
0x5a: {  	[sflag:s0] =	ssyncadd.s32 $0xFFFFF000  }
0x5b: {  	_ =	swait.ge [sflag:s0], $0x1000  }
0x5c: {  	[sflag:s0] =	ssyncset.done $0x0  }
0x5d: {  	s15 =	simm.s32 $0x400;
	[sflag:s0] =	ssyncadd.s32 $0xFFFFF000  }
0x5e: {  	[tilespmem:s17], [sflag:$0x1] =	stream.indirect.gather [hbm4b:s4+s16], $0x20, s15, s16, $0xb8;
	[tilespmem:$0x11F00] =	vst v63  }
0x5f: {  	s8 =	simm.s32 $0x480  }
0x60: {  	[tilespmem:s18], [sflag:$0x1] =	stream.indirect.gather [hbm4b:s4+s16], $0x20, s8, s16, $0xb8;
	[tilespmem:$0x11F00] =	vst v63  }
0x61: {  	_ =	swait.ge [sflag:s28], $0x1000  }
0x62: {  	[sflag:s28] =	ssyncset.done $0x0  }
0x63: {  	[sflag:s28] =	ssyncadd.s32 $0xFFFFF000  }
0x64: {  	_ =	swait.ge [sflag:s28], $0x1000  }
0x65: {  	[sflag:s28] =	ssyncset.done $0x0  }
0x66: {  	s15 =	simm.s32 $0x2A80;
	[sflag:s28] =	ssyncadd.s32 $0xFFFFF000  }
0x67: {  	[spmem:s2] =	stream.indirect.scatter.add.f32 [tilespmem:s19], [sflag:$0x8], $0x20, s15, s16, $0xb8;
	[tilespmem:$0x11F00] =	vst v63  }
0x68: {  	s8 =	simm.s32 $0x2B00  }
0x69: {  	[spmem:s2] =	stream.indirect.scatter.add.f32 [tilespmem:s24], [sflag:$0x8], $0x20, s8, s16, $0xb8;
	[tilespmem:$0x11F00] =	vst v63  }
0x6a: {  	_ =	swait.ge [sflag:s21], $0x1000  }
0x6b: {  	[sflag:s21] =	ssyncset.done $0x0  }
0x6c: {  	[sflag:s21] =	ssyncadd.s32 $0xFFFFF000  }
0x6d: {  	_ =	swait.ge [sflag:s21], $0x1000  }
0x6e: {  	[sflag:s21] =	ssyncset.done $0x0  }
0x6f: {  	s15 =	simm.s32 $0x500;
	[sflag:s21] =	ssyncadd.s32 $0xFFFFF000  }
0x70: {  	[tilespmem:s20], [sflag:$0x2] =	stream.indirect.gather [hbm4b:s4+s16], $0x20, s15, s16, $0xb8;
	[tilespmem:$0x11F00] =	vst v63  }
0x71: {  	s8 =	simm.s32 $0x580  }
0x72: {  	[tilespmem:s22], [sflag:$0x2] =	stream.indirect.gather [hbm4b:s4+s16], $0x20, s8, s16, $0xb8;
	[tilespmem:$0x11F00] =	vst v63  }
0x73: {  	_ =	swait.ge [sflag:s23], $0x1000  }
0x74: {  	[sflag:s23] =	ssyncset.done $0x0  }
0x75: {  	[sflag:s23] =	ssyncadd.s32 $0xFFFFF000  }
0x76: {  	_ =	swait.ge [sflag:s23], $0x1000  }
0x77: {  	[sflag:s23] =	ssyncset.done $0x0  }
0x78: {  	s15 =	simm.s32 $0x2B80;
	[sflag:s23] =	ssyncadd.s32 $0xFFFFF000  }
0x79: {  	[spmem:s2] =	stream.indirect.scatter.add.f32 [tilespmem:s17], [sflag:$0x5], $0x20, s15, s16, $0xb8;
	[tilespmem:$0x11F00] =	vst v63  }
0x7a: {  	s8 =	simm.s32 $0x2C00  }
0x7b: {  	[spmem:s2] =	stream.indirect.scatter.add.f32 [tilespmem:s18], [sflag:$0x5], $0x20, s8, s16, $0xb8;
	[tilespmem:$0x11F00] =	vst v63  }
0x7c: {  	_ =	swait.ge [sflag:s31], $0x1000  }
0x7d: {  	[sflag:s31] =	ssyncset.done $0x0  }
0x7e: {  	[sflag:s31] =	ssyncadd.s32 $0xFFFFF000  }
0x7f: {  	_ =	swait.ge [sflag:s31], $0x1000  }
0x80: {  	[sflag:s31] =	ssyncset.done $0x0  }
0x81: {  	s15 =	simm.s32 $0x600;
	[sflag:s31] =	ssyncadd.s32 $0xFFFFF000  }
0x82: {  	[tilespmem:s26], [sflag:$0x3] =	stream.indirect.gather [hbm4b:s4+s16], $0x20, s15, s16, $0xb8;
	[tilespmem:$0x11F00] =	vst v63  }
0x83: {  	s8 =	simm.s32 $0x680  }
0x84: {  	[tilespmem:s29], [sflag:$0x3] =	stream.indirect.gather [hbm4b:s4+s16], $0x20, s8, s16, $0xb8;
	[tilespmem:$0x11F00] =	vst v63  }
0x85: {  	_ =	swait.ge [sflag:s30], $0x1000  }
0x86: {  	[sflag:s30] =	ssyncset.done $0x0  }
0x87: {  	[sflag:s30] =	ssyncadd.s32 $0xFFFFF000  }
0x88: {  	_ =	swait.ge [sflag:s30], $0x1000  }
0x89: {  	[sflag:s30] =	ssyncset.done $0x0  }
0x8a: {  	s15 =	simm.s32 $0x2C80;
	[sflag:s30] =	ssyncadd.s32 $0xFFFFF000  }
0x8b: {  	[spmem:s2] =	stream.indirect.scatter.add.f32 [tilespmem:s20], [sflag:$0x6], $0x20, s15, s16, $0xb8;
	[tilespmem:$0x11F00] =	vst v63  }
0x8c: {  	s8 =	simm.s32 $0x2D00  }
0x8d: {  	[spmem:s2] =	stream.indirect.scatter.add.f32 [tilespmem:s22], [sflag:$0x6], $0x20, s8, s16, $0xb8;
	[tilespmem:$0x11F00] =	vst v63  }
0x8e: {  	_ =	swait.ge [sflag:s1], $0x1000  }
0x8f: {  	[sflag:s1] =	ssyncset.done $0x0  }
0x90: {  	[sflag:s1] =	ssyncadd.s32 $0xFFFFF000  }
0x91: {  	_ =	swait.ge [sflag:s1], $0x1000  }
0x92: {  	[sflag:s1] =	ssyncset.done $0x0  }
0x93: {  	s15 =	simm.s32 $0x700;
	[sflag:s1] =	ssyncadd.s32 $0xFFFFF000  }
0x94: {  	[tilespmem:s19], [sflag:$0x4] =	stream.indirect.gather [hbm4b:s4+s16], $0x20, s15, s16, $0xb8;
	[tilespmem:$0x11F00] =	vst v63  }
0x95: {  	s8 =	simm.s32 $0x780  }
0x96: {  	[tilespmem:s24], [sflag:$0x4] =	stream.indirect.gather [hbm4b:s4+s16], $0x20, s8, s16, $0xb8;
	[tilespmem:$0x11F00] =	vst v63  }
0x97: {  	_ =	swait.ge [sflag:s25], $0x1000  }
0x98: {  	[sflag:s25] =	ssyncset.done $0x0  }
0x99: {  	[sflag:s25] =	ssyncadd.s32 $0xFFFFF000  }
0x9a: {  	_ =	swait.ge [sflag:s25], $0x1000  }
0x9b: {  	[sflag:s25] =	ssyncset.done $0x0  }
0x9c: {  	s15 =	simm.s32 $0x2D80;
	[sflag:s25] =	ssyncadd.s32 $0xFFFFF000  }
0x9d: {  	[spmem:s2] =	stream.indirect.scatter.add.f32 [tilespmem:s26], [sflag:$0x7], $0x20, s15, s16, $0xb8;
	[tilespmem:$0x11F00] =	vst v63  }
0x9e: {  	s8 =	simm.s32 $0x2E00  }
0x9f: {  	[spmem:s2] =	stream.indirect.scatter.add.f32 [tilespmem:s29], [sflag:$0x7], $0x20, s8, s16, $0xb8;
	[tilespmem:$0x11F00] =	vst v63  }
0xa0: {  	_ =	swait.ge [sflag:s0], $0x1000  }
0xa1: {  	[sflag:s0] =	ssyncset.done $0x0  }
0xa2: {  	[sflag:s0] =	ssyncadd.s32 $0xFFFFF000  }
0xa3: {  	_ =	swait.ge [sflag:s0], $0x1000  }
0xa4: {  	[sflag:s0] =	ssyncset.done $0x0  }
0xa5: {  	s15 =	simm.s32 $0x800;
	[sflag:s0] =	ssyncadd.s32 $0xFFFFF000  }
0xa6: {  	[tilespmem:s17], [sflag:$0x1] =	stream.indirect.gather [hbm4b:s4+s16], $0x20, s15, s16, $0xb8;
	[tilespmem:$0x11F00] =	vst v63  }
0xa7: {  	s8 =	simm.s32 $0x880  }
0xa8: {  	[tilespmem:s18], [sflag:$0x1] =	stream.indirect.gather [hbm4b:s4+s16], $0x20, s8, s16, $0xb8;
	[tilespmem:$0x11F00] =	vst v63  }
0xa9: {  	_ =	swait.ge [sflag:s28], $0x1000  }
0xaa: {  	[sflag:s28] =	ssyncset.done $0x0  }
0xab: {  	[sflag:s28] =	ssyncadd.s32 $0xFFFFF000  }
0xac: {  	_ =	swait.ge [sflag:s28], $0x1000  }
0xad: {  	[sflag:s28] =	ssyncset.done $0x0  }
0xae: {  	s15 =	simm.s32 $0x2E80;
	[sflag:s28] =	ssyncadd.s32 $0xFFFFF000  }
0xaf: {  	[spmem:s2] =	stream.indirect.scatter.add.f32 [tilespmem:s19], [sflag:$0x8], $0x20, s15, s16, $0xb8;
	[tilespmem:$0x11F00] =	vst v63  }
0xb0: {  	s8 =	simm.s32 $0x2F00  }
0xb1: {  	[spmem:s2] =	stream.indirect.scatter.add.f32 [tilespmem:s24], [sflag:$0x8], $0x20, s8, s16, $0xb8;
	[tilespmem:$0x11F00] =	vst v63  }
0xb2: {  	_ =	swait.ge [sflag:s21], $0x1000  }
0xb3: {  	[sflag:s21] =	ssyncset.done $0x0  }
0xb4: {  	[sflag:s21] =	ssyncadd.s32 $0xFFFFF000  }
0xb5: {  	_ =	swait.ge [sflag:s21], $0x1000  }
0xb6: {  	s7 =	simm.s32 $0x1000;
	[sflag:s21] =	ssyncset.done $0x0  }
0xb7: {  	s15 =	simm.s32 $0x900;
	s8 =	simm.s32 $0x980;
	[sflag:s21] =	ssyncadd.s32 $0xFFFFF000  }
0xb8: {  	[tilespmem:s20], [sflag:$0x2] =	stream.indirect.gather [hbm4b:s4+s16], $0x20, s15, s16, $0xb8;
	[tilespmem:$0x11F00] =	vst v63  }
.LBB2_2:
0xb9: {  	[tilespmem:s22], [sflag:$0x2] =	stream.indirect.gather [hbm4b:s4+s16], $0x20, s8, s16, $0xb8;
	[tilespmem:$0x11F00] =	vst v63  }
0xba: {  	s8 =	smov.u32 s7  }
0xbb: {  	p1 =	sne.s32 s7, $0x7000;
	s7 =	sadd.s32 $0x1000, s7;
	_ =	swait.ge [sflag:s23], $0x1000  }
0xbc: {  	[sflag:s23] =	ssyncset.done $0x0  }
0xbd: {  	[sflag:s23] =	ssyncadd.s32 $0xFFFFF000  }
0xbe: {  	_ =	swait.ge [sflag:s23], $0x1000  }
0xbf: {  	s8 =	sshra.s32 s8, $0x2;
	[sflag:s23] =	ssyncset.done $0x0  }
0xc0: {  	s15 =	sadd.s32 $0x2B80, s8;
	[sflag:s23] =	ssyncadd.s32 $0xFFFFF000  }
0xc1: {  	[spmem:s2] =	stream.indirect.scatter.add.f32 [tilespmem:s17], [sflag:$0x5], $0x20, s15, s16, $0xb8;
	[tilespmem:$0x11F00] =	vst v63  }
0xc2: {  	s15 =	sadd.s32 $0x2C00, s8  }
0xc3: {  	[spmem:s2] =	stream.indirect.scatter.add.f32 [tilespmem:s18], [sflag:$0x5], $0x20, s15, s16, $0xb8;
	[tilespmem:$0x11F00] =	vst v63  }
0xc4: {  	_ =	swait.ge [sflag:s31], $0x1000  }
0xc5: {  	[sflag:s31] =	ssyncset.done $0x0  }
0xc6: {  	[sflag:s31] =	ssyncadd.s32 $0xFFFFF000  }
0xc7: {  	_ =	swait.ge [sflag:s31], $0x1000  }
0xc8: {  	[sflag:s31] =	ssyncset.done $0x0  }
0xc9: {  	s15 =	sadd.s32 $0x600, s8;
	[sflag:s31] =	ssyncadd.s32 $0xFFFFF000  }
0xca: {  	[tilespmem:s26], [sflag:$0x3] =	stream.indirect.gather [hbm4b:s4+s16], $0x20, s15, s16, $0xb8;
	[tilespmem:$0x11F00] =	vst v63  }
0xcb: {  	s15 =	sadd.s32 $0x680, s8  }
0xcc: {  	[tilespmem:s29], [sflag:$0x3] =	stream.indirect.gather [hbm4b:s4+s16], $0x20, s15, s16, $0xb8;
	[tilespmem:$0x11F00] =	vst v63  }
0xcd: {  	_ =	swait.ge [sflag:s30], $0x1000  }
0xce: {  	[sflag:s30] =	ssyncset.done $0x0  }
0xcf: {  	[sflag:s30] =	ssyncadd.s32 $0xFFFFF000  }
0xd0: {  	_ =	swait.ge [sflag:s30], $0x1000  }
0xd1: {  	[sflag:s30] =	ssyncset.done $0x0  }
0xd2: {  	s15 =	sadd.s32 $0x2C80, s8;
	[sflag:s30] =	ssyncadd.s32 $0xFFFFF000  }
0xd3: {  	[spmem:s2] =	stream.indirect.scatter.add.f32 [tilespmem:s20], [sflag:$0x6], $0x20, s15, s16, $0xb8;
	[tilespmem:$0x11F00] =	vst v63  }
0xd4: {  	s15 =	sadd.s32 $0x2D00, s8  }
0xd5: {  	[spmem:s2] =	stream.indirect.scatter.add.f32 [tilespmem:s22], [sflag:$0x6], $0x20, s15, s16, $0xb8;
	[tilespmem:$0x11F00] =	vst v63  }
0xd6: {  	_ =	swait.ge [sflag:s1], $0x1000  }
0xd7: {  	[sflag:s1] =	ssyncset.done $0x0  }
0xd8: {  	[sflag:s1] =	ssyncadd.s32 $0xFFFFF000  }
0xd9: {  	_ =	swait.ge [sflag:s1], $0x1000  }
0xda: {  	[sflag:s1] =	ssyncset.done $0x0  }
0xdb: {  	s15 =	sadd.s32 $0x700, s8;
	[sflag:s1] =	ssyncadd.s32 $0xFFFFF000  }
0xdc: {  	[tilespmem:s19], [sflag:$0x4] =	stream.indirect.gather [hbm4b:s4+s16], $0x20, s15, s16, $0xb8;
	[tilespmem:$0x11F00] =	vst v63  }
0xdd: {  	s15 =	sadd.s32 $0x780, s8  }
0xde: {  	[tilespmem:s24], [sflag:$0x4] =	stream.indirect.gather [hbm4b:s4+s16], $0x20, s15, s16, $0xb8;
	[tilespmem:$0x11F00] =	vst v63  }
0xdf: {  	_ =	swait.ge [sflag:s25], $0x1000  }
0xe0: {  	[sflag:s25] =	ssyncset.done $0x0  }
0xe1: {  	[sflag:s25] =	ssyncadd.s32 $0xFFFFF000  }
0xe2: {  	_ =	swait.ge [sflag:s25], $0x1000  }
0xe3: {  	[sflag:s25] =	ssyncset.done $0x0  }
0xe4: {  	s15 =	sadd.s32 $0x2D80, s8;
	[sflag:s25] =	ssyncadd.s32 $0xFFFFF000  }
0xe5: {  	[spmem:s2] =	stream.indirect.scatter.add.f32 [tilespmem:s26], [sflag:$0x7], $0x20, s15, s16, $0xb8;
	[tilespmem:$0x11F00] =	vst v63  }
0xe6: {  	s15 =	sadd.s32 $0x2E00, s8  }
0xe7: {  	[spmem:s2] =	stream.indirect.scatter.add.f32 [tilespmem:s29], [sflag:$0x7], $0x20, s15, s16, $0xb8;
	[tilespmem:$0x11F00] =	vst v63  }
0xe8: {  	_ =	swait.ge [sflag:s0], $0x1000  }
0xe9: {  	[sflag:s0] =	ssyncset.done $0x0  }
0xea: {  	[sflag:s0] =	ssyncadd.s32 $0xFFFFF000  }
0xeb: {  	_ =	swait.ge [sflag:s0], $0x1000  }
0xec: {  	[sflag:s0] =	ssyncset.done $0x0  }
0xed: {  	s15 =	sadd.s32 $0x800, s8;
	[sflag:s0] =	ssyncadd.s32 $0xFFFFF000  }
0xee: {  	[tilespmem:s17], [sflag:$0x1] =	stream.indirect.gather [hbm4b:s4+s16], $0x20, s15, s16, $0xb8;
	[tilespmem:$0x11F00] =	vst v63  }
0xef: {  	s15 =	sadd.s32 $0x880, s8  }
0xf0: {  	[tilespmem:s18], [sflag:$0x1] =	stream.indirect.gather [hbm4b:s4+s16], $0x20, s15, s16, $0xb8;
	[tilespmem:$0x11F00] =	vst v63  }
0xf1: {  	_ =	swait.ge [sflag:s28], $0x1000  }
0xf2: {  	[sflag:s28] =	ssyncset.done $0x0  }
0xf3: {  	[sflag:s28] =	ssyncadd.s32 $0xFFFFF000  }
0xf4: {  	_ =	swait.ge [sflag:s28], $0x1000  }
0xf5: {  	[sflag:s28] =	ssyncset.done $0x0  }
0xf6: {  	s15 =	sadd.s32 $0x2E80, s8;
	[sflag:s28] =	ssyncadd.s32 $0xFFFFF000  }
0xf7: {  	[spmem:s2] =	stream.indirect.scatter.add.f32 [tilespmem:s19], [sflag:$0x8], $0x20, s15, s16, $0xb8;
	[tilespmem:$0x11F00] =	vst v63  }
0xf8: {  	s15 =	sadd.s32 $0x2F00, s8  }
0xf9: {  	[spmem:s2] =	stream.indirect.scatter.add.f32 [tilespmem:s24], [sflag:$0x8], $0x20, s15, s16, $0xb8;
	[tilespmem:$0x11F00] =	vst v63  }
0xfa: {  	_ =	swait.ge [sflag:s21], $0x1000  }
0xfb: {  	[sflag:s21] =	ssyncset.done $0x0  }
0xfc: {  	[sflag:s21] =	ssyncadd.s32 $0xFFFFF000  }
.Ltmp0:
0xfd: {  	_ =	swait.ge [sflag:s21], $0x1000;
	(pc) =	sbr.rel @p1 .LBB2_2-.Ltmp0, $4  }
0xfe: {  	[sflag:s21] =	ssyncset.done $0x0  }
0xff: {  	s15 =	sadd.s32 $0x900, s8;
	[sflag:s21] =	ssyncadd.s32 $0xFFFFF000  }
0x100: {  	[tilespmem:s20], [sflag:$0x2] =	stream.indirect.gather [hbm4b:s4+s16], $0x20, s15, s16, $0xb8;
	[tilespmem:$0x11F00] =	vst v63  }
0x101: {  	s8 =	sadd.s32 $0x980, s8  }
0x102: {  	[tilespmem:s22], [sflag:$0x2] =	stream.indirect.gather [hbm4b:s4+s16], $0x20, s8, s16, $0xb8;
	[tilespmem:$0x11F00] =	vst v63  }
0x103: {  	_ =	swait.ge [sflag:s23], $0x1000  }
0x104: {  	[sflag:s23] =	ssyncset.done $0x0  }
0x105: {  	[sflag:s23] =	ssyncadd.s32 $0xFFFFF000  }
0x106: {  	_ =	swait.ge [sflag:s23], $0x1000  }
0x107: {  	[sflag:s23] =	ssyncset.done $0x0  }
0x108: {  	s7 =	simm.s32 $0x4B80;
	[sflag:s23] =	ssyncadd.s32 $0xFFFFF000  }
0x109: {  	[spmem:s2] =	stream.indirect.scatter.add.f32 [tilespmem:s17], [sflag:$0x5], $0x20, s7, s16, $0xb8;
	[tilespmem:$0x11F00] =	vst v63  }
0x10a: {  	s15 =	simm.s32 $0x4C00  }
0x10b: {  	[spmem:s2] =	stream.indirect.scatter.add.f32 [tilespmem:s18], [sflag:$0x5], $0x20, s15, s16, $0xb8;
	[tilespmem:$0x11F00] =	vst v63  }
0x10c: {  	_ =	swait.ge [sflag:s31], $0x1000  }
0x10d: {  	[sflag:s31] =	ssyncset.done $0x0  }
0x10e: {  	[sflag:s31] =	ssyncadd.s32 $0xFFFFF000  }
0x10f: {  	_ =	swait.ge [sflag:s31], $0x1000  }
0x110: {  	[sflag:s31] =	ssyncset.done $0x0  }
0x111: {  	s8 =	simm.s32 $0x2600;
	[sflag:s31] =	ssyncadd.s32 $0xFFFFF000  }
0x112: {  	[tilespmem:s26], [sflag:$0x3] =	stream.indirect.gather [hbm4b:s4+s16], $0x20, s8, s16, $0xb8;
	[tilespmem:$0x11F00] =	vst v63  }
0x113: {  	s15 =	simm.s32 $0x2680  }
0x114: {  	[tilespmem:s29], [sflag:$0x3] =	stream.indirect.gather [hbm4b:s4+s16], $0x20, s15, s16, $0xb8;
	[tilespmem:$0x11F00] =	vst v63  }
0x115: {  	_ =	swait.ge [sflag:s30], $0x1000  }
0x116: {  	[sflag:s30] =	ssyncset.done $0x0  }
0x117: {  	[sflag:s30] =	ssyncadd.s32 $0xFFFFF000  }
0x118: {  	_ =	swait.ge [sflag:s30], $0x1000  }
0x119: {  	[sflag:s30] =	ssyncset.done $0x0  }
0x11a: {  	s8 =	simm.s32 $0x4C80;
	[sflag:s30] =	ssyncadd.s32 $0xFFFFF000  }
0x11b: {  	[spmem:s2] =	stream.indirect.scatter.add.f32 [tilespmem:s20], [sflag:$0x6], $0x20, s8, s16, $0xb8;
	[tilespmem:$0x11F00] =	vst v63  }
0x11c: {  	s15 =	simm.s32 $0x4D00  }
0x11d: {  	[spmem:s2] =	stream.indirect.scatter.add.f32 [tilespmem:s22], [sflag:$0x6], $0x20, s15, s16, $0xb8;
	[tilespmem:$0x11F00] =	vst v63  }
0x11e: {  	_ =	swait.ge [sflag:s25], $0x1000  }
0x11f: {  	[sflag:s25] =	ssyncset.done $0x0  }
0x120: {  	[sflag:s25] =	ssyncadd.s32 $0xFFFFF000  }
0x121: {  	_ =	swait.ge [sflag:s25], $0x1000  }
0x122: {  	[sflag:s25] =	ssyncset.done $0x0  }
0x123: {  	s8 =	simm.s32 $0x4D80;
	[sflag:s25] =	ssyncadd.s32 $0xFFFFF000  }
0x124: {  	[spmem:s2] =	stream.indirect.scatter.add.f32 [tilespmem:s26], [sflag:$0x7], $0x20, s8, s16, $0xb8;
	[tilespmem:$0x11F00] =	vst v63  }
0x125: {  	s15 =	simm.s32 $0x4E00  }
0x126: {  	[spmem:s2] =	stream.indirect.scatter.add.f32 [tilespmem:s29], [sflag:$0x7], $0x20, s15, s16, $0xb8;
	[tilespmem:$0x11F00] =	vst v63  }
0x127: {  	_ =	swait.ge [sflag:s1], $0x1000  }
0x128: {  	[sflag:s1] =	ssyncset.done $0x0  }
0x129: {  	[sflag:s1] =	ssyncadd.s32 $0xFFFFF000  }
0x12a: {  	_ =	swait.ge [sflag:s1], $0x1000  }
0x12b: {  	[sflag:s1] =	ssyncset.done $0x0  }
0x12c: {  	[sflag:s1] =	ssyncadd.s32 $0xFFFFF000  }
0x12d: {  	_ =	swait.ge [sflag:s0], $0x1000  }
0x12e: {  	[sflag:s0] =	ssyncset.done $0x0  }
0x12f: {  	[sflag:s0] =	ssyncadd.s32 $0xFFFFF000  }
0x130: {  	_ =	swait.ge [sflag:s0], $0x1000  }
0x131: {  	[sflag:s0] =	ssyncset.done $0x0  }
0x132: {  	[sflag:s0] =	ssyncadd.s32 $0xFFFFF000  }
0x133: {  	_ =	swait.ge [sflag:s21], $0x1000  }
0x134: {  	[sflag:s21] =	ssyncset.done $0x0  }
0x135: {  	[sflag:s21] =	ssyncadd.s32 $0xFFFFF000  }
0x136: {  	_ =	swait.ge [sflag:s21], $0x1000  }
0x137: {  	[sflag:s21] =	ssyncset.done $0x0  }
0x138: {  	[sflag:s21] =	ssyncadd.s32 $0xFFFFF000  }
0x139: {  	_ =	swait.ge [sflag:s31], $0x1000  }
0x13a: {  	[sflag:s31] =	ssyncset.done $0x0  }
0x13b: {  	[sflag:s31] =	ssyncadd.s32 $0xFFFFF000  }
0x13c: {  	_ =	swait.ge [sflag:s31], $0x1000  }
0x13d: {  	s7 =	simm.s32 @!p0 $0x80;
	[sflag:s31] =	ssyncset.done $0x0  }
0x13e: {  	s8 =	simm.s32 @!p0 $0x2700;
	s15 =	simm.s32 @!p0 $0x4F00;
	[sflag:s31] =	ssyncadd.s32 $0xFFFFF000  }
0x13f: {  	[tilespmem:s15], [sflag:$0x1] =	stream.indirect.gather @!p0 [hbm4b:s4+s7], $0x20, s8, s7, $0xb8;
	[tilespmem:$0x11F00] =	vst v63  }
0x140: {  	s8 =	simm.s32 @!p0 $0x1  }
0x141: {  	_ =	swait.ge @!p0 [sflag:s8], $0x1000  }
0x142: {  	[sflag:s8] =	ssyncset.done @!p0 $0x0  }
0x143: {  	[sflag:s8] =	ssyncadd.s32 @!p0 $0xFFFFF000;
	s8 =	simm.s32 @!p0 $0x4E80  }
0x144: {  	[spmem:s2] =	stream.indirect.scatter.add.f32 @!p0 [tilespmem:s15], [sflag:$0x9], $0x20, s8, s7, $0xb8;
	[tilespmem:$0x11F00] =	vst v63  }
0x145: {  	s7 =	simm.s32 @!p0 $0x9  }
0x146: {  	_ =	swait.ge @!p0 [sflag:s7], $0x1000  }
0x147: {  	s5 =	sadd.s32 $0x1, s5;
	[sflag:s7] =	ssyncset.done @!p0 $0x0  }
0x148: {  	p1 =	sne.s32 s5, s12;
	[sflag:s7] =	ssyncadd.s32 @!p0 $0xFFFFF000  }
.Ltmp1:
0x149: {  	[bflag:$0x0] =	sbarrier.arrive $0xFFFF;
	(pc) =	sbr.rel @p1 .LBB2_1-.Ltmp1, $4  }
0x14a: {  	[hbm:s11], [sflag:s6] =	dma.local [spmem:s13], $0xA00  }
0x14b: {  	_ =	swait.ge [sflag:s14], $0xA00  }
0x14c: {  	[sflag:s14] =	ssyncset.done $0x0  }
0x14d: {  	[sflag:s14] =	ssyncadd.s32 $0xFFFFF600  }
0x14e: {  	_ =	sfence.sel $0x180000  }
0x14f: {  	[bflag:$0x0] =	sbarrier.arrive $0xFFFF  }
0x150: {  	_ =	strace $0x9000004D  }
0x151: {  	s0 =	stileid.u32;
	[bflag:$0x2] =	sbarrier.arrive $0xFFFF  }
0x152: {  	p0 =	sne.s32 s0, $0x0;
	s0 =	rddreg [dreg:$0x2]  }
0x153: {  	s0 =	sadd.s32 @!p0 $0x100000, s0  }
0x154: {  	[sflag:s0] =	ssyncadd.tile.s32 @!p0 $0x1;
	_ =	shalt  }
.Lfunc_end2:
_tile_overlayer_lowered:
.L_overlay_start_2:
0x155: {  	(tag) =	ssettag $0x2  }
0x156: {  	s0 =	rddreg [dreg:$0x0];
	s2 =	stileid.u32  }
0x157: {  	s1 =	rddreg [dreg:$0x1];
	p0 =	sne.s32 s2, $0x0  }
0x158: {  	s3 =	rddreg [dreg:$0x2];
	[bflag:$0x3] =	sbarrier.arrive $0xFFFF;
	s2 =	simm.s32 @!p0 $0x1C09  }
0x159: {  	[timem:s3], [sflag:s2] =	dma.local @!p0 [hbm:s0], s1  }
0x15a: {  	s0 =	simm.s32 @!p0 $0x9  }
0x15b: {  	_ =	swait.ge @!p0 [sflag:s0], s1  }
0x15c: {  	s1 =	ssub.s32 @!p0 $0x0, s1;
	[sflag:s0] =	ssyncset.done @!p0 $0x0  }
0x15d: {  	[sflag:s0] =	ssyncadd.s32 @!p0 s1  }
0x15e: {  	[bflag:$0x3] =	sbarrier.arrive $0xFFFF  }
0x15f: {  	_ =	shalt  }

// kernel: kernel.19.cloned.1.call-start
scs
__scs_entry_jumppad:
0x0: {  	(pc) =	sbr.rel $0x88, $3  }
0x1: {  	(tag) =	ssettag $0x0;
	lr =	simm.s32 $0x1  }
0x2: {  	[smem:$0x3F92] =	sst lr;
	_ =	strace $0xD0000000  }
0x3: {  	_ = 	snop  }
0x4: {  	_ = 	snop  }
0x5: {  	_ = 	snop  }
0x6: {  	_ = 	snop  }
0x7: {  	_ = 	snop  }
__scs_overlays_trampoline_lowered:
0x8: {  	[smem:$0x3FA1] =	sst s0  }
0x9: {  	[smem:$0x3FA2] =	sst s1  }
0xa: {  	[smem:$0x3FA3] =	sst s2  }
0xb: {  	[smem:$0x3FA4] =	sst s3  }
0xc: {  	[smem:$0x3FA5] =	sst s4  }
0xd: {  	[smem:$0x3FA6] =	sst s5  }
0xe: {  	[smem:$0x3FA7] =	sst s6  }
0xf: {  	[smem:$0x3FA8] =	sst s7  }
0x10: {  	[smem:$0x3FA9] =	sst s8  }
0x11: {  	[smem:$0x3FAA] =	sst s9;
	s0 =	simm.s32 @!p0 $0x0  }
0x12: {  	s1 =	sld [smem:$0x3F90];
	s0 =	simm.s32 @p0 $0x1  }
0x13: {  	[smem:$0x3FAB] =	sst s0;
	s0 =	simm.s32 @!p1 $0x0  }
0x14: {  	s2 =	sld [smem:$0x3F8F];
	s0 =	simm.s32 @p1 $0x1  }
0x15: {  	[smem:$0x3FAC] =	sst s0;
	s0 =	simm.s32 @!p2 $0x0  }
0x16: {  	s3 =	sld [smem:$0x3FDB];
	s0 =	simm.s32 @p2 $0x1  }
0x17: {  	s4 =	simm.s32 $0x1BF5;
	[smem:$0x3FAE] =	sst s0  }
0x18: {  	s0 =	sld [smem:$0x3F91];
	_ =	swait.ge [sflag:s4], $0x0  }
0x19: {  	s7 =	sld [smem:$0x3F92]  }
0x1a: {  	s8 =	sadd.s32 $0xFFFFE003, lr  }
0x1b: {  	s9 =	sadd.s32 $0xFFFFFEF7, lr;
	s5 =	simm.s32 $0xFFFFFFFF;
	p2 =	slt.u32 s8, $0xFFFFF086  }
0x1c: {  	p1 =	slt.u32 s9, $0xF7A;
	s5 =	simm.s32 @!p2 $0x0  }
0x1d: {  	s5 =	simm.s32 @p1 $0x1;
	p0 =	seq.s32 s7, s2  }
0x1e: {  	s7 =	smul.u32 @!p0 $0xF7A, s2;
	p2 =	seq.s32 @!p0 s5, $0x0  }
0x1f: {  	s9 =	smul.u32 $0xF7A, s1;
	s8 =	simm.s32 @!p0 $0x1BF5;
	p2 =	por !p2, p0  }
0x20: {  	[sflag:s8] =	ssyncset.s32 @!p0 $0xFFFFF086;
	s6 =	sadd.s32 @!p0 s3, s7;
	s7 =	simm.s32 @!p0 $0x108  }
0x21: {  	s3 =	sadd.s32 s3, s9;
	s6 =	sadd.s32 @!p0 $0x88, s6;
	s7 =	simm.s32 @p2 $0x1082  }
0x22: {  	[simem:s7], [sflag:s8] =	dma.local @!p0 [hbm:s6], $0xF7A  }
0x23: {  	s9 =	sor.u32 $0xD0000000, s2;
	s6 =	simm.s32 $0x108;
	_ =	swait.ge @!p0 [sflag:s8], $0x0  }
0x24: {  	s3 =	sadd.s32 $0x88, s3;
	s6 =	simm.s32 @!p1 $0x1082;
	[sflag:s4] =	ssyncset.s32 $0xFFFFF086  }
0x25: {  	[simem:s6], [sflag:s4] =	dma.local [hbm:s3], $0xF7A  }
0x26: {  	[smem:$0x3F92] =	sst s1;
	(tag) =	ssettag s2;
	_ =	strace s9  }
0x27: {  	s1 =	sld [smem:$0x3FA2]  }
0x28: {  	s2 =	sld [smem:$0x3FA3]  }
0x29: {  	s4 =	sld [smem:$0x3FA5]  }
0x2a: {  	p0 =	seq.s32 s5, $0x0;
	s5 =	sld [smem:$0x3FA6]  }
0x2b: {  	s6 =	sld [smem:$0x3FA7]  }
0x2c: {  	s7 =	sld [smem:$0x3FA8]  }
0x2d: {  	s3 =	simm.s32 $0x108;
	s8 =	sld [smem:$0x3FA9]  }
0x2e: {  	s3 =	simm.s32 @!p0 $0x1082;
	s9 =	sld [smem:$0x3FAA]  }
0x2f: {  	lr =	sadd.s32 s0, s3;
	s0 =	sld [smem:$0x3FA1]  }
0x30: {  	s3 =	sld [smem:$0x3FA4]  }
0x31: {  	[smem:$0x3FAD] =	sst s10  }
0x32: {  	s10 =	sld [smem:$0x3FAB];
	_ =	sdelay $0x3  }
0x33: {  	p0 =	seq.s32 s10, $0x1;
	s10 =	sld [smem:$0x3FAD];
	_ =	sdelay $0x3  }
0x34: {  	[smem:$0x3FAD] =	sst s10  }
0x35: {  	s10 =	sld [smem:$0x3FAC];
	_ =	sdelay $0x3  }
0x36: {  	p1 =	seq.s32 s10, $0x1;
	s10 =	sld [smem:$0x3FAD];
	_ =	sdelay $0x3  }
0x37: {  	[smem:$0x3FAD] =	sst s10  }
0x38: {  	s10 =	sld [smem:$0x3FAE]  }
0x39: {  	_ = 	snop;
	(pc) =	sbr.ind lr, $3  }
0x3a: {  	_ = 	snop  }
0x3b: {  	_ = 	snop  }
0x3c: {  	p2 =	seq.s32 s10, $0x1;
	s10 =	sld [smem:$0x3FAD]  }
0x3d: {  	_ =	shalt  }
0x3e: {  	_ =	shalt  }
0x3f: {  	_ =	shalt  }
0x40: {  	_ =	shalt  }
0x41: {  	_ =	shalt  }
0x42: {  	_ =	shalt  }
0x43: {  	_ =	shalt  }
0x44: {  	_ =	shalt  }
0x45: {  	_ =	shalt  }
0x46: {  	_ =	shalt  }
0x47: {  	_ =	shalt  }
0x48: {  	_ =	shalt  }
0x49: {  	_ =	shalt  }
0x4a: {  	_ =	shalt  }
0x4b: {  	_ =	shalt  }
0x4c: {  	_ =	shalt  }
0x4d: {  	_ =	shalt  }
0x4e: {  	_ =	shalt  }
0x4f: {  	_ =	shalt  }
0x50: {  	_ =	shalt  }
0x51: {  	_ =	shalt  }
0x52: {  	_ =	shalt  }
0x53: {  	_ =	shalt  }
0x54: {  	_ =	shalt  }
0x55: {  	_ =	shalt  }
0x56: {  	_ =	shalt  }
0x57: {  	_ =	shalt  }
0x58: {  	_ =	shalt  }
0x59: {  	_ =	shalt  }
0x5a: {  	_ =	shalt  }
0x5b: {  	_ =	shalt  }
0x5c: {  	_ =	shalt  }
0x5d: {  	_ =	shalt  }
0x5e: {  	_ =	shalt  }
0x5f: {  	_ =	shalt  }
0x60: {  	_ =	shalt  }
0x61: {  	_ =	shalt  }
0x62: {  	_ =	shalt  }
0x63: {  	_ =	shalt  }
0x64: {  	_ =	shalt  }
0x65: {  	_ =	shalt  }
0x66: {  	_ =	shalt  }
0x67: {  	_ =	shalt  }
0x68: {  	_ =	shalt  }
0x69: {  	_ =	shalt  }
0x6a: {  	_ =	shalt  }
0x6b: {  	_ =	shalt  }
0x6c: {  	_ =	shalt  }
0x6d: {  	_ =	shalt  }
0x6e: {  	_ =	shalt  }
0x6f: {  	_ =	shalt  }
0x70: {  	_ =	shalt  }
0x71: {  	_ =	shalt  }
0x72: {  	_ =	shalt  }
0x73: {  	_ =	shalt  }
0x74: {  	_ =	shalt  }
0x75: {  	_ =	shalt  }
0x76: {  	_ =	shalt  }
0x77: {  	_ =	shalt  }
0x78: {  	_ =	shalt  }
0x79: {  	_ =	shalt  }
0x7a: {  	_ =	shalt  }
0x7b: {  	_ =	shalt  }
0x7c: {  	_ =	shalt  }
0x7d: {  	_ =	shalt  }
0x7e: {  	_ =	shalt  }
0x7f: {  	_ =	shalt  }
0x80: {  	_ =	shalt  }
0x81: {  	_ =	shalt  }
0x82: {  	_ =	shalt  }
0x83: {  	_ =	shalt  }
0x84: {  	_ =	shalt  }
0x85: {  	_ =	shalt  }
0x86: {  	_ =	shalt  }
0x87: {  	_ =	shalt  }
.Lfunc_end0:
.L_simem_size_0:
called_computation.3_lowered:
.L_overlay_start_0:
0x88: {  	s2 =	sld [smem:$0x3FD9]  }
0x89: {  	s3 =	sld [smem:$0x3FFE];
	_ =	sdelay $0x1  }
0x8a: {  	s1 =	srdreg.scid  }
0x8b: {  	s0 =	sand.u32 $0x1, s1  }
0x8c: {  	s17 =	sshll.u32 s0, $0xA;
	s2 =	sadd.s32 s3, s2  }
0x8d: {  	s2 =	sadd.s32 s2, s17  }
0x8e: {  	[smem:$0x3FB9] =	sst s2  }
0x8f: {  	_ = 	snop  }
0x90: {  	s2 =	sld [smem:$0x3FD0];
	(tm) =	ssettm $0x1  }
0x91: {  	s18 =	sld [smem:$0x3FFB];
	_ =	sdelay $0x3  }
0x92: {  	_ =	strace s18  }
0x93: {  	s3 =	sld [smem:$0x3FFC];
	_ =	sdelay $0x3  }
0x94: {  	_ =	strace s3  }
0x95: {  	s3 =	sld [smem:$0x3FFD];
	_ =	sdelay $0x3  }
0x96: {  	_ =	strace s3  }
0x97: {  	_ =	strace $0x8FFFFFFF  }
0x98: {  	s19 =	sld [smem:$0x3FDB];
	_ =	sdelay $0x1  }
0x99: {  	s4 =	simm.s32 $_scs_section_size  }
0x9a: {  	s5 =	simm.s32 $_size__tile_overlayer_lowered;
	s6 =	simm.s32 $_tile_overlayer_lowered  }
0x9b: {  	s22 =	simm.s32 $0x1BFF;
	s21 =	sshll.u32 s6, $0x1;
	s3 =	sadd.s32 s4, s19  }
0x9c: {  	s7 =	simm.s32 $0x0;
	s20 =	sshll.u32 s5, $0x1;
	s5 =	sadd.s32 s21, s3  }
0x9d: {  	[timem:s7], [sflag:s22] =	dma.local [hbm:s5], s20  }
0x9e: {  	_ =	swait.ge [sflag:s22], s20  }
0x9f: {  	s4 =	ssub.s32 $0x0, s20;
	[sflag:s22] =	ssyncset.done $0x0  }
0xa0: {  	[sflag:s22] =	ssyncadd.s32 s4;
	_ =	sdelay $0x1  }
0xa1: {  	s23 =	simm.s32 $0x1B8B  }
0xa2: {  	_ =	swait.ge [sflag:s23], $0x1  }
0xa3: {  	[sflag:s23] =	ssyncset.done $0x0  }
0xa4: {  	s25 =	simm.s32 $0x1B8E;
	s24 =	sld [smem:$0x3FFE];
	[sflag:s23] =	ssyncadd.s32 $0xFFFFFFFF  }
0xa5: {  	s26 =	simm.s32 $execute0_lowered;
	[smem:$0x3FD2] =	sst s25  }
0xa6: {  	s5 =	sshll.u32 s26, $0x1;
	_ =	strace $0x8000004F;
	[dreg:$0x1] =	wrdreg $0xFFFFFFFF  }
0xa7: {  	s28 =	simm.s32 $_size_execute0_lowered;
	s3 =	sadd.s32 s3, s5;
	[dreg:$0x0] =	wrdreg $0x0  }
0xa8: {  	s5 =	sshll.u32 s28, $0x1;
	[dreg:$0x2] =	wrdreg s3  }
0xa9: {  	[dreg:$0x3] =	wrdreg s5  }
0xaa: {  	[dreg:$0x4] =	wrdreg $0xC0  }
0xab: {  	_ =	task [dreg:s7], $0x5FFFF  }
0xac: {  	[dreg:$0x1] =	wrdreg $0xFFFFFFFF  }
0xad: {  	[dreg:$0x0] =	wrdreg $0x60  }
0xae: {  	[dreg:$0x2] =	wrdreg s24  }
0xaf: {  	[dreg:$0x3] =	wrdreg s2  }
0xb0: {  	[dreg:$0x4] =	wrdreg $0x9  }
0xb1: {  	_ =	task.clear_ibuf [dreg:s7], $0x5FFFF;
	_ =	strace $0x9000004F  }
0xb2: {  	s29 =	simm.s32 $0x9;
	_ =	strace $0x80000051  }
0xb3: {  	_ =	swait.ge [sflag:s29], $0x1  }
0xb4: {  	[sflag:s29] =	ssyncadd.s32 $0xFFFFFFFF  }
0xb5: {  	_ =	strace $0x90000051  }
0xb6: {  	_ =	sfence  }
0xb7: {  	s30 =	sld [smem:$0x0];
	_ =	sdelay $0x2  }
0xb8: {  	s31 =	sshll.u32 s1, $0xD;
	s1 =	sshrl.u32 s1, $0x2  }
0xb9: {  	s3 =	sand.u32 $0x4000, s31;
	s1 =	sadd.s32 s1, s30  }
0xba: {  	s0 =	sor.u32 s3, s0;
	s1 =	sshll.u32 s1, $0x11  }
0xbb: {  	s0 =	sor.u32 s1, s0  }
0xbc: {  	s0 =	sadd.s32 $0x8F2B, s0  }
0xbd: {  	[sflag:s0] =	ssyncadd.remote.s32 $0x1  }
0xbe: {  	_ =	sfence.sel $0xFFFF  }
0xbf: {  	[dreg:$0x0] =	wrdreg $0xFFFFFFFF;
	(pc) =	sbr.abs _section_cstart, $3  }
0xc0: {  	[dreg:$0x1] =	wrdreg $0xFFFFFFFF  }
0xc1: {  	_ =	task.clear_ibuf [dreg:s7], $0x2FFFF;
	_ =	strace $0x9FFFFFFF  }
0xc2: {  	(tm) =	ssettm $0x7FFFFFFF  }
0xc3: {  	_ =	shalt  }
tec
execute0_lowered:
.L_overlay_start_1:
0x0: {  	(tag) =	ssettag $0x1  }
0x1: {  	s5 =	rddreg [dreg:$0x0]  }
0x2: {  	s1 =	rddreg [dreg:$0x1]  }
0x3: {  	s0 =	rddreg [dreg:$0x2];
	s3 =	simm.s32 $0x0  }
0x4: {  	s4 =	srdreg.scid;
	s2 =	stileid.u32;
	s14 =	simm.s32 $0x7700  }
0x5: {  	s15 =	simm.s32 $0x0;
	[smem:$0x7FF] =	sst s3;
	s6 =	sand.u32 $0x1, s4  }
0x6: {  	s7 =	sshll.u32 s2, $0x1;
	s4 =	sadd.s32 $0x16200, s5;
	s8 =	sadd.s32 $0xC400, s5  }
0x7: {  	s9 =	sadd.s32 $0x2600, s5;
	p0 =	sgt.u32 s2, $0x1;
	s7 =	sor.u32 s6, s7  }
0x8: {  	_ =	strace $0x80000050;
	s6 =	ssub.s32 $0x2, s6;
	s10 =	smul.u32 $0x500, s7  }
0x9: {  	s11 =	sshrl.u32 s6, $0x1;
	s12 =	smul.u32 $0x4E0, s7;
	s7 =	sshll.u32 s7, $0x4  }
0xa: {  	s11 =	ssub.s32 s6, s11;
	s13 =	sor.u32 $0x9C00, s7;
	s10 =	sadd.s32 s10, s5  }
0xb: {  	s5 =	sadd.s32 s8, s12;
	s6 =	sadd.s32 s9, s12;
	s7 =	sadd.s32 s8, s13  }
0xc: {  	s8 =	sadd.s32 s9, s13;
	s12 =	simm.s32 $0x2800;
	s13 =	simm.s32 $0x5000  }
0xd: {  	s9 =	sadd.s32 $0x16800, s10;
	s10 =	smax.u32 s11, $0x1;
	s11 =	simm.s32 $0x1  }
.LBB2_1:
0xe: {  	[tilespmem:s3], [sflag:$0x1] =	stream.linear.gather [hbm4b:s4+s3], $0x2800, $0x38;
	[tilespmem:$0x9F00] =	vst v63  }
0xf: {  	_ =	swait.ge [sflag:s11], $0x2800  }
0x10: {  	[sflag:s11] =	ssyncset.done $0x0  }
0x11: {  	[sflag:s11] =	ssyncadd.s32 $0xFFFFD800  }
0x12: {  	[tilespmem:s12], [sflag:$0x1] =	stream.linear.gather [hbm4b:s1+s3], $0x2800, $0x38;
	[tilespmem:$0x9F00] =	vst v63  }
0x13: {  	_ =	swait.ge [sflag:s11], $0x2800  }
0x14: {  	[sflag:s11] =	ssyncset.done $0x0  }
0x15: {  	[sflag:s11] =	ssyncadd.s32 $0xFFFFD800  }
0x16: {  	[tilespmem:s13], [sflag:$0x1] =	stream.linear.gather [hbm4b:s5+s3], $0x2700, $0x38;
	[tilespmem:$0x9F00] =	vst v63  }
0x17: {  	_ =	swait.ge [sflag:s11], $0x2700  }
0x18: {  	[sflag:s11] =	ssyncset.done $0x0  }
0x19: {  	[sflag:s11] =	ssyncadd.s32 $0xFFFFD900  }
0x1a: {  	[tilespmem:s14], [sflag:$0x1] =	stream.linear.gather [hbm4b:s6+s3], $0x2700, $0x38;
	[tilespmem:$0x9F00] =	vst v63  }
0x1b: {  	_ =	swait.ge [sflag:s11], $0x2700  }
0x1c: {  	[sflag:s11] =	ssyncset.done $0x0  }
0x1d: {  	s16 =	simm.s32 @!p0 $0x0;
	s17 =	simm.s32 @!p0 $0x9E00;
	[sflag:s11] =	ssyncadd.s32 $0xFFFFD900  }
0x1e: {  	[tilespmem:s17], [sflag:$0x1] =	stream.linear.gather @!p0 [hbm4b:s7+s16], $0x80, $0x38;
	[tilespmem:$0x9F00] =	vst v63  }
0x1f: {  	s17 =	simm.s32 @!p0 $0x1  }
0x20: {  	_ =	swait.ge @!p0 [sflag:s17], $0x80  }
0x21: {  	[sflag:s17] =	ssyncset.done @!p0 $0x0  }
0x22: {  	s18 =	simm.s32 @!p0 $0x9E80;
	[sflag:s17] =	ssyncadd.s32 @!p0 $0xFFFFFF80  }
0x23: {  	[tilespmem:s18], [sflag:$0x1] =	stream.linear.gather @!p0 [hbm4b:s8+s16], $0x80, $0x38;
	[tilespmem:$0x9F00] =	vst v63  }
0x24: {  	_ =	swait.ge @!p0 [sflag:s17], $0x80  }
0x25: {  	[sflag:s17] =	ssyncset.done @!p0 $0x0  }
0x26: {  	s16 =	simm.s32 $0x40;
	[sflag:s17] =	ssyncadd.s32 @!p0 $0xFFFFFF80;
	s17 =	simm.s32 $0x0  }
.LBB2_2:
0x27: {  	p1 =	sne.s32 s16, $0x9BC0;
	v0 =	vld [tilespmem:s17+$0x5000];
	_ =	sdelay $0x5  }
0x28: {  	v1 =	vld [tilespmem:s17+$0x7700];
	_ =	sdelay $0x1  }
0x29: {  	v0 =	vld.idx.msk [tilespmem:v0+s3+$0x0], $0xffff;
	_ =	sdelay $0x1  }
.Ltmp0:
0x2a: {  	(pc) =	sbr.rel @p1 .LBB2_2-.Ltmp0, $2  }
0x2b: {  	_ =	sdelay $0x2  }
0x2c: {  	s17 =	sshra.s32 s16, $0x2;
	s16 =	sadd.s32 $0x40, s16;
	[tilespmem:v1+s12+$0x0] =	vst.idx.add.f32.msk $0xffff, v0  }
0x2d: {  	v0 =	vld [tilespmem:s17+$0x5000];
	_ =	sdelay $0x4  }
0x2e: {  	v1 =	vld [tilespmem:s17+$0x7700];
	_ =	sdelay $0x2  }
0x2f: {  	v0 =	vld.idx.msk [tilespmem:v0+s3+$0x0], $0xffff;
	_ =	sdelay $0x4  }
0x30: {  	[tilespmem:v1+s12+$0x0] =	vst.idx.add.f32.msk $0xffff, v0  }
0x31: {  	v0 =	vld @!p0 [tilespmem:$0x9E00];
	_ =	sdelay $0x4  }
0x32: {  	v1 =	vld @!p0 [tilespmem:$0x9E80];
	_ =	sdelay $0x1  }
0x33: {  	s16 =	simm.s32 @!p0 $0x0  }
0x34: {  	v0 =	vld.idx.msk @!p0 [tilespmem:v0+s16+$0x0], $0xffff;
	_ =	sdelay $0x3  }
0x35: {  	s17 =	simm.s32 @!p0 $0x2800  }
0x36: {  	[tilespmem:v1+s17+$0x0] =	vst.idx.add.f32.msk @!p0 $0xffff, v0  }
0x37: {  	v0 =	vld @!p0 [tilespmem:$0x9E10];
	_ =	sdelay $0x4  }
0x38: {  	v1 =	vld @!p0 [tilespmem:$0x9E90];
	_ =	sdelay $0x2  }
0x39: {  	v0 =	vld.idx.msk @!p0 [tilespmem:v0+s16+$0x0], $0xffff;
	_ =	sdelay $0x4  }
0x3a: {  	[tilespmem:v1+s17+$0x0] =	vst.idx.add.f32.msk @!p0 $0xffff, v0  }
0x3b: {  	v0 =	vld @!p0 [tilespmem:$0x9E20];
	_ =	sdelay $0x4  }
0x3c: {  	v1 =	vld @!p0 [tilespmem:$0x9EA0];
	_ =	sdelay $0x2  }
0x3d: {  	v0 =	vld.idx.msk @!p0 [tilespmem:v0+s16+$0x0], $0xffff;
	_ =	sdelay $0x4  }
0x3e: {  	[tilespmem:v1+s17+$0x0] =	vst.idx.add.f32.msk @!p0 $0xffff, v0  }
0x3f: {  	v0 =	vld @!p0 [tilespmem:$0x9E30];
	_ =	sdelay $0x4  }
0x40: {  	v1 =	vld @!p0 [tilespmem:$0x9EB0];
	_ =	sdelay $0x2  }
0x41: {  	v0 =	vld.idx.msk @!p0 [tilespmem:v0+s16+$0x0], $0xffff;
	_ =	sdelay $0x4  }
0x42: {  	[tilespmem:v1+s17+$0x0] =	vst.idx.add.f32.msk @!p0 $0xffff, v0  }
0x43: {  	v0 =	vld @!p0 [tilespmem:$0x9E40];
	_ =	sdelay $0x4  }
0x44: {  	v1 =	vld @!p0 [tilespmem:$0x9EC0];
	_ =	sdelay $0x2  }
0x45: {  	v0 =	vld.idx.msk @!p0 [tilespmem:v0+s16+$0x0], $0xffff;
	_ =	sdelay $0x4  }
0x46: {  	[tilespmem:v1+s17+$0x0] =	vst.idx.add.f32.msk @!p0 $0xffff, v0  }
0x47: {  	v0 =	vld @!p0 [tilespmem:$0x9E50];
	_ =	sdelay $0x4  }
0x48: {  	v1 =	vld @!p0 [tilespmem:$0x9ED0];
	_ =	sdelay $0x2  }
0x49: {  	v0 =	vld.idx.msk @!p0 [tilespmem:v0+s16+$0x0], $0xffff;
	_ =	sdelay $0x4  }
0x4a: {  	[tilespmem:v1+s17+$0x0] =	vst.idx.add.f32.msk @!p0 $0xffff, v0  }
0x4b: {  	v0 =	vld @!p0 [tilespmem:$0x9E60];
	_ =	sdelay $0x4  }
0x4c: {  	v1 =	vld @!p0 [tilespmem:$0x9EE0];
	_ =	sdelay $0x2  }
0x4d: {  	v0 =	vld.idx.msk @!p0 [tilespmem:v0+s16+$0x0], $0xffff;
	_ =	sdelay $0x4  }
0x4e: {  	[tilespmem:v1+s17+$0x0] =	vst.idx.add.f32.msk @!p0 $0xffff, v0  }
0x4f: {  	v0 =	vld @!p0 [tilespmem:$0x9E70];
	_ =	sdelay $0x4  }
0x50: {  	v1 =	vld @!p0 [tilespmem:$0x9EF0];
	_ =	sdelay $0x2  }
0x51: {  	v0 =	vld.idx.msk @!p0 [tilespmem:v0+s16+$0x0], $0xffff;
	_ =	sdelay $0x2  }
0x52: {  	s15 =	sadd.s32 $0x1, s15  }
0x53: {  	p1 =	sne.s32 s15, s10  }
.Ltmp1:
0x54: {  	[tilespmem:v1+s17+$0x0] =	vst.idx.add.f32.msk @!p0 $0xffff, v0;
	(pc) =	sbr.rel @p1 .LBB2_1-.Ltmp1, $4  }
0x55: {  	[hbm4b:s9+s3] =	stream.linear.scatter [tilespmem:s12], [sflag:$0x1], $0x2800, $0x38;
	[tilespmem:$0x9F00] =	vst v63  }
0x56: {  	_ =	swait.ge [sflag:s11], $0x2800  }
0x57: {  	[sflag:s11] =	ssyncset.done $0x0  }
0x58: {  	[sflag:s11] =	ssyncadd.s32 $0xFFFFD800  }
0x59: {  	_ =	sfence.sel $0x180000  }
0x5a: {  	[bflag:$0x0] =	sbarrier.arrive $0xFFFF  }
0x5b: {  	p0 =	sne.s32 s2, $0x0;
	_ =	strace $0x90000050  }
0x5c: {  	s0 =	sadd.s32 @!p0 $0x100000, s0;
	[bflag:$0x2] =	sbarrier.arrive $0xFFFF  }
0x5d: {  	[sflag:s0] =	ssyncadd.tile.s32 @!p0 $0x1;
	_ =	shalt  }
.Lfunc_end2:
_tile_overlayer_lowered:
.L_overlay_start_2:
0x5e: {  	(tag) =	ssettag $0x2  }
0x5f: {  	s0 =	rddreg [dreg:$0x0];
	s2 =	stileid.u32  }
0x60: {  	s1 =	rddreg [dreg:$0x1];
	p0 =	sne.s32 s2, $0x0  }
0x61: {  	s3 =	rddreg [dreg:$0x2];
	[bflag:$0x3] =	sbarrier.arrive $0xFFFF;
	s2 =	simm.s32 @!p0 $0x1C01  }
0x62: {  	[timem:s3], [sflag:s2] =	dma.local @!p0 [hbm:s0], s1  }
0x63: {  	s0 =	simm.s32 @!p0 $0x1  }
0x64: {  	_ =	swait.ge @!p0 [sflag:s0], s1  }
0x65: {  	s1 =	ssub.s32 @!p0 $0x0, s1;
	[sflag:s0] =	ssyncset.done @!p0 $0x0  }
0x66: {  	[sflag:s0] =	ssyncadd.s32 @!p0 s1  }
0x67: {  	[bflag:$0x3] =	sbarrier.arrive $0xFFFF  }
0x68: {  	_ =	shalt  }

</sc_bundles>
